<compile_context>
chip_gen: v7x
topology: tpu7x:2x2x1
jax: 0.10.2.dev20260603
libtpu: 0.0.44.dev20260713+nightly
codegen_flags: <defaults>
</compile_context>

<pallas_src>
import functools

import jax
import jax.numpy as jnp
from jax import lax
from jax.experimental import pallas as pl
from jax.experimental.pallas import tpu as pltpu
from jax.experimental.pallas import tpu_sc as plsc

EMB = 128
HID = 64
NC = 2
NS = 16
NW = NC * NS
L = 16
KV = HID // L
CHUNK = 128


def _precompute_tables(node_emb, wa, wb, ba):
    n = node_emb.shape[0]
    blk = 1000

    def pack_words(t):
        tb16 = t.astype(jnp.bfloat16)
        ub = jax.lax.bitcast_convert_type(
            tb16[:, :HID // 2], jnp.uint16).astype(jnp.uint32)
        vb = jax.lax.bitcast_convert_type(
            tb16[:, HID // 2:], jnp.uint16).astype(jnp.uint32)
        return jax.lax.bitcast_convert_type(
            ub | (vb << jnp.uint32(16)), jnp.int32)

    def body(emb_ref, wa_ref, wb_ref, ba_ref, a_ref, b_ref):
        e = emb_ref[...]
        a_ref[...] = pack_words(
            jnp.dot(e, wa_ref[...], preferred_element_type=jnp.float32)
            + ba_ref[...])
        b_ref[...] = pack_words(
            jnp.dot(e, wb_ref[...], preferred_element_type=jnp.float32))

    return pl.pallas_call(
        body,
        grid=(n // blk,),
        in_specs=[
            pl.BlockSpec((blk, EMB), lambda i: (i, 0)),
            pl.BlockSpec((EMB, HID), lambda i: (0, 0)),
            pl.BlockSpec((EMB, HID), lambda i: (0, 0)),
            pl.BlockSpec((1, HID), lambda i: (0, 0)),
        ],
        out_specs=[
            pl.BlockSpec((blk, HID // 2), lambda i: (i, 0)),
            pl.BlockSpec((blk, HID // 2), lambda i: (i, 0)),
        ],
        out_shape=[
            jax.ShapeDtypeStruct((n, HID // 2), jnp.int32),
            jax.ShapeDtypeStruct((n, HID // 2), jnp.int32),
        ],
    )(node_emb, wa, wb, ba)


def _make_sc_kernel(e_pad):
    ew = e_pad // NW
    nch = ew // CHUNK
    assert nch % 4 == 0

    mesh = plsc.VectorSubcoreMesh(
        core_axis_name="c", subcore_axis_name="s",
        num_cores=NC, num_subcores=NS,
    )

    @functools.partial(
        pl.kernel,
        out_type=jax.ShapeDtypeStruct((e_pad,), jnp.float32),
        mesh=mesh,
        compiler_params=pltpu.CompilerParams(
            needs_layout_passes=False, use_tc_tiling_on_sc=False),
        scratch_types=[
            pltpu.VMEM((ew,), jnp.int32),
            pltpu.VMEM((ew,), jnp.int32),
            pltpu.VMEM((ew,), jnp.float32),
            pltpu.VMEM((ew,), jnp.float32),
            pltpu.VMEM((CHUNK, HID // 2), jnp.int32),
            pltpu.VMEM((CHUNK, HID // 2), jnp.int32),
            pltpu.VMEM((CHUNK, HID // 2), jnp.int32),
            pltpu.VMEM((CHUNK, HID // 2), jnp.int32),
            pltpu.VMEM((CHUNK, HID // 2), jnp.int32),
            pltpu.VMEM((CHUNK, HID // 2), jnp.int32),
            pltpu.VMEM((CHUNK, HID // 2), jnp.int32),
            pltpu.VMEM((CHUNK, HID // 2), jnp.int32),
            pltpu.VMEM((KV, L), jnp.float32),
            pltpu.SemaphoreType.DMA,
            pltpu.SemaphoreType.DMA,
            pltpu.SemaphoreType.DMA,
            pltpu.SemaphoreType.DMA,
        ],
    )
    def sc_kernel(ta_hbm, tb_hbm, src_hbm, dst_hbm, noise_hbm, w2_hbm,
                  out_hbm, idx_s, idx_d, noise_v, out_v,
                  a0, a1, a2, a3, bb0, bb1, bb2, bb3, w2v,
                  sem0, sem1, sem2, sem3):
        wid = lax.axis_index("s") * NC + lax.axis_index("c")
        base = wid * ew
        pltpu.sync_copy(src_hbm.at[pl.ds(base, ew)], idx_s)
        pltpu.sync_copy(dst_hbm.at[pl.ds(base, ew)], idx_d)
        pltpu.sync_copy(noise_hbm.at[pl.ds(base, ew)], noise_v)
        pltpu.sync_copy(w2_hbm, w2v)

        abufs = (a0, a1, a2, a3)
        bbufs = (bb0, bb1, bb2, bb3)
        sems = (sem0, sem1, sem2, sem3)
        nbuf = len(sems)
        last_lane = lax.iota(jnp.int32, L) == (L - 1)

        def fire(c, p):
            pltpu.async_copy(
                ta_hbm.at[idx_s.at[pl.ds(c * CHUNK, CHUNK)]], abufs[p], sems[p])
            pltpu.async_copy(
                tb_hbm.at[idx_d.at[pl.ds(c * CHUNK, CHUNK)]], bbufs[p], sems[p])

        def wait(c, p):
            pltpu.make_async_copy(
                ta_hbm.at[idx_s.at[pl.ds(c * CHUNK, CHUNK)]], abufs[p], sems[p]
            ).wait()
            pltpu.make_async_copy(
                tb_hbm.at[idx_d.at[pl.ds(c * CHUNK, CHUNK)]], bbufs[p], sems[p]
            ).wait()

        def compute(c, abuf, bbuf):
            w2 = [w2v[k, :] for k in range(KV)]

            def group(g, carry):
                eb = g * L
                opos = jnp.full((L,), c * CHUNK + eb, jnp.int32)
                for e in range(L):
                    row = eb + e
                    t = jnp.zeros((L,), jnp.float32)
                    for gg in range(KV // 2):
                        ap = plsc.bitcast(
                            abuf[row, pl.ds(gg * L, L)], jnp.bfloat16)
                        bp = plsc.bitcast(
                            bbuf[row, pl.ds(gg * L, L)], jnp.bfloat16)
                        a0, a1 = plsc.unpack(ap, format=plsc.PackFormat.INTERLEAVED)
                        b0, b1 = plsc.unpack(bp, format=plsc.PackFormat.INTERLEAVED)
                        t = t + jnp.maximum(a0 + b0, 0.0) * w2[gg * 2]
                        t = t + jnp.maximum(a1 + b1, 0.0) * w2[gg * 2 + 1]
                    cum = plsc.cumsum(t)
                    plsc.store_scatter(out_v, [opos + e], cum, mask=last_lane)
                return carry

            lax.fori_loop(0, CHUNK // L, group, 0)

        for p in range(nbuf):
            fire(p, p)

        def loop_body(kk, carry):
            for p in range(nbuf):
                c = kk * nbuf + p
                wait(c, p)
                compute(c, abufs[p], bbufs[p])

                @pl.when(c + nbuf < nch)
                def _():
                    fire(c + nbuf, p)

            return carry

        lax.fori_loop(0, nch // nbuf, loop_body, 0)

        def sig(i, carry):
            off = pl.ds(i * L, L)
            g = out_v[off] + noise_v[off]
            out_v[off] = 1.0 / (1.0 + jnp.exp(-g))
            return carry

        lax.fori_loop(0, ew // L, sig, 0)
        pltpu.sync_copy(out_v, out_hbm.at[pl.ds(base, ew)])

    return sc_kernel


def _threefry2x32_np(k1, k2, x0, x1):
    import numpy as np

    def rotl(x, d):
        return ((x << np.uint32(d)) | (x >> np.uint32(32 - d))).astype(np.uint32)

    rotations = [[13, 15, 26, 6], [17, 29, 16, 24]]
    ks = [np.uint32(k1), np.uint32(k2),
          np.uint32(k1) ^ np.uint32(k2) ^ np.uint32(0x1BD11BDA)]
    x0 = (x0 + ks[0]).astype(np.uint32)
    x1 = (x1 + ks[1]).astype(np.uint32)
    for r in range(5):
        for d in rotations[r % 2]:
            x0 = (x0 + x1).astype(np.uint32)
            x1 = x0 ^ rotl(x1, d)
        x0 = (x0 + ks[(r + 1) % 3]).astype(np.uint32)
        x1 = (x1 + ks[(r + 2) % 3] + np.uint32(r + 1)).astype(np.uint32)
    return x0, x1


@functools.cache
def _logistic_noise(half):
    import numpy as np
    bias = 0.0 + 0.0001
    idx = np.arange(half, dtype=np.uint64)
    c1 = (idx >> np.uint64(32)).astype(np.uint32)
    c2 = (idx & np.uint64(0xFFFFFFFF)).astype(np.uint32)
    b1, b2 = _threefry2x32_np(np.uint32(0), np.uint32(42), c1, c2)
    bits = b1 ^ b2
    flo = ((bits >> np.uint32(9)) | np.uint32(0x3F800000)).view(np.float32)
    m = flo - np.float32(1.0)
    span = np.float32(1.0 - bias) - np.float32(bias)
    eps = np.maximum(np.float32(bias), m * span + np.float32(bias))
    return np.log(eps) - np.log(np.float32(1.0) - eps)


def kernel(node_emb, edge_index, W1, b1, W2, b2):
    E = edge_index.shape[1]
    half = E // 2 - 1
    src = edge_index[0, :half]
    dst = edge_index[1, :half]

    noise = jnp.asarray(_logistic_noise(half)) + b2[0]

    import numpy as np
    inv = np.r_[0:16, 32:48, 16:32, 48:64]
    ta_i32, tb_i32 = _precompute_tables(
        node_emb, W1[:EMB][:, inv], W1[EMB:][:, inv], b1[inv].reshape(1, HID))

    grain = NW * CHUNK * 4
    e_pad = ((half + grain - 1) // grain) * grain
    pad = e_pad - half
    src_p = jnp.pad(src, (0, pad))
    dst_p = jnp.pad(dst, (0, pad))
    noise_p = jnp.pad(noise, (0, pad))
    w2rows = W2.reshape(KV, L)

    aug_pad = _make_sc_kernel(e_pad)(ta_i32, tb_i32, src_p, dst_p, noise_p,
                                     w2rows)
    aug = aug_pad[:half]

    sym_indices = jnp.concatenate(
        [edge_index[:, :half], edge_index[::-1, :half]], axis=1)
    sym_values = jnp.concatenate([aug, aug])
    return sym_indices, sym_values, aug

# --- scband reference (transcript-rebuilt; emitter-appended) ---
"""Pipeline reference for scband-bern-mlpaugmenter-83640193122891 (READ-ONLY COPY).

The authoritative reference and input builder live on the scoring server;
editing this copy changes nothing except your own understanding.
"""

import jax, jax.numpy as jnp
import numpy as np

N_NODES = 10000
N_EDGES = 320000
EMB_DIM = 128
HIDDEN = 64


def setup_inputs(seed: int = 0) -> dict:
    key = jax.random.key(seed)
    k1, k2, k3, k4 = jax.random.split(key, 4)
    node_emb = jax.random.normal(k1, (N_NODES, EMB_DIM), dtype=jnp.float32)
    edge_index = jax.random.randint(k2, (2, N_EDGES), 0, N_NODES, dtype=jnp.int32)
    # MLP parameters (xavier-uniform-like init, zero bias) per init_kwargs
    in_dim = 2 * EMB_DIM
    lim1 = float(np.sqrt(6.0 / (in_dim + HIDDEN)))
    W1 = jax.random.uniform(k3, (in_dim, HIDDEN), minval=-lim1, maxval=lim1, dtype=jnp.float32)
    b1 = jnp.zeros((HIDDEN,), dtype=jnp.float32)
    lim2 = float(np.sqrt(6.0 / (HIDDEN + 1)))
    W2 = jax.random.uniform(k4, (HIDDEN, 1), minval=-lim2, maxval=lim2, dtype=jnp.float32)
    b2 = jnp.zeros((1,), dtype=jnp.float32)
    return {"node_emb": node_emb, "edge_index": edge_index, "W1": W1, "b1": b1, "W2": W2, "b2": b2}


def reference(node_emb, edge_index, W1, b1, W2, b2):
    # sp_tensor is represented by its COO indices (edge_index); shape = (N_NODES, N_NODES)
    E = edge_index.shape[1]
    half = E // 2 - 1
    src = edge_index[0, :half]
    dst = edge_index[1, :half]
    emb_src = jnp.take(node_emb, src, axis=0)
    emb_dst = jnp.take(node_emb, dst, axis=0)
    edge_emb = jnp.concatenate([emb_src, emb_dst], axis=1)
    h = jax.nn.relu(edge_emb @ W1 + b1)
    edge_logits = h @ W2 + b2  # [half, 1]
    temperature = 1.0
    bias = 0.0 + 0.0001
    # torch: eps = (bias - (1-bias)) * rand + (1-bias)  -> uniform in (bias, 1-bias]
    eps = jax.random.uniform(jax.random.key(42), edge_logits.shape, minval=bias, maxval=1.0 - bias, dtype=jnp.float32)
    gate_inputs = jnp.log(eps) - jnp.log(1.0 - eps)
    gate_inputs = (gate_inputs + edge_logits) / temperature
    aug_edge_weight = jax.nn.sigmoid(gate_inputs).squeeze(-1)  # [half]
    # n_adj = sparse(src,dst,w); n_adj += n_adj.T  -> symmetric COO representation
    n_inds = jnp.stack([src, dst])
    t_inds = jnp.stack([dst, src])
    sym_indices = jnp.concatenate([n_inds, t_inds], axis=1)  # [2, 2*half]
    sym_values = jnp.concatenate([aug_edge_weight, aug_edge_weight])  # [2*half]
    return sym_indices, sym_values, aug_edge_weight

if __name__ == "__main__":
    import jax
    _d = setup_inputs()
    print(jax.jit(kernel)(*tuple(_d.values())))

</pallas_src>

<mosaic_0001>
#map = affine_map<(d0, d1) -> (0, 0)>
#map1 = affine_map<(d0, d1) -> (0)>
module attributes {stable_mosaic.version = 14 : i64} {
  func.func @sc_kernel(%arg0: i32, %arg1: i32, %arg2: memref<10000x32xi32, #tpu.memory_space<hbm>>, %arg3: memref<10000x32xi32, #tpu.memory_space<hbm>>, %arg4: memref<163840xi32, #tpu.memory_space<hbm>>, %arg5: memref<163840xi32, #tpu.memory_space<hbm>>, %arg6: memref<163840xf32, #tpu.memory_space<hbm>>, %arg7: memref<4x16xf32, #tpu.memory_space<hbm>>, %arg8: memref<163840xf32, #tpu.memory_space<hbm>>, %arg9: memref<5120xi32, #tpu.memory_space<vmem>>, %arg10: memref<5120xi32, #tpu.memory_space<vmem>>, %arg11: memref<5120xf32, #tpu.memory_space<vmem>>, %arg12: memref<5120xf32, #tpu.memory_space<vmem>>, %arg13: memref<128x32xi32, #tpu.memory_space<vmem>>, %arg14: memref<128x32xi32, #tpu.memory_space<vmem>>, %arg15: memref<128x32xi32, #tpu.memory_space<vmem>>, %arg16: memref<128x32xi32, #tpu.memory_space<vmem>>, %arg17: memref<128x32xi32, #tpu.memory_space<vmem>>, %arg18: memref<128x32xi32, #tpu.memory_space<vmem>>, %arg19: memref<128x32xi32, #tpu.memory_space<vmem>>, %arg20: memref<128x32xi32, #tpu.memory_space<vmem>>, %arg21: memref<4x16xf32, #tpu.memory_space<vmem>>, %arg22: memref<!tpu.dma_semaphore, #tpu.memory_space<semaphore_mem>>, %arg23: memref<!tpu.dma_semaphore, #tpu.memory_space<semaphore_mem>>, %arg24: memref<!tpu.dma_semaphore, #tpu.memory_space<semaphore_mem>>, %arg25: memref<!tpu.dma_semaphore, #tpu.memory_space<semaphore_mem>>) attributes {dimension_semantics = [#tpu.dimension_semantics<core_parallel>, #tpu.dimension_semantics<subcore_parallel>], iteration_bounds = array<i64: 2, 16>, scalar_prefetch = 0 : i64, scratch_operands = 17 : i64, tpu.core_type = #tpu.core_type<sc_vector_subcore>, window_params = [{transform_indices = #map}, {transform_indices = #map}, {transform_indices = #map1}, {transform_indices = #map1}, {transform_indices = #map1}, {transform_indices = #map}, {transform_indices = #map1}]} {
    %mul3A = arith.constant 2 : i32
    %mul3A_0 = arith.muli %arg1, %mul3A : i32
    %add3A = arith.addi %mul3A_0, %arg0 : i32
    %mul3A_1 = arith.constant 5120 : i32
    %mul3A_2 = arith.muli %add3A, %mul3A_1 : i32
    "tpu.region"() ({
      %run_scoped3A = tpu.sem_alloc : memref<!tpu.dma_semaphore, #tpu.memory_space<semaphore_mem>>
      %dma_start3A_55 = tpu.memref_slice %arg4[%mul3A_2] : memref<163840xi32, #tpu.memory_space<hbm>> -> memref<5120xi32, #tpu.memory_space<hbm>>
      %dma_start3A_56 = tpu.memref_slice %arg4[%mul3A_2] : memref<163840xi32, #tpu.memory_space<hbm>> -> memref<5120xi32, #tpu.memory_space<hbm>>
      tpu.enqueue_dma source(%dma_start3A_56 : memref<5120xi32, #tpu.memory_space<hbm>>) target(%arg9 : memref<5120xi32, #tpu.memory_space<vmem>>) target_semaphore(%run_scoped3A : memref<!tpu.dma_semaphore, #tpu.memory_space<semaphore_mem>>)
      %dma_wait3A = tpu.memref_slice %arg4[%mul3A_2] : memref<163840xi32, #tpu.memory_space<hbm>> -> memref<5120xi32, #tpu.memory_space<hbm>>
      %dma_wait3A_57 = tpu.memref_slice %arg4[%mul3A_2] : memref<163840xi32, #tpu.memory_space<hbm>> -> memref<5120xi32, #tpu.memory_space<hbm>>
      tpu.wait_dma2 semaphore(%run_scoped3A : memref<!tpu.dma_semaphore, #tpu.memory_space<semaphore_mem>>) src(%dma_wait3A_57 : memref<5120xi32, #tpu.memory_space<hbm>>) dst(%arg9 : memref<5120xi32, #tpu.memory_space<vmem>>)
      tpu.yield
    }) : () -> ()
    "tpu.region"() ({
      %run_scoped3A = tpu.sem_alloc : memref<!tpu.dma_semaphore, #tpu.memory_space<semaphore_mem>>
      %dma_start3A_55 = tpu.memref_slice %arg5[%mul3A_2] : memref<163840xi32, #tpu.memory_space<hbm>> -> memref<5120xi32, #tpu.memory_space<hbm>>
      %dma_start3A_56 = tpu.memref_slice %arg5[%mul3A_2] : memref<163840xi32, #tpu.memory_space<hbm>> -> memref<5120xi32, #tpu.memory_space<hbm>>
      tpu.enqueue_dma source(%dma_start3A_56 : memref<5120xi32, #tpu.memory_space<hbm>>) target(%arg10 : memref<5120xi32, #tpu.memory_space<vmem>>) target_semaphore(%run_scoped3A : memref<!tpu.dma_semaphore, #tpu.memory_space<semaphore_mem>>)
      %dma_wait3A = tpu.memref_slice %arg5[%mul3A_2] : memref<163840xi32, #tpu.memory_space<hbm>> -> memref<5120xi32, #tpu.memory_space<hbm>>
      %dma_wait3A_57 = tpu.memref_slice %arg5[%mul3A_2] : memref<163840xi32, #tpu.memory_space<hbm>> -> memref<5120xi32, #tpu.memory_space<hbm>>
      tpu.wait_dma2 semaphore(%run_scoped3A : memref<!tpu.dma_semaphore, #tpu.memory_space<semaphore_mem>>) src(%dma_wait3A_57 : memref<5120xi32, #tpu.memory_space<hbm>>) dst(%arg10 : memref<5120xi32, #tpu.memory_space<vmem>>)
      tpu.yield
    }) : () -> ()
    "tpu.region"() ({
      %run_scoped3A = tpu.sem_alloc : memref<!tpu.dma_semaphore, #tpu.memory_space<semaphore_mem>>
      %dma_start3A_55 = tpu.memref_slice %arg6[%mul3A_2] : memref<163840xf32, #tpu.memory_space<hbm>> -> memref<5120xf32, #tpu.memory_space<hbm>>
      %dma_start3A_56 = tpu.memref_slice %arg6[%mul3A_2] : memref<163840xf32, #tpu.memory_space<hbm>> -> memref<5120xf32, #tpu.memory_space<hbm>>
      tpu.enqueue_dma source(%dma_start3A_56 : memref<5120xf32, #tpu.memory_space<hbm>>) target(%arg11 : memref<5120xf32, #tpu.memory_space<vmem>>) target_semaphore(%run_scoped3A : memref<!tpu.dma_semaphore, #tpu.memory_space<semaphore_mem>>)
      %dma_wait3A = tpu.memref_slice %arg6[%mul3A_2] : memref<163840xf32, #tpu.memory_space<hbm>> -> memref<5120xf32, #tpu.memory_space<hbm>>
      %dma_wait3A_57 = tpu.memref_slice %arg6[%mul3A_2] : memref<163840xf32, #tpu.memory_space<hbm>> -> memref<5120xf32, #tpu.memory_space<hbm>>
      tpu.wait_dma2 semaphore(%run_scoped3A : memref<!tpu.dma_semaphore, #tpu.memory_space<semaphore_mem>>) src(%dma_wait3A_57 : memref<5120xf32, #tpu.memory_space<hbm>>) dst(%arg11 : memref<5120xf32, #tpu.memory_space<vmem>>)
      tpu.yield
    }) : () -> ()
    "tpu.region"() ({
      %run_scoped3A = tpu.sem_alloc : memref<!tpu.dma_semaphore, #tpu.memory_space<semaphore_mem>>
      tpu.enqueue_dma source(%arg7 : memref<4x16xf32, #tpu.memory_space<hbm>>) target(%arg21 : memref<4x16xf32, #tpu.memory_space<vmem>>) target_semaphore(%run_scoped3A : memref<!tpu.dma_semaphore, #tpu.memory_space<semaphore_mem>>)
      tpu.wait_dma2 semaphore(%run_scoped3A : memref<!tpu.dma_semaphore, #tpu.memory_space<semaphore_mem>>) src(%arg7 : memref<4x16xf32, #tpu.memory_space<hbm>>) dst(%arg21 : memref<4x16xf32, #tpu.memory_space<vmem>>)
      tpu.yield
    }) : () -> ()
    %iota3A = tpu.iota {dimensions = array<i32: 0>} : vector<16xi32>
    %eq3A = arith.constant 15 : i32
    %eq3A_3 = vector.broadcast %eq3A : i32 to vector<16xi32>
    %eq3A_4 = arith.cmpi eq, %iota3A, %eq3A_3 : vector<16xi32>
    %dma_start3A = arith.constant 0 : i32
    %dma_start3A_5 = tpu.memref_slice %arg9[%dma_start3A] : memref<5120xi32, #tpu.memory_space<vmem>> -> memref<128xi32, #tpu.memory_space<vmem>>
    %dma_start3A_6 = arith.constant 0 : i32
    %dma_start3A_7 = arith.constant 0 : i32
    %dma_start3A_8 = tpu.memref_slice %arg2[%dma_start3A_6, %dma_start3A_7] : memref<10000x32xi32, #tpu.memory_space<hbm>> -> memref<10000x32xi32, #tpu.memory_space<hbm>>
    tpu.enqueue_indirect_dma source(%dma_start3A_8 : memref<10000x32xi32, #tpu.memory_space<hbm>>) target(%arg13 : memref<128x32xi32, #tpu.memory_space<vmem>>) offsets(%dma_start3A_5 : memref<128xi32, #tpu.memory_space<vmem>>) semaphore(%arg22 : memref<!tpu.dma_semaphore, #tpu.memory_space<semaphore_mem>>)
    %dma_start3A_9 = arith.constant 0 : i32
    %dma_start3A_10 = tpu.memref_slice %arg10[%dma_start3A_9] : memref<5120xi32, #tpu.memory_space<vmem>> -> memref<128xi32, #tpu.memory_space<vmem>>
    %dma_start3A_11 = arith.constant 0 : i32
    %dma_start3A_12 = arith.constant 0 : i32
    %dma_start3A_13 = tpu.memref_slice %arg3[%dma_start3A_11, %dma_start3A_12] : memref<10000x32xi32, #tpu.memory_space<hbm>> -> memref<10000x32xi32, #tpu.memory_space<hbm>>
    tpu.enqueue_indirect_dma source(%dma_start3A_13 : memref<10000x32xi32, #tpu.memory_space<hbm>>) target(%arg17 : memref<128x32xi32, #tpu.memory_space<vmem>>) offsets(%dma_start3A_10 : memref<128xi32, #tpu.memory_space<vmem>>) semaphore(%arg22 : memref<!tpu.dma_semaphore, #tpu.memory_space<semaphore_mem>>)
    %dma_start3A_14 = arith.constant 128 : i32
    %dma_start3A_15 = tpu.memref_slice %arg9[%dma_start3A_14] : memref<5120xi32, #tpu.memory_space<vmem>> -> memref<128xi32, #tpu.memory_space<vmem>>
    %dma_start3A_16 = arith.constant 0 : i32
    %dma_start3A_17 = arith.constant 0 : i32
    %dma_start3A_18 = tpu.memref_slice %arg2[%dma_start3A_16, %dma_start3A_17] : memref<10000x32xi32, #tpu.memory_space<hbm>> -> memref<10000x32xi32, #tpu.memory_space<hbm>>
    tpu.enqueue_indirect_dma source(%dma_start3A_18 : memref<10000x32xi32, #tpu.memory_space<hbm>>) target(%arg14 : memref<128x32xi32, #tpu.memory_space<vmem>>) offsets(%dma_start3A_15 : memref<128xi32, #tpu.memory_space<vmem>>) semaphore(%arg23 : memref<!tpu.dma_semaphore, #tpu.memory_space<semaphore_mem>>)
    %dma_start3A_19 = arith.constant 128 : i32
    %dma_start3A_20 = tpu.memref_slice %arg10[%dma_start3A_19] : memref<5120xi32, #tpu.memory_space<vmem>> -> memref<128xi32, #tpu.memory_space<vmem>>
    %dma_start3A_21 = arith.constant 0 : i32
    %dma_start3A_22 = arith.constant 0 : i32
    %dma_start3A_23 = tpu.memref_slice %arg3[%dma_start3A_21, %dma_start3A_22] : memref<10000x32xi32, #tpu.memory_space<hbm>> -> memref<10000x32xi32, #tpu.memory_space<hbm>>
    tpu.enqueue_indirect_dma source(%dma_start3A_23 : memref<10000x32xi32, #tpu.memory_space<hbm>>) target(%arg18 : memref<128x32xi32, #tpu.memory_space<vmem>>) offsets(%dma_start3A_20 : memref<128xi32, #tpu.memory_space<vmem>>) semaphore(%arg23 : memref<!tpu.dma_semaphore, #tpu.memory_space<semaphore_mem>>)
    %dma_start3A_24 = arith.constant 256 : i32
    %dma_start3A_25 = tpu.memref_slice %arg9[%dma_start3A_24] : memref<5120xi32, #tpu.memory_space<vmem>> -> memref<128xi32, #tpu.memory_space<vmem>>
    %dma_start3A_26 = arith.constant 0 : i32
    %dma_start3A_27 = arith.constant 0 : i32
    %dma_start3A_28 = tpu.memref_slice %arg2[%dma_start3A_26, %dma_start3A_27] : memref<10000x32xi32, #tpu.memory_space<hbm>> -> memref<10000x32xi32, #tpu.memory_space<hbm>>
    tpu.enqueue_indirect_dma source(%dma_start3A_28 : memref<10000x32xi32, #tpu.memory_space<hbm>>) target(%arg15 : memref<128x32xi32, #tpu.memory_space<vmem>>) offsets(%dma_start3A_25 : memref<128xi32, #tpu.memory_space<vmem>>) semaphore(%arg24 : memref<!tpu.dma_semaphore, #tpu.memory_space<semaphore_mem>>)
    %dma_start3A_29 = arith.constant 256 : i32
    %dma_start3A_30 = tpu.memref_slice %arg10[%dma_start3A_29] : memref<5120xi32, #tpu.memory_space<vmem>> -> memref<128xi32, #tpu.memory_space<vmem>>
    %dma_start3A_31 = arith.constant 0 : i32
    %dma_start3A_32 = arith.constant 0 : i32
    %dma_start3A_33 = tpu.memref_slice %arg3[%dma_start3A_31, %dma_start3A_32] : memref<10000x32xi32, #tpu.memory_space<hbm>> -> memref<10000x32xi32, #tpu.memory_space<hbm>>
    tpu.enqueue_indirect_dma source(%dma_start3A_33 : memref<10000x32xi32, #tpu.memory_space<hbm>>) target(%arg19 : memref<128x32xi32, #tpu.memory_space<vmem>>) offsets(%dma_start3A_30 : memref<128xi32, #tpu.memory_space<vmem>>) semaphore(%arg24 : memref<!tpu.dma_semaphore, #tpu.memory_space<semaphore_mem>>)
    %dma_start3A_34 = arith.constant 384 : i32
    %dma_start3A_35 = tpu.memref_slice %arg9[%dma_start3A_34] : memref<5120xi32, #tpu.memory_space<vmem>> -> memref<128xi32, #tpu.memory_space<vmem>>
    %dma_start3A_36 = arith.constant 0 : i32
    %dma_start3A_37 = arith.constant 0 : i32
    %dma_start3A_38 = tpu.memref_slice %arg2[%dma_start3A_36, %dma_start3A_37] : memref<10000x32xi32, #tpu.memory_space<hbm>> -> memref<10000x32xi32, #tpu.memory_space<hbm>>
    tpu.enqueue_indirect_dma source(%dma_start3A_38 : memref<10000x32xi32, #tpu.memory_space<hbm>>) target(%arg16 : memref<128x32xi32, #tpu.memory_space<vmem>>) offsets(%dma_start3A_35 : memref<128xi32, #tpu.memory_space<vmem>>) semaphore(%arg25 : memref<!tpu.dma_semaphore, #tpu.memory_space<semaphore_mem>>)
    %dma_start3A_39 = arith.constant 384 : i32
    %dma_start3A_40 = tpu.memref_slice %arg10[%dma_start3A_39] : memref<5120xi32, #tpu.memory_space<vmem>> -> memref<128xi32, #tpu.memory_space<vmem>>
    %dma_start3A_41 = arith.constant 0 : i32
    %dma_start3A_42 = arith.constant 0 : i32
    %dma_start3A_43 = tpu.memref_slice %arg3[%dma_start3A_41, %dma_start3A_42] : memref<10000x32xi32, #tpu.memory_space<hbm>> -> memref<10000x32xi32, #tpu.memory_space<hbm>>
    tpu.enqueue_indirect_dma source(%dma_start3A_43 : memref<10000x32xi32, #tpu.memory_space<hbm>>) target(%arg20 : memref<128x32xi32, #tpu.memory_space<vmem>>) offsets(%dma_start3A_40 : memref<128xi32, #tpu.memory_space<vmem>>) semaphore(%arg25 : memref<!tpu.dma_semaphore, #tpu.memory_space<semaphore_mem>>)
    %scan3A = arith.constant 0 : i32
    %scan3A_44 = arith.constant 0 : i32
    %scan3A_45 = arith.constant 10 : i32
    %scan3A_46 = arith.addi %scan3A_44, %scan3A_45 : i32
    %scan3A_47 = arith.constant 1 : i32
    scf.for %scan3A_55 = %scan3A_44 to %scan3A_46 step %scan3A_47  : i32 {
      %mul3A_56 = arith.constant 4 : i32
      %mul3A_57 = arith.muli %scan3A_55, %mul3A_56 : i32
      %add3A_58 = arith.constant 0 : i32
      %add3A_59 = arith.addi %mul3A_57, %add3A_58 : i32
      %mul3A_60 = arith.constant 128 : i32
      %mul3A_61 = arith.muli %add3A_59, %mul3A_60 : i32
      %dma_wait3A = tpu.memref_slice %arg9[%mul3A_61] : memref<5120xi32, #tpu.memory_space<vmem>> -> memref<128xi32, #tpu.memory_space<vmem>>
      %dma_wait3A_62 = arith.constant 0 : i32
      %dma_wait3A_63 = arith.constant 0 : i32
      %dma_wait3A_64 = tpu.memref_slice %arg2[%dma_wait3A_62, %dma_wait3A_63] : memref<10000x32xi32, #tpu.memory_space<hbm>> -> memref<10000x32xi32, #tpu.memory_space<hbm>>
      tpu.wait_indirect_dma semaphore(%arg22 : memref<!tpu.dma_semaphore, #tpu.memory_space<semaphore_mem>>) src(%dma_wait3A_64 : memref<10000x32xi32, #tpu.memory_space<hbm>>) dst(%arg13 : memref<128x32xi32, #tpu.memory_space<vmem>>)
      %mul3A_65 = arith.constant 128 : i32
      %mul3A_66 = arith.muli %add3A_59, %mul3A_65 : i32
      %dma_wait3A_67 = tpu.memref_slice %arg10[%mul3A_66] : memref<5120xi32, #tpu.memory_space<vmem>> -> memref<128xi32, #tpu.memory_space<vmem>>
      %dma_wait3A_68 = arith.constant 0 : i32
      %dma_wait3A_69 = arith.constant 0 : i32
      %dma_wait3A_70 = tpu.memref_slice %arg3[%dma_wait3A_68, %dma_wait3A_69] : memref<10000x32xi32, #tpu.memory_space<hbm>> -> memref<10000x32xi32, #tpu.memory_space<hbm>>
      tpu.wait_indirect_dma semaphore(%arg22 : memref<!tpu.dma_semaphore, #tpu.memory_space<semaphore_mem>>) src(%dma_wait3A_70 : memref<10000x32xi32, #tpu.memory_space<hbm>>) dst(%arg17 : memref<128x32xi32, #tpu.memory_space<vmem>>)
      %get3A = arith.constant 0 : i32
      %get3A_71 = arith.index_cast %get3A : i32 to index
      %get3A_72 = arith.constant 0 : index
      %get3A_73 = tpu.vector_load %arg21[%get3A_71, %get3A_72] {strides = array<i32>} : memref<4x16xf32, #tpu.memory_space<vmem>>, vector<16xf32>,
      %get3A_74 = arith.constant 1 : i32
      %get3A_75 = arith.index_cast %get3A_74 : i32 to index
      %get3A_76 = arith.constant 0 : index
      %get3A_77 = tpu.vector_load %arg21[%get3A_75, %get3A_76] {strides = array<i32>} : memref<4x16xf32, #tpu.memory_space<vmem>>, vector<16xf32>,
      %get3A_78 = arith.constant 2 : i32
      %get3A_79 = arith.index_cast %get3A_78 : i32 to index
      %get3A_80 = arith.constant 0 : index
      %get3A_81 = tpu.vector_load %arg21[%get3A_79, %get3A_80] {strides = array<i32>} : memref<4x16xf32, #tpu.memory_space<vmem>>, vector<16xf32>,
      %get3A_82 = arith.constant 3 : i32
      %get3A_83 = arith.index_cast %get3A_82 : i32 to index
      %get3A_84 = arith.constant 0 : index
      %get3A_85 = tpu.vector_load %arg21[%get3A_83, %get3A_84] {strides = array<i32>} : memref<4x16xf32, #tpu.memory_space<vmem>>, vector<16xf32>,
      %scan3A_86 = arith.constant 0 : i32
      %scan3A_87 = arith.constant 0 : i32
      %scan3A_88 = arith.constant 8 : i32
      %scan3A_89 = arith.addi %scan3A_87, %scan3A_88 : i32
      %scan3A_90 = arith.constant 1 : i32
      scf.for %scan3A_231 = %scan3A_87 to %scan3A_89 step %scan3A_90  : i32 {
        %mul3A_232 = arith.constant 16 : i32
        %mul3A_233 = arith.muli %scan3A_231, %mul3A_232 : i32
        %mul3A_234 = arith.constant 128 : i32
        %mul3A_235 = arith.muli %add3A_59, %mul3A_234 : i32
        %add3A_236 = arith.addi %mul3A_235, %mul3A_233 : i32
        %broadcast_in_dim3A = vector.broadcast %add3A_236 : i32 to vector<16xi32>
        %add3A_237 = arith.constant 0 : i32
        %add3A_238 = arith.addi %mul3A_233, %add3A_237 : i32
        %broadcast_in_dim3A_239 = arith.constant 0.000000e+00 : f32
        %broadcast_in_dim3A_240 = vector.broadcast %broadcast_in_dim3A_239 : f32 to vector<16xf32>
        %get3A_241 = arith.index_cast %add3A_238 : i32 to index
        %get3A_242 = arith.constant 0 : index
        %get3A_243 = tpu.vector_load %arg13[%get3A_241, %get3A_242] {strides = array<i32>} : memref<128x32xi32, #tpu.memory_space<vmem>>, vector<16xi32>,
        %bitcast3A = vector.bitcast %get3A_243 : vector<16xi32> to vector<32xbf16>
        %get3A_244 = arith.index_cast %add3A_238 : i32 to index
        %get3A_245 = arith.constant 0 : index
        %get3A_246 = tpu.vector_load %arg17[%get3A_244, %get3A_245] {strides = array<i32>} : memref<128x32xi32, #tpu.memory_space<vmem>>, vector<16xi32>,
        %bitcast3A_247 = vector.bitcast %get3A_246 : vector<16xi32> to vector<32xbf16>
        %unpack3A = tpu.unpack_subelements %bitcast3A, 0 {pack_format = #tpu.pack_format<interleaved>} : vector<32xbf16> -> vector<16xf32>
        %unpack3A_248 = tpu.unpack_subelements %bitcast3A, 1 {pack_format = #tpu.pack_format<interleaved>} : vector<32xbf16> -> vector<16xf32>
        %unpack3A_249 = tpu.unpack_subelements %bitcast3A_247, 0 {pack_format = #tpu.pack_format<interleaved>} : vector<32xbf16> -> vector<16xf32>
        %unpack3A_250 = tpu.unpack_subelements %bitcast3A_247, 1 {pack_format = #tpu.pack_format<interleaved>} : vector<32xbf16> -> vector<16xf32>
        %add3A_251 = arith.addf %unpack3A, %unpack3A_249 : vector<16xf32>
        %max3A = arith.constant 0.000000e+00 : f32
        %max3A_252 = vector.broadcast %max3A : f32 to vector<16xf32>
        %max3A_253 = arith.maximumf %add3A_251, %max3A_252 : vector<16xf32>
        %mul3A_254 = arith.mulf %max3A_253, %get3A_73 : vector<16xf32>
        %add3A_255 = arith.addf %broadcast_in_dim3A_240, %mul3A_254 : vector<16xf32>
        %add3A_256 = arith.addf %unpack3A_248, %unpack3A_250 : vector<16xf32>
        %max3A_257 = arith.constant 0.000000e+00 : f32
        %max3A_258 = vector.broadcast %max3A_257 : f32 to vector<16xf32>
        %max3A_259 = arith.maximumf %add3A_256, %max3A_258 : vector<16xf32>
        %mul3A_260 = arith.mulf %max3A_259, %get3A_77 : vector<16xf32>
        %add3A_261 = arith.addf %add3A_255, %mul3A_260 : vector<16xf32>
        %get3A_262 = arith.index_cast %add3A_238 : i32 to index
        %get3A_263 = arith.constant 16 : index
        %get3A_264 = tpu.vector_load %arg13[%get3A_262, %get3A_263] {strides = array<i32>} : memref<128x32xi32, #tpu.memory_space<vmem>>, vector<16xi32>,
        %bitcast3A_265 = vector.bitcast %get3A_264 : vector<16xi32> to vector<32xbf16>
        %get3A_266 = arith.index_cast %add3A_238 : i32 to index
        %get3A_267 = arith.constant 16 : index
        %get3A_268 = tpu.vector_load %arg17[%get3A_266, %get3A_267] {strides = array<i32>} : memref<128x32xi32, #tpu.memory_space<vmem>>, vector<16xi32>,
        %bitcast3A_269 = vector.bitcast %get3A_268 : vector<16xi32> to vector<32xbf16>
        %unpack3A_270 = tpu.unpack_subelements %bitcast3A_265, 0 {pack_format = #tpu.pack_format<interleaved>} : vector<32xbf16> -> vector<16xf32>
        %unpack3A_271 = tpu.unpack_subelements %bitcast3A_265, 1 {pack_format = #tpu.pack_format<interleaved>} : vector<32xbf16> -> vector<16xf32>
        %unpack3A_272 = tpu.unpack_subelements %bitcast3A_269, 0 {pack_format = #tpu.pack_format<interleaved>} : vector<32xbf16> -> vector<16xf32>
        %unpack3A_273 = tpu.unpack_subelements %bitcast3A_269, 1 {pack_format = #tpu.pack_format<interleaved>} : vector<32xbf16> -> vector<16xf32>
        %add3A_274 = arith.addf %unpack3A_270, %unpack3A_272 : vector<16xf32>
        %max3A_275 = arith.constant 0.000000e+00 : f32
        %max3A_276 = vector.broadcast %max3A_275 : f32 to vector<16xf32>
        %max3A_277 = arith.maximumf %add3A_274, %max3A_276 : vector<16xf32>
        %mul3A_278 = arith.mulf %max3A_277, %get3A_81 : vector<16xf32>
        %add3A_279 = arith.addf %add3A_261, %mul3A_278 : vector<16xf32>
        %add3A_280 = arith.addf %unpack3A_271, %unpack3A_273 : vector<16xf32>
        %max3A_281 = arith.constant 0.000000e+00 : f32
        %max3A_282 = vector.broadcast %max3A_281 : f32 to vector<16xf32>
        %max3A_283 = arith.maximumf %add3A_280, %max3A_282 : vector<16xf32>
        %mul3A_284 = arith.mulf %max3A_283, %get3A_85 : vector<16xf32>
        %add3A_285 = arith.addf %add3A_279, %mul3A_284 : vector<16xf32>
        %broadcast_in_dim3A_286 = arith.constant true
        %broadcast_in_dim3A_287 = vector.broadcast %broadcast_in_dim3A_286 : i1 to vector<16xi1>
        %masked_cumsum3A = tpu.scan <sum>, %add3A_285 masked %broadcast_in_dim3A_287 : vector<16xf32>, vector<16xi1> -> vector<16xf32>
        %add3A_288 = arith.constant 0 : i32
        %add3A_289 = vector.broadcast %add3A_288 : i32 to vector<16xi32>
        %add3A_290 = arith.addi %broadcast_in_dim3A, %add3A_289 : vector<16xi32>
        tpu.vector_store_idx %arg12[%add3A_290], %masked_cumsum3A masked %eq3A_4 : memref<5120xf32, #tpu.memory_space<vmem>>[vector<16xi32>], vector<16xf32>, vector<16xi1>
        %add3A_291 = arith.constant 1 : i32
        %add3A_292 = arith.addi %mul3A_233, %add3A_291 : i32
        %broadcast_in_dim3A_293 = arith.constant 0.000000e+00 : f32
        %broadcast_in_dim3A_294 = vector.broadcast %broadcast_in_dim3A_293 : f32 to vector<16xf32>
        %get3A_295 = arith.index_cast %add3A_292 : i32 to index
        %get3A_296 = arith.constant 0 : index
        %get3A_297 = tpu.vector_load %arg13[%get3A_295, %get3A_296] {strides = array<i32>} : memref<128x32xi32, #tpu.memory_space<vmem>>, vector<16xi32>,
        %bitcast3A_298 = vector.bitcast %get3A_297 : vector<16xi32> to vector<32xbf16>
        %get3A_299 = arith.index_cast %add3A_292 : i32 to index
        %get3A_300 = arith.constant 0 : index
        %get3A_301 = tpu.vector_load %arg17[%get3A_299, %get3A_300] {strides = array<i32>} : memref<128x32xi32, #tpu.memory_space<vmem>>, vector<16xi32>,
        %bitcast3A_302 = vector.bitcast %get3A_301 : vector<16xi32> to vector<32xbf16>
        %unpack3A_303 = tpu.unpack_subelements %bitcast3A_298, 0 {pack_format = #tpu.pack_format<interleaved>} : vector<32xbf16> -> vector<16xf32>
        %unpack3A_304 = tpu.unpack_subelements %bitcast3A_298, 1 {pack_format = #tpu.pack_format<interleaved>} : vector<32xbf16> -> vector<16xf32>
        %unpack3A_305 = tpu.unpack_subelements %bitcast3A_302, 0 {pack_format = #tpu.pack_format<interleaved>} : vector<32xbf16> -> vector<16xf32>
        %unpack3A_306 = tpu.unpack_subelements %bitcast3A_302, 1 {pack_format = #tpu.pack_format<interleaved>} : vector<32xbf16> -> vector<16xf32>
        %add3A_307 = arith.addf %unpack3A_303, %unpack3A_305 : vector<16xf32>
        %max3A_308 = arith.constant 0.000000e+00 : f32
        %max3A_309 = vector.broadcast %max3A_308 : f32 to vector<16xf32>
        %max3A_310 = arith.maximumf %add3A_307, %max3A_309 : vector<16xf32>
        %mul3A_311 = arith.mulf %max3A_310, %get3A_73 : vector<16xf32>
        %add3A_312 = arith.addf %broadcast_in_dim3A_294, %mul3A_311 : vector<16xf32>
        %add3A_313 = arith.addf %unpack3A_304, %unpack3A_306 : vector<16xf32>
        %max3A_314 = arith.constant 0.000000e+00 : f32
        %max3A_315 = vector.broadcast %max3A_314 : f32 to vector<16xf32>
        %max3A_316 = arith.maximumf %add3A_313, %max3A_315 : vector<16xf32>
        %mul3A_317 = arith.mulf %max3A_316, %get3A_77 : vector<16xf32>
        %add3A_318 = arith.addf %add3A_312, %mul3A_317 : vector<16xf32>
        %get3A_319 = arith.index_cast %add3A_292 : i32 to index
        %get3A_320 = arith.constant 16 : index
        %get3A_321 = tpu.vector_load %arg13[%get3A_319, %get3A_320] {strides = array<i32>} : memref<128x32xi32, #tpu.memory_space<vmem>>, vector<16xi32>,
        %bitcast3A_322 = vector.bitcast %get3A_321 : vector<16xi32> to vector<32xbf16>
        %get3A_323 = arith.index_cast %add3A_292 : i32 to index
        %get3A_324 = arith.constant 16 : index
        %get3A_325 = tpu.vector_load %arg17[%get3A_323, %get3A_324] {strides = array<i32>} : memref<128x32xi32, #tpu.memory_space<vmem>>, vector<16xi32>,
        %bitcast3A_326 = vector.bitcast %get3A_325 : vector<16xi32> to vector<32xbf16>
        %unpack3A_327 = tpu.unpack_subelements %bitcast3A_322, 0 {pack_format = #tpu.pack_format<interleaved>} : vector<32xbf16> -> vector<16xf32>
        %unpack3A_328 = tpu.unpack_subelements %bitcast3A_322, 1 {pack_format = #tpu.pack_format<interleaved>} : vector<32xbf16> -> vector<16xf32>
        %unpack3A_329 = tpu.unpack_subelements %bitcast3A_326, 0 {pack_format = #tpu.pack_format<interleaved>} : vector<32xbf16> -> vector<16xf32>
        %unpack3A_330 = tpu.unpack_subelements %bitcast3A_326, 1 {pack_format = #tpu.pack_format<interleaved>} : vector<32xbf16> -> vector<16xf32>
        %add3A_331 = arith.addf %unpack3A_327, %unpack3A_329 : vector<16xf32>
        %max3A_332 = arith.constant 0.000000e+00 : f32
        %max3A_333 = vector.broadcast %max3A_332 : f32 to vector<16xf32>
        %max3A_334 = arith.maximumf %add3A_331, %max3A_333 : vector<16xf32>
        %mul3A_335 = arith.mulf %max3A_334, %get3A_81 : vector<16xf32>
        %add3A_336 = arith.addf %add3A_318, %mul3A_335 : vector<16xf32>
        %add3A_337 = arith.addf %unpack3A_328, %unpack3A_330 : vector<16xf32>
        %max3A_338 = arith.constant 0.000000e+00 : f32
        %max3A_339 = vector.broadcast %max3A_338 : f32 to vector<16xf32>
        %max3A_340 = arith.maximumf %add3A_337, %max3A_339 : vector<16xf32>
        %mul3A_341 = arith.mulf %max3A_340, %get3A_85 : vector<16xf32>
        %add3A_342 = arith.addf %add3A_336, %mul3A_341 : vector<16xf32>
        %broadcast_in_dim3A_343 = arith.constant true
        %broadcast_in_dim3A_344 = vector.broadcast %broadcast_in_dim3A_343 : i1 to vector<16xi1>
        %masked_cumsum3A_345 = tpu.scan <sum>, %add3A_342 masked %broadcast_in_dim3A_344 : vector<16xf32>, vector<16xi1> -> vector<16xf32>
        %add3A_346 = arith.constant 1 : i32
        %add3A_347 = vector.broadcast %add3A_346 : i32 to vector<16xi32>
        %add3A_348 = arith.addi %broadcast_in_dim3A, %add3A_347 : vector<16xi32>
        tpu.vector_store_idx %arg12[%add3A_348], %masked_cumsum3A_345 masked %eq3A_4 : memref<5120xf32, #tpu.memory_space<vmem>>[vector<16xi32>], vector<16xf32>, vector<16xi1>
        %add3A_349 = arith.constant 2 : i32
        %add3A_350 = arith.addi %mul3A_233, %add3A_349 : i32
        %broadcast_in_dim3A_351 = arith.constant 0.000000e+00 : f32
        %broadcast_in_dim3A_352 = vector.broadcast %broadcast_in_dim3A_351 : f32 to vector<16xf32>
        %get3A_353 = arith.index_cast %add3A_350 : i32 to index
        %get3A_354 = arith.constant 0 : index
        %get3A_355 = tpu.vector_load %arg13[%get3A_353, %get3A_354] {strides = array<i32>} : memref<128x32xi32, #tpu.memory_space<vmem>>, vector<16xi32>,
        %bitcast3A_356 = vector.bitcast %get3A_355 : vector<16xi32> to vector<32xbf16>
        %get3A_357 = arith.index_cast %add3A_350 : i32 to index
        %get3A_358 = arith.constant 0 : index
        %get3A_359 = tpu.vector_load %arg17[%get3A_357, %get3A_358] {strides = array<i32>} : memref<128x32xi32, #tpu.memory_space<vmem>>, vector<16xi32>,
        %bitcast3A_360 = vector.bitcast %get3A_359 : vector<16xi32> to vector<32xbf16>
        %unpack3A_361 = tpu.unpack_subelements %bitcast3A_356, 0 {pack_format = #tpu.pack_format<interleaved>} : vector<32xbf16> -> vector<16xf32>
        %unpack3A_362 = tpu.unpack_subelements %bitcast3A_356, 1 {pack_format = #tpu.pack_format<interleaved>} : vector<32xbf16> -> vector<16xf32>
        %unpack3A_363 = tpu.unpack_subelements %bitcast3A_360, 0 {pack_format = #tpu.pack_format<interleaved>} : vector<32xbf16> -> vector<16xf32>
        %unpack3A_364 = tpu.unpack_subelements %bitcast3A_360, 1 {pack_format = #tpu.pack_format<interleaved>} : vector<32xbf16> -> vector<16xf32>
        %add3A_365 = arith.addf %unpack3A_361, %unpack3A_363 : vector<16xf32>
        %max3A_366 = arith.constant 0.000000e+00 : f32
        %max3A_367 = vector.broadcast %max3A_366 : f32 to vector<16xf32>
        %max3A_368 = arith.maximumf %add3A_365, %max3A_367 : vector<16xf32>
        %mul3A_369 = arith.mulf %max3A_368, %get3A_73 : vector<16xf32>
        %add3A_370 = arith.addf %broadcast_in_dim3A_352, %mul3A_369 : vector<16xf32>
        %add3A_371 = arith.addf %unpack3A_362, %unpack3A_364 : vector<16xf32>
        %max3A_372 = arith.constant 0.000000e+00 : f32
        %max3A_373 = vector.broadcast %max3A_372 : f32 to vector<16xf32>
        %max3A_374 = arith.maximumf %add3A_371, %max3A_373 : vector<16xf32>
        %mul3A_375 = arith.mulf %max3A_374, %get3A_77 : vector<16xf32>
        %add3A_376 = arith.addf %add3A_370, %mul3A_375 : vector<16xf32>
        %get3A_377 = arith.index_cast %add3A_350 : i32 to index
        %get3A_378 = arith.constant 16 : index
        %get3A_379 = tpu.vector_load %arg13[%get3A_377, %get3A_378] {strides = array<i32>} : memref<128x32xi32, #tpu.memory_space<vmem>>, vector<16xi32>,
        %bitcast3A_380 = vector.bitcast %get3A_379 : vector<16xi32> to vector<32xbf16>
        %get3A_381 = arith.index_cast %add3A_350 : i32 to index
        %get3A_382 = arith.constant 16 : index
        %get3A_383 = tpu.vector_load %arg17[%get3A_381, %get3A_382] {strides = array<i32>} : memref<128x32xi32, #tpu.memory_space<vmem>>, vector<16xi32>,
        %bitcast3A_384 = vector.bitcast %get3A_383 : vector<16xi32> to vector<32xbf16>
        %unpack3A_385 = tpu.unpack_subelements %bitcast3A_380, 0 {pack_format = #tpu.pack_format<interleaved>} : vector<32xbf16> -> vector<16xf32>
        %unpack3A_386 = tpu.unpack_subelements %bitcast3A_380, 1 {pack_format = #tpu.pack_format<interleaved>} : vector<32xbf16> -> vector<16xf32>
        %unpack3A_387 = tpu.unpack_subelements %bitcast3A_384, 0 {pack_format = #tpu.pack_format<interleaved>} : vector<32xbf16> -> vector<16xf32>
        %unpack3A_388 = tpu.unpack_subelements %bitcast3A_384, 1 {pack_format = #tpu.pack_format<interleaved>} : vector<32xbf16> -> vector<16xf32>
        %add3A_389 = arith.addf %unpack3A_385, %unpack3A_387 : vector<16xf32>
        %max3A_390 = arith.constant 0.000000e+00 : f32
        %max3A_391 = vector.broadcast %max3A_390 : f32 to vector<16xf32>
        %max3A_392 = arith.maximumf %add3A_389, %max3A_391 : vector<16xf32>
        %mul3A_393 = arith.mulf %max3A_392, %get3A_81 : vector<16xf32>
        %add3A_394 = arith.addf %add3A_376, %mul3A_393 : vector<16xf32>
        %add3A_395 = arith.addf %unpack3A_386, %unpack3A_388 : vector<16xf32>
        %max3A_396 = arith.constant 0.000000e+00 : f32
        %max3A_397 = vector.broadcast %max3A_396 : f32 to vector<16xf32>
        %max3A_398 = arith.maximumf %add3A_395, %max3A_397 : vector<16xf32>
        %mul3A_399 = arith.mulf %max3A_398, %get3A_85 : vector<16xf32>
        %add3A_400 = arith.addf %add3A_394, %mul3A_399 : vector<16xf32>
        %broadcast_in_dim3A_401 = arith.constant true
        %broadcast_in_dim3A_402 = vector.broadcast %broadcast_in_dim3A_401 : i1 to vector<16xi1>
        %masked_cumsum3A_403 = tpu.scan <sum>, %add3A_400 masked %broadcast_in_dim3A_402 : vector<16xf32>, vector<16xi1> -> vector<16xf32>
        %add3A_404 = arith.constant 2 : i32
        %add3A_405 = vector.broadcast %add3A_404 : i32 to vector<16xi32>
        %add3A_406 = arith.addi %broadcast_in_dim3A, %add3A_405 : vector<16xi32>
        tpu.vector_store_idx %arg12[%add3A_406], %masked_cumsum3A_403 masked %eq3A_4 : memref<5120xf32, #tpu.memory_space<vmem>>[vector<16xi32>], vector<16xf32>, vector<16xi1>
        %add3A_407 = arith.constant 3 : i32
        %add3A_408 = arith.addi %mul3A_233, %add3A_407 : i32
        %broadcast_in_dim3A_409 = arith.constant 0.000000e+00 : f32
        %broadcast_in_dim3A_410 = vector.broadcast %broadcast_in_dim3A_409 : f32 to vector<16xf32>
        %get3A_411 = arith.index_cast %add3A_408 : i32 to index
        %get3A_412 = arith.constant 0 : index
        %get3A_413 = tpu.vector_load %arg13[%get3A_411, %get3A_412] {strides = array<i32>} : memref<128x32xi32, #tpu.memory_space<vmem>>, vector<16xi32>,
        %bitcast3A_414 = vector.bitcast %get3A_413 : vector<16xi32> to vector<32xbf16>
        %get3A_415 = arith.index_cast %add3A_408 : i32 to index
        %get3A_416 = arith.constant 0 : index
        %get3A_417 = tpu.vector_load %arg17[%get3A_415, %get3A_416] {strides = array<i32>} : memref<128x32xi32, #tpu.memory_space<vmem>>, vector<16xi32>,
        %bitcast3A_418 = vector.bitcast %get3A_417 : vector<16xi32> to vector<32xbf16>
        %unpack3A_419 = tpu.unpack_subelements %bitcast3A_414, 0 {pack_format = #tpu.pack_format<interleaved>} : vector<32xbf16> -> vector<16xf32>
        %unpack3A_420 = tpu.unpack_subelements %bitcast3A_414, 1 {pack_format = #tpu.pack_format<interleaved>} : vector<32xbf16> -> vector<16xf32>
        %unpack3A_421 = tpu.unpack_subelements %bitcast3A_418, 0 {pack_format = #tpu.pack_format<interleaved>} : vector<32xbf16> -> vector<16xf32>
        %unpack3A_422 = tpu.unpack_subelements %bitcast3A_418, 1 {pack_format = #tpu.pack_format<interleaved>} : vector<32xbf16> -> vector<16xf32>
        %add3A_423 = arith.addf %unpack3A_419, %unpack3A_421 : vector<16xf32>
        %max3A_424 = arith.constant 0.000000e+00 : f32
        %max3A_425 = vector.broadcast %max3A_424 : f32 to vector<16xf32>
        %max3A_426 = arith.maximumf %add3A_423, %max3A_425 : vector<16xf32>
        %mul3A_427 = arith.mulf %max3A_426, %get3A_73 : vector<16xf32>
        %add3A_428 = arith.addf %broadcast_in_dim3A_410, %mul3A_427 : vector<16xf32>
        %add3A_429 = arith.addf %unpack3A_420, %unpack3A_422 : vector<16xf32>
        %max3A_430 = arith.constant 0.000000e+00 : f32
        %max3A_431 = vector.broadcast %max3A_430 : f32 to vector<16xf32>
        %max3A_432 = arith.maximumf %add3A_429, %max3A_431 : vector<16xf32>
        %mul3A_433 = arith.mulf %max3A_432, %get3A_77 : vector<16xf32>
        %add3A_434 = arith.addf %add3A_428, %mul3A_433 : vector<16xf32>
        %get3A_435 = arith.index_cast %add3A_408 : i32 to index
        %get3A_436 = arith.constant 16 : index
        %get3A_437 = tpu.vector_load %arg13[%get3A_435, %get3A_436] {strides = array<i32>} : memref<128x32xi32, #tpu.memory_space<vmem>>, vector<16xi32>,
        %bitcast3A_438 = vector.bitcast %get3A_437 : vector<16xi32> to vector<32xbf16>
        %get3A_439 = arith.index_cast %add3A_408 : i32 to index
        %get3A_440 = arith.constant 16 : index
        %get3A_441 = tpu.vector_load %arg17[%get3A_439, %get3A_440] {strides = array<i32>} : memref<128x32xi32, #tpu.memory_space<vmem>>, vector<16xi32>,
        %bitcast3A_442 = vector.bitcast %get3A_441 : vector<16xi32> to vector<32xbf16>
        %unpack3A_443 = tpu.unpack_subelements %bitcast3A_438, 0 {pack_format = #tpu.pack_format<interleaved>} : vector<32xbf16> -> vector<16xf32>
        %unpack3A_444 = tpu.unpack_subelements %bitcast3A_438, 1 {pack_format = #tpu.pack_format<interleaved>} : vector<32xbf16> -> vector<16xf32>
        %unpack3A_445 = tpu.unpack_subelements %bitcast3A_442, 0 {pack_format = #tpu.pack_format<interleaved>} : vector<32xbf16> -> vector<16xf32>
        %unpack3A_446 = tpu.unpack_subelements %bitcast3A_442, 1 {pack_format = #tpu.pack_format<interleaved>} : vector<32xbf16> -> vector<16xf32>
        %add3A_447 = arith.addf %unpack3A_443, %unpack3A_445 : vector<16xf32>
        %max3A_448 = arith.constant 0.000000e+00 : f32
        %max3A_449 = vector.broadcast %max3A_448 : f32 to vector<16xf32>
        %max3A_450 = arith.maximumf %add3A_447, %max3A_449 : vector<16xf32>
        %mul3A_451 = arith.mulf %max3A_450, %get3A_81 : vector<16xf32>
        %add3A_452 = arith.addf %add3A_434, %mul3A_451 : vector<16xf32>
        %add3A_453 = arith.addf %unpack3A_444, %unpack3A_446 : vector<16xf32>
        %max3A_454 = arith.constant 0.000000e+00 : f32
        %max3A_455 = vector.broadcast %max3A_454 : f32 to vector<16xf32>
        %max3A_456 = arith.maximumf %add3A_453, %max3A_455 : vector<16xf32>
        %mul3A_457 = arith.mulf %max3A_456, %get3A_85 : vector<16xf32>
        %add3A_458 = arith.addf %add3A_452, %mul3A_457 : vector<16xf32>
        %broadcast_in_dim3A_459 = arith.constant true
        %broadcast_in_dim3A_460 = vector.broadcast %broadcast_in_dim3A_459 : i1 to vector<16xi1>
        %masked_cumsum3A_461 = tpu.scan <sum>, %add3A_458 masked %broadcast_in_dim3A_460 : vector<16xf32>, vector<16xi1> -> vector<16xf32>
        %add3A_462 = arith.constant 3 : i32
        %add3A_463 = vector.broadcast %add3A_462 : i32 to vector<16xi32>
        %add3A_464 = arith.addi %broadcast_in_dim3A, %add3A_463 : vector<16xi32>
        tpu.vector_store_idx %arg12[%add3A_464], %masked_cumsum3A_461 masked %eq3A_4 : memref<5120xf32, #tpu.memory_space<vmem>>[vector<16xi32>], vector<16xf32>, vector<16xi1>
        %add3A_465 = arith.constant 4 : i32
        %add3A_466 = arith.addi %mul3A_233, %add3A_465 : i32
        %broadcast_in_dim3A_467 = arith.constant 0.000000e+00 : f32
        %broadcast_in_dim3A_468 = vector.broadcast %broadcast_in_dim3A_467 : f32 to vector<16xf32>
        %get3A_469 = arith.index_cast %add3A_466 : i32 to index
        %get3A_470 = arith.constant 0 : index
        %get3A_471 = tpu.vector_load %arg13[%get3A_469, %get3A_470] {strides = array<i32>} : memref<128x32xi32, #tpu.memory_space<vmem>>, vector<16xi32>,
        %bitcast3A_472 = vector.bitcast %get3A_471 : vector<16xi32> to vector<32xbf16>
        %get3A_473 = arith.index_cast %add3A_466 : i32 to index
        %get3A_474 = arith.constant 0 : index
        %get3A_475 = tpu.vector_load %arg17[%get3A_473, %get3A_474] {strides = array<i32>} : memref<128x32xi32, #tpu.memory_space<vmem>>, vector<16xi32>,
        %bitcast3A_476 = vector.bitcast %get3A_475 : vector<16xi32> to vector<32xbf16>
        %unpack3A_477 = tpu.unpack_subelements %bitcast3A_472, 0 {pack_format = #tpu.pack_format<interleaved>} : vector<32xbf16> -> vector<16xf32>
        %unpack3A_478 = tpu.unpack_subelements %bitcast3A_472, 1 {pack_format = #tpu.pack_format<interleaved>} : vector<32xbf16> -> vector<16xf32>
        %unpack3A_479 = tpu.unpack_subelements %bitcast3A_476, 0 {pack_format = #tpu.pack_format<interleaved>} : vector<32xbf16> -> vector<16xf32>
        %unpack3A_480 = tpu.unpack_subelements %bitcast3A_476, 1 {pack_format = #tpu.pack_format<interleaved>} : vector<32xbf16> -> vector<16xf32>
        %add3A_481 = arith.addf %unpack3A_477, %unpack3A_479 : vector<16xf32>
        %max3A_482 = arith.constant 0.000000e+00 : f32
        %max3A_483 = vector.broadcast %max3A_482 : f32 to vector<16xf32>
        %max3A_484 = arith.maximumf %add3A_481, %max3A_483 : vector<16xf32>
        %mul3A_485 = arith.mulf %max3A_484, %get3A_73 : vector<16xf32>
        %add3A_486 = arith.addf %broadcast_in_dim3A_468, %mul3A_485 : vector<16xf32>
        %add3A_487 = arith.addf %unpack3A_478, %unpack3A_480 : vector<16xf32>
        %max3A_488 = arith.constant 0.000000e+00 : f32
        %max3A_489 = vector.broadcast %max3A_488 : f32 to vector<16xf32>
        %max3A_490 = arith.maximumf %add3A_487, %max3A_489 : vector<16xf32>
        %mul3A_491 = arith.mulf %max3A_490, %get3A_77 : vector<16xf32>
        %add3A_492 = arith.addf %add3A_486, %mul3A_491 : vector<16xf32>
        %get3A_493 = arith.index_cast %add3A_466 : i32 to index
        %get3A_494 = arith.constant 16 : index
        %get3A_495 = tpu.vector_load %arg13[%get3A_493, %get3A_494] {strides = array<i32>} : memref<128x32xi32, #tpu.memory_space<vmem>>, vector<16xi32>,
        %bitcast3A_496 = vector.bitcast %get3A_495 : vector<16xi32> to vector<32xbf16>
        %get3A_497 = arith.index_cast %add3A_466 : i32 to index
        %get3A_498 = arith.constant 16 : index
        %get3A_499 = tpu.vector_load %arg17[%get3A_497, %get3A_498] {strides = array<i32>} : memref<128x32xi32, #tpu.memory_space<vmem>>, vector<16xi32>,
        %bitcast3A_500 = vector.bitcast %get3A_499 : vector<16xi32> to vector<32xbf16>
        %unpack3A_501 = tpu.unpack_subelements %bitcast3A_496, 0 {pack_format = #tpu.pack_format<interleaved>} : vector<32xbf16> -> vector<16xf32>
        %unpack3A_502 = tpu.unpack_subelements %bitcast3A_496, 1 {pack_format = #tpu.pack_format<interleaved>} : vector<32xbf16> -> vector<16xf32>
        %unpack3A_503 = tpu.unpack_subelements %bitcast3A_500, 0 {pack_format = #tpu.pack_format<interleaved>} : vector<32xbf16> -> vector<16xf32>
        %unpack3A_504 = tpu.unpack_subelements %bitcast3A_500, 1 {pack_format = #tpu.pack_format<interleaved>} : vector<32xbf16> -> vector<16xf32>
        %add3A_505 = arith.addf %unpack3A_501, %unpack3A_503 : vector<16xf32>
        %max3A_506 = arith.constant 0.000000e+00 : f32
        %max3A_507 = vector.broadcast %max3A_506 : f32 to vector<16xf32>
        %max3A_508 = arith.maximumf %add3A_505, %max3A_507 : vector<16xf32>
        %mul3A_509 = arith.mulf %max3A_508, %get3A_81 : vector<16xf32>
        %add3A_510 = arith.addf %add3A_492, %mul3A_509 : vector<16xf32>
        %add3A_511 = arith.addf %unpack3A_502, %unpack3A_504 : vector<16xf32>
        %max3A_512 = arith.constant 0.000000e+00 : f32
        %max3A_513 = vector.broadcast %max3A_512 : f32 to vector<16xf32>
        %max3A_514 = arith.maximumf %add3A_511, %max3A_513 : vector<16xf32>
        %mul3A_515 = arith.mulf %max3A_514, %get3A_85 : vector<16xf32>
        %add3A_516 = arith.addf %add3A_510, %mul3A_515 : vector<16xf32>
        %broadcast_in_dim3A_517 = arith.constant true
        %broadcast_in_dim3A_518 = vector.broadcast %broadcast_in_dim3A_517 : i1 to vector<16xi1>
        %masked_cumsum3A_519 = tpu.scan <sum>, %add3A_516 masked %broadcast_in_dim3A_518 : vector<16xf32>, vector<16xi1> -> vector<16xf32>
        %add3A_520 = arith.constant 4 : i32
        %add3A_521 = vector.broadcast %add3A_520 : i32 to vector<16xi32>
        %add3A_522 = arith.addi %broadcast_in_dim3A, %add3A_521 : vector<16xi32>
        tpu.vector_store_idx %arg12[%add3A_522], %masked_cumsum3A_519 masked %eq3A_4 : memref<5120xf32, #tpu.memory_space<vmem>>[vector<16xi32>], vector<16xf32>, vector<16xi1>
        %add3A_523 = arith.constant 5 : i32
        %add3A_524 = arith.addi %mul3A_233, %add3A_523 : i32
        %broadcast_in_dim3A_525 = arith.constant 0.000000e+00 : f32
        %broadcast_in_dim3A_526 = vector.broadcast %broadcast_in_dim3A_525 : f32 to vector<16xf32>
        %get3A_527 = arith.index_cast %add3A_524 : i32 to index
        %get3A_528 = arith.constant 0 : index
        %get3A_529 = tpu.vector_load %arg13[%get3A_527, %get3A_528] {strides = array<i32>} : memref<128x32xi32, #tpu.memory_space<vmem>>, vector<16xi32>,
        %bitcast3A_530 = vector.bitcast %get3A_529 : vector<16xi32> to vector<32xbf16>
        %get3A_531 = arith.index_cast %add3A_524 : i32 to index
        %get3A_532 = arith.constant 0 : index
        %get3A_533 = tpu.vector_load %arg17[%get3A_531, %get3A_532] {strides = array<i32>} : memref<128x32xi32, #tpu.memory_space<vmem>>, vector<16xi32>,
        %bitcast3A_534 = vector.bitcast %get3A_533 : vector<16xi32> to vector<32xbf16>
        %unpack3A_535 = tpu.unpack_subelements %bitcast3A_530, 0 {pack_format = #tpu.pack_format<interleaved>} : vector<32xbf16> -> vector<16xf32>
        %unpack3A_536 = tpu.unpack_subelements %bitcast3A_530, 1 {pack_format = #tpu.pack_format<interleaved>} : vector<32xbf16> -> vector<16xf32>
        %unpack3A_537 = tpu.unpack_subelements %bitcast3A_534, 0 {pack_format = #tpu.pack_format<interleaved>} : vector<32xbf16> -> vector<16xf32>
        %unpack3A_538 = tpu.unpack_subelements %bitcast3A_534, 1 {pack_format = #tpu.pack_format<interleaved>} : vector<32xbf16> -> vector<16xf32>
        %add3A_539 = arith.addf %unpack3A_535, %unpack3A_537 : vector<16xf32>
        %max3A_540 = arith.constant 0.000000e+00 : f32
        %max3A_541 = vector.broadcast %max3A_540 : f32 to vector<16xf32>
        %max3A_542 = arith.maximumf %add3A_539, %max3A_541 : vector<16xf32>
        %mul3A_543 = arith.mulf %max3A_542, %get3A_73 : vector<16xf32>
        %add3A_544 = arith.addf %broadcast_in_dim3A_526, %mul3A_543 : vector<16xf32>
        %add3A_545 = arith.addf %unpack3A_536, %unpack3A_538 : vector<16xf32>
        %max3A_546 = arith.constant 0.000000e+00 : f32
        %max3A_547 = vector.broadcast %max3A_546 : f32 to vector<16xf32>
        %max3A_548 = arith.maximumf %add3A_545, %max3A_547 : vector<16xf32>
        %mul3A_549 = arith.mulf %max3A_548, %get3A_77 : vector<16xf32>
        %add3A_550 = arith.addf %add3A_544, %mul3A_549 : vector<16xf32>
        %get3A_551 = arith.index_cast %add3A_524 : i32 to index
        %get3A_552 = arith.constant 16 : index
        %get3A_553 = tpu.vector_load %arg13[%get3A_551, %get3A_552] {strides = array<i32>} : memref<128x32xi32, #tpu.memory_space<vmem>>, vector<16xi32>,
        %bitcast3A_554 = vector.bitcast %get3A_553 : vector<16xi32> to vector<32xbf16>
        %get3A_555 = arith.index_cast %add3A_524 : i32 to index
        %get3A_556 = arith.constant 16 : index
        %get3A_557 = tpu.vector_load %arg17[%get3A_555, %get3A_556] {strides = array<i32>} : memref<128x32xi32, #tpu.memory_space<vmem>>, vector<16xi32>,
        %bitcast3A_558 = vector.bitcast %get3A_557 : vector<16xi32> to vector<32xbf16>
        %unpack3A_559 = tpu.unpack_subelements %bitcast3A_554, 0 {pack_format = #tpu.pack_format<interleaved>} : vector<32xbf16> -> vector<16xf32>
        %unpack3A_560 = tpu.unpack_subelements %bitcast3A_554, 1 {pack_format = #tpu.pack_format<interleaved>} : vector<32xbf16> -> vector<16xf32>
        %unpack3A_561 = tpu.unpack_subelements %bitcast3A_558, 0 {pack_format = #tpu.pack_format<interleaved>} : vector<32xbf16> -> vector<16xf32>
        %unpack3A_562 = tpu.unpack_subelements %bitcast3A_558, 1 {pack_format = #tpu.pack_format<interleaved>} : vector<32xbf16> -> vector<16xf32>
        %add3A_563 = arith.addf %unpack3A_559, %unpack3A_561 : vector<16xf32>
        %max3A_564 = arith.constant 0.000000e+00 : f32
        %max3A_565 = vector.broadcast %max3A_564 : f32 to vector<16xf32>
        %max3A_566 = arith.maximumf %add3A_563, %max3A_565 : vector<16xf32>
        %mul3A_567 = arith.mulf %max3A_566, %get3A_81 : vector<16xf32>
        %add3A_568 = arith.addf %add3A_550, %mul3A_567 : vector<16xf32>
        %add3A_569 = arith.addf %unpack3A_560, %unpack3A_562 : vector<16xf32>
        %max3A_570 = arith.constant 0.000000e+00 : f32
        %max3A_571 = vector.broadcast %max3A_570 : f32 to vector<16xf32>
        %max3A_572 = arith.maximumf %add3A_569, %max3A_571 : vector<16xf32>
        %mul3A_573 = arith.mulf %max3A_572, %get3A_85 : vector<16xf32>
        %add3A_574 = arith.addf %add3A_568, %mul3A_573 : vector<16xf32>
        %broadcast_in_dim3A_575 = arith.constant true
        %broadcast_in_dim3A_576 = vector.broadcast %broadcast_in_dim3A_575 : i1 to vector<16xi1>
        %masked_cumsum3A_577 = tpu.scan <sum>, %add3A_574 masked %broadcast_in_dim3A_576 : vector<16xf32>, vector<16xi1> -> vector<16xf32>
        %add3A_578 = arith.constant 5 : i32
        %add3A_579 = vector.broadcast %add3A_578 : i32 to vector<16xi32>
        %add3A_580 = arith.addi %broadcast_in_dim3A, %add3A_579 : vector<16xi32>
        tpu.vector_store_idx %arg12[%add3A_580], %masked_cumsum3A_577 masked %eq3A_4 : memref<5120xf32, #tpu.memory_space<vmem>>[vector<16xi32>], vector<16xf32>, vector<16xi1>
        %add3A_581 = arith.constant 6 : i32
        %add3A_582 = arith.addi %mul3A_233, %add3A_581 : i32
        %broadcast_in_dim3A_583 = arith.constant 0.000000e+00 : f32
        %broadcast_in_dim3A_584 = vector.broadcast %broadcast_in_dim3A_583 : f32 to vector<16xf32>
        %get3A_585 = arith.index_cast %add3A_582 : i32 to index
        %get3A_586 = arith.constant 0 : index
        %get3A_587 = tpu.vector_load %arg13[%get3A_585, %get3A_586] {strides = array<i32>} : memref<128x32xi32, #tpu.memory_space<vmem>>, vector<16xi32>,
        %bitcast3A_588 = vector.bitcast %get3A_587 : vector<16xi32> to vector<32xbf16>
        %get3A_589 = arith.index_cast %add3A_582 : i32 to index
        %get3A_590 = arith.constant 0 : index
        %get3A_591 = tpu.vector_load %arg17[%get3A_589, %get3A_590] {strides = array<i32>} : memref<128x32xi32, #tpu.memory_space<vmem>>, vector<16xi32>,
        %bitcast3A_592 = vector.bitcast %get3A_591 : vector<16xi32> to vector<32xbf16>
        %unpack3A_593 = tpu.unpack_subelements %bitcast3A_588, 0 {pack_format = #tpu.pack_format<interleaved>} : vector<32xbf16> -> vector<16xf32>
        %unpack3A_594 = tpu.unpack_subelements %bitcast3A_588, 1 {pack_format = #tpu.pack_format<interleaved>} : vector<32xbf16> -> vector<16xf32>
        %unpack3A_595 = tpu.unpack_subelements %bitcast3A_592, 0 {pack_format = #tpu.pack_format<interleaved>} : vector<32xbf16> -> vector<16xf32>
        %unpack3A_596 = tpu.unpack_subelements %bitcast3A_592, 1 {pack_format = #tpu.pack_format<interleaved>} : vector<32xbf16> -> vector<16xf32>
        %add3A_597 = arith.addf %unpack3A_593, %unpack3A_595 : vector<16xf32>
        %max3A_598 = arith.constant 0.000000e+00 : f32
        %max3A_599 = vector.broadcast %max3A_598 : f32 to vector<16xf32>
        %max3A_600 = arith.maximumf %add3A_597, %max3A_599 : vector<16xf32>
        %mul3A_601 = arith.mulf %max3A_600, %get3A_73 : vector<16xf32>
        %add3A_602 = arith.addf %broadcast_in_dim3A_584, %mul3A_601 : vector<16xf32>
        %add3A_603 = arith.addf %unpack3A_594, %unpack3A_596 : vector<16xf32>
        %max3A_604 = arith.constant 0.000000e+00 : f32
        %max3A_605 = vector.broadcast %max3A_604 : f32 to vector<16xf32>
        %max3A_606 = arith.maximumf %add3A_603, %max3A_605 : vector<16xf32>
        %mul3A_607 = arith.mulf %max3A_606, %get3A_77 : vector<16xf32>
        %add3A_608 = arith.addf %add3A_602, %mul3A_607 : vector<16xf32>
        %get3A_609 = arith.index_cast %add3A_582 : i32 to index
        %get3A_610 = arith.constant 16 : index
        %get3A_611 = tpu.vector_load %arg13[%get3A_609, %get3A_610] {strides = array<i32>} : memref<128x32xi32, #tpu.memory_space<vmem>>, vector<16xi32>,
        %bitcast3A_612 = vector.bitcast %get3A_611 : vector<16xi32> to vector<32xbf16>
        %get3A_613 = arith.index_cast %add3A_582 : i32 to index
        %get3A_614 = arith.constant 16 : index
        %get3A_615 = tpu.vector_load %arg17[%get3A_613, %get3A_614] {strides = array<i32>} : memref<128x32xi32, #tpu.memory_space<vmem>>, vector<16xi32>,
        %bitcast3A_616 = vector.bitcast %get3A_615 : vector<16xi32> to vector<32xbf16>
        %unpack3A_617 = tpu.unpack_subelements %bitcast3A_612, 0 {pack_format = #tpu.pack_format<interleaved>} : vector<32xbf16> -> vector<16xf32>
        %unpack3A_618 = tpu.unpack_subelements %bitcast3A_612, 1 {pack_format = #tpu.pack_format<interleaved>} : vector<32xbf16> -> vector<16xf32>
        %unpack3A_619 = tpu.unpack_subelements %bitcast3A_616, 0 {pack_format = #tpu.pack_format<interleaved>} : vector<32xbf16> -> vector<16xf32>
        %unpack3A_620 = tpu.unpack_subelements %bitcast3A_616, 1 {pack_format = #tpu.pack_format<interleaved>} : vector<32xbf16> -> vector<16xf32>
        %add3A_621 = arith.addf %unpack3A_617, %unpack3A_619 : vector<16xf32>
        %max3A_622 = arith.constant 0.000000e+00 : f32
        %max3A_623 = vector.broadcast %max3A_622 : f32 to vector<16xf32>
        %max3A_624 = arith.maximumf %add3A_621, %max3A_623 : vector<16xf32>
        %mul3A_625 = arith.mulf %max3A_624, %get3A_81 : vector<16xf32>
        %add3A_626 = arith.addf %add3A_608, %mul3A_625 : vector<16xf32>
        %add3A_627 = arith.addf %unpack3A_618, %unpack3A_620 : vector<16xf32>
        %max3A_628 = arith.constant 0.000000e+00 : f32
        %max3A_629 = vector.broadcast %max3A_628 : f32 to vector<16xf32>
        %max3A_630 = arith.maximumf %add3A_627, %max3A_629 : vector<16xf32>
        %mul3A_631 = arith.mulf %max3A_630, %get3A_85 : vector<16xf32>
        %add3A_632 = arith.addf %add3A_626, %mul3A_631 : vector<16xf32>
        %broadcast_in_dim3A_633 = arith.constant true
        %broadcast_in_dim3A_634 = vector.broadcast %broadcast_in_dim3A_633 : i1 to vector<16xi1>
        %masked_cumsum3A_635 = tpu.scan <sum>, %add3A_632 masked %broadcast_in_dim3A_634 : vector<16xf32>, vector<16xi1> -> vector<16xf32>
        %add3A_636 = arith.constant 6 : i32
        %add3A_637 = vector.broadcast %add3A_636 : i32 to vector<16xi32>
        %add3A_638 = arith.addi %broadcast_in_dim3A, %add3A_637 : vector<16xi32>
        tpu.vector_store_idx %arg12[%add3A_638], %masked_cumsum3A_635 masked %eq3A_4 : memref<5120xf32, #tpu.memory_space<vmem>>[vector<16xi32>], vector<16xf32>, vector<16xi1>
        %add3A_639 = arith.constant 7 : i32
        %add3A_640 = arith.addi %mul3A_233, %add3A_639 : i32
        %broadcast_in_dim3A_641 = arith.constant 0.000000e+00 : f32
        %broadcast_in_dim3A_642 = vector.broadcast %broadcast_in_dim3A_641 : f32 to vector<16xf32>
        %get3A_643 = arith.index_cast %add3A_640 : i32 to index
        %get3A_644 = arith.constant 0 : index
        %get3A_645 = tpu.vector_load %arg13[%get3A_643, %get3A_644] {strides = array<i32>} : memref<128x32xi32, #tpu.memory_space<vmem>>, vector<16xi32>,
        %bitcast3A_646 = vector.bitcast %get3A_645 : vector<16xi32> to vector<32xbf16>
        %get3A_647 = arith.index_cast %add3A_640 : i32 to index
        %get3A_648 = arith.constant 0 : index
        %get3A_649 = tpu.vector_load %arg17[%get3A_647, %get3A_648] {strides = array<i32>} : memref<128x32xi32, #tpu.memory_space<vmem>>, vector<16xi32>,
        %bitcast3A_650 = vector.bitcast %get3A_649 : vector<16xi32> to vector<32xbf16>
        %unpack3A_651 = tpu.unpack_subelements %bitcast3A_646, 0 {pack_format = #tpu.pack_format<interleaved>} : vector<32xbf16> -> vector<16xf32>
        %unpack3A_652 = tpu.unpack_subelements %bitcast3A_646, 1 {pack_format = #tpu.pack_format<interleaved>} : vector<32xbf16> -> vector<16xf32>
        %unpack3A_653 = tpu.unpack_subelements %bitcast3A_650, 0 {pack_format = #tpu.pack_format<interleaved>} : vector<32xbf16> -> vector<16xf32>
        %unpack3A_654 = tpu.unpack_subelements %bitcast3A_650, 1 {pack_format = #tpu.pack_format<interleaved>} : vector<32xbf16> -> vector<16xf32>
        %add3A_655 = arith.addf %unpack3A_651, %unpack3A_653 : vector<16xf32>
        %max3A_656 = arith.constant 0.000000e+00 : f32
        %max3A_657 = vector.broadcast %max3A_656 : f32 to vector<16xf32>
        %max3A_658 = arith.maximumf %add3A_655, %max3A_657 : vector<16xf32>
        %mul3A_659 = arith.mulf %max3A_658, %get3A_73 : vector<16xf32>
        %add3A_660 = arith.addf %broadcast_in_dim3A_642, %mul3A_659 : vector<16xf32>
        %add3A_661 = arith.addf %unpack3A_652, %unpack3A_654 : vector<16xf32>
        %max3A_662 = arith.constant 0.000000e+00 : f32
        %max3A_663 = vector.broadcast %max3A_662 : f32 to vector<16xf32>
        %max3A_664 = arith.maximumf %add3A_661, %max3A_663 : vector<16xf32>
        %mul3A_665 = arith.mulf %max3A_664, %get3A_77 : vector<16xf32>
        %add3A_666 = arith.addf %add3A_660, %mul3A_665 : vector<16xf32>
        %get3A_667 = arith.index_cast %add3A_640 : i32 to index
        %get3A_668 = arith.constant 16 : index
        %get3A_669 = tpu.vector_load %arg13[%get3A_667, %get3A_668] {strides = array<i32>} : memref<128x32xi32, #tpu.memory_space<vmem>>, vector<16xi32>,
        %bitcast3A_670 = vector.bitcast %get3A_669 : vector<16xi32> to vector<32xbf16>
        %get3A_671 = arith.index_cast %add3A_640 : i32 to index
        %get3A_672 = arith.constant 16 : index
        %get3A_673 = tpu.vector_load %arg17[%get3A_671, %get3A_672] {strides = array<i32>} : memref<128x32xi32, #tpu.memory_space<vmem>>, vector<16xi32>,
        %bitcast3A_674 = vector.bitcast %get3A_673 : vector<16xi32> to vector<32xbf16>
        %unpack3A_675 = tpu.unpack_subelements %bitcast3A_670, 0 {pack_format = #tpu.pack_format<interleaved>} : vector<32xbf16> -> vector<16xf32>
        %unpack3A_676 = tpu.unpack_subelements %bitcast3A_670, 1 {pack_format = #tpu.pack_format<interleaved>} : vector<32xbf16> -> vector<16xf32>
        %unpack3A_677 = tpu.unpack_subelements %bitcast3A_674, 0 {pack_format = #tpu.pack_format<interleaved>} : vector<32xbf16> -> vector<16xf32>
        %unpack3A_678 = tpu.unpack_subelements %bitcast3A_674, 1 {pack_format = #tpu.pack_format<interleaved>} : vector<32xbf16> -> vector<16xf32>
        %add3A_679 = arith.addf %unpack3A_675, %unpack3A_677 : vector<16xf32>
        %max3A_680 = arith.constant 0.000000e+00 : f32
        %max3A_681 = vector.broadcast %max3A_680 : f32 to vector<16xf32>
        %max3A_682 = arith.maximumf %add3A_679, %max3A_681 : vector<16xf32>
        %mul3A_683 = arith.mulf %max3A_682, %get3A_81 : vector<16xf32>
        %add3A_684 = arith.addf %add3A_666, %mul3A_683 : vector<16xf32>
        %add3A_685 = arith.addf %unpack3A_676, %unpack3A_678 : vector<16xf32>
        %max3A_686 = arith.constant 0.000000e+00 : f32
        %max3A_687 = vector.broadcast %max3A_686 : f32 to vector<16xf32>
        %max3A_688 = arith.maximumf %add3A_685, %max3A_687 : vector<16xf32>
        %mul3A_689 = arith.mulf %max3A_688, %get3A_85 : vector<16xf32>
        %add3A_690 = arith.addf %add3A_684, %mul3A_689 : vector<16xf32>
        %broadcast_in_dim3A_691 = arith.constant true
        %broadcast_in_dim3A_692 = vector.broadcast %broadcast_in_dim3A_691 : i1 to vector<16xi1>
        %masked_cumsum3A_693 = tpu.scan <sum>, %add3A_690 masked %broadcast_in_dim3A_692 : vector<16xf32>, vector<16xi1> -> vector<16xf32>
        %add3A_694 = arith.constant 7 : i32
        %add3A_695 = vector.broadcast %add3A_694 : i32 to vector<16xi32>
        %add3A_696 = arith.addi %broadcast_in_dim3A, %add3A_695 : vector<16xi32>
        tpu.vector_store_idx %arg12[%add3A_696], %masked_cumsum3A_693 masked %eq3A_4 : memref<5120xf32, #tpu.memory_space<vmem>>[vector<16xi32>], vector<16xf32>, vector<16xi1>
        %add3A_697 = arith.constant 8 : i32
        %add3A_698 = arith.addi %mul3A_233, %add3A_697 : i32
        %broadcast_in_dim3A_699 = arith.constant 0.000000e+00 : f32
        %broadcast_in_dim3A_700 = vector.broadcast %broadcast_in_dim3A_699 : f32 to vector<16xf32>
        %get3A_701 = arith.index_cast %add3A_698 : i32 to index
        %get3A_702 = arith.constant 0 : index
        %get3A_703 = tpu.vector_load %arg13[%get3A_701, %get3A_702] {strides = array<i32>} : memref<128x32xi32, #tpu.memory_space<vmem>>, vector<16xi32>,
        %bitcast3A_704 = vector.bitcast %get3A_703 : vector<16xi32> to vector<32xbf16>
        %get3A_705 = arith.index_cast %add3A_698 : i32 to index
        %get3A_706 = arith.constant 0 : index
        %get3A_707 = tpu.vector_load %arg17[%get3A_705, %get3A_706] {strides = array<i32>} : memref<128x32xi32, #tpu.memory_space<vmem>>, vector<16xi32>,
        %bitcast3A_708 = vector.bitcast %get3A_707 : vector<16xi32> to vector<32xbf16>
        %unpack3A_709 = tpu.unpack_subelements %bitcast3A_704, 0 {pack_format = #tpu.pack_format<interleaved>} : vector<32xbf16> -> vector<16xf32>
        %unpack3A_710 = tpu.unpack_subelements %bitcast3A_704, 1 {pack_format = #tpu.pack_format<interleaved>} : vector<32xbf16> -> vector<16xf32>
        %unpack3A_711 = tpu.unpack_subelements %bitcast3A_708, 0 {pack_format = #tpu.pack_format<interleaved>} : vector<32xbf16> -> vector<16xf32>
        %unpack3A_712 = tpu.unpack_subelements %bitcast3A_708, 1 {pack_format = #tpu.pack_format<interleaved>} : vector<32xbf16> -> vector<16xf32>
        %add3A_713 = arith.addf %unpack3A_709, %unpack3A_711 : vector<16xf32>
        %max3A_714 = arith.constant 0.000000e+00 : f32
        %max3A_715 = vector.broadcast %max3A_714 : f32 to vector<16xf32>
        %max3A_716 = arith.maximumf %add3A_713, %max3A_715 : vector<16xf32>
        %mul3A_717 = arith.mulf %max3A_716, %get3A_73 : vector<16xf32>
        %add3A_718 = arith.addf %broadcast_in_dim3A_700, %mul3A_717 : vector<16xf32>
        %add3A_719 = arith.addf %unpack3A_710, %unpack3A_712 : vector<16xf32>
        %max3A_720 = arith.constant 0.000000e+00 : f32
        %max3A_721 = vector.broadcast %max3A_720 : f32 to vector<16xf32>
        %max3A_722 = arith.maximumf %add3A_719, %max3A_721 : vector<16xf32>
        %mul3A_723 = arith.mulf %max3A_722, %get3A_77 : vector<16xf32>
        %add3A_724 = arith.addf %add3A_718, %mul3A_723 : vector<16xf32>
        %get3A_725 = arith.index_cast %add3A_698 : i32 to index
        %get3A_726 = arith.constant 16 : index
        %get3A_727 = tpu.vector_load %arg13[%get3A_725, %get3A_726] {strides = array<i32>} : memref<128x32xi32, #tpu.memory_space<vmem>>, vector<16xi32>,
        %bitcast3A_728 = vector.bitcast %get3A_727 : vector<16xi32> to vector<32xbf16>
        %get3A_729 = arith.index_cast %add3A_698 : i32 to index
        %get3A_730 = arith.constant 16 : index
        %get3A_731 = tpu.vector_load %arg17[%get3A_729, %get3A_730] {strides = array<i32>} : memref<128x32xi32, #tpu.memory_space<vmem>>, vector<16xi32>,
        %bitcast3A_732 = vector.bitcast %get3A_731 : vector<16xi32> to vector<32xbf16>
        %unpack3A_733 = tpu.unpack_subelements %bitcast3A_728, 0 {pack_format = #tpu.pack_format<interleaved>} : vector<32xbf16> -> vector<16xf32>
        %unpack3A_734 = tpu.unpack_subelements %bitcast3A_728, 1 {pack_format = #tpu.pack_format<interleaved>} : vector<32xbf16> -> vector<16xf32>
        %unpack3A_735 = tpu.unpack_subelements %bitcast3A_732, 0 {pack_format = #tpu.pack_format<interleaved>} : vector<32xbf16> -> vector<16xf32>
        %unpack3A_736 = tpu.unpack_subelements %bitcast3A_732, 1 {pack_format = #tpu.pack_format<interleaved>} : vector<32xbf16> -> vector<16xf32>
        %add3A_737 = arith.addf %unpack3A_733, %unpack3A_735 : vector<16xf32>
        %max3A_738 = arith.constant 0.000000e+00 : f32
        %max3A_739 = vector.broadcast %max3A_738 : f32 to vector<16xf32>
        %max3A_740 = arith.maximumf %add3A_737, %max3A_739 : vector<16xf32>
        %mul3A_741 = arith.mulf %max3A_740, %get3A_81 : vector<16xf32>
        %add3A_742 = arith.addf %add3A_724, %mul3A_741 : vector<16xf32>
        %add3A_743 = arith.addf %unpack3A_734, %unpack3A_736 : vector<16xf32>
        %max3A_744 = arith.constant 0.000000e+00 : f32
        %max3A_745 = vector.broadcast %max3A_744 : f32 to vector<16xf32>
        %max3A_746 = arith.maximumf %add3A_743, %max3A_745 : vector<16xf32>
        %mul3A_747 = arith.mulf %max3A_746, %get3A_85 : vector<16xf32>
        %add3A_748 = arith.addf %add3A_742, %mul3A_747 : vector<16xf32>
        %broadcast_in_dim3A_749 = arith.constant true
        %broadcast_in_dim3A_750 = vector.broadcast %broadcast_in_dim3A_749 : i1 to vector<16xi1>
        %masked_cumsum3A_751 = tpu.scan <sum>, %add3A_748 masked %broadcast_in_dim3A_750 : vector<16xf32>, vector<16xi1> -> vector<16xf32>
        %add3A_752 = arith.constant 8 : i32
        %add3A_753 = vector.broadcast %add3A_752 : i32 to vector<16xi32>
        %add3A_754 = arith.addi %broadcast_in_dim3A, %add3A_753 : vector<16xi32>
        tpu.vector_store_idx %arg12[%add3A_754], %masked_cumsum3A_751 masked %eq3A_4 : memref<5120xf32, #tpu.memory_space<vmem>>[vector<16xi32>], vector<16xf32>, vector<16xi1>
        %add3A_755 = arith.constant 9 : i32
        %add3A_756 = arith.addi %mul3A_233, %add3A_755 : i32
        %broadcast_in_dim3A_757 = arith.constant 0.000000e+00 : f32
        %broadcast_in_dim3A_758 = vector.broadcast %broadcast_in_dim3A_757 : f32 to vector<16xf32>
        %get3A_759 = arith.index_cast %add3A_756 : i32 to index
        %get3A_760 = arith.constant 0 : index
        %get3A_761 = tpu.vector_load %arg13[%get3A_759, %get3A_760] {strides = array<i32>} : memref<128x32xi32, #tpu.memory_space<vmem>>, vector<16xi32>,
        %bitcast3A_762 = vector.bitcast %get3A_761 : vector<16xi32> to vector<32xbf16>
        %get3A_763 = arith.index_cast %add3A_756 : i32 to index
        %get3A_764 = arith.constant 0 : index
        %get3A_765 = tpu.vector_load %arg17[%get3A_763, %get3A_764] {strides = array<i32>} : memref<128x32xi32, #tpu.memory_space<vmem>>, vector<16xi32>,
        %bitcast3A_766 = vector.bitcast %get3A_765 : vector<16xi32> to vector<32xbf16>
        %unpack3A_767 = tpu.unpack_subelements %bitcast3A_762, 0 {pack_format = #tpu.pack_format<interleaved>} : vector<32xbf16> -> vector<16xf32>
        %unpack3A_768 = tpu.unpack_subelements %bitcast3A_762, 1 {pack_format = #tpu.pack_format<interleaved>} : vector<32xbf16> -> vector<16xf32>
        %unpack3A_769 = tpu.unpack_subelements %bitcast3A_766, 0 {pack_format = #tpu.pack_format<interleaved>} : vector<32xbf16> -> vector<16xf32>
        %unpack3A_770 = tpu.unpack_subelements %bitcast3A_766, 1 {pack_format = #tpu.pack_format<interleaved>} : vector<32xbf16> -> vector<16xf32>
        %add3A_771 = arith.addf %unpack3A_767, %unpack3A_769 : vector<16xf32>
        %max3A_772 = arith.constant 0.000000e+00 : f32
        %max3A_773 = vector.broadcast %max3A_772 : f32 to vector<16xf32>
        %max3A_774 = arith.maximumf %add3A_771, %max3A_773 : vector<16xf32>
        %mul3A_775 = arith.mulf %max3A_774, %get3A_73 : vector<16xf32>
        %add3A_776 = arith.addf %broadcast_in_dim3A_758, %mul3A_775 : vector<16xf32>
        %add3A_777 = arith.addf %unpack3A_768, %unpack3A_770 : vector<16xf32>
        %max3A_778 = arith.constant 0.000000e+00 : f32
        %max3A_779 = vector.broadcast %max3A_778 : f32 to vector<16xf32>
        %max3A_780 = arith.maximumf %add3A_777, %max3A_779 : vector<16xf32>
        %mul3A_781 = arith.mulf %max3A_780, %get3A_77 : vector<16xf32>
        %add3A_782 = arith.addf %add3A_776, %mul3A_781 : vector<16xf32>
        %get3A_783 = arith.index_cast %add3A_756 : i32 to index
        %get3A_784 = arith.constant 16 : index
        %get3A_785 = tpu.vector_load %arg13[%get3A_783, %get3A_784] {strides = array<i32>} : memref<128x32xi32, #tpu.memory_space<vmem>>, vector<16xi32>,
        %bitcast3A_786 = vector.bitcast %get3A_785 : vector<16xi32> to vector<32xbf16>
        %get3A_787 = arith.index_cast %add3A_756 : i32 to index
        %get3A_788 = arith.constant 16 : index
        %get3A_789 = tpu.vector_load %arg17[%get3A_787, %get3A_788] {strides = array<i32>} : memref<128x32xi32, #tpu.memory_space<vmem>>, vector<16xi32>,
        %bitcast3A_790 = vector.bitcast %get3A_789 : vector<16xi32> to vector<32xbf16>
        %unpack3A_791 = tpu.unpack_subelements %bitcast3A_786, 0 {pack_format = #tpu.pack_format<interleaved>} : vector<32xbf16> -> vector<16xf32>
        %unpack3A_792 = tpu.unpack_subelements %bitcast3A_786, 1 {pack_format = #tpu.pack_format<interleaved>} : vector<32xbf16> -> vector<16xf32>
        %unpack3A_793 = tpu.unpack_subelements %bitcast3A_790, 0 {pack_format = #tpu.pack_format<interleaved>} : vector<32xbf16> -> vector<16xf32>
        %unpack3A_794 = tpu.unpack_subelements %bitcast3A_790, 1 {pack_format = #tpu.pack_format<interleaved>} : vector<32xbf16> -> vector<16xf32>
        %add3A_795 = arith.addf %unpack3A_791, %unpack3A_793 : vector<16xf32>
        %max3A_796 = arith.constant 0.000000e+00 : f32
        %max3A_797 = vector.broadcast %max3A_796 : f32 to vector<16xf32>
        %max3A_798 = arith.maximumf %add3A_795, %max3A_797 : vector<16xf32>
        %mul3A_799 = arith.mulf %max3A_798, %get3A_81 : vector<16xf32>
        %add3A_800 = arith.addf %add3A_782, %mul3A_799 : vector<16xf32>
        %add3A_801 = arith.addf %unpack3A_792, %unpack3A_794 : vector<16xf32>
        %max3A_802 = arith.constant 0.000000e+00 : f32
        %max3A_803 = vector.broadcast %max3A_802 : f32 to vector<16xf32>
        %max3A_804 = arith.maximumf %add3A_801, %max3A_803 : vector<16xf32>
        %mul3A_805 = arith.mulf %max3A_804, %get3A_85 : vector<16xf32>
        %add3A_806 = arith.addf %add3A_800, %mul3A_805 : vector<16xf32>
        %broadcast_in_dim3A_807 = arith.constant true
        %broadcast_in_dim3A_808 = vector.broadcast %broadcast_in_dim3A_807 : i1 to vector<16xi1>
        %masked_cumsum3A_809 = tpu.scan <sum>, %add3A_806 masked %broadcast_in_dim3A_808 : vector<16xf32>, vector<16xi1> -> vector<16xf32>
        %add3A_810 = arith.constant 9 : i32
        %add3A_811 = vector.broadcast %add3A_810 : i32 to vector<16xi32>
        %add3A_812 = arith.addi %broadcast_in_dim3A, %add3A_811 : vector<16xi32>
        tpu.vector_store_idx %arg12[%add3A_812], %masked_cumsum3A_809 masked %eq3A_4 : memref<5120xf32, #tpu.memory_space<vmem>>[vector<16xi32>], vector<16xf32>, vector<16xi1>
        %add3A_813 = arith.constant 10 : i32
        %add3A_814 = arith.addi %mul3A_233, %add3A_813 : i32
        %broadcast_in_dim3A_815 = arith.constant 0.000000e+00 : f32
        %broadcast_in_dim3A_816 = vector.broadcast %broadcast_in_dim3A_815 : f32 to vector<16xf32>
        %get3A_817 = arith.index_cast %add3A_814 : i32 to index
        %get3A_818 = arith.constant 0 : index
        %get3A_819 = tpu.vector_load %arg13[%get3A_817, %get3A_818] {strides = array<i32>} : memref<128x32xi32, #tpu.memory_space<vmem>>, vector<16xi32>,
        %bitcast3A_820 = vector.bitcast %get3A_819 : vector<16xi32> to vector<32xbf16>
        %get3A_821 = arith.index_cast %add3A_814 : i32 to index
        %get3A_822 = arith.constant 0 : index
        %get3A_823 = tpu.vector_load %arg17[%get3A_821, %get3A_822] {strides = array<i32>} : memref<128x32xi32, #tpu.memory_space<vmem>>, vector<16xi32>,
        %bitcast3A_824 = vector.bitcast %get3A_823 : vector<16xi32> to vector<32xbf16>
        %unpack3A_825 = tpu.unpack_subelements %bitcast3A_820, 0 {pack_format = #tpu.pack_format<interleaved>} : vector<32xbf16> -> vector<16xf32>
        %unpack3A_826 = tpu.unpack_subelements %bitcast3A_820, 1 {pack_format = #tpu.pack_format<interleaved>} : vector<32xbf16> -> vector<16xf32>
        %unpack3A_827 = tpu.unpack_subelements %bitcast3A_824, 0 {pack_format = #tpu.pack_format<interleaved>} : vector<32xbf16> -> vector<16xf32>
        %unpack3A_828 = tpu.unpack_subelements %bitcast3A_824, 1 {pack_format = #tpu.pack_format<interleaved>} : vector<32xbf16> -> vector<16xf32>
        %add3A_829 = arith.addf %unpack3A_825, %unpack3A_827 : vector<16xf32>
        %max3A_830 = arith.constant 0.000000e+00 : f32
        %max3A_831 = vector.broadcast %max3A_830 : f32 to vector<16xf32>
        %max3A_832 = arith.maximumf %add3A_829, %max3A_831 : vector<16xf32>
        %mul3A_833 = arith.mulf %max3A_832, %get3A_73 : vector<16xf32>
        %add3A_834 = arith.addf %broadcast_in_dim3A_816, %mul3A_833 : vector<16xf32>
        %add3A_835 = arith.addf %unpack3A_826, %unpack3A_828 : vector<16xf32>
        %max3A_836 = arith.constant 0.000000e+00 : f32
        %max3A_837 = vector.broadcast %max3A_836 : f32 to vector<16xf32>
        %max3A_838 = arith.maximumf %add3A_835, %max3A_837 : vector<16xf32>
        %mul3A_839 = arith.mulf %max3A_838, %get3A_77 : vector<16xf32>
        %add3A_840 = arith.addf %add3A_834, %mul3A_839 : vector<16xf32>
        %get3A_841 = arith.index_cast %add3A_814 : i32 to index
        %get3A_842 = arith.constant 16 : index
        %get3A_843 = tpu.vector_load %arg13[%get3A_841, %get3A_842] {strides = array<i32>} : memref<128x32xi32, #tpu.memory_space<vmem>>, vector<16xi32>,
        %bitcast3A_844 = vector.bitcast %get3A_843 : vector<16xi32> to vector<32xbf16>
        %get3A_845 = arith.index_cast %add3A_814 : i32 to index
        %get3A_846 = arith.constant 16 : index
        %get3A_847 = tpu.vector_load %arg17[%get3A_845, %get3A_846] {strides = array<i32>} : memref<128x32xi32, #tpu.memory_space<vmem>>, vector<16xi32>,
        %bitcast3A_848 = vector.bitcast %get3A_847 : vector<16xi32> to vector<32xbf16>
        %unpack3A_849 = tpu.unpack_subelements %bitcast3A_844, 0 {pack_format = #tpu.pack_format<interleaved>} : vector<32xbf16> -> vector<16xf32>
        %unpack3A_850 = tpu.unpack_subelements %bitcast3A_844, 1 {pack_format = #tpu.pack_format<interleaved>} : vector<32xbf16> -> vector<16xf32>
        %unpack3A_851 = tpu.unpack_subelements %bitcast3A_848, 0 {pack_format = #tpu.pack_format<interleaved>} : vector<32xbf16> -> vector<16xf32>
        %unpack3A_852 = tpu.unpack_subelements %bitcast3A_848, 1 {pack_format = #tpu.pack_format<interleaved>} : vector<32xbf16> -> vector<16xf32>
        %add3A_853 = arith.addf %unpack3A_849, %unpack3A_851 : vector<16xf32>
        %max3A_854 = arith.constant 0.000000e+00 : f32
        %max3A_855 = vector.broadcast %max3A_854 : f32 to vector<16xf32>
        %max3A_856 = arith.maximumf %add3A_853, %max3A_855 : vector<16xf32>
        %mul3A_857 = arith.mulf %max3A_856, %get3A_81 : vector<16xf32>
        %add3A_858 = arith.addf %add3A_840, %mul3A_857 : vector<16xf32>
        %add3A_859 = arith.addf %unpack3A_850, %unpack3A_852 : vector<16xf32>
        %max3A_860 = arith.constant 0.000000e+00 : f32
        %max3A_861 = vector.broadcast %max3A_860 : f32 to vector<16xf32>
        %max3A_862 = arith.maximumf %add3A_859, %max3A_861 : vector<16xf32>
        %mul3A_863 = arith.mulf %max3A_862, %get3A_85 : vector<16xf32>
        %add3A_864 = arith.addf %add3A_858, %mul3A_863 : vector<16xf32>
        %broadcast_in_dim3A_865 = arith.constant true
        %broadcast_in_dim3A_866 = vector.broadcast %broadcast_in_dim3A_865 : i1 to vector<16xi1>
        %masked_cumsum3A_867 = tpu.scan <sum>, %add3A_864 masked %broadcast_in_dim3A_866 : vector<16xf32>, vector<16xi1> -> vector<16xf32>
        %add3A_868 = arith.constant 10 : i32
        %add3A_869 = vector.broadcast %add3A_868 : i32 to vector<16xi32>
        %add3A_870 = arith.addi %broadcast_in_dim3A, %add3A_869 : vector<16xi32>
        tpu.vector_store_idx %arg12[%add3A_870], %masked_cumsum3A_867 masked %eq3A_4 : memref<5120xf32, #tpu.memory_space<vmem>>[vector<16xi32>], vector<16xf32>, vector<16xi1>
        %add3A_871 = arith.constant 11 : i32
        %add3A_872 = arith.addi %mul3A_233, %add3A_871 : i32
        %broadcast_in_dim3A_873 = arith.constant 0.000000e+00 : f32
        %broadcast_in_dim3A_874 = vector.broadcast %broadcast_in_dim3A_873 : f32 to vector<16xf32>
        %get3A_875 = arith.index_cast %add3A_872 : i32 to index
        %get3A_876 = arith.constant 0 : index
        %get3A_877 = tpu.vector_load %arg13[%get3A_875, %get3A_876] {strides = array<i32>} : memref<128x32xi32, #tpu.memory_space<vmem>>, vector<16xi32>,
        %bitcast3A_878 = vector.bitcast %get3A_877 : vector<16xi32> to vector<32xbf16>
        %get3A_879 = arith.index_cast %add3A_872 : i32 to index
        %get3A_880 = arith.constant 0 : index
        %get3A_881 = tpu.vector_load %arg17[%get3A_879, %get3A_880] {strides = array<i32>} : memref<128x32xi32, #tpu.memory_space<vmem>>, vector<16xi32>,
        %bitcast3A_882 = vector.bitcast %get3A_881 : vector<16xi32> to vector<32xbf16>
        %unpack3A_883 = tpu.unpack_subelements %bitcast3A_878, 0 {pack_format = #tpu.pack_format<interleaved>} : vector<32xbf16> -> vector<16xf32>
        %unpack3A_884 = tpu.unpack_subelements %bitcast3A_878, 1 {pack_format = #tpu.pack_format<interleaved>} : vector<32xbf16> -> vector<16xf32>
        %unpack3A_885 = tpu.unpack_subelements %bitcast3A_882, 0 {pack_format = #tpu.pack_format<interleaved>} : vector<32xbf16> -> vector<16xf32>
        %unpack3A_886 = tpu.unpack_subelements %bitcast3A_882, 1 {pack_format = #tpu.pack_format<interleaved>} : vector<32xbf16> -> vector<16xf32>
        %add3A_887 = arith.addf %unpack3A_883, %unpack3A_885 : vector<16xf32>
        %max3A_888 = arith.constant 0.000000e+00 : f32
        %max3A_889 = vector.broadcast %max3A_888 : f32 to vector<16xf32>
        %max3A_890 = arith.maximumf %add3A_887, %max3A_889 : vector<16xf32>
        %mul3A_891 = arith.mulf %max3A_890, %get3A_73 : vector<16xf32>
        %add3A_892 = arith.addf %broadcast_in_dim3A_874, %mul3A_891 : vector<16xf32>
        %add3A_893 = arith.addf %unpack3A_884, %unpack3A_886 : vector<16xf32>
        %max3A_894 = arith.constant 0.000000e+00 : f32
        %max3A_895 = vector.broadcast %max3A_894 : f32 to vector<16xf32>
        %max3A_896 = arith.maximumf %add3A_893, %max3A_895 : vector<16xf32>
        %mul3A_897 = arith.mulf %max3A_896, %get3A_77 : vector<16xf32>
        %add3A_898 = arith.addf %add3A_892, %mul3A_897 : vector<16xf32>
        %get3A_899 = arith.index_cast %add3A_872 : i32 to index
        %get3A_900 = arith.constant 16 : index
        %get3A_901 = tpu.vector_load %arg13[%get3A_899, %get3A_900] {strides = array<i32>} : memref<128x32xi32, #tpu.memory_space<vmem>>, vector<16xi32>,
        %bitcast3A_902 = vector.bitcast %get3A_901 : vector<16xi32> to vector<32xbf16>
        %get3A_903 = arith.index_cast %add3A_872 : i32 to index
        %get3A_904 = arith.constant 16 : index
        %get3A_905 = tpu.vector_load %arg17[%get3A_903, %get3A_904] {strides = array<i32>} : memref<128x32xi32, #tpu.memory_space<vmem>>, vector<16xi32>,
        %bitcast3A_906 = vector.bitcast %get3A_905 : vector<16xi32> to vector<32xbf16>
        %unpack3A_907 = tpu.unpack_subelements %bitcast3A_902, 0 {pack_format = #tpu.pack_format<interleaved>} : vector<32xbf16> -> vector<16xf32>
        %unpack3A_908 = tpu.unpack_subelements %bitcast3A_902, 1 {pack_format = #tpu.pack_format<interleaved>} : vector<32xbf16> -> vector<16xf32>
        %unpack3A_909 = tpu.unpack_subelements %bitcast3A_906, 0 {pack_format = #tpu.pack_format<interleaved>} : vector<32xbf16> -> vector<16xf32>
        %unpack3A_910 = tpu.unpack_subelements %bitcast3A_906, 1 {pack_format = #tpu.pack_format<interleaved>} : vector<32xbf16> -> vector<16xf32>
        %add3A_911 = arith.addf %unpack3A_907, %unpack3A_909 : vector<16xf32>
        %max3A_912 = arith.constant 0.000000e+00 : f32
        %max3A_913 = vector.broadcast %max3A_912 : f32 to vector<16xf32>
        %max3A_914 = arith.maximumf %add3A_911, %max3A_913 : vector<16xf32>
        %mul3A_915 = arith.mulf %max3A_914, %get3A_81 : vector<16xf32>
        %add3A_916 = arith.addf %add3A_898, %mul3A_915 : vector<16xf32>
        %add3A_917 = arith.addf %unpack3A_908, %unpack3A_910 : vector<16xf32>
        %max3A_918 = arith.constant 0.000000e+00 : f32
        %max3A_919 = vector.broadcast %max3A_918 : f32 to vector<16xf32>
        %max3A_920 = arith.maximumf %add3A_917, %max3A_919 : vector<16xf32>
        %mul3A_921 = arith.mulf %max3A_920, %get3A_85 : vector<16xf32>
        %add3A_922 = arith.addf %add3A_916, %mul3A_921 : vector<16xf32>
        %broadcast_in_dim3A_923 = arith.constant true
        %broadcast_in_dim3A_924 = vector.broadcast %broadcast_in_dim3A_923 : i1 to vector<16xi1>
        %masked_cumsum3A_925 = tpu.scan <sum>, %add3A_922 masked %broadcast_in_dim3A_924 : vector<16xf32>, vector<16xi1> -> vector<16xf32>
        %add3A_926 = arith.constant 11 : i32
        %add3A_927 = vector.broadcast %add3A_926 : i32 to vector<16xi32>
        %add3A_928 = arith.addi %broadcast_in_dim3A, %add3A_927 : vector<16xi32>
        tpu.vector_store_idx %arg12[%add3A_928], %masked_cumsum3A_925 masked %eq3A_4 : memref<5120xf32, #tpu.memory_space<vmem>>[vector<16xi32>], vector<16xf32>, vector<16xi1>
        %add3A_929 = arith.constant 12 : i32
        %add3A_930 = arith.addi %mul3A_233, %add3A_929 : i32
        %broadcast_in_dim3A_931 = arith.constant 0.000000e+00 : f32
        %broadcast_in_dim3A_932 = vector.broadcast %broadcast_in_dim3A_931 : f32 to vector<16xf32>
        %get3A_933 = arith.index_cast %add3A_930 : i32 to index
        %get3A_934 = arith.constant 0 : index
        %get3A_935 = tpu.vector_load %arg13[%get3A_933, %get3A_934] {strides = array<i32>} : memref<128x32xi32, #tpu.memory_space<vmem>>, vector<16xi32>,
        %bitcast3A_936 = vector.bitcast %get3A_935 : vector<16xi32> to vector<32xbf16>
        %get3A_937 = arith.index_cast %add3A_930 : i32 to index
        %get3A_938 = arith.constant 0 : index
        %get3A_939 = tpu.vector_load %arg17[%get3A_937, %get3A_938] {strides = array<i32>} : memref<128x32xi32, #tpu.memory_space<vmem>>, vector<16xi32>,
        %bitcast3A_940 = vector.bitcast %get3A_939 : vector<16xi32> to vector<32xbf16>
        %unpack3A_941 = tpu.unpack_subelements %bitcast3A_936, 0 {pack_format = #tpu.pack_format<interleaved>} : vector<32xbf16> -> vector<16xf32>
        %unpack3A_942 = tpu.unpack_subelements %bitcast3A_936, 1 {pack_format = #tpu.pack_format<interleaved>} : vector<32xbf16> -> vector<16xf32>
        %unpack3A_943 = tpu.unpack_subelements %bitcast3A_940, 0 {pack_format = #tpu.pack_format<interleaved>} : vector<32xbf16> -> vector<16xf32>
        %unpack3A_944 = tpu.unpack_subelements %bitcast3A_940, 1 {pack_format = #tpu.pack_format<interleaved>} : vector<32xbf16> -> vector<16xf32>
        %add3A_945 = arith.addf %unpack3A_941, %unpack3A_943 : vector<16xf32>
        %max3A_946 = arith.constant 0.000000e+00 : f32
        %max3A_947 = vector.broadcast %max3A_946 : f32 to vector<16xf32>
        %max3A_948 = arith.maximumf %add3A_945, %max3A_947 : vector<16xf32>
        %mul3A_949 = arith.mulf %max3A_948, %get3A_73 : vector<16xf32>
        %add3A_950 = arith.addf %broadcast_in_dim3A_932, %mul3A_949 : vector<16xf32>
        %add3A_951 = arith.addf %unpack3A_942, %unpack3A_944 : vector<16xf32>
        %max3A_952 = arith.constant 0.000000e+00 : f32
        %max3A_953 = vector.broadcast %max3A_952 : f32 to vector<16xf32>
        %max3A_954 = arith.maximumf %add3A_951, %max3A_953 : vector<16xf32>
        %mul3A_955 = arith.mulf %max3A_954, %get3A_77 : vector<16xf32>
        %add3A_956 = arith.addf %add3A_950, %mul3A_955 : vector<16xf32>
        %get3A_957 = arith.index_cast %add3A_930 : i32 to index
        %get3A_958 = arith.constant 16 : index
        %get3A_959 = tpu.vector_load %arg13[%get3A_957, %get3A_958] {strides = array<i32>} : memref<128x32xi32, #tpu.memory_space<vmem>>, vector<16xi32>,
        %bitcast3A_960 = vector.bitcast %get3A_959 : vector<16xi32> to vector<32xbf16>
        %get3A_961 = arith.index_cast %add3A_930 : i32 to index
        %get3A_962 = arith.constant 16 : index
        %get3A_963 = tpu.vector_load %arg17[%get3A_961, %get3A_962] {strides = array<i32>} : memref<128x32xi32, #tpu.memory_space<vmem>>, vector<16xi32>,
        %bitcast3A_964 = vector.bitcast %get3A_963 : vector<16xi32> to vector<32xbf16>
        %unpack3A_965 = tpu.unpack_subelements %bitcast3A_960, 0 {pack_format = #tpu.pack_format<interleaved>} : vector<32xbf16> -> vector<16xf32>
        %unpack3A_966 = tpu.unpack_subelements %bitcast3A_960, 1 {pack_format = #tpu.pack_format<interleaved>} : vector<32xbf16> -> vector<16xf32>
        %unpack3A_967 = tpu.unpack_subelements %bitcast3A_964, 0 {pack_format = #tpu.pack_format<interleaved>} : vector<32xbf16> -> vector<16xf32>
        %unpack3A_968 = tpu.unpack_subelements %bitcast3A_964, 1 {pack_format = #tpu.pack_format<interleaved>} : vector<32xbf16> -> vector<16xf32>
        %add3A_969 = arith.addf %unpack3A_965, %unpack3A_967 : vector<16xf32>
        %max3A_970 = arith.constant 0.000000e+00 : f32
        %max3A_971 = vector.broadcast %max3A_970 : f32 to vector<16xf32>
        %max3A_972 = arith.maximumf %add3A_969, %max3A_971 : vector<16xf32>
        %mul3A_973 = arith.mulf %max3A_972, %get3A_81 : vector<16xf32>
        %add3A_974 = arith.addf %add3A_956, %mul3A_973 : vector<16xf32>
        %add3A_975 = arith.addf %unpack3A_966, %unpack3A_968 : vector<16xf32>
        %max3A_976 = arith.constant 0.000000e+00 : f32
        %max3A_977 = vector.broadcast %max3A_976 : f32 to vector<16xf32>
        %max3A_978 = arith.maximumf %add3A_975, %max3A_977 : vector<16xf32>
        %mul3A_979 = arith.mulf %max3A_978, %get3A_85 : vector<16xf32>
        %add3A_980 = arith.addf %add3A_974, %mul3A_979 : vector<16xf32>
        %broadcast_in_dim3A_981 = arith.constant true
        %broadcast_in_dim3A_982 = vector.broadcast %broadcast_in_dim3A_981 : i1 to vector<16xi1>
        %masked_cumsum3A_983 = tpu.scan <sum>, %add3A_980 masked %broadcast_in_dim3A_982 : vector<16xf32>, vector<16xi1> -> vector<16xf32>
        %add3A_984 = arith.constant 12 : i32
        %add3A_985 = vector.broadcast %add3A_984 : i32 to vector<16xi32>
        %add3A_986 = arith.addi %broadcast_in_dim3A, %add3A_985 : vector<16xi32>
        tpu.vector_store_idx %arg12[%add3A_986], %masked_cumsum3A_983 masked %eq3A_4 : memref<5120xf32, #tpu.memory_space<vmem>>[vector<16xi32>], vector<16xf32>, vector<16xi1>
        %add3A_987 = arith.constant 13 : i32
        %add3A_988 = arith.addi %mul3A_233, %add3A_987 : i32
        %broadcast_in_dim3A_989 = arith.constant 0.000000e+00 : f32
        %broadcast_in_dim3A_990 = vector.broadcast %broadcast_in_dim3A_989 : f32 to vector<16xf32>
        %get3A_991 = arith.index_cast %add3A_988 : i32 to index
        %get3A_992 = arith.constant 0 : index
        %get3A_993 = tpu.vector_load %arg13[%get3A_991, %get3A_992] {strides = array<i32>} : memref<128x32xi32, #tpu.memory_space<vmem>>, vector<16xi32>,
        %bitcast3A_994 = vector.bitcast %get3A_993 : vector<16xi32> to vector<32xbf16>
        %get3A_995 = arith.index_cast %add3A_988 : i32 to index
        %get3A_996 = arith.constant 0 : index
        %get3A_997 = tpu.vector_load %arg17[%get3A_995, %get3A_996] {strides = array<i32>} : memref<128x32xi32, #tpu.memory_space<vmem>>, vector<16xi32>,
        %bitcast3A_998 = vector.bitcast %get3A_997 : vector<16xi32> to vector<32xbf16>
        %unpack3A_999 = tpu.unpack_subelements %bitcast3A_994, 0 {pack_format = #tpu.pack_format<interleaved>} : vector<32xbf16> -> vector<16xf32>
        %unpack3A_1000 = tpu.unpack_subelements %bitcast3A_994, 1 {pack_format = #tpu.pack_format<interleaved>} : vector<32xbf16> -> vector<16xf32>
        %unpack3A_1001 = tpu.unpack_subelements %bitcast3A_998, 0 {pack_format = #tpu.pack_format<interleaved>} : vector<32xbf16> -> vector<16xf32>
        %unpack3A_1002 = tpu.unpack_subelements %bitcast3A_998, 1 {pack_format = #tpu.pack_format<interleaved>} : vector<32xbf16> -> vector<16xf32>
        %add3A_1003 = arith.addf %unpack3A_999, %unpack3A_1001 : vector<16xf32>
        %max3A_1004 = arith.constant 0.000000e+00 : f32
        %max3A_1005 = vector.broadcast %max3A_1004 : f32 to vector<16xf32>
        %max3A_1006 = arith.maximumf %add3A_1003, %max3A_1005 : vector<16xf32>
        %mul3A_1007 = arith.mulf %max3A_1006, %get3A_73 : vector<16xf32>
        %add3A_1008 = arith.addf %broadcast_in_dim3A_990, %mul3A_1007 : vector<16xf32>
        %add3A_1009 = arith.addf %unpack3A_1000, %unpack3A_1002 : vector<16xf32>
        %max3A_1010 = arith.constant 0.000000e+00 : f32
        %max3A_1011 = vector.broadcast %max3A_1010 : f32 to vector<16xf32>
        %max3A_1012 = arith.maximumf %add3A_1009, %max3A_1011 : vector<16xf32>
        %mul3A_1013 = arith.mulf %max3A_1012, %get3A_77 : vector<16xf32>
        %add3A_1014 = arith.addf %add3A_1008, %mul3A_1013 : vector<16xf32>
        %get3A_1015 = arith.index_cast %add3A_988 : i32 to index
        %get3A_1016 = arith.constant 16 : index
        %get3A_1017 = tpu.vector_load %arg13[%get3A_1015, %get3A_1016] {strides = array<i32>} : memref<128x32xi32, #tpu.memory_space<vmem>>, vector<16xi32>,
        %bitcast3A_1018 = vector.bitcast %get3A_1017 : vector<16xi32> to vector<32xbf16>
        %get3A_1019 = arith.index_cast %add3A_988 : i32 to index
        %get3A_1020 = arith.constant 16 : index
        %get3A_1021 = tpu.vector_load %arg17[%get3A_1019, %get3A_1020] {strides = array<i32>} : memref<128x32xi32, #tpu.memory_space<vmem>>, vector<16xi32>,
        %bitcast3A_1022 = vector.bitcast %get3A_1021 : vector<16xi32> to vector<32xbf16>
        %unpack3A_1023 = tpu.unpack_subelements %bitcast3A_1018, 0 {pack_format = #tpu.pack_format<interleaved>} : vector<32xbf16> -> vector<16xf32>
        %unpack3A_1024 = tpu.unpack_subelements %bitcast3A_1018, 1 {pack_format = #tpu.pack_format<interleaved>} : vector<32xbf16> -> vector<16xf32>
        %unpack3A_1025 = tpu.unpack_subelements %bitcast3A_1022, 0 {pack_format = #tpu.pack_format<interleaved>} : vector<32xbf16> -> vector<16xf32>
        %unpack3A_1026 = tpu.unpack_subelements %bitcast3A_1022, 1 {pack_format = #tpu.pack_format<interleaved>} : vector<32xbf16> -> vector<16xf32>
        %add3A_1027 = arith.addf %unpack3A_1023, %unpack3A_1025 : vector<16xf32>
        %max3A_1028 = arith.constant 0.000000e+00 : f32
        %max3A_1029 = vector.broadcast %max3A_1028 : f32 to vector<16xf32>
        %max3A_1030 = arith.maximumf %add3A_1027, %max3A_1029 : vector<16xf32>
        %mul3A_1031 = arith.mulf %max3A_1030, %get3A_81 : vector<16xf32>
        %add3A_1032 = arith.addf %add3A_1014, %mul3A_1031 : vector<16xf32>
        %add3A_1033 = arith.addf %unpack3A_1024, %unpack3A_1026 : vector<16xf32>
        %max3A_1034 = arith.constant 0.000000e+00 : f32
        %max3A_1035 = vector.broadcast %max3A_1034 : f32 to vector<16xf32>
        %max3A_1036 = arith.maximumf %add3A_1033, %max3A_1035 : vector<16xf32>
        %mul3A_1037 = arith.mulf %max3A_1036, %get3A_85 : vector<16xf32>
        %add3A_1038 = arith.addf %add3A_1032, %mul3A_1037 : vector<16xf32>
        %broadcast_in_dim3A_1039 = arith.constant true
        %broadcast_in_dim3A_1040 = vector.broadcast %broadcast_in_dim3A_1039 : i1 to vector<16xi1>
        %masked_cumsum3A_1041 = tpu.scan <sum>, %add3A_1038 masked %broadcast_in_dim3A_1040 : vector<16xf32>, vector<16xi1> -> vector<16xf32>
        %add3A_1042 = arith.constant 13 : i32
        %add3A_1043 = vector.broadcast %add3A_1042 : i32 to vector<16xi32>
        %add3A_1044 = arith.addi %broadcast_in_dim3A, %add3A_1043 : vector<16xi32>
        tpu.vector_store_idx %arg12[%add3A_1044], %masked_cumsum3A_1041 masked %eq3A_4 : memref<5120xf32, #tpu.memory_space<vmem>>[vector<16xi32>], vector<16xf32>, vector<16xi1>
        %add3A_1045 = arith.constant 14 : i32
        %add3A_1046 = arith.addi %mul3A_233, %add3A_1045 : i32
        %broadcast_in_dim3A_1047 = arith.constant 0.000000e+00 : f32
        %broadcast_in_dim3A_1048 = vector.broadcast %broadcast_in_dim3A_1047 : f32 to vector<16xf32>
        %get3A_1049 = arith.index_cast %add3A_1046 : i32 to index
        %get3A_1050 = arith.constant 0 : index
        %get3A_1051 = tpu.vector_load %arg13[%get3A_1049, %get3A_1050] {strides = array<i32>} : memref<128x32xi32, #tpu.memory_space<vmem>>, vector<16xi32>,
        %bitcast3A_1052 = vector.bitcast %get3A_1051 : vector<16xi32> to vector<32xbf16>
        %get3A_1053 = arith.index_cast %add3A_1046 : i32 to index
        %get3A_1054 = arith.constant 0 : index
        %get3A_1055 = tpu.vector_load %arg17[%get3A_1053, %get3A_1054] {strides = array<i32>} : memref<128x32xi32, #tpu.memory_space<vmem>>, vector<16xi32>,
        %bitcast3A_1056 = vector.bitcast %get3A_1055 : vector<16xi32> to vector<32xbf16>
        %unpack3A_1057 = tpu.unpack_subelements %bitcast3A_1052, 0 {pack_format = #tpu.pack_format<interleaved>} : vector<32xbf16> -> vector<16xf32>
        %unpack3A_1058 = tpu.unpack_subelements %bitcast3A_1052, 1 {pack_format = #tpu.pack_format<interleaved>} : vector<32xbf16> -> vector<16xf32>
        %unpack3A_1059 = tpu.unpack_subelements %bitcast3A_1056, 0 {pack_format = #tpu.pack_format<interleaved>} : vector<32xbf16> -> vector<16xf32>
        %unpack3A_1060 = tpu.unpack_subelements %bitcast3A_1056, 1 {pack_format = #tpu.pack_format<interleaved>} : vector<32xbf16> -> vector<16xf32>
        %add3A_1061 = arith.addf %unpack3A_1057, %unpack3A_1059 : vector<16xf32>
        %max3A_1062 = arith.constant 0.000000e+00 : f32
        %max3A_1063 = vector.broadcast %max3A_1062 : f32 to vector<16xf32>
        %max3A_1064 = arith.maximumf %add3A_1061, %max3A_1063 : vector<16xf32>
        %mul3A_1065 = arith.mulf %max3A_1064, %get3A_73 : vector<16xf32>
        %add3A_1066 = arith.addf %broadcast_in_dim3A_1048, %mul3A_1065 : vector<16xf32>
        %add3A_1067 = arith.addf %unpack3A_1058, %unpack3A_1060 : vector<16xf32>
        %max3A_1068 = arith.constant 0.000000e+00 : f32
        %max3A_1069 = vector.broadcast %max3A_1068 : f32 to vector<16xf32>
        %max3A_1070 = arith.maximumf %add3A_1067, %max3A_1069 : vector<16xf32>
        %mul3A_1071 = arith.mulf %max3A_1070, %get3A_77 : vector<16xf32>
        %add3A_1072 = arith.addf %add3A_1066, %mul3A_1071 : vector<16xf32>
        %get3A_1073 = arith.index_cast %add3A_1046 : i32 to index
        %get3A_1074 = arith.constant 16 : index
        %get3A_1075 = tpu.vector_load %arg13[%get3A_1073, %get3A_1074] {strides = array<i32>} : memref<128x32xi32, #tpu.memory_space<vmem>>, vector<16xi32>,
        %bitcast3A_1076 = vector.bitcast %get3A_1075 : vector<16xi32> to vector<32xbf16>
        %get3A_1077 = arith.index_cast %add3A_1046 : i32 to index
        %get3A_1078 = arith.constant 16 : index
        %get3A_1079 = tpu.vector_load %arg17[%get3A_1077, %get3A_1078] {strides = array<i32>} : memref<128x32xi32, #tpu.memory_space<vmem>>, vector<16xi32>,
        %bitcast3A_1080 = vector.bitcast %get3A_1079 : vector<16xi32> to vector<32xbf16>
        %unpack3A_1081 = tpu.unpack_subelements %bitcast3A_1076, 0 {pack_format = #tpu.pack_format<interleaved>} : vector<32xbf16> -> vector<16xf32>
        %unpack3A_1082 = tpu.unpack_subelements %bitcast3A_1076, 1 {pack_format = #tpu.pack_format<interleaved>} : vector<32xbf16> -> vector<16xf32>
        %unpack3A_1083 = tpu.unpack_subelements %bitcast3A_1080, 0 {pack_format = #tpu.pack_format<interleaved>} : vector<32xbf16> -> vector<16xf32>
        %unpack3A_1084 = tpu.unpack_subelements %bitcast3A_1080, 1 {pack_format = #tpu.pack_format<interleaved>} : vector<32xbf16> -> vector<16xf32>
        %add3A_1085 = arith.addf %unpack3A_1081, %unpack3A_1083 : vector<16xf32>
        %max3A_1086 = arith.constant 0.000000e+00 : f32
        %max3A_1087 = vector.broadcast %max3A_1086 : f32 to vector<16xf32>
        %max3A_1088 = arith.maximumf %add3A_1085, %max3A_1087 : vector<16xf32>
        %mul3A_1089 = arith.mulf %max3A_1088, %get3A_81 : vector<16xf32>
        %add3A_1090 = arith.addf %add3A_1072, %mul3A_1089 : vector<16xf32>
        %add3A_1091 = arith.addf %unpack3A_1082, %unpack3A_1084 : vector<16xf32>
        %max3A_1092 = arith.constant 0.000000e+00 : f32
        %max3A_1093 = vector.broadcast %max3A_1092 : f32 to vector<16xf32>
        %max3A_1094 = arith.maximumf %add3A_1091, %max3A_1093 : vector<16xf32>
        %mul3A_1095 = arith.mulf %max3A_1094, %get3A_85 : vector<16xf32>
        %add3A_1096 = arith.addf %add3A_1090, %mul3A_1095 : vector<16xf32>
        %broadcast_in_dim3A_1097 = arith.constant true
        %broadcast_in_dim3A_1098 = vector.broadcast %broadcast_in_dim3A_1097 : i1 to vector<16xi1>
        %masked_cumsum3A_1099 = tpu.scan <sum>, %add3A_1096 masked %broadcast_in_dim3A_1098 : vector<16xf32>, vector<16xi1> -> vector<16xf32>
        %add3A_1100 = arith.constant 14 : i32
        %add3A_1101 = vector.broadcast %add3A_1100 : i32 to vector<16xi32>
        %add3A_1102 = arith.addi %broadcast_in_dim3A, %add3A_1101 : vector<16xi32>
        tpu.vector_store_idx %arg12[%add3A_1102], %masked_cumsum3A_1099 masked %eq3A_4 : memref<5120xf32, #tpu.memory_space<vmem>>[vector<16xi32>], vector<16xf32>, vector<16xi1>
        %add3A_1103 = arith.constant 15 : i32
        %add3A_1104 = arith.addi %mul3A_233, %add3A_1103 : i32
        %broadcast_in_dim3A_1105 = arith.constant 0.000000e+00 : f32
        %broadcast_in_dim3A_1106 = vector.broadcast %broadcast_in_dim3A_1105 : f32 to vector<16xf32>
        %get3A_1107 = arith.index_cast %add3A_1104 : i32 to index
        %get3A_1108 = arith.constant 0 : index
        %get3A_1109 = tpu.vector_load %arg13[%get3A_1107, %get3A_1108] {strides = array<i32>} : memref<128x32xi32, #tpu.memory_space<vmem>>, vector<16xi32>,
        %bitcast3A_1110 = vector.bitcast %get3A_1109 : vector<16xi32> to vector<32xbf16>
        %get3A_1111 = arith.index_cast %add3A_1104 : i32 to index
        %get3A_1112 = arith.constant 0 : index
        %get3A_1113 = tpu.vector_load %arg17[%get3A_1111, %get3A_1112] {strides = array<i32>} : memref<128x32xi32, #tpu.memory_space<vmem>>, vector<16xi32>,
        %bitcast3A_1114 = vector.bitcast %get3A_1113 : vector<16xi32> to vector<32xbf16>
        %unpack3A_1115 = tpu.unpack_subelements %bitcast3A_1110, 0 {pack_format = #tpu.pack_format<interleaved>} : vector<32xbf16> -> vector<16xf32>
        %unpack3A_1116 = tpu.unpack_subelements %bitcast3A_1110, 1 {pack_format = #tpu.pack_format<interleaved>} : vector<32xbf16> -> vector<16xf32>
        %unpack3A_1117 = tpu.unpack_subelements %bitcast3A_1114, 0 {pack_format = #tpu.pack_format<interleaved>} : vector<32xbf16> -> vector<16xf32>
        %unpack3A_1118 = tpu.unpack_subelements %bitcast3A_1114, 1 {pack_format = #tpu.pack_format<interleaved>} : vector<32xbf16> -> vector<16xf32>
        %add3A_1119 = arith.addf %unpack3A_1115, %unpack3A_1117 : vector<16xf32>
        %max3A_1120 = arith.constant 0.000000e+00 : f32
        %max3A_1121 = vector.broadcast %max3A_1120 : f32 to vector<16xf32>
        %max3A_1122 = arith.maximumf %add3A_1119, %max3A_1121 : vector<16xf32>
        %mul3A_1123 = arith.mulf %max3A_1122, %get3A_73 : vector<16xf32>
        %add3A_1124 = arith.addf %broadcast_in_dim3A_1106, %mul3A_1123 : vector<16xf32>
        %add3A_1125 = arith.addf %unpack3A_1116, %unpack3A_1118 : vector<16xf32>
        %max3A_1126 = arith.constant 0.000000e+00 : f32
        %max3A_1127 = vector.broadcast %max3A_1126 : f32 to vector<16xf32>
        %max3A_1128 = arith.maximumf %add3A_1125, %max3A_1127 : vector<16xf32>
        %mul3A_1129 = arith.mulf %max3A_1128, %get3A_77 : vector<16xf32>
        %add3A_1130 = arith.addf %add3A_1124, %mul3A_1129 : vector<16xf32>
        %get3A_1131 = arith.index_cast %add3A_1104 : i32 to index
        %get3A_1132 = arith.constant 16 : index
        %get3A_1133 = tpu.vector_load %arg13[%get3A_1131, %get3A_1132] {strides = array<i32>} : memref<128x32xi32, #tpu.memory_space<vmem>>, vector<16xi32>,
        %bitcast3A_1134 = vector.bitcast %get3A_1133 : vector<16xi32> to vector<32xbf16>
        %get3A_1135 = arith.index_cast %add3A_1104 : i32 to index
        %get3A_1136 = arith.constant 16 : index
        %get3A_1137 = tpu.vector_load %arg17[%get3A_1135, %get3A_1136] {strides = array<i32>} : memref<128x32xi32, #tpu.memory_space<vmem>>, vector<16xi32>,
        %bitcast3A_1138 = vector.bitcast %get3A_1137 : vector<16xi32> to vector<32xbf16>
        %unpack3A_1139 = tpu.unpack_subelements %bitcast3A_1134, 0 {pack_format = #tpu.pack_format<interleaved>} : vector<32xbf16> -> vector<16xf32>
        %unpack3A_1140 = tpu.unpack_subelements %bitcast3A_1134, 1 {pack_format = #tpu.pack_format<interleaved>} : vector<32xbf16> -> vector<16xf32>
        %unpack3A_1141 = tpu.unpack_subelements %bitcast3A_1138, 0 {pack_format = #tpu.pack_format<interleaved>} : vector<32xbf16> -> vector<16xf32>
        %unpack3A_1142 = tpu.unpack_subelements %bitcast3A_1138, 1 {pack_format = #tpu.pack_format<interleaved>} : vector<32xbf16> -> vector<16xf32>
        %add3A_1143 = arith.addf %unpack3A_1139, %unpack3A_1141 : vector<16xf32>
        %max3A_1144 = arith.constant 0.000000e+00 : f32
        %max3A_1145 = vector.broadcast %max3A_1144 : f32 to vector<16xf32>
        %max3A_1146 = arith.maximumf %add3A_1143, %max3A_1145 : vector<16xf32>
        %mul3A_1147 = arith.mulf %max3A_1146, %get3A_81 : vector<16xf32>
        %add3A_1148 = arith.addf %add3A_1130, %mul3A_1147 : vector<16xf32>
        %add3A_1149 = arith.addf %unpack3A_1140, %unpack3A_1142 : vector<16xf32>
        %max3A_1150 = arith.constant 0.000000e+00 : f32
        %max3A_1151 = vector.broadcast %max3A_1150 : f32 to vector<16xf32>
        %max3A_1152 = arith.maximumf %add3A_1149, %max3A_1151 : vector<16xf32>
        %mul3A_1153 = arith.mulf %max3A_1152, %get3A_85 : vector<16xf32>
        %add3A_1154 = arith.addf %add3A_1148, %mul3A_1153 : vector<16xf32>
        %broadcast_in_dim3A_1155 = arith.constant true
        %broadcast_in_dim3A_1156 = vector.broadcast %broadcast_in_dim3A_1155 : i1 to vector<16xi1>
        %masked_cumsum3A_1157 = tpu.scan <sum>, %add3A_1154 masked %broadcast_in_dim3A_1156 : vector<16xf32>, vector<16xi1> -> vector<16xf32>
        %add3A_1158 = arith.constant 15 : i32
        %add3A_1159 = vector.broadcast %add3A_1158 : i32 to vector<16xi32>
        %add3A_1160 = arith.addi %broadcast_in_dim3A, %add3A_1159 : vector<16xi32>
        tpu.vector_store_idx %arg12[%add3A_1160], %masked_cumsum3A_1157 masked %eq3A_4 : memref<5120xf32, #tpu.memory_space<vmem>>[vector<16xi32>], vector<16xf32>, vector<16xi1>
      }
      %scan3A_91 = arith.constant 8 : i32
      %add3A_92 = arith.constant 4 : i32
      %add3A_93 = arith.addi %add3A_59, %add3A_92 : i32
      %lt3A = arith.constant 40 : i32
      %lt3A_94 = arith.cmpi slt, %add3A_93, %lt3A : i32
      %convert_element_type3A = arith.extui %lt3A_94 : i1 to i32
      %cond3A = arith.constant 0 : i32
      %cond3A_95 = arith.cmpi ne, %convert_element_type3A, %cond3A : i32
      scf.if %cond3A_95 {
        %add3A_231 = arith.constant 4 : i32
        %add3A_232 = arith.addi %add3A_59, %add3A_231 : i32
        %mul3A_233 = arith.constant 128 : i32
        %mul3A_234 = arith.muli %add3A_232, %mul3A_233 : i32
        %dma_start3A_235 = tpu.memref_slice %arg9[%mul3A_234] : memref<5120xi32, #tpu.memory_space<vmem>> -> memref<128xi32, #tpu.memory_space<vmem>>
        %dma_start3A_236 = arith.constant 0 : i32
        %dma_start3A_237 = arith.constant 0 : i32
        %dma_start3A_238 = tpu.memref_slice %arg2[%dma_start3A_236, %dma_start3A_237] : memref<10000x32xi32, #tpu.memory_space<hbm>> -> memref<10000x32xi32, #tpu.memory_space<hbm>>
        tpu.enqueue_indirect_dma source(%dma_start3A_238 : memref<10000x32xi32, #tpu.memory_space<hbm>>) target(%arg13 : memref<128x32xi32, #tpu.memory_space<vmem>>) offsets(%dma_start3A_235 : memref<128xi32, #tpu.memory_space<vmem>>) semaphore(%arg22 : memref<!tpu.dma_semaphore, #tpu.memory_space<semaphore_mem>>)
        %mul3A_239 = arith.constant 128 : i32
        %mul3A_240 = arith.muli %add3A_232, %mul3A_239 : i32
        %dma_start3A_241 = tpu.memref_slice %arg10[%mul3A_240] : memref<5120xi32, #tpu.memory_space<vmem>> -> memref<128xi32, #tpu.memory_space<vmem>>
        %dma_start3A_242 = arith.constant 0 : i32
        %dma_start3A_243 = arith.constant 0 : i32
        %dma_start3A_244 = tpu.memref_slice %arg3[%dma_start3A_242, %dma_start3A_243] : memref<10000x32xi32, #tpu.memory_space<hbm>> -> memref<10000x32xi32, #tpu.memory_space<hbm>>
        tpu.enqueue_indirect_dma source(%dma_start3A_244 : memref<10000x32xi32, #tpu.memory_space<hbm>>) target(%arg17 : memref<128x32xi32, #tpu.memory_space<vmem>>) offsets(%dma_start3A_241 : memref<128xi32, #tpu.memory_space<vmem>>) semaphore(%arg22 : memref<!tpu.dma_semaphore, #tpu.memory_space<semaphore_mem>>)
      } else {
      }
      %mul3A_96 = arith.constant 4 : i32
      %mul3A_97 = arith.muli %scan3A_55, %mul3A_96 : i32
      %add3A_98 = arith.constant 1 : i32
      %add3A_99 = arith.addi %mul3A_97, %add3A_98 : i32
      %mul3A_100 = arith.constant 128 : i32
      %mul3A_101 = arith.muli %add3A_99, %mul3A_100 : i32
      %dma_wait3A_102 = tpu.memref_slice %arg9[%mul3A_101] : memref<5120xi32, #tpu.memory_space<vmem>> -> memref<128xi32, #tpu.memory_space<vmem>>
      %dma_wait3A_103 = arith.constant 0 : i32
      %dma_wait3A_104 = arith.constant 0 : i32
      %dma_wait3A_105 = tpu.memref_slice %arg2[%dma_wait3A_103, %dma_wait3A_104] : memref<10000x32xi32, #tpu.memory_space<hbm>> -> memref<10000x32xi32, #tpu.memory_space<hbm>>
      tpu.wait_indirect_dma semaphore(%arg23 : memref<!tpu.dma_semaphore, #tpu.memory_space<semaphore_mem>>) src(%dma_wait3A_105 : memref<10000x32xi32, #tpu.memory_space<hbm>>) dst(%arg14 : memref<128x32xi32, #tpu.memory_space<vmem>>)
      %mul3A_106 = arith.constant 128 : i32
      %mul3A_107 = arith.muli %add3A_99, %mul3A_106 : i32
      %dma_wait3A_108 = tpu.memref_slice %arg10[%mul3A_107] : memref<5120xi32, #tpu.memory_space<vmem>> -> memref<128xi32, #tpu.memory_space<vmem>>
      %dma_wait3A_109 = arith.constant 0 : i32
      %dma_wait3A_110 = arith.constant 0 : i32
      %dma_wait3A_111 = tpu.memref_slice %arg3[%dma_wait3A_109, %dma_wait3A_110] : memref<10000x32xi32, #tpu.memory_space<hbm>> -> memref<10000x32xi32, #tpu.memory_space<hbm>>
      tpu.wait_indirect_dma semaphore(%arg23 : memref<!tpu.dma_semaphore, #tpu.memory_space<semaphore_mem>>) src(%dma_wait3A_111 : memref<10000x32xi32, #tpu.memory_space<hbm>>) dst(%arg18 : memref<128x32xi32, #tpu.memory_space<vmem>>)
      %get3A_112 = arith.constant 0 : i32
      %get3A_113 = arith.index_cast %get3A_112 : i32 to index
      %get3A_114 = arith.constant 0 : index
      %get3A_115 = tpu.vector_load %arg21[%get3A_113, %get3A_114] {strides = array<i32>} : memref<4x16xf32, #tpu.memory_space<vmem>>, vector<16xf32>,
      %get3A_116 = arith.constant 1 : i32
      %get3A_117 = arith.index_cast %get3A_116 : i32 to index
      %get3A_118 = arith.constant 0 : index
      %get3A_119 = tpu.vector_load %arg21[%get3A_117, %get3A_118] {strides = array<i32>} : memref<4x16xf32, #tpu.memory_space<vmem>>, vector<16xf32>,
      %get3A_120 = arith.constant 2 : i32
      %get3A_121 = arith.index_cast %get3A_120 : i32 to index
      %get3A_122 = arith.constant 0 : index
      %get3A_123 = tpu.vector_load %arg21[%get3A_121, %get3A_122] {strides = array<i32>} : memref<4x16xf32, #tpu.memory_space<vmem>>, vector<16xf32>,
      %get3A_124 = arith.constant 3 : i32
      %get3A_125 = arith.index_cast %get3A_124 : i32 to index
      %get3A_126 = arith.constant 0 : index
      %get3A_127 = tpu.vector_load %arg21[%get3A_125, %get3A_126] {strides = array<i32>} : memref<4x16xf32, #tpu.memory_space<vmem>>, vector<16xf32>,
      %scan3A_128 = arith.constant 0 : i32
      %scan3A_129 = arith.constant 0 : i32
      %scan3A_130 = arith.constant 8 : i32
      %scan3A_131 = arith.addi %scan3A_129, %scan3A_130 : i32
      %scan3A_132 = arith.constant 1 : i32
      scf.for %scan3A_231 = %scan3A_129 to %scan3A_131 step %scan3A_132  : i32 {
        %mul3A_232 = arith.constant 16 : i32
        %mul3A_233 = arith.muli %scan3A_231, %mul3A_232 : i32
        %mul3A_234 = arith.constant 128 : i32
        %mul3A_235 = arith.muli %add3A_99, %mul3A_234 : i32
        %add3A_236 = arith.addi %mul3A_235, %mul3A_233 : i32
        %broadcast_in_dim3A = vector.broadcast %add3A_236 : i32 to vector<16xi32>
        %add3A_237 = arith.constant 0 : i32
        %add3A_238 = arith.addi %mul3A_233, %add3A_237 : i32
        %broadcast_in_dim3A_239 = arith.constant 0.000000e+00 : f32
        %broadcast_in_dim3A_240 = vector.broadcast %broadcast_in_dim3A_239 : f32 to vector<16xf32>
        %get3A_241 = arith.index_cast %add3A_238 : i32 to index
        %get3A_242 = arith.constant 0 : index
        %get3A_243 = tpu.vector_load %arg14[%get3A_241, %get3A_242] {strides = array<i32>} : memref<128x32xi32, #tpu.memory_space<vmem>>, vector<16xi32>,
        %bitcast3A = vector.bitcast %get3A_243 : vector<16xi32> to vector<32xbf16>
        %get3A_244 = arith.index_cast %add3A_238 : i32 to index
        %get3A_245 = arith.constant 0 : index
        %get3A_246 = tpu.vector_load %arg18[%get3A_244, %get3A_245] {strides = array<i32>} : memref<128x32xi32, #tpu.memory_space<vmem>>, vector<16xi32>,
        %bitcast3A_247 = vector.bitcast %get3A_246 : vector<16xi32> to vector<32xbf16>
        %unpack3A = tpu.unpack_subelements %bitcast3A, 0 {pack_format = #tpu.pack_format<interleaved>} : vector<32xbf16> -> vector<16xf32>
        %unpack3A_248 = tpu.unpack_subelements %bitcast3A, 1 {pack_format = #tpu.pack_format<interleaved>} : vector<32xbf16> -> vector<16xf32>
        %unpack3A_249 = tpu.unpack_subelements %bitcast3A_247, 0 {pack_format = #tpu.pack_format<interleaved>} : vector<32xbf16> -> vector<16xf32>
        %unpack3A_250 = tpu.unpack_subelements %bitcast3A_247, 1 {pack_format = #tpu.pack_format<interleaved>} : vector<32xbf16> -> vector<16xf32>
        %add3A_251 = arith.addf %unpack3A, %unpack3A_249 : vector<16xf32>
        %max3A = arith.constant 0.000000e+00 : f32
        %max3A_252 = vector.broadcast %max3A : f32 to vector<16xf32>
        %max3A_253 = arith.maximumf %add3A_251, %max3A_252 : vector<16xf32>
        %mul3A_254 = arith.mulf %max3A_253, %get3A_115 : vector<16xf32>
        %add3A_255 = arith.addf %broadcast_in_dim3A_240, %mul3A_254 : vector<16xf32>
        %add3A_256 = arith.addf %unpack3A_248, %unpack3A_250 : vector<16xf32>
        %max3A_257 = arith.constant 0.000000e+00 : f32
        %max3A_258 = vector.broadcast %max3A_257 : f32 to vector<16xf32>
        %max3A_259 = arith.maximumf %add3A_256, %max3A_258 : vector<16xf32>
        %mul3A_260 = arith.mulf %max3A_259, %get3A_119 : vector<16xf32>
        %add3A_261 = arith.addf %add3A_255, %mul3A_260 : vector<16xf32>
        %get3A_262 = arith.index_cast %add3A_238 : i32 to index
        %get3A_263 = arith.constant 16 : index
        %get3A_264 = tpu.vector_load %arg14[%get3A_262, %get3A_263] {strides = array<i32>} : memref<128x32xi32, #tpu.memory_space<vmem>>, vector<16xi32>,
        %bitcast3A_265 = vector.bitcast %get3A_264 : vector<16xi32> to vector<32xbf16>
        %get3A_266 = arith.index_cast %add3A_238 : i32 to index
        %get3A_267 = arith.constant 16 : index
        %get3A_268 = tpu.vector_load %arg18[%get3A_266, %get3A_267] {strides = array<i32>} : memref<128x32xi32, #tpu.memory_space<vmem>>, vector<16xi32>,
        %bitcast3A_269 = vector.bitcast %get3A_268 : vector<16xi32> to vector<32xbf16>
        %unpack3A_270 = tpu.unpack_subelements %bitcast3A_265, 0 {pack_format = #tpu.pack_format<interleaved>} : vector<32xbf16> -> vector<16xf32>
        %unpack3A_271 = tpu.unpack_subelements %bitcast3A_265, 1 {pack_format = #tpu.pack_format<interleaved>} : vector<32xbf16> -> vector<16xf32>
        %unpack3A_272 = tpu.unpack_subelements %bitcast3A_269, 0 {pack_format = #tpu.pack_format<interleaved>} : vector<32xbf16> -> vector<16xf32>
        %unpack3A_273 = tpu.unpack_subelements %bitcast3A_269, 1 {pack_format = #tpu.pack_format<interleaved>} : vector<32xbf16> -> vector<16xf32>
        %add3A_274 = arith.addf %unpack3A_270, %unpack3A_272 : vector<16xf32>
        %max3A_275 = arith.constant 0.000000e+00 : f32
        %max3A_276 = vector.broadcast %max3A_275 : f32 to vector<16xf32>
        %max3A_277 = arith.maximumf %add3A_274, %max3A_276 : vector<16xf32>
        %mul3A_278 = arith.mulf %max3A_277, %get3A_123 : vector<16xf32>
        %add3A_279 = arith.addf %add3A_261, %mul3A_278 : vector<16xf32>
        %add3A_280 = arith.addf %unpack3A_271, %unpack3A_273 : vector<16xf32>
        %max3A_281 = arith.constant 0.000000e+00 : f32
        %max3A_282 = vector.broadcast %max3A_281 : f32 to vector<16xf32>
        %max3A_283 = arith.maximumf %add3A_280, %max3A_282 : vector<16xf32>
        %mul3A_284 = arith.mulf %max3A_283, %get3A_127 : vector<16xf32>
        %add3A_285 = arith.addf %add3A_279, %mul3A_284 : vector<16xf32>
        %broadcast_in_dim3A_286 = arith.constant true
        %broadcast_in_dim3A_287 = vector.broadcast %broadcast_in_dim3A_286 : i1 to vector<16xi1>
        %masked_cumsum3A = tpu.scan <sum>, %add3A_285 masked %broadcast_in_dim3A_287 : vector<16xf32>, vector<16xi1> -> vector<16xf32>
        %add3A_288 = arith.constant 0 : i32
        %add3A_289 = vector.broadcast %add3A_288 : i32 to vector<16xi32>
        %add3A_290 = arith.addi %broadcast_in_dim3A, %add3A_289 : vector<16xi32>
        tpu.vector_store_idx %arg12[%add3A_290], %masked_cumsum3A masked %eq3A_4 : memref<5120xf32, #tpu.memory_space<vmem>>[vector<16xi32>], vector<16xf32>, vector<16xi1>
        %add3A_291 = arith.constant 1 : i32
        %add3A_292 = arith.addi %mul3A_233, %add3A_291 : i32
        %broadcast_in_dim3A_293 = arith.constant 0.000000e+00 : f32
        %broadcast_in_dim3A_294 = vector.broadcast %broadcast_in_dim3A_293 : f32 to vector<16xf32>
        %get3A_295 = arith.index_cast %add3A_292 : i32 to index
        %get3A_296 = arith.constant 0 : index
        %get3A_297 = tpu.vector_load %arg14[%get3A_295, %get3A_296] {strides = array<i32>} : memref<128x32xi32, #tpu.memory_space<vmem>>, vector<16xi32>,
        %bitcast3A_298 = vector.bitcast %get3A_297 : vector<16xi32> to vector<32xbf16>
        %get3A_299 = arith.index_cast %add3A_292 : i32 to index
        %get3A_300 = arith.constant 0 : index
        %get3A_301 = tpu.vector_load %arg18[%get3A_299, %get3A_300] {strides = array<i32>} : memref<128x32xi32, #tpu.memory_space<vmem>>, vector<16xi32>,
        %bitcast3A_302 = vector.bitcast %get3A_301 : vector<16xi32> to vector<32xbf16>
        %unpack3A_303 = tpu.unpack_subelements %bitcast3A_298, 0 {pack_format = #tpu.pack_format<interleaved>} : vector<32xbf16> -> vector<16xf32>
        %unpack3A_304 = tpu.unpack_subelements %bitcast3A_298, 1 {pack_format = #tpu.pack_format<interleaved>} : vector<32xbf16> -> vector<16xf32>
        %unpack3A_305 = tpu.unpack_subelements %bitcast3A_302, 0 {pack_format = #tpu.pack_format<interleaved>} : vector<32xbf16> -> vector<16xf32>
        %unpack3A_306 = tpu.unpack_subelements %bitcast3A_302, 1 {pack_format = #tpu.pack_format<interleaved>} : vector<32xbf16> -> vector<16xf32>
        %add3A_307 = arith.addf %unpack3A_303, %unpack3A_305 : vector<16xf32>
        %max3A_308 = arith.constant 0.000000e+00 : f32
        %max3A_309 = vector.broadcast %max3A_308 : f32 to vector<16xf32>
        %max3A_310 = arith.maximumf %add3A_307, %max3A_309 : vector<16xf32>
        %mul3A_311 = arith.mulf %max3A_310, %get3A_115 : vector<16xf32>
        %add3A_312 = arith.addf %broadcast_in_dim3A_294, %mul3A_311 : vector<16xf32>
        %add3A_313 = arith.addf %unpack3A_304, %unpack3A_306 : vector<16xf32>
        %max3A_314 = arith.constant 0.000000e+00 : f32
        %max3A_315 = vector.broadcast %max3A_314 : f32 to vector<16xf32>
        %max3A_316 = arith.maximumf %add3A_313, %max3A_315 : vector<16xf32>
        %mul3A_317 = arith.mulf %max3A_316, %get3A_119 : vector<16xf32>
        %add3A_318 = arith.addf %add3A_312, %mul3A_317 : vector<16xf32>
        %get3A_319 = arith.index_cast %add3A_292 : i32 to index
        %get3A_320 = arith.constant 16 : index
        %get3A_321 = tpu.vector_load %arg14[%get3A_319, %get3A_320] {strides = array<i32>} : memref<128x32xi32, #tpu.memory_space<vmem>>, vector<16xi32>,
        %bitcast3A_322 = vector.bitcast %get3A_321 : vector<16xi32> to vector<32xbf16>
        %get3A_323 = arith.index_cast %add3A_292 : i32 to index
        %get3A_324 = arith.constant 16 : index
        %get3A_325 = tpu.vector_load %arg18[%get3A_323, %get3A_324] {strides = array<i32>} : memref<128x32xi32, #tpu.memory_space<vmem>>, vector<16xi32>,
        %bitcast3A_326 = vector.bitcast %get3A_325 : vector<16xi32> to vector<32xbf16>
        %unpack3A_327 = tpu.unpack_subelements %bitcast3A_322, 0 {pack_format = #tpu.pack_format<interleaved>} : vector<32xbf16> -> vector<16xf32>
        %unpack3A_328 = tpu.unpack_subelements %bitcast3A_322, 1 {pack_format = #tpu.pack_format<interleaved>} : vector<32xbf16> -> vector<16xf32>
        %unpack3A_329 = tpu.unpack_subelements %bitcast3A_326, 0 {pack_format = #tpu.pack_format<interleaved>} : vector<32xbf16> -> vector<16xf32>
        %unpack3A_330 = tpu.unpack_subelements %bitcast3A_326, 1 {pack_format = #tpu.pack_format<interleaved>} : vector<32xbf16> -> vector<16xf32>
        %add3A_331 = arith.addf %unpack3A_327, %unpack3A_329 : vector<16xf32>
        %max3A_332 = arith.constant 0.000000e+00 : f32
        %max3A_333 = vector.broadcast %max3A_332 : f32 to vector<16xf32>
        %max3A_334 = arith.maximumf %add3A_331, %max3A_333 : vector<16xf32>
        %mul3A_335 = arith.mulf %max3A_334, %get3A_123 : vector<16xf32>
        %add3A_336 = arith.addf %add3A_318, %mul3A_335 : vector<16xf32>
        %add3A_337 = arith.addf %unpack3A_328, %unpack3A_330 : vector<16xf32>
        %max3A_338 = arith.constant 0.000000e+00 : f32
        %max3A_339 = vector.broadcast %max3A_338 : f32 to vector<16xf32>
        %max3A_340 = arith.maximumf %add3A_337, %max3A_339 : vector<16xf32>
        %mul3A_341 = arith.mulf %max3A_340, %get3A_127 : vector<16xf32>
        %add3A_342 = arith.addf %add3A_336, %mul3A_341 : vector<16xf32>
        %broadcast_in_dim3A_343 = arith.constant true
        %broadcast_in_dim3A_344 = vector.broadcast %broadcast_in_dim3A_343 : i1 to vector<16xi1>
        %masked_cumsum3A_345 = tpu.scan <sum>, %add3A_342 masked %broadcast_in_dim3A_344 : vector<16xf32>, vector<16xi1> -> vector<16xf32>
        %add3A_346 = arith.constant 1 : i32
        %add3A_347 = vector.broadcast %add3A_346 : i32 to vector<16xi32>
        %add3A_348 = arith.addi %broadcast_in_dim3A, %add3A_347 : vector<16xi32>
        tpu.vector_store_idx %arg12[%add3A_348], %masked_cumsum3A_345 masked %eq3A_4 : memref<5120xf32, #tpu.memory_space<vmem>>[vector<16xi32>], vector<16xf32>, vector<16xi1>
        %add3A_349 = arith.constant 2 : i32
        %add3A_350 = arith.addi %mul3A_233, %add3A_349 : i32
        %broadcast_in_dim3A_351 = arith.constant 0.000000e+00 : f32
        %broadcast_in_dim3A_352 = vector.broadcast %broadcast_in_dim3A_351 : f32 to vector<16xf32>
        %get3A_353 = arith.index_cast %add3A_350 : i32 to index
        %get3A_354 = arith.constant 0 : index
        %get3A_355 = tpu.vector_load %arg14[%get3A_353, %get3A_354] {strides = array<i32>} : memref<128x32xi32, #tpu.memory_space<vmem>>, vector<16xi32>,
        %bitcast3A_356 = vector.bitcast %get3A_355 : vector<16xi32> to vector<32xbf16>
        %get3A_357 = arith.index_cast %add3A_350 : i32 to index
        %get3A_358 = arith.constant 0 : index
        %get3A_359 = tpu.vector_load %arg18[%get3A_357, %get3A_358] {strides = array<i32>} : memref<128x32xi32, #tpu.memory_space<vmem>>, vector<16xi32>,
        %bitcast3A_360 = vector.bitcast %get3A_359 : vector<16xi32> to vector<32xbf16>
        %unpack3A_361 = tpu.unpack_subelements %bitcast3A_356, 0 {pack_format = #tpu.pack_format<interleaved>} : vector<32xbf16> -> vector<16xf32>
        %unpack3A_362 = tpu.unpack_subelements %bitcast3A_356, 1 {pack_format = #tpu.pack_format<interleaved>} : vector<32xbf16> -> vector<16xf32>
        %unpack3A_363 = tpu.unpack_subelements %bitcast3A_360, 0 {pack_format = #tpu.pack_format<interleaved>} : vector<32xbf16> -> vector<16xf32>
        %unpack3A_364 = tpu.unpack_subelements %bitcast3A_360, 1 {pack_format = #tpu.pack_format<interleaved>} : vector<32xbf16> -> vector<16xf32>
        %add3A_365 = arith.addf %unpack3A_361, %unpack3A_363 : vector<16xf32>
        %max3A_366 = arith.constant 0.000000e+00 : f32
        %max3A_367 = vector.broadcast %max3A_366 : f32 to vector<16xf32>
        %max3A_368 = arith.maximumf %add3A_365, %max3A_367 : vector<16xf32>
        %mul3A_369 = arith.mulf %max3A_368, %get3A_115 : vector<16xf32>
        %add3A_370 = arith.addf %broadcast_in_dim3A_352, %mul3A_369 : vector<16xf32>
        %add3A_371 = arith.addf %unpack3A_362, %unpack3A_364 : vector<16xf32>
        %max3A_372 = arith.constant 0.000000e+00 : f32
        %max3A_373 = vector.broadcast %max3A_372 : f32 to vector<16xf32>
        %max3A_374 = arith.maximumf %add3A_371, %max3A_373 : vector<16xf32>
        %mul3A_375 = arith.mulf %max3A_374, %get3A_119 : vector<16xf32>
        %add3A_376 = arith.addf %add3A_370, %mul3A_375 : vector<16xf32>
        %get3A_377 = arith.index_cast %add3A_350 : i32 to index
        %get3A_378 = arith.constant 16 : index
        %get3A_379 = tpu.vector_load %arg14[%get3A_377, %get3A_378] {strides = array<i32>} : memref<128x32xi32, #tpu.memory_space<vmem>>, vector<16xi32>,
        %bitcast3A_380 = vector.bitcast %get3A_379 : vector<16xi32> to vector<32xbf16>
        %get3A_381 = arith.index_cast %add3A_350 : i32 to index
        %get3A_382 = arith.constant 16 : index
        %get3A_383 = tpu.vector_load %arg18[%get3A_381, %get3A_382] {strides = array<i32>} : memref<128x32xi32, #tpu.memory_space<vmem>>, vector<16xi32>,
        %bitcast3A_384 = vector.bitcast %get3A_383 : vector<16xi32> to vector<32xbf16>
        %unpack3A_385 = tpu.unpack_subelements %bitcast3A_380, 0 {pack_format = #tpu.pack_format<interleaved>} : vector<32xbf16> -> vector<16xf32>
        %unpack3A_386 = tpu.unpack_subelements %bitcast3A_380, 1 {pack_format = #tpu.pack_format<interleaved>} : vector<32xbf16> -> vector<16xf32>
        %unpack3A_387 = tpu.unpack_subelements %bitcast3A_384, 0 {pack_format = #tpu.pack_format<interleaved>} : vector<32xbf16> -> vector<16xf32>
        %unpack3A_388 = tpu.unpack_subelements %bitcast3A_384, 1 {pack_format = #tpu.pack_format<interleaved>} : vector<32xbf16> -> vector<16xf32>
        %add3A_389 = arith.addf %unpack3A_385, %unpack3A_387 : vector<16xf32>
        %max3A_390 = arith.constant 0.000000e+00 : f32
        %max3A_391 = vector.broadcast %max3A_390 : f32 to vector<16xf32>
        %max3A_392 = arith.maximumf %add3A_389, %max3A_391 : vector<16xf32>
        %mul3A_393 = arith.mulf %max3A_392, %get3A_123 : vector<16xf32>
        %add3A_394 = arith.addf %add3A_376, %mul3A_393 : vector<16xf32>
        %add3A_395 = arith.addf %unpack3A_386, %unpack3A_388 : vector<16xf32>
        %max3A_396 = arith.constant 0.000000e+00 : f32
        %max3A_397 = vector.broadcast %max3A_396 : f32 to vector<16xf32>
        %max3A_398 = arith.maximumf %add3A_395, %max3A_397 : vector<16xf32>
        %mul3A_399 = arith.mulf %max3A_398, %get3A_127 : vector<16xf32>
        %add3A_400 = arith.addf %add3A_394, %mul3A_399 : vector<16xf32>
        %broadcast_in_dim3A_401 = arith.constant true
        %broadcast_in_dim3A_402 = vector.broadcast %broadcast_in_dim3A_401 : i1 to vector<16xi1>
        %masked_cumsum3A_403 = tpu.scan <sum>, %add3A_400 masked %broadcast_in_dim3A_402 : vector<16xf32>, vector<16xi1> -> vector<16xf32>
        %add3A_404 = arith.constant 2 : i32
        %add3A_405 = vector.broadcast %add3A_404 : i32 to vector<16xi32>
        %add3A_406 = arith.addi %broadcast_in_dim3A, %add3A_405 : vector<16xi32>
        tpu.vector_store_idx %arg12[%add3A_406], %masked_cumsum3A_403 masked %eq3A_4 : memref<5120xf32, #tpu.memory_space<vmem>>[vector<16xi32>], vector<16xf32>, vector<16xi1>
        %add3A_407 = arith.constant 3 : i32
        %add3A_408 = arith.addi %mul3A_233, %add3A_407 : i32
        %broadcast_in_dim3A_409 = arith.constant 0.000000e+00 : f32
        %broadcast_in_dim3A_410 = vector.broadcast %broadcast_in_dim3A_409 : f32 to vector<16xf32>
        %get3A_411 = arith.index_cast %add3A_408 : i32 to index
        %get3A_412 = arith.constant 0 : index
        %get3A_413 = tpu.vector_load %arg14[%get3A_411, %get3A_412] {strides = array<i32>} : memref<128x32xi32, #tpu.memory_space<vmem>>, vector<16xi32>,
        %bitcast3A_414 = vector.bitcast %get3A_413 : vector<16xi32> to vector<32xbf16>
        %get3A_415 = arith.index_cast %add3A_408 : i32 to index
        %get3A_416 = arith.constant 0 : index
        %get3A_417 = tpu.vector_load %arg18[%get3A_415, %get3A_416] {strides = array<i32>} : memref<128x32xi32, #tpu.memory_space<vmem>>, vector<16xi32>,
        %bitcast3A_418 = vector.bitcast %get3A_417 : vector<16xi32> to vector<32xbf16>
        %unpack3A_419 = tpu.unpack_subelements %bitcast3A_414, 0 {pack_format = #tpu.pack_format<interleaved>} : vector<32xbf16> -> vector<16xf32>
        %unpack3A_420 = tpu.unpack_subelements %bitcast3A_414, 1 {pack_format = #tpu.pack_format<interleaved>} : vector<32xbf16> -> vector<16xf32>
        %unpack3A_421 = tpu.unpack_subelements %bitcast3A_418, 0 {pack_format = #tpu.pack_format<interleaved>} : vector<32xbf16> -> vector<16xf32>
        %unpack3A_422 = tpu.unpack_subelements %bitcast3A_418, 1 {pack_format = #tpu.pack_format<interleaved>} : vector<32xbf16> -> vector<16xf32>
        %add3A_423 = arith.addf %unpack3A_419, %unpack3A_421 : vector<16xf32>
        %max3A_424 = arith.constant 0.000000e+00 : f32
        %max3A_425 = vector.broadcast %max3A_424 : f32 to vector<16xf32>
        %max3A_426 = arith.maximumf %add3A_423, %max3A_425 : vector<16xf32>
        %mul3A_427 = arith.mulf %max3A_426, %get3A_115 : vector<16xf32>
        %add3A_428 = arith.addf %broadcast_in_dim3A_410, %mul3A_427 : vector<16xf32>
        %add3A_429 = arith.addf %unpack3A_420, %unpack3A_422 : vector<16xf32>
        %max3A_430 = arith.constant 0.000000e+00 : f32
        %max3A_431 = vector.broadcast %max3A_430 : f32 to vector<16xf32>
        %max3A_432 = arith.maximumf %add3A_429, %max3A_431 : vector<16xf32>
        %mul3A_433 = arith.mulf %max3A_432, %get3A_119 : vector<16xf32>
        %add3A_434 = arith.addf %add3A_428, %mul3A_433 : vector<16xf32>
        %get3A_435 = arith.index_cast %add3A_408 : i32 to index
        %get3A_436 = arith.constant 16 : index
        %get3A_437 = tpu.vector_load %arg14[%get3A_435, %get3A_436] {strides = array<i32>} : memref<128x32xi32, #tpu.memory_space<vmem>>, vector<16xi32>,
        %bitcast3A_438 = vector.bitcast %get3A_437 : vector<16xi32> to vector<32xbf16>
        %get3A_439 = arith.index_cast %add3A_408 : i32 to index
        %get3A_440 = arith.constant 16 : index
        %get3A_441 = tpu.vector_load %arg18[%get3A_439, %get3A_440] {strides = array<i32>} : memref<128x32xi32, #tpu.memory_space<vmem>>, vector<16xi32>,
        %bitcast3A_442 = vector.bitcast %get3A_441 : vector<16xi32> to vector<32xbf16>
        %unpack3A_443 = tpu.unpack_subelements %bitcast3A_438, 0 {pack_format = #tpu.pack_format<interleaved>} : vector<32xbf16> -> vector<16xf32>
        %unpack3A_444 = tpu.unpack_subelements %bitcast3A_438, 1 {pack_format = #tpu.pack_format<interleaved>} : vector<32xbf16> -> vector<16xf32>
        %unpack3A_445 = tpu.unpack_subelements %bitcast3A_442, 0 {pack_format = #tpu.pack_format<interleaved>} : vector<32xbf16> -> vector<16xf32>
        %unpack3A_446 = tpu.unpack_subelements %bitcast3A_442, 1 {pack_format = #tpu.pack_format<interleaved>} : vector<32xbf16> -> vector<16xf32>
        %add3A_447 = arith.addf %unpack3A_443, %unpack3A_445 : vector<16xf32>
        %max3A_448 = arith.constant 0.000000e+00 : f32
        %max3A_449 = vector.broadcast %max3A_448 : f32 to vector<16xf32>
        %max3A_450 = arith.maximumf %add3A_447, %max3A_449 : vector<16xf32>
        %mul3A_451 = arith.mulf %max3A_450, %get3A_123 : vector<16xf32>
        %add3A_452 = arith.addf %add3A_434, %mul3A_451 : vector<16xf32>
        %add3A_453 = arith.addf %unpack3A_444, %unpack3A_446 : vector<16xf32>
        %max3A_454 = arith.constant 0.000000e+00 : f32
        %max3A_455 = vector.broadcast %max3A_454 : f32 to vector<16xf32>
        %max3A_456 = arith.maximumf %add3A_453, %max3A_455 : vector<16xf32>
        %mul3A_457 = arith.mulf %max3A_456, %get3A_127 : vector<16xf32>
        %add3A_458 = arith.addf %add3A_452, %mul3A_457 : vector<16xf32>
        %broadcast_in_dim3A_459 = arith.constant true
        %broadcast_in_dim3A_460 = vector.broadcast %broadcast_in_dim3A_459 : i1 to vector<16xi1>
        %masked_cumsum3A_461 = tpu.scan <sum>, %add3A_458 masked %broadcast_in_dim3A_460 : vector<16xf32>, vector<16xi1> -> vector<16xf32>
        %add3A_462 = arith.constant 3 : i32
        %add3A_463 = vector.broadcast %add3A_462 : i32 to vector<16xi32>
        %add3A_464 = arith.addi %broadcast_in_dim3A, %add3A_463 : vector<16xi32>
        tpu.vector_store_idx %arg12[%add3A_464], %masked_cumsum3A_461 masked %eq3A_4 : memref<5120xf32, #tpu.memory_space<vmem>>[vector<16xi32>], vector<16xf32>, vector<16xi1>
        %add3A_465 = arith.constant 4 : i32
        %add3A_466 = arith.addi %mul3A_233, %add3A_465 : i32
        %broadcast_in_dim3A_467 = arith.constant 0.000000e+00 : f32
        %broadcast_in_dim3A_468 = vector.broadcast %broadcast_in_dim3A_467 : f32 to vector<16xf32>
        %get3A_469 = arith.index_cast %add3A_466 : i32 to index
        %get3A_470 = arith.constant 0 : index
        %get3A_471 = tpu.vector_load %arg14[%get3A_469, %get3A_470] {strides = array<i32>} : memref<128x32xi32, #tpu.memory_space<vmem>>, vector<16xi32>,
        %bitcast3A_472 = vector.bitcast %get3A_471 : vector<16xi32> to vector<32xbf16>
        %get3A_473 = arith.index_cast %add3A_466 : i32 to index
        %get3A_474 = arith.constant 0 : index
        %get3A_475 = tpu.vector_load %arg18[%get3A_473, %get3A_474] {strides = array<i32>} : memref<128x32xi32, #tpu.memory_space<vmem>>, vector<16xi32>,
        %bitcast3A_476 = vector.bitcast %get3A_475 : vector<16xi32> to vector<32xbf16>
        %unpack3A_477 = tpu.unpack_subelements %bitcast3A_472, 0 {pack_format = #tpu.pack_format<interleaved>} : vector<32xbf16> -> vector<16xf32>
        %unpack3A_478 = tpu.unpack_subelements %bitcast3A_472, 1 {pack_format = #tpu.pack_format<interleaved>} : vector<32xbf16> -> vector<16xf32>
        %unpack3A_479 = tpu.unpack_subelements %bitcast3A_476, 0 {pack_format = #tpu.pack_format<interleaved>} : vector<32xbf16> -> vector<16xf32>
        %unpack3A_480 = tpu.unpack_subelements %bitcast3A_476, 1 {pack_format = #tpu.pack_format<interleaved>} : vector<32xbf16> -> vector<16xf32>
        %add3A_481 = arith.addf %unpack3A_477, %unpack3A_479 : vector<16xf32>
        %max3A_482 = arith.constant 0.000000e+00 : f32
        %max3A_483 = vector.broadcast %max3A_482 : f32 to vector<16xf32>
        %max3A_484 = arith.maximumf %add3A_481, %max3A_483 : vector<16xf32>
        %mul3A_485 = arith.mulf %max3A_484, %get3A_115 : vector<16xf32>
        %add3A_486 = arith.addf %broadcast_in_dim3A_468, %mul3A_485 : vector<16xf32>
        %add3A_487 = arith.addf %unpack3A_478, %unpack3A_480 : vector<16xf32>
        %max3A_488 = arith.constant 0.000000e+00 : f32
        %max3A_489 = vector.broadcast %max3A_488 : f32 to vector<16xf32>
        %max3A_490 = arith.maximumf %add3A_487, %max3A_489 : vector<16xf32>
        %mul3A_491 = arith.mulf %max3A_490, %get3A_119 : vector<16xf32>
        %add3A_492 = arith.addf %add3A_486, %mul3A_491 : vector<16xf32>
        %get3A_493 = arith.index_cast %add3A_466 : i32 to index
        %get3A_494 = arith.constant 16 : index
        %get3A_495 = tpu.vector_load %arg14[%get3A_493, %get3A_494] {strides = array<i32>} : memref<128x32xi32, #tpu.memory_space<vmem>>, vector<16xi32>,
        %bitcast3A_496 = vector.bitcast %get3A_495 : vector<16xi32> to vector<32xbf16>
        %get3A_497 = arith.index_cast %add3A_466 : i32 to index
        %get3A_498 = arith.constant 16 : index
        %get3A_499 = tpu.vector_load %arg18[%get3A_497, %get3A_498] {strides = array<i32>} : memref<128x32xi32, #tpu.memory_space<vmem>>, vector<16xi32>,
        %bitcast3A_500 = vector.bitcast %get3A_499 : vector<16xi32> to vector<32xbf16>
        %unpack3A_501 = tpu.unpack_subelements %bitcast3A_496, 0 {pack_format = #tpu.pack_format<interleaved>} : vector<32xbf16> -> vector<16xf32>
        %unpack3A_502 = tpu.unpack_subelements %bitcast3A_496, 1 {pack_format = #tpu.pack_format<interleaved>} : vector<32xbf16> -> vector<16xf32>
        %unpack3A_503 = tpu.unpack_subelements %bitcast3A_500, 0 {pack_format = #tpu.pack_format<interleaved>} : vector<32xbf16> -> vector<16xf32>
        %unpack3A_504 = tpu.unpack_subelements %bitcast3A_500, 1 {pack_format = #tpu.pack_format<interleaved>} : vector<32xbf16> -> vector<16xf32>
        %add3A_505 = arith.addf %unpack3A_501, %unpack3A_503 : vector<16xf32>
        %max3A_506 = arith.constant 0.000000e+00 : f32
        %max3A_507 = vector.broadcast %max3A_506 : f32 to vector<16xf32>
        %max3A_508 = arith.maximumf %add3A_505, %max3A_507 : vector<16xf32>
        %mul3A_509 = arith.mulf %max3A_508, %get3A_123 : vector<16xf32>
        %add3A_510 = arith.addf %add3A_492, %mul3A_509 : vector<16xf32>
        %add3A_511 = arith.addf %unpack3A_502, %unpack3A_504 : vector<16xf32>
        %max3A_512 = arith.constant 0.000000e+00 : f32
        %max3A_513 = vector.broadcast %max3A_512 : f32 to vector<16xf32>
        %max3A_514 = arith.maximumf %add3A_511, %max3A_513 : vector<16xf32>
        %mul3A_515 = arith.mulf %max3A_514, %get3A_127 : vector<16xf32>
        %add3A_516 = arith.addf %add3A_510, %mul3A_515 : vector<16xf32>
        %broadcast_in_dim3A_517 = arith.constant true
        %broadcast_in_dim3A_518 = vector.broadcast %broadcast_in_dim3A_517 : i1 to vector<16xi1>
        %masked_cumsum3A_519 = tpu.scan <sum>, %add3A_516 masked %broadcast_in_dim3A_518 : vector<16xf32>, vector<16xi1> -> vector<16xf32>
        %add3A_520 = arith.constant 4 : i32
        %add3A_521 = vector.broadcast %add3A_520 : i32 to vector<16xi32>
        %add3A_522 = arith.addi %broadcast_in_dim3A, %add3A_521 : vector<16xi32>
        tpu.vector_store_idx %arg12[%add3A_522], %masked_cumsum3A_519 masked %eq3A_4 : memref<5120xf32, #tpu.memory_space<vmem>>[vector<16xi32>], vector<16xf32>, vector<16xi1>
        %add3A_523 = arith.constant 5 : i32
        %add3A_524 = arith.addi %mul3A_233, %add3A_523 : i32
        %broadcast_in_dim3A_525 = arith.constant 0.000000e+00 : f32
        %broadcast_in_dim3A_526 = vector.broadcast %broadcast_in_dim3A_525 : f32 to vector<16xf32>
        %get3A_527 = arith.index_cast %add3A_524 : i32 to index
        %get3A_528 = arith.constant 0 : index
        %get3A_529 = tpu.vector_load %arg14[%get3A_527, %get3A_528] {strides = array<i32>} : memref<128x32xi32, #tpu.memory_space<vmem>>, vector<16xi32>,
        %bitcast3A_530 = vector.bitcast %get3A_529 : vector<16xi32> to vector<32xbf16>
        %get3A_531 = arith.index_cast %add3A_524 : i32 to index
        %get3A_532 = arith.constant 0 : index
        %get3A_533 = tpu.vector_load %arg18[%get3A_531, %get3A_532] {strides = array<i32>} : memref<128x32xi32, #tpu.memory_space<vmem>>, vector<16xi32>,
        %bitcast3A_534 = vector.bitcast %get3A_533 : vector<16xi32> to vector<32xbf16>
        %unpack3A_535 = tpu.unpack_subelements %bitcast3A_530, 0 {pack_format = #tpu.pack_format<interleaved>} : vector<32xbf16> -> vector<16xf32>
        %unpack3A_536 = tpu.unpack_subelements %bitcast3A_530, 1 {pack_format = #tpu.pack_format<interleaved>} : vector<32xbf16> -> vector<16xf32>
        %unpack3A_537 = tpu.unpack_subelements %bitcast3A_534, 0 {pack_format = #tpu.pack_format<interleaved>} : vector<32xbf16> -> vector<16xf32>
        %unpack3A_538 = tpu.unpack_subelements %bitcast3A_534, 1 {pack_format = #tpu.pack_format<interleaved>} : vector<32xbf16> -> vector<16xf32>
        %add3A_539 = arith.addf %unpack3A_535, %unpack3A_537 : vector<16xf32>
        %max3A_540 = arith.constant 0.000000e+00 : f32
        %max3A_541 = vector.broadcast %max3A_540 : f32 to vector<16xf32>
        %max3A_542 = arith.maximumf %add3A_539, %max3A_541 : vector<16xf32>
        %mul3A_543 = arith.mulf %max3A_542, %get3A_115 : vector<16xf32>
        %add3A_544 = arith.addf %broadcast_in_dim3A_526, %mul3A_543 : vector<16xf32>
        %add3A_545 = arith.addf %unpack3A_536, %unpack3A_538 : vector<16xf32>
        %max3A_546 = arith.constant 0.000000e+00 : f32
        %max3A_547 = vector.broadcast %max3A_546 : f32 to vector<16xf32>
        %max3A_548 = arith.maximumf %add3A_545, %max3A_547 : vector<16xf32>
        %mul3A_549 = arith.mulf %max3A_548, %get3A_119 : vector<16xf32>
        %add3A_550 = arith.addf %add3A_544, %mul3A_549 : vector<16xf32>
        %get3A_551 = arith.index_cast %add3A_524 : i32 to index
        %get3A_552 = arith.constant 16 : index
        %get3A_553 = tpu.vector_load %arg14[%get3A_551, %get3A_552] {strides = array<i32>} : memref<128x32xi32, #tpu.memory_space<vmem>>, vector<16xi32>,
        %bitcast3A_554 = vector.bitcast %get3A_553 : vector<16xi32> to vector<32xbf16>
        %get3A_555 = arith.index_cast %add3A_524 : i32 to index
        %get3A_556 = arith.constant 16 : index
        %get3A_557 = tpu.vector_load %arg18[%get3A_555, %get3A_556] {strides = array<i32>} : memref<128x32xi32, #tpu.memory_space<vmem>>, vector<16xi32>,
        %bitcast3A_558 = vector.bitcast %get3A_557 : vector<16xi32> to vector<32xbf16>
        %unpack3A_559 = tpu.unpack_subelements %bitcast3A_554, 0 {pack_format = #tpu.pack_format<interleaved>} : vector<32xbf16> -> vector<16xf32>
        %unpack3A_560 = tpu.unpack_subelements %bitcast3A_554, 1 {pack_format = #tpu.pack_format<interleaved>} : vector<32xbf16> -> vector<16xf32>
        %unpack3A_561 = tpu.unpack_subelements %bitcast3A_558, 0 {pack_format = #tpu.pack_format<interleaved>} : vector<32xbf16> -> vector<16xf32>
        %unpack3A_562 = tpu.unpack_subelements %bitcast3A_558, 1 {pack_format = #tpu.pack_format<interleaved>} : vector<32xbf16> -> vector<16xf32>
        %add3A_563 = arith.addf %unpack3A_559, %unpack3A_561 : vector<16xf32>
        %max3A_564 = arith.constant 0.000000e+00 : f32
        %max3A_565 = vector.broadcast %max3A_564 : f32 to vector<16xf32>
        %max3A_566 = arith.maximumf %add3A_563, %max3A_565 : vector<16xf32>
        %mul3A_567 = arith.mulf %max3A_566, %get3A_123 : vector<16xf32>
        %add3A_568 = arith.addf %add3A_550, %mul3A_567 : vector<16xf32>
        %add3A_569 = arith.addf %unpack3A_560, %unpack3A_562 : vector<16xf32>
        %max3A_570 = arith.constant 0.000000e+00 : f32
        %max3A_571 = vector.broadcast %max3A_570 : f32 to vector<16xf32>
        %max3A_572 = arith.maximumf %add3A_569, %max3A_571 : vector<16xf32>
        %mul3A_573 = arith.mulf %max3A_572, %get3A_127 : vector<16xf32>
        %add3A_574 = arith.addf %add3A_568, %mul3A_573 : vector<16xf32>
        %broadcast_in_dim3A_575 = arith.constant true
        %broadcast_in_dim3A_576 = vector.broadcast %broadcast_in_dim3A_575 : i1 to vector<16xi1>
        %masked_cumsum3A_577 = tpu.scan <sum>, %add3A_574 masked %broadcast_in_dim3A_576 : vector<16xf32>, vector<16xi1> -> vector<16xf32>
        %add3A_578 = arith.constant 5 : i32
        %add3A_579 = vector.broadcast %add3A_578 : i32 to vector<16xi32>
        %add3A_580 = arith.addi %broadcast_in_dim3A, %add3A_579 : vector<16xi32>
        tpu.vector_store_idx %arg12[%add3A_580], %masked_cumsum3A_577 masked %eq3A_4 : memref<5120xf32, #tpu.memory_space<vmem>>[vector<16xi32>], vector<16xf32>, vector<16xi1>
        %add3A_581 = arith.constant 6 : i32
        %add3A_582 = arith.addi %mul3A_233, %add3A_581 : i32
        %broadcast_in_dim3A_583 = arith.constant 0.000000e+00 : f32
        %broadcast_in_dim3A_584 = vector.broadcast %broadcast_in_dim3A_583 : f32 to vector<16xf32>
        %get3A_585 = arith.index_cast %add3A_582 : i32 to index
        %get3A_586 = arith.constant 0 : index
        %get3A_587 = tpu.vector_load %arg14[%get3A_585, %get3A_586] {strides = array<i32>} : memref<128x32xi32, #tpu.memory_space<vmem>>, vector<16xi32>,
        %bitcast3A_588 = vector.bitcast %get3A_587 : vector<16xi32> to vector<32xbf16>
        %get3A_589 = arith.index_cast %add3A_582 : i32 to index
        %get3A_590 = arith.constant 0 : index
        %get3A_591 = tpu.vector_load %arg18[%get3A_589, %get3A_590] {strides = array<i32>} : memref<128x32xi32, #tpu.memory_space<vmem>>, vector<16xi32>,
        %bitcast3A_592 = vector.bitcast %get3A_591 : vector<16xi32> to vector<32xbf16>
        %unpack3A_593 = tpu.unpack_subelements %bitcast3A_588, 0 {pack_format = #tpu.pack_format<interleaved>} : vector<32xbf16> -> vector<16xf32>
        %unpack3A_594 = tpu.unpack_subelements %bitcast3A_588, 1 {pack_format = #tpu.pack_format<interleaved>} : vector<32xbf16> -> vector<16xf32>
        %unpack3A_595 = tpu.unpack_subelements %bitcast3A_592, 0 {pack_format = #tpu.pack_format<interleaved>} : vector<32xbf16> -> vector<16xf32>
        %unpack3A_596 = tpu.unpack_subelements %bitcast3A_592, 1 {pack_format = #tpu.pack_format<interleaved>} : vector<32xbf16> -> vector<16xf32>
        %add3A_597 = arith.addf %unpack3A_593, %unpack3A_595 : vector<16xf32>
        %max3A_598 = arith.constant 0.000000e+00 : f32
        %max3A_599 = vector.broadcast %max3A_598 : f32 to vector<16xf32>
        %max3A_600 = arith.maximumf %add3A_597, %max3A_599 : vector<16xf32>
        %mul3A_601 = arith.mulf %max3A_600, %get3A_115 : vector<16xf32>
        %add3A_602 = arith.addf %broadcast_in_dim3A_584, %mul3A_601 : vector<16xf32>
        %add3A_603 = arith.addf %unpack3A_594, %unpack3A_596 : vector<16xf32>
        %max3A_604 = arith.constant 0.000000e+00 : f32
        %max3A_605 = vector.broadcast %max3A_604 : f32 to vector<16xf32>
        %max3A_606 = arith.maximumf %add3A_603, %max3A_605 : vector<16xf32>
        %mul3A_607 = arith.mulf %max3A_606, %get3A_119 : vector<16xf32>
        %add3A_608 = arith.addf %add3A_602, %mul3A_607 : vector<16xf32>
        %get3A_609 = arith.index_cast %add3A_582 : i32 to index
        %get3A_610 = arith.constant 16 : index
        %get3A_611 = tpu.vector_load %arg14[%get3A_609, %get3A_610] {strides = array<i32>} : memref<128x32xi32, #tpu.memory_space<vmem>>, vector<16xi32>,
        %bitcast3A_612 = vector.bitcast %get3A_611 : vector<16xi32> to vector<32xbf16>
        %get3A_613 = arith.index_cast %add3A_582 : i32 to index
        %get3A_614 = arith.constant 16 : index
        %get3A_615 = tpu.vector_load %arg18[%get3A_613, %get3A_614] {strides = array<i32>} : memref<128x32xi32, #tpu.memory_space<vmem>>, vector<16xi32>,
        %bitcast3A_616 = vector.bitcast %get3A_615 : vector<16xi32> to vector<32xbf16>
        %unpack3A_617 = tpu.unpack_subelements %bitcast3A_612, 0 {pack_format = #tpu.pack_format<interleaved>} : vector<32xbf16> -> vector<16xf32>
        %unpack3A_618 = tpu.unpack_subelements %bitcast3A_612, 1 {pack_format = #tpu.pack_format<interleaved>} : vector<32xbf16> -> vector<16xf32>
        %unpack3A_619 = tpu.unpack_subelements %bitcast3A_616, 0 {pack_format = #tpu.pack_format<interleaved>} : vector<32xbf16> -> vector<16xf32>
        %unpack3A_620 = tpu.unpack_subelements %bitcast3A_616, 1 {pack_format = #tpu.pack_format<interleaved>} : vector<32xbf16> -> vector<16xf32>
        %add3A_621 = arith.addf %unpack3A_617, %unpack3A_619 : vector<16xf32>
        %max3A_622 = arith.constant 0.000000e+00 : f32
        %max3A_623 = vector.broadcast %max3A_622 : f32 to vector<16xf32>
        %max3A_624 = arith.maximumf %add3A_621, %max3A_623 : vector<16xf32>
        %mul3A_625 = arith.mulf %max3A_624, %get3A_123 : vector<16xf32>
        %add3A_626 = arith.addf %add3A_608, %mul3A_625 : vector<16xf32>
        %add3A_627 = arith.addf %unpack3A_618, %unpack3A_620 : vector<16xf32>
        %max3A_628 = arith.constant 0.000000e+00 : f32
        %max3A_629 = vector.broadcast %max3A_628 : f32 to vector<16xf32>
        %max3A_630 = arith.maximumf %add3A_627, %max3A_629 : vector<16xf32>
        %mul3A_631 = arith.mulf %max3A_630, %get3A_127 : vector<16xf32>
        %add3A_632 = arith.addf %add3A_626, %mul3A_631 : vector<16xf32>
        %broadcast_in_dim3A_633 = arith.constant true
        %broadcast_in_dim3A_634 = vector.broadcast %broadcast_in_dim3A_633 : i1 to vector<16xi1>
        %masked_cumsum3A_635 = tpu.scan <sum>, %add3A_632 masked %broadcast_in_dim3A_634 : vector<16xf32>, vector<16xi1> -> vector<16xf32>
        %add3A_636 = arith.constant 6 : i32
        %add3A_637 = vector.broadcast %add3A_636 : i32 to vector<16xi32>
        %add3A_638 = arith.addi %broadcast_in_dim3A, %add3A_637 : vector<16xi32>
        tpu.vector_store_idx %arg12[%add3A_638], %masked_cumsum3A_635 masked %eq3A_4 : memref<5120xf32, #tpu.memory_space<vmem>>[vector<16xi32>], vector<16xf32>, vector<16xi1>
        %add3A_639 = arith.constant 7 : i32
        %add3A_640 = arith.addi %mul3A_233, %add3A_639 : i32
        %broadcast_in_dim3A_641 = arith.constant 0.000000e+00 : f32
        %broadcast_in_dim3A_642 = vector.broadcast %broadcast_in_dim3A_641 : f32 to vector<16xf32>
        %get3A_643 = arith.index_cast %add3A_640 : i32 to index
        %get3A_644 = arith.constant 0 : index
        %get3A_645 = tpu.vector_load %arg14[%get3A_643, %get3A_644] {strides = array<i32>} : memref<128x32xi32, #tpu.memory_space<vmem>>, vector<16xi32>,
        %bitcast3A_646 = vector.bitcast %get3A_645 : vector<16xi32> to vector<32xbf16>
        %get3A_647 = arith.index_cast %add3A_640 : i32 to index
        %get3A_648 = arith.constant 0 : index
        %get3A_649 = tpu.vector_load %arg18[%get3A_647, %get3A_648] {strides = array<i32>} : memref<128x32xi32, #tpu.memory_space<vmem>>, vector<16xi32>,
        %bitcast3A_650 = vector.bitcast %get3A_649 : vector<16xi32> to vector<32xbf16>
        %unpack3A_651 = tpu.unpack_subelements %bitcast3A_646, 0 {pack_format = #tpu.pack_format<interleaved>} : vector<32xbf16> -> vector<16xf32>
        %unpack3A_652 = tpu.unpack_subelements %bitcast3A_646, 1 {pack_format = #tpu.pack_format<interleaved>} : vector<32xbf16> -> vector<16xf32>
        %unpack3A_653 = tpu.unpack_subelements %bitcast3A_650, 0 {pack_format = #tpu.pack_format<interleaved>} : vector<32xbf16> -> vector<16xf32>
        %unpack3A_654 = tpu.unpack_subelements %bitcast3A_650, 1 {pack_format = #tpu.pack_format<interleaved>} : vector<32xbf16> -> vector<16xf32>
        %add3A_655 = arith.addf %unpack3A_651, %unpack3A_653 : vector<16xf32>
        %max3A_656 = arith.constant 0.000000e+00 : f32
        %max3A_657 = vector.broadcast %max3A_656 : f32 to vector<16xf32>
        %max3A_658 = arith.maximumf %add3A_655, %max3A_657 : vector<16xf32>
        %mul3A_659 = arith.mulf %max3A_658, %get3A_115 : vector<16xf32>
        %add3A_660 = arith.addf %broadcast_in_dim3A_642, %mul3A_659 : vector<16xf32>
        %add3A_661 = arith.addf %unpack3A_652, %unpack3A_654 : vector<16xf32>
        %max3A_662 = arith.constant 0.000000e+00 : f32
        %max3A_663 = vector.broadcast %max3A_662 : f32 to vector<16xf32>
        %max3A_664 = arith.maximumf %add3A_661, %max3A_663 : vector<16xf32>
        %mul3A_665 = arith.mulf %max3A_664, %get3A_119 : vector<16xf32>
        %add3A_666 = arith.addf %add3A_660, %mul3A_665 : vector<16xf32>
        %get3A_667 = arith.index_cast %add3A_640 : i32 to index
        %get3A_668 = arith.constant 16 : index
        %get3A_669 = tpu.vector_load %arg14[%get3A_667, %get3A_668] {strides = array<i32>} : memref<128x32xi32, #tpu.memory_space<vmem>>, vector<16xi32>,
        %bitcast3A_670 = vector.bitcast %get3A_669 : vector<16xi32> to vector<32xbf16>
        %get3A_671 = arith.index_cast %add3A_640 : i32 to index
        %get3A_672 = arith.constant 16 : index
        %get3A_673 = tpu.vector_load %arg18[%get3A_671, %get3A_672] {strides = array<i32>} : memref<128x32xi32, #tpu.memory_space<vmem>>, vector<16xi32>,
        %bitcast3A_674 = vector.bitcast %get3A_673 : vector<16xi32> to vector<32xbf16>
        %unpack3A_675 = tpu.unpack_subelements %bitcast3A_670, 0 {pack_format = #tpu.pack_format<interleaved>} : vector<32xbf16> -> vector<16xf32>
        %unpack3A_676 = tpu.unpack_subelements %bitcast3A_670, 1 {pack_format = #tpu.pack_format<interleaved>} : vector<32xbf16> -> vector<16xf32>
        %unpack3A_677 = tpu.unpack_subelements %bitcast3A_674, 0 {pack_format = #tpu.pack_format<interleaved>} : vector<32xbf16> -> vector<16xf32>
        %unpack3A_678 = tpu.unpack_subelements %bitcast3A_674, 1 {pack_format = #tpu.pack_format<interleaved>} : vector<32xbf16> -> vector<16xf32>
        %add3A_679 = arith.addf %unpack3A_675, %unpack3A_677 : vector<16xf32>
        %max3A_680 = arith.constant 0.000000e+00 : f32
        %max3A_681 = vector.broadcast %max3A_680 : f32 to vector<16xf32>
        %max3A_682 = arith.maximumf %add3A_679, %max3A_681 : vector<16xf32>
        %mul3A_683 = arith.mulf %max3A_682, %get3A_123 : vector<16xf32>
        %add3A_684 = arith.addf %add3A_666, %mul3A_683 : vector<16xf32>
        %add3A_685 = arith.addf %unpack3A_676, %unpack3A_678 : vector<16xf32>
        %max3A_686 = arith.constant 0.000000e+00 : f32
        %max3A_687 = vector.broadcast %max3A_686 : f32 to vector<16xf32>
        %max3A_688 = arith.maximumf %add3A_685, %max3A_687 : vector<16xf32>
        %mul3A_689 = arith.mulf %max3A_688, %get3A_127 : vector<16xf32>
        %add3A_690 = arith.addf %add3A_684, %mul3A_689 : vector<16xf32>
        %broadcast_in_dim3A_691 = arith.constant true
        %broadcast_in_dim3A_692 = vector.broadcast %broadcast_in_dim3A_691 : i1 to vector<16xi1>
        %masked_cumsum3A_693 = tpu.scan <sum>, %add3A_690 masked %broadcast_in_dim3A_692 : vector<16xf32>, vector<16xi1> -> vector<16xf32>
        %add3A_694 = arith.constant 7 : i32
        %add3A_695 = vector.broadcast %add3A_694 : i32 to vector<16xi32>
        %add3A_696 = arith.addi %broadcast_in_dim3A, %add3A_695 : vector<16xi32>
        tpu.vector_store_idx %arg12[%add3A_696], %masked_cumsum3A_693 masked %eq3A_4 : memref<5120xf32, #tpu.memory_space<vmem>>[vector<16xi32>], vector<16xf32>, vector<16xi1>
        %add3A_697 = arith.constant 8 : i32
        %add3A_698 = arith.addi %mul3A_233, %add3A_697 : i32
        %broadcast_in_dim3A_699 = arith.constant 0.000000e+00 : f32
        %broadcast_in_dim3A_700 = vector.broadcast %broadcast_in_dim3A_699 : f32 to vector<16xf32>
        %get3A_701 = arith.index_cast %add3A_698 : i32 to index
        %get3A_702 = arith.constant 0 : index
        %get3A_703 = tpu.vector_load %arg14[%get3A_701, %get3A_702] {strides = array<i32>} : memref<128x32xi32, #tpu.memory_space<vmem>>, vector<16xi32>,
        %bitcast3A_704 = vector.bitcast %get3A_703 : vector<16xi32> to vector<32xbf16>
        %get3A_705 = arith.index_cast %add3A_698 : i32 to index
        %get3A_706 = arith.constant 0 : index
        %get3A_707 = tpu.vector_load %arg18[%get3A_705, %get3A_706] {strides = array<i32>} : memref<128x32xi32, #tpu.memory_space<vmem>>, vector<16xi32>,
        %bitcast3A_708 = vector.bitcast %get3A_707 : vector<16xi32> to vector<32xbf16>
        %unpack3A_709 = tpu.unpack_subelements %bitcast3A_704, 0 {pack_format = #tpu.pack_format<interleaved>} : vector<32xbf16> -> vector<16xf32>
        %unpack3A_710 = tpu.unpack_subelements %bitcast3A_704, 1 {pack_format = #tpu.pack_format<interleaved>} : vector<32xbf16> -> vector<16xf32>
        %unpack3A_711 = tpu.unpack_subelements %bitcast3A_708, 0 {pack_format = #tpu.pack_format<interleaved>} : vector<32xbf16> -> vector<16xf32>
        %unpack3A_712 = tpu.unpack_subelements %bitcast3A_708, 1 {pack_format = #tpu.pack_format<interleaved>} : vector<32xbf16> -> vector<16xf32>
        %add3A_713 = arith.addf %unpack3A_709, %unpack3A_711 : vector<16xf32>
        %max3A_714 = arith.constant 0.000000e+00 : f32
        %max3A_715 = vector.broadcast %max3A_714 : f32 to vector<16xf32>
        %max3A_716 = arith.maximumf %add3A_713, %max3A_715 : vector<16xf32>
        %mul3A_717 = arith.mulf %max3A_716, %get3A_115 : vector<16xf32>
        %add3A_718 = arith.addf %broadcast_in_dim3A_700, %mul3A_717 : vector<16xf32>
        %add3A_719 = arith.addf %unpack3A_710, %unpack3A_712 : vector<16xf32>
        %max3A_720 = arith.constant 0.000000e+00 : f32
        %max3A_721 = vector.broadcast %max3A_720 : f32 to vector<16xf32>
        %max3A_722 = arith.maximumf %add3A_719, %max3A_721 : vector<16xf32>
        %mul3A_723 = arith.mulf %max3A_722, %get3A_119 : vector<16xf32>
        %add3A_724 = arith.addf %add3A_718, %mul3A_723 : vector<16xf32>
        %get3A_725 = arith.index_cast %add3A_698 : i32 to index
        %get3A_726 = arith.constant 16 : index
        %get3A_727 = tpu.vector_load %arg14[%get3A_725, %get3A_726] {strides = array<i32>} : memref<128x32xi32, #tpu.memory_space<vmem>>, vector<16xi32>,
        %bitcast3A_728 = vector.bitcast %get3A_727 : vector<16xi32> to vector<32xbf16>
        %get3A_729 = arith.index_cast %add3A_698 : i32 to index
        %get3A_730 = arith.constant 16 : index
        %get3A_731 = tpu.vector_load %arg18[%get3A_729, %get3A_730] {strides = array<i32>} : memref<128x32xi32, #tpu.memory_space<vmem>>, vector<16xi32>,
        %bitcast3A_732 = vector.bitcast %get3A_731 : vector<16xi32> to vector<32xbf16>
        %unpack3A_733 = tpu.unpack_subelements %bitcast3A_728, 0 {pack_format = #tpu.pack_format<interleaved>} : vector<32xbf16> -> vector<16xf32>
        %unpack3A_734 = tpu.unpack_subelements %bitcast3A_728, 1 {pack_format = #tpu.pack_format<interleaved>} : vector<32xbf16> -> vector<16xf32>
        %unpack3A_735 = tpu.unpack_subelements %bitcast3A_732, 0 {pack_format = #tpu.pack_format<interleaved>} : vector<32xbf16> -> vector<16xf32>
        %unpack3A_736 = tpu.unpack_subelements %bitcast3A_732, 1 {pack_format = #tpu.pack_format<interleaved>} : vector<32xbf16> -> vector<16xf32>
        %add3A_737 = arith.addf %unpack3A_733, %unpack3A_735 : vector<16xf32>
        %max3A_738 = arith.constant 0.000000e+00 : f32
        %max3A_739 = vector.broadcast %max3A_738 : f32 to vector<16xf32>
        %max3A_740 = arith.maximumf %add3A_737, %max3A_739 : vector<16xf32>
        %mul3A_741 = arith.mulf %max3A_740, %get3A_123 : vector<16xf32>
        %add3A_742 = arith.addf %add3A_724, %mul3A_741 : vector<16xf32>
        %add3A_743 = arith.addf %unpack3A_734, %unpack3A_736 : vector<16xf32>
        %max3A_744 = arith.constant 0.000000e+00 : f32
        %max3A_745 = vector.broadcast %max3A_744 : f32 to vector<16xf32>
        %max3A_746 = arith.maximumf %add3A_743, %max3A_745 : vector<16xf32>
        %mul3A_747 = arith.mulf %max3A_746, %get3A_127 : vector<16xf32>
        %add3A_748 = arith.addf %add3A_742, %mul3A_747 : vector<16xf32>
        %broadcast_in_dim3A_749 = arith.constant true
        %broadcast_in_dim3A_750 = vector.broadcast %broadcast_in_dim3A_749 : i1 to vector<16xi1>
        %masked_cumsum3A_751 = tpu.scan <sum>, %add3A_748 masked %broadcast_in_dim3A_750 : vector<16xf32>, vector<16xi1> -> vector<16xf32>
        %add3A_752 = arith.constant 8 : i32
        %add3A_753 = vector.broadcast %add3A_752 : i32 to vector<16xi32>
        %add3A_754 = arith.addi %broadcast_in_dim3A, %add3A_753 : vector<16xi32>
        tpu.vector_store_idx %arg12[%add3A_754], %masked_cumsum3A_751 masked %eq3A_4 : memref<5120xf32, #tpu.memory_space<vmem>>[vector<16xi32>], vector<16xf32>, vector<16xi1>
        %add3A_755 = arith.constant 9 : i32
        %add3A_756 = arith.addi %mul3A_233, %add3A_755 : i32
        %broadcast_in_dim3A_757 = arith.constant 0.000000e+00 : f32
        %broadcast_in_dim3A_758 = vector.broadcast %broadcast_in_dim3A_757 : f32 to vector<16xf32>
        %get3A_759 = arith.index_cast %add3A_756 : i32 to index
        %get3A_760 = arith.constant 0 : index
        %get3A_761 = tpu.vector_load %arg14[%get3A_759, %get3A_760] {strides = array<i32>} : memref<128x32xi32, #tpu.memory_space<vmem>>, vector<16xi32>,
        %bitcast3A_762 = vector.bitcast %get3A_761 : vector<16xi32> to vector<32xbf16>
        %get3A_763 = arith.index_cast %add3A_756 : i32 to index
        %get3A_764 = arith.constant 0 : index
        %get3A_765 = tpu.vector_load %arg18[%get3A_763, %get3A_764] {strides = array<i32>} : memref<128x32xi32, #tpu.memory_space<vmem>>, vector<16xi32>,
        %bitcast3A_766 = vector.bitcast %get3A_765 : vector<16xi32> to vector<32xbf16>
        %unpack3A_767 = tpu.unpack_subelements %bitcast3A_762, 0 {pack_format = #tpu.pack_format<interleaved>} : vector<32xbf16> -> vector<16xf32>
        %unpack3A_768 = tpu.unpack_subelements %bitcast3A_762, 1 {pack_format = #tpu.pack_format<interleaved>} : vector<32xbf16> -> vector<16xf32>
        %unpack3A_769 = tpu.unpack_subelements %bitcast3A_766, 0 {pack_format = #tpu.pack_format<interleaved>} : vector<32xbf16> -> vector<16xf32>
        %unpack3A_770 = tpu.unpack_subelements %bitcast3A_766, 1 {pack_format = #tpu.pack_format<interleaved>} : vector<32xbf16> -> vector<16xf32>
        %add3A_771 = arith.addf %unpack3A_767, %unpack3A_769 : vector<16xf32>
        %max3A_772 = arith.constant 0.000000e+00 : f32
        %max3A_773 = vector.broadcast %max3A_772 : f32 to vector<16xf32>
        %max3A_774 = arith.maximumf %add3A_771, %max3A_773 : vector<16xf32>
        %mul3A_775 = arith.mulf %max3A_774, %get3A_115 : vector<16xf32>
        %add3A_776 = arith.addf %broadcast_in_dim3A_758, %mul3A_775 : vector<16xf32>
        %add3A_777 = arith.addf %unpack3A_768, %unpack3A_770 : vector<16xf32>
        %max3A_778 = arith.constant 0.000000e+00 : f32
        %max3A_779 = vector.broadcast %max3A_778 : f32 to vector<16xf32>
        %max3A_780 = arith.maximumf %add3A_777, %max3A_779 : vector<16xf32>
        %mul3A_781 = arith.mulf %max3A_780, %get3A_119 : vector<16xf32>
        %add3A_782 = arith.addf %add3A_776, %mul3A_781 : vector<16xf32>
        %get3A_783 = arith.index_cast %add3A_756 : i32 to index
        %get3A_784 = arith.constant 16 : index
        %get3A_785 = tpu.vector_load %arg14[%get3A_783, %get3A_784] {strides = array<i32>} : memref<128x32xi32, #tpu.memory_space<vmem>>, vector<16xi32>,
        %bitcast3A_786 = vector.bitcast %get3A_785 : vector<16xi32> to vector<32xbf16>
        %get3A_787 = arith.index_cast %add3A_756 : i32 to index
        %get3A_788 = arith.constant 16 : index
        %get3A_789 = tpu.vector_load %arg18[%get3A_787, %get3A_788] {strides = array<i32>} : memref<128x32xi32, #tpu.memory_space<vmem>>, vector<16xi32>,
        %bitcast3A_790 = vector.bitcast %get3A_789 : vector<16xi32> to vector<32xbf16>
        %unpack3A_791 = tpu.unpack_subelements %bitcast3A_786, 0 {pack_format = #tpu.pack_format<interleaved>} : vector<32xbf16> -> vector<16xf32>
        %unpack3A_792 = tpu.unpack_subelements %bitcast3A_786, 1 {pack_format = #tpu.pack_format<interleaved>} : vector<32xbf16> -> vector<16xf32>
        %unpack3A_793 = tpu.unpack_subelements %bitcast3A_790, 0 {pack_format = #tpu.pack_format<interleaved>} : vector<32xbf16> -> vector<16xf32>
        %unpack3A_794 = tpu.unpack_subelements %bitcast3A_790, 1 {pack_format = #tpu.pack_format<interleaved>} : vector<32xbf16> -> vector<16xf32>
        %add3A_795 = arith.addf %unpack3A_791, %unpack3A_793 : vector<16xf32>
        %max3A_796 = arith.constant 0.000000e+00 : f32
        %max3A_797 = vector.broadcast %max3A_796 : f32 to vector<16xf32>
        %max3A_798 = arith.maximumf %add3A_795, %max3A_797 : vector<16xf32>
        %mul3A_799 = arith.mulf %max3A_798, %get3A_123 : vector<16xf32>
        %add3A_800 = arith.addf %add3A_782, %mul3A_799 : vector<16xf32>
        %add3A_801 = arith.addf %unpack3A_792, %unpack3A_794 : vector<16xf32>
        %max3A_802 = arith.constant 0.000000e+00 : f32
        %max3A_803 = vector.broadcast %max3A_802 : f32 to vector<16xf32>
        %max3A_804 = arith.maximumf %add3A_801, %max3A_803 : vector<16xf32>
        %mul3A_805 = arith.mulf %max3A_804, %get3A_127 : vector<16xf32>
        %add3A_806 = arith.addf %add3A_800, %mul3A_805 : vector<16xf32>
        %broadcast_in_dim3A_807 = arith.constant true
        %broadcast_in_dim3A_808 = vector.broadcast %broadcast_in_dim3A_807 : i1 to vector<16xi1>
        %masked_cumsum3A_809 = tpu.scan <sum>, %add3A_806 masked %broadcast_in_dim3A_808 : vector<16xf32>, vector<16xi1> -> vector<16xf32>
        %add3A_810 = arith.constant 9 : i32
        %add3A_811 = vector.broadcast %add3A_810 : i32 to vector<16xi32>
        %add3A_812 = arith.addi %broadcast_in_dim3A, %add3A_811 : vector<16xi32>
        tpu.vector_store_idx %arg12[%add3A_812], %masked_cumsum3A_809 masked %eq3A_4 : memref<5120xf32, #tpu.memory_space<vmem>>[vector<16xi32>], vector<16xf32>, vector<16xi1>
        %add3A_813 = arith.constant 10 : i32
        %add3A_814 = arith.addi %mul3A_233, %add3A_813 : i32
        %broadcast_in_dim3A_815 = arith.constant 0.000000e+00 : f32
        %broadcast_in_dim3A_816 = vector.broadcast %broadcast_in_dim3A_815 : f32 to vector<16xf32>
        %get3A_817 = arith.index_cast %add3A_814 : i32 to index
        %get3A_818 = arith.constant 0 : index
        %get3A_819 = tpu.vector_load %arg14[%get3A_817, %get3A_818] {strides = array<i32>} : memref<128x32xi32, #tpu.memory_space<vmem>>, vector<16xi32>,
        %bitcast3A_820 = vector.bitcast %get3A_819 : vector<16xi32> to vector<32xbf16>
        %get3A_821 = arith.index_cast %add3A_814 : i32 to index
        %get3A_822 = arith.constant 0 : index
        %get3A_823 = tpu.vector_load %arg18[%get3A_821, %get3A_822] {strides = array<i32>} : memref<128x32xi32, #tpu.memory_space<vmem>>, vector<16xi32>,
        %bitcast3A_824 = vector.bitcast %get3A_823 : vector<16xi32> to vector<32xbf16>
        %unpack3A_825 = tpu.unpack_subelements %bitcast3A_820, 0 {pack_format = #tpu.pack_format<interleaved>} : vector<32xbf16> -> vector<16xf32>
        %unpack3A_826 = tpu.unpack_subelements %bitcast3A_820, 1 {pack_format = #tpu.pack_format<interleaved>} : vector<32xbf16> -> vector<16xf32>
        %unpack3A_827 = tpu.unpack_subelements %bitcast3A_824, 0 {pack_format = #tpu.pack_format<interleaved>} : vector<32xbf16> -> vector<16xf32>
        %unpack3A_828 = tpu.unpack_subelements %bitcast3A_824, 1 {pack_format = #tpu.pack_format<interleaved>} : vector<32xbf16> -> vector<16xf32>
        %add3A_829 = arith.addf %unpack3A_825, %unpack3A_827 : vector<16xf32>
        %max3A_830 = arith.constant 0.000000e+00 : f32
        %max3A_831 = vector.broadcast %max3A_830 : f32 to vector<16xf32>
        %max3A_832 = arith.maximumf %add3A_829, %max3A_831 : vector<16xf32>
        %mul3A_833 = arith.mulf %max3A_832, %get3A_115 : vector<16xf32>
        %add3A_834 = arith.addf %broadcast_in_dim3A_816, %mul3A_833 : vector<16xf32>
        %add3A_835 = arith.addf %unpack3A_826, %unpack3A_828 : vector<16xf32>
        %max3A_836 = arith.constant 0.000000e+00 : f32
        %max3A_837 = vector.broadcast %max3A_836 : f32 to vector<16xf32>
        %max3A_838 = arith.maximumf %add3A_835, %max3A_837 : vector<16xf32>
        %mul3A_839 = arith.mulf %max3A_838, %get3A_119 : vector<16xf32>
        %add3A_840 = arith.addf %add3A_834, %mul3A_839 : vector<16xf32>
        %get3A_841 = arith.index_cast %add3A_814 : i32 to index
        %get3A_842 = arith.constant 16 : index
        %get3A_843 = tpu.vector_load %arg14[%get3A_841, %get3A_842] {strides = array<i32>} : memref<128x32xi32, #tpu.memory_space<vmem>>, vector<16xi32>,
        %bitcast3A_844 = vector.bitcast %get3A_843 : vector<16xi32> to vector<32xbf16>
        %get3A_845 = arith.index_cast %add3A_814 : i32 to index
        %get3A_846 = arith.constant 16 : index
        %get3A_847 = tpu.vector_load %arg18[%get3A_845, %get3A_846] {strides = array<i32>} : memref<128x32xi32, #tpu.memory_space<vmem>>, vector<16xi32>,
        %bitcast3A_848 = vector.bitcast %get3A_847 : vector<16xi32> to vector<32xbf16>
        %unpack3A_849 = tpu.unpack_subelements %bitcast3A_844, 0 {pack_format = #tpu.pack_format<interleaved>} : vector<32xbf16> -> vector<16xf32>
        %unpack3A_850 = tpu.unpack_subelements %bitcast3A_844, 1 {pack_format = #tpu.pack_format<interleaved>} : vector<32xbf16> -> vector<16xf32>
        %unpack3A_851 = tpu.unpack_subelements %bitcast3A_848, 0 {pack_format = #tpu.pack_format<interleaved>} : vector<32xbf16> -> vector<16xf32>
        %unpack3A_852 = tpu.unpack_subelements %bitcast3A_848, 1 {pack_format = #tpu.pack_format<interleaved>} : vector<32xbf16> -> vector<16xf32>
        %add3A_853 = arith.addf %unpack3A_849, %unpack3A_851 : vector<16xf32>
        %max3A_854 = arith.constant 0.000000e+00 : f32
        %max3A_855 = vector.broadcast %max3A_854 : f32 to vector<16xf32>
        %max3A_856 = arith.maximumf %add3A_853, %max3A_855 : vector<16xf32>
        %mul3A_857 = arith.mulf %max3A_856, %get3A_123 : vector<16xf32>
        %add3A_858 = arith.addf %add3A_840, %mul3A_857 : vector<16xf32>
        %add3A_859 = arith.addf %unpack3A_850, %unpack3A_852 : vector<16xf32>
        %max3A_860 = arith.constant 0.000000e+00 : f32
        %max3A_861 = vector.broadcast %max3A_860 : f32 to vector<16xf32>
        %max3A_862 = arith.maximumf %add3A_859, %max3A_861 : vector<16xf32>
        %mul3A_863 = arith.mulf %max3A_862, %get3A_127 : vector<16xf32>
        %add3A_864 = arith.addf %add3A_858, %mul3A_863 : vector<16xf32>
        %broadcast_in_dim3A_865 = arith.constant true
        %broadcast_in_dim3A_866 = vector.broadcast %broadcast_in_dim3A_865 : i1 to vector<16xi1>
        %masked_cumsum3A_867 = tpu.scan <sum>, %add3A_864 masked %broadcast_in_dim3A_866 : vector<16xf32>, vector<16xi1> -> vector<16xf32>
        %add3A_868 = arith.constant 10 : i32
        %add3A_869 = vector.broadcast %add3A_868 : i32 to vector<16xi32>
        %add3A_870 = arith.addi %broadcast_in_dim3A, %add3A_869 : vector<16xi32>
        tpu.vector_store_idx %arg12[%add3A_870], %masked_cumsum3A_867 masked %eq3A_4 : memref<5120xf32, #tpu.memory_space<vmem>>[vector<16xi32>], vector<16xf32>, vector<16xi1>
        %add3A_871 = arith.constant 11 : i32
        %add3A_872 = arith.addi %mul3A_233, %add3A_871 : i32
        %broadcast_in_dim3A_873 = arith.constant 0.000000e+00 : f32
        %broadcast_in_dim3A_874 = vector.broadcast %broadcast_in_dim3A_873 : f32 to vector<16xf32>
        %get3A_875 = arith.index_cast %add3A_872 : i32 to index
        %get3A_876 = arith.constant 0 : index
        %get3A_877 = tpu.vector_load %arg14[%get3A_875, %get3A_876] {strides = array<i32>} : memref<128x32xi32, #tpu.memory_space<vmem>>, vector<16xi32>,
        %bitcast3A_878 = vector.bitcast %get3A_877 : vector<16xi32> to vector<32xbf16>
        %get3A_879 = arith.index_cast %add3A_872 : i32 to index
        %get3A_880 = arith.constant 0 : index
        %get3A_881 = tpu.vector_load %arg18[%get3A_879, %get3A_880] {strides = array<i32>} : memref<128x32xi32, #tpu.memory_space<vmem>>, vector<16xi32>,
        %bitcast3A_882 = vector.bitcast %get3A_881 : vector<16xi32> to vector<32xbf16>
        %unpack3A_883 = tpu.unpack_subelements %bitcast3A_878, 0 {pack_format = #tpu.pack_format<interleaved>} : vector<32xbf16> -> vector<16xf32>
        %unpack3A_884 = tpu.unpack_subelements %bitcast3A_878, 1 {pack_format = #tpu.pack_format<interleaved>} : vector<32xbf16> -> vector<16xf32>
        %unpack3A_885 = tpu.unpack_subelements %bitcast3A_882, 0 {pack_format = #tpu.pack_format<interleaved>} : vector<32xbf16> -> vector<16xf32>
        %unpack3A_886 = tpu.unpack_subelements %bitcast3A_882, 1 {pack_format = #tpu.pack_format<interleaved>} : vector<32xbf16> -> vector<16xf32>
        %add3A_887 = arith.addf %unpack3A_883, %unpack3A_885 : vector<16xf32>
        %max3A_888 = arith.constant 0.000000e+00 : f32
        %max3A_889 = vector.broadcast %max3A_888 : f32 to vector<16xf32>
        %max3A_890 = arith.maximumf %add3A_887, %max3A_889 : vector<16xf32>
        %mul3A_891 = arith.mulf %max3A_890, %get3A_115 : vector<16xf32>
        %add3A_892 = arith.addf %broadcast_in_dim3A_874, %mul3A_891 : vector<16xf32>
        %add3A_893 = arith.addf %unpack3A_884, %unpack3A_886 : vector<16xf32>
        %max3A_894 = arith.constant 0.000000e+00 : f32
        %max3A_895 = vector.broadcast %max3A_894 : f32 to vector<16xf32>
        %max3A_896 = arith.maximumf %add3A_893, %max3A_895 : vector<16xf32>
        %mul3A_897 = arith.mulf %max3A_896, %get3A_119 : vector<16xf32>
        %add3A_898 = arith.addf %add3A_892, %mul3A_897 : vector<16xf32>
        %get3A_899 = arith.index_cast %add3A_872 : i32 to index
        %get3A_900 = arith.constant 16 : index
        %get3A_901 = tpu.vector_load %arg14[%get3A_899, %get3A_900] {strides = array<i32>} : memref<128x32xi32, #tpu.memory_space<vmem>>, vector<16xi32>,
        %bitcast3A_902 = vector.bitcast %get3A_901 : vector<16xi32> to vector<32xbf16>
        %get3A_903 = arith.index_cast %add3A_872 : i32 to index
        %get3A_904 = arith.constant 16 : index
        %get3A_905 = tpu.vector_load %arg18[%get3A_903, %get3A_904] {strides = array<i32>} : memref<128x32xi32, #tpu.memory_space<vmem>>, vector<16xi32>,
        %bitcast3A_906 = vector.bitcast %get3A_905 : vector<16xi32> to vector<32xbf16>
        %unpack3A_907 = tpu.unpack_subelements %bitcast3A_902, 0 {pack_format = #tpu.pack_format<interleaved>} : vector<32xbf16> -> vector<16xf32>
        %unpack3A_908 = tpu.unpack_subelements %bitcast3A_902, 1 {pack_format = #tpu.pack_format<interleaved>} : vector<32xbf16> -> vector<16xf32>
        %unpack3A_909 = tpu.unpack_subelements %bitcast3A_906, 0 {pack_format = #tpu.pack_format<interleaved>} : vector<32xbf16> -> vector<16xf32>
        %unpack3A_910 = tpu.unpack_subelements %bitcast3A_906, 1 {pack_format = #tpu.pack_format<interleaved>} : vector<32xbf16> -> vector<16xf32>
        %add3A_911 = arith.addf %unpack3A_907, %unpack3A_909 : vector<16xf32>
        %max3A_912 = arith.constant 0.000000e+00 : f32
        %max3A_913 = vector.broadcast %max3A_912 : f32 to vector<16xf32>
        %max3A_914 = arith.maximumf %add3A_911, %max3A_913 : vector<16xf32>
        %mul3A_915 = arith.mulf %max3A_914, %get3A_123 : vector<16xf32>
        %add3A_916 = arith.addf %add3A_898, %mul3A_915 : vector<16xf32>
        %add3A_917 = arith.addf %unpack3A_908, %unpack3A_910 : vector<16xf32>
        %max3A_918 = arith.constant 0.000000e+00 : f32
        %max3A_919 = vector.broadcast %max3A_918 : f32 to vector<16xf32>
        %max3A_920 = arith.maximumf %add3A_917, %max3A_919 : vector<16xf32>
        %mul3A_921 = arith.mulf %max3A_920, %get3A_127 : vector<16xf32>
        %add3A_922 = arith.addf %add3A_916, %mul3A_921 : vector<16xf32>
        %broadcast_in_dim3A_923 = arith.constant true
        %broadcast_in_dim3A_924 = vector.broadcast %broadcast_in_dim3A_923 : i1 to vector<16xi1>
        %masked_cumsum3A_925 = tpu.scan <sum>, %add3A_922 masked %broadcast_in_dim3A_924 : vector<16xf32>, vector<16xi1> -> vector<16xf32>
        %add3A_926 = arith.constant 11 : i32
        %add3A_927 = vector.broadcast %add3A_926 : i32 to vector<16xi32>
        %add3A_928 = arith.addi %broadcast_in_dim3A, %add3A_927 : vector<16xi32>
        tpu.vector_store_idx %arg12[%add3A_928], %masked_cumsum3A_925 masked %eq3A_4 : memref<5120xf32, #tpu.memory_space<vmem>>[vector<16xi32>], vector<16xf32>, vector<16xi1>
        %add3A_929 = arith.constant 12 : i32
        %add3A_930 = arith.addi %mul3A_233, %add3A_929 : i32
        %broadcast_in_dim3A_931 = arith.constant 0.000000e+00 : f32
        %broadcast_in_dim3A_932 = vector.broadcast %broadcast_in_dim3A_931 : f32 to vector<16xf32>
        %get3A_933 = arith.index_cast %add3A_930 : i32 to index
        %get3A_934 = arith.constant 0 : index
        %get3A_935 = tpu.vector_load %arg14[%get3A_933, %get3A_934] {strides = array<i32>} : memref<128x32xi32, #tpu.memory_space<vmem>>, vector<16xi32>,
        %bitcast3A_936 = vector.bitcast %get3A_935 : vector<16xi32> to vector<32xbf16>
        %get3A_937 = arith.index_cast %add3A_930 : i32 to index
        %get3A_938 = arith.constant 0 : index
        %get3A_939 = tpu.vector_load %arg18[%get3A_937, %get3A_938] {strides = array<i32>} : memref<128x32xi32, #tpu.memory_space<vmem>>, vector<16xi32>,
        %bitcast3A_940 = vector.bitcast %get3A_939 : vector<16xi32> to vector<32xbf16>
        %unpack3A_941 = tpu.unpack_subelements %bitcast3A_936, 0 {pack_format = #tpu.pack_format<interleaved>} : vector<32xbf16> -> vector<16xf32>
        %unpack3A_942 = tpu.unpack_subelements %bitcast3A_936, 1 {pack_format = #tpu.pack_format<interleaved>} : vector<32xbf16> -> vector<16xf32>
        %unpack3A_943 = tpu.unpack_subelements %bitcast3A_940, 0 {pack_format = #tpu.pack_format<interleaved>} : vector<32xbf16> -> vector<16xf32>
        %unpack3A_944 = tpu.unpack_subelements %bitcast3A_940, 1 {pack_format = #tpu.pack_format<interleaved>} : vector<32xbf16> -> vector<16xf32>
        %add3A_945 = arith.addf %unpack3A_941, %unpack3A_943 : vector<16xf32>
        %max3A_946 = arith.constant 0.000000e+00 : f32
        %max3A_947 = vector.broadcast %max3A_946 : f32 to vector<16xf32>
        %max3A_948 = arith.maximumf %add3A_945, %max3A_947 : vector<16xf32>
        %mul3A_949 = arith.mulf %max3A_948, %get3A_115 : vector<16xf32>
        %add3A_950 = arith.addf %broadcast_in_dim3A_932, %mul3A_949 : vector<16xf32>
        %add3A_951 = arith.addf %unpack3A_942, %unpack3A_944 : vector<16xf32>
        %max3A_952 = arith.constant 0.000000e+00 : f32
        %max3A_953 = vector.broadcast %max3A_952 : f32 to vector<16xf32>
        %max3A_954 = arith.maximumf %add3A_951, %max3A_953 : vector<16xf32>
        %mul3A_955 = arith.mulf %max3A_954, %get3A_119 : vector<16xf32>
        %add3A_956 = arith.addf %add3A_950, %mul3A_955 : vector<16xf32>
        %get3A_957 = arith.index_cast %add3A_930 : i32 to index
        %get3A_958 = arith.constant 16 : index
        %get3A_959 = tpu.vector_load %arg14[%get3A_957, %get3A_958] {strides = array<i32>} : memref<128x32xi32, #tpu.memory_space<vmem>>, vector<16xi32>,
        %bitcast3A_960 = vector.bitcast %get3A_959 : vector<16xi32> to vector<32xbf16>
        %get3A_961 = arith.index_cast %add3A_930 : i32 to index
        %get3A_962 = arith.constant 16 : index
        %get3A_963 = tpu.vector_load %arg18[%get3A_961, %get3A_962] {strides = array<i32>} : memref<128x32xi32, #tpu.memory_space<vmem>>, vector<16xi32>,
        %bitcast3A_964 = vector.bitcast %get3A_963 : vector<16xi32> to vector<32xbf16>
        %unpack3A_965 = tpu.unpack_subelements %bitcast3A_960, 0 {pack_format = #tpu.pack_format<interleaved>} : vector<32xbf16> -> vector<16xf32>
        %unpack3A_966 = tpu.unpack_subelements %bitcast3A_960, 1 {pack_format = #tpu.pack_format<interleaved>} : vector<32xbf16> -> vector<16xf32>
        %unpack3A_967 = tpu.unpack_subelements %bitcast3A_964, 0 {pack_format = #tpu.pack_format<interleaved>} : vector<32xbf16> -> vector<16xf32>
        %unpack3A_968 = tpu.unpack_subelements %bitcast3A_964, 1 {pack_format = #tpu.pack_format<interleaved>} : vector<32xbf16> -> vector<16xf32>
        %add3A_969 = arith.addf %unpack3A_965, %unpack3A_967 : vector<16xf32>
        %max3A_970 = arith.constant 0.000000e+00 : f32
        %max3A_971 = vector.broadcast %max3A_970 : f32 to vector<16xf32>
        %max3A_972 = arith.maximumf %add3A_969, %max3A_971 : vector<16xf32>
        %mul3A_973 = arith.mulf %max3A_972, %get3A_123 : vector<16xf32>
        %add3A_974 = arith.addf %add3A_956, %mul3A_973 : vector<16xf32>
        %add3A_975 = arith.addf %unpack3A_966, %unpack3A_968 : vector<16xf32>
        %max3A_976 = arith.constant 0.000000e+00 : f32
        %max3A_977 = vector.broadcast %max3A_976 : f32 to vector<16xf32>
        %max3A_978 = arith.maximumf %add3A_975, %max3A_977 : vector<16xf32>
        %mul3A_979 = arith.mulf %max3A_978, %get3A_127 : vector<16xf32>
        %add3A_980 = arith.addf %add3A_974, %mul3A_979 : vector<16xf32>
        %broadcast_in_dim3A_981 = arith.constant true
        %broadcast_in_dim3A_982 = vector.broadcast %broadcast_in_dim3A_981 : i1 to vector<16xi1>
        %masked_cumsum3A_983 = tpu.scan <sum>, %add3A_980 masked %broadcast_in_dim3A_982 : vector<16xf32>, vector<16xi1> -> vector<16xf32>
        %add3A_984 = arith.constant 12 : i32
        %add3A_985 = vector.broadcast %add3A_984 : i32 to vector<16xi32>
        %add3A_986 = arith.addi %broadcast_in_dim3A, %add3A_985 : vector<16xi32>
        tpu.vector_store_idx %arg12[%add3A_986], %masked_cumsum3A_983 masked %eq3A_4 : memref<5120xf32, #tpu.memory_space<vmem>>[vector<16xi32>], vector<16xf32>, vector<16xi1>
        %add3A_987 = arith.constant 13 : i32
        %add3A_988 = arith.addi %mul3A_233, %add3A_987 : i32
        %broadcast_in_dim3A_989 = arith.constant 0.000000e+00 : f32
        %broadcast_in_dim3A_990 = vector.broadcast %broadcast_in_dim3A_989 : f32 to vector<16xf32>
        %get3A_991 = arith.index_cast %add3A_988 : i32 to index
        %get3A_992 = arith.constant 0 : index
        %get3A_993 = tpu.vector_load %arg14[%get3A_991, %get3A_992] {strides = array<i32>} : memref<128x32xi32, #tpu.memory_space<vmem>>, vector<16xi32>,
        %bitcast3A_994 = vector.bitcast %get3A_993 : vector<16xi32> to vector<32xbf16>
        %get3A_995 = arith.index_cast %add3A_988 : i32 to index
        %get3A_996 = arith.constant 0 : index
        %get3A_997 = tpu.vector_load %arg18[%get3A_995, %get3A_996] {strides = array<i32>} : memref<128x32xi32, #tpu.memory_space<vmem>>, vector<16xi32>,
        %bitcast3A_998 = vector.bitcast %get3A_997 : vector<16xi32> to vector<32xbf16>
        %unpack3A_999 = tpu.unpack_subelements %bitcast3A_994, 0 {pack_format = #tpu.pack_format<interleaved>} : vector<32xbf16> -> vector<16xf32>
        %unpack3A_1000 = tpu.unpack_subelements %bitcast3A_994, 1 {pack_format = #tpu.pack_format<interleaved>} : vector<32xbf16> -> vector<16xf32>
        %unpack3A_1001 = tpu.unpack_subelements %bitcast3A_998, 0 {pack_format = #tpu.pack_format<interleaved>} : vector<32xbf16> -> vector<16xf32>
        %unpack3A_1002 = tpu.unpack_subelements %bitcast3A_998, 1 {pack_format = #tpu.pack_format<interleaved>} : vector<32xbf16> -> vector<16xf32>
        %add3A_1003 = arith.addf %unpack3A_999, %unpack3A_1001 : vector<16xf32>
        %max3A_1004 = arith.constant 0.000000e+00 : f32
        %max3A_1005 = vector.broadcast %max3A_1004 : f32 to vector<16xf32>
        %max3A_1006 = arith.maximumf %add3A_1003, %max3A_1005 : vector<16xf32>
        %mul3A_1007 = arith.mulf %max3A_1006, %get3A_115 : vector<16xf32>
        %add3A_1008 = arith.addf %broadcast_in_dim3A_990, %mul3A_1007 : vector<16xf32>
        %add3A_1009 = arith.addf %unpack3A_1000, %unpack3A_1002 : vector<16xf32>
        %max3A_1010 = arith.constant 0.000000e+00 : f32
        %max3A_1011 = vector.broadcast %max3A_1010 : f32 to vector<16xf32>
        %max3A_1012 = arith.maximumf %add3A_1009, %max3A_1011 : vector<16xf32>
        %mul3A_1013 = arith.mulf %max3A_1012, %get3A_119 : vector<16xf32>
        %add3A_1014 = arith.addf %add3A_1008, %mul3A_1013 : vector<16xf32>
        %get3A_1015 = arith.index_cast %add3A_988 : i32 to index
        %get3A_1016 = arith.constant 16 : index
        %get3A_1017 = tpu.vector_load %arg14[%get3A_1015, %get3A_1016] {strides = array<i32>} : memref<128x32xi32, #tpu.memory_space<vmem>>, vector<16xi32>,
        %bitcast3A_1018 = vector.bitcast %get3A_1017 : vector<16xi32> to vector<32xbf16>
        %get3A_1019 = arith.index_cast %add3A_988 : i32 to index
        %get3A_1020 = arith.constant 16 : index
        %get3A_1021 = tpu.vector_load %arg18[%get3A_1019, %get3A_1020] {strides = array<i32>} : memref<128x32xi32, #tpu.memory_space<vmem>>, vector<16xi32>,
        %bitcast3A_1022 = vector.bitcast %get3A_1021 : vector<16xi32> to vector<32xbf16>
        %unpack3A_1023 = tpu.unpack_subelements %bitcast3A_1018, 0 {pack_format = #tpu.pack_format<interleaved>} : vector<32xbf16> -> vector<16xf32>
        %unpack3A_1024 = tpu.unpack_subelements %bitcast3A_1018, 1 {pack_format = #tpu.pack_format<interleaved>} : vector<32xbf16> -> vector<16xf32>
        %unpack3A_1025 = tpu.unpack_subelements %bitcast3A_1022, 0 {pack_format = #tpu.pack_format<interleaved>} : vector<32xbf16> -> vector<16xf32>
        %unpack3A_1026 = tpu.unpack_subelements %bitcast3A_1022, 1 {pack_format = #tpu.pack_format<interleaved>} : vector<32xbf16> -> vector<16xf32>
        %add3A_1027 = arith.addf %unpack3A_1023, %unpack3A_1025 : vector<16xf32>
        %max3A_1028 = arith.constant 0.000000e+00 : f32
        %max3A_1029 = vector.broadcast %max3A_1028 : f32 to vector<16xf32>
        %max3A_1030 = arith.maximumf %add3A_1027, %max3A_1029 : vector<16xf32>
        %mul3A_1031 = arith.mulf %max3A_1030, %get3A_123 : vector<16xf32>
        %add3A_1032 = arith.addf %add3A_1014, %mul3A_1031 : vector<16xf32>
        %add3A_1033 = arith.addf %unpack3A_1024, %unpack3A_1026 : vector<16xf32>
        %max3A_1034 = arith.constant 0.000000e+00 : f32
        %max3A_1035 = vector.broadcast %max3A_1034 : f32 to vector<16xf32>
        %max3A_1036 = arith.maximumf %add3A_1033, %max3A_1035 : vector<16xf32>
        %mul3A_1037 = arith.mulf %max3A_1036, %get3A_127 : vector<16xf32>
        %add3A_1038 = arith.addf %add3A_1032, %mul3A_1037 : vector<16xf32>
        %broadcast_in_dim3A_1039 = arith.constant true
        %broadcast_in_dim3A_1040 = vector.broadcast %broadcast_in_dim3A_1039 : i1 to vector<16xi1>
        %masked_cumsum3A_1041 = tpu.scan <sum>, %add3A_1038 masked %broadcast_in_dim3A_1040 : vector<16xf32>, vector<16xi1> -> vector<16xf32>
        %add3A_1042 = arith.constant 13 : i32
        %add3A_1043 = vector.broadcast %add3A_1042 : i32 to vector<16xi32>
        %add3A_1044 = arith.addi %broadcast_in_dim3A, %add3A_1043 : vector<16xi32>
        tpu.vector_store_idx %arg12[%add3A_1044], %masked_cumsum3A_1041 masked %eq3A_4 : memref<5120xf32, #tpu.memory_space<vmem>>[vector<16xi32>], vector<16xf32>, vector<16xi1>
        %add3A_1045 = arith.constant 14 : i32
        %add3A_1046 = arith.addi %mul3A_233, %add3A_1045 : i32
        %broadcast_in_dim3A_1047 = arith.constant 0.000000e+00 : f32
        %broadcast_in_dim3A_1048 = vector.broadcast %broadcast_in_dim3A_1047 : f32 to vector<16xf32>
        %get3A_1049 = arith.index_cast %add3A_1046 : i32 to index
        %get3A_1050 = arith.constant 0 : index
        %get3A_1051 = tpu.vector_load %arg14[%get3A_1049, %get3A_1050] {strides = array<i32>} : memref<128x32xi32, #tpu.memory_space<vmem>>, vector<16xi32>,
        %bitcast3A_1052 = vector.bitcast %get3A_1051 : vector<16xi32> to vector<32xbf16>
        %get3A_1053 = arith.index_cast %add3A_1046 : i32 to index
        %get3A_1054 = arith.constant 0 : index
        %get3A_1055 = tpu.vector_load %arg18[%get3A_1053, %get3A_1054] {strides = array<i32>} : memref<128x32xi32, #tpu.memory_space<vmem>>, vector<16xi32>,
        %bitcast3A_1056 = vector.bitcast %get3A_1055 : vector<16xi32> to vector<32xbf16>
        %unpack3A_1057 = tpu.unpack_subelements %bitcast3A_1052, 0 {pack_format = #tpu.pack_format<interleaved>} : vector<32xbf16> -> vector<16xf32>
        %unpack3A_1058 = tpu.unpack_subelements %bitcast3A_1052, 1 {pack_format = #tpu.pack_format<interleaved>} : vector<32xbf16> -> vector<16xf32>
        %unpack3A_1059 = tpu.unpack_subelements %bitcast3A_1056, 0 {pack_format = #tpu.pack_format<interleaved>} : vector<32xbf16> -> vector<16xf32>
        %unpack3A_1060 = tpu.unpack_subelements %bitcast3A_1056, 1 {pack_format = #tpu.pack_format<interleaved>} : vector<32xbf16> -> vector<16xf32>
        %add3A_1061 = arith.addf %unpack3A_1057, %unpack3A_1059 : vector<16xf32>
        %max3A_1062 = arith.constant 0.000000e+00 : f32
        %max3A_1063 = vector.broadcast %max3A_1062 : f32 to vector<16xf32>
        %max3A_1064 = arith.maximumf %add3A_1061, %max3A_1063 : vector<16xf32>
        %mul3A_1065 = arith.mulf %max3A_1064, %get3A_115 : vector<16xf32>
        %add3A_1066 = arith.addf %broadcast_in_dim3A_1048, %mul3A_1065 : vector<16xf32>
        %add3A_1067 = arith.addf %unpack3A_1058, %unpack3A_1060 : vector<16xf32>
        %max3A_1068 = arith.constant 0.000000e+00 : f32
        %max3A_1069 = vector.broadcast %max3A_1068 : f32 to vector<16xf32>
        %max3A_1070 = arith.maximumf %add3A_1067, %max3A_1069 : vector<16xf32>
        %mul3A_1071 = arith.mulf %max3A_1070, %get3A_119 : vector<16xf32>
        %add3A_1072 = arith.addf %add3A_1066, %mul3A_1071 : vector<16xf32>
        %get3A_1073 = arith.index_cast %add3A_1046 : i32 to index
        %get3A_1074 = arith.constant 16 : index
        %get3A_1075 = tpu.vector_load %arg14[%get3A_1073, %get3A_1074] {strides = array<i32>} : memref<128x32xi32, #tpu.memory_space<vmem>>, vector<16xi32>,
        %bitcast3A_1076 = vector.bitcast %get3A_1075 : vector<16xi32> to vector<32xbf16>
        %get3A_1077 = arith.index_cast %add3A_1046 : i32 to index
        %get3A_1078 = arith.constant 16 : index
        %get3A_1079 = tpu.vector_load %arg18[%get3A_1077, %get3A_1078] {strides = array<i32>} : memref<128x32xi32, #tpu.memory_space<vmem>>, vector<16xi32>,
        %bitcast3A_1080 = vector.bitcast %get3A_1079 : vector<16xi32> to vector<32xbf16>
        %unpack3A_1081 = tpu.unpack_subelements %bitcast3A_1076, 0 {pack_format = #tpu.pack_format<interleaved>} : vector<32xbf16> -> vector<16xf32>
        %unpack3A_1082 = tpu.unpack_subelements %bitcast3A_1076, 1 {pack_format = #tpu.pack_format<interleaved>} : vector<32xbf16> -> vector<16xf32>
        %unpack3A_1083 = tpu.unpack_subelements %bitcast3A_1080, 0 {pack_format = #tpu.pack_format<interleaved>} : vector<32xbf16> -> vector<16xf32>
        %unpack3A_1084 = tpu.unpack_subelements %bitcast3A_1080, 1 {pack_format = #tpu.pack_format<interleaved>} : vector<32xbf16> -> vector<16xf32>
        %add3A_1085 = arith.addf %unpack3A_1081, %unpack3A_1083 : vector<16xf32>
        %max3A_1086 = arith.constant 0.000000e+00 : f32
        %max3A_1087 = vector.broadcast %max3A_1086 : f32 to vector<16xf32>
        %max3A_1088 = arith.maximumf %add3A_1085, %max3A_1087 : vector<16xf32>
        %mul3A_1089 = arith.mulf %max3A_1088, %get3A_123 : vector<16xf32>
        %add3A_1090 = arith.addf %add3A_1072, %mul3A_1089 : vector<16xf32>
        %add3A_1091 = arith.addf %unpack3A_1082, %unpack3A_1084 : vector<16xf32>
        %max3A_1092 = arith.constant 0.000000e+00 : f32
        %max3A_1093 = vector.broadcast %max3A_1092 : f32 to vector<16xf32>
        %max3A_1094 = arith.maximumf %add3A_1091, %max3A_1093 : vector<16xf32>
        %mul3A_1095 = arith.mulf %max3A_1094, %get3A_127 : vector<16xf32>
        %add3A_1096 = arith.addf %add3A_1090, %mul3A_1095 : vector<16xf32>
        %broadcast_in_dim3A_1097 = arith.constant true
        %broadcast_in_dim3A_1098 = vector.broadcast %broadcast_in_dim3A_1097 : i1 to vector<16xi1>
        %masked_cumsum3A_1099 = tpu.scan <sum>, %add3A_1096 masked %broadcast_in_dim3A_1098 : vector<16xf32>, vector<16xi1> -> vector<16xf32>
        %add3A_1100 = arith.constant 14 : i32
        %add3A_1101 = vector.broadcast %add3A_1100 : i32 to vector<16xi32>
        %add3A_1102 = arith.addi %broadcast_in_dim3A, %add3A_1101 : vector<16xi32>
        tpu.vector_store_idx %arg12[%add3A_1102], %masked_cumsum3A_1099 masked %eq3A_4 : memref<5120xf32, #tpu.memory_space<vmem>>[vector<16xi32>], vector<16xf32>, vector<16xi1>
        %add3A_1103 = arith.constant 15 : i32
        %add3A_1104 = arith.addi %mul3A_233, %add3A_1103 : i32
        %broadcast_in_dim3A_1105 = arith.constant 0.000000e+00 : f32
        %broadcast_in_dim3A_1106 = vector.broadcast %broadcast_in_dim3A_1105 : f32 to vector<16xf32>
        %get3A_1107 = arith.index_cast %add3A_1104 : i32 to index
        %get3A_1108 = arith.constant 0 : index
        %get3A_1109 = tpu.vector_load %arg14[%get3A_1107, %get3A_1108] {strides = array<i32>} : memref<128x32xi32, #tpu.memory_space<vmem>>, vector<16xi32>,
        %bitcast3A_1110 = vector.bitcast %get3A_1109 : vector<16xi32> to vector<32xbf16>
        %get3A_1111 = arith.index_cast %add3A_1104 : i32 to index
        %get3A_1112 = arith.constant 0 : index
        %get3A_1113 = tpu.vector_load %arg18[%get3A_1111, %get3A_1112] {strides = array<i32>} : memref<128x32xi32, #tpu.memory_space<vmem>>, vector<16xi32>,
        %bitcast3A_1114 = vector.bitcast %get3A_1113 : vector<16xi32> to vector<32xbf16>
        %unpack3A_1115 = tpu.unpack_subelements %bitcast3A_1110, 0 {pack_format = #tpu.pack_format<interleaved>} : vector<32xbf16> -> vector<16xf32>
        %unpack3A_1116 = tpu.unpack_subelements %bitcast3A_1110, 1 {pack_format = #tpu.pack_format<interleaved>} : vector<32xbf16> -> vector<16xf32>
        %unpack3A_1117 = tpu.unpack_subelements %bitcast3A_1114, 0 {pack_format = #tpu.pack_format<interleaved>} : vector<32xbf16> -> vector<16xf32>
        %unpack3A_1118 = tpu.unpack_subelements %bitcast3A_1114, 1 {pack_format = #tpu.pack_format<interleaved>} : vector<32xbf16> -> vector<16xf32>
        %add3A_1119 = arith.addf %unpack3A_1115, %unpack3A_1117 : vector<16xf32>
        %max3A_1120 = arith.constant 0.000000e+00 : f32
        %max3A_1121 = vector.broadcast %max3A_1120 : f32 to vector<16xf32>
        %max3A_1122 = arith.maximumf %add3A_1119, %max3A_1121 : vector<16xf32>
        %mul3A_1123 = arith.mulf %max3A_1122, %get3A_115 : vector<16xf32>
        %add3A_1124 = arith.addf %broadcast_in_dim3A_1106, %mul3A_1123 : vector<16xf32>
        %add3A_1125 = arith.addf %unpack3A_1116, %unpack3A_1118 : vector<16xf32>
        %max3A_1126 = arith.constant 0.000000e+00 : f32
        %max3A_1127 = vector.broadcast %max3A_1126 : f32 to vector<16xf32>
        %max3A_1128 = arith.maximumf %add3A_1125, %max3A_1127 : vector<16xf32>
        %mul3A_1129 = arith.mulf %max3A_1128, %get3A_119 : vector<16xf32>
        %add3A_1130 = arith.addf %add3A_1124, %mul3A_1129 : vector<16xf32>
        %get3A_1131 = arith.index_cast %add3A_1104 : i32 to index
        %get3A_1132 = arith.constant 16 : index
        %get3A_1133 = tpu.vector_load %arg14[%get3A_1131, %get3A_1132] {strides = array<i32>} : memref<128x32xi32, #tpu.memory_space<vmem>>, vector<16xi32>,
        %bitcast3A_1134 = vector.bitcast %get3A_1133 : vector<16xi32> to vector<32xbf16>
        %get3A_1135 = arith.index_cast %add3A_1104 : i32 to index
        %get3A_1136 = arith.constant 16 : index
        %get3A_1137 = tpu.vector_load %arg18[%get3A_1135, %get3A_1136] {strides = array<i32>} : memref<128x32xi32, #tpu.memory_space<vmem>>, vector<16xi32>,
        %bitcast3A_1138 = vector.bitcast %get3A_1137 : vector<16xi32> to vector<32xbf16>
        %unpack3A_1139 = tpu.unpack_subelements %bitcast3A_1134, 0 {pack_format = #tpu.pack_format<interleaved>} : vector<32xbf16> -> vector<16xf32>
        %unpack3A_1140 = tpu.unpack_subelements %bitcast3A_1134, 1 {pack_format = #tpu.pack_format<interleaved>} : vector<32xbf16> -> vector<16xf32>
        %unpack3A_1141 = tpu.unpack_subelements %bitcast3A_1138, 0 {pack_format = #tpu.pack_format<interleaved>} : vector<32xbf16> -> vector<16xf32>
        %unpack3A_1142 = tpu.unpack_subelements %bitcast3A_1138, 1 {pack_format = #tpu.pack_format<interleaved>} : vector<32xbf16> -> vector<16xf32>
        %add3A_1143 = arith.addf %unpack3A_1139, %unpack3A_1141 : vector<16xf32>
        %max3A_1144 = arith.constant 0.000000e+00 : f32
        %max3A_1145 = vector.broadcast %max3A_1144 : f32 to vector<16xf32>
        %max3A_1146 = arith.maximumf %add3A_1143, %max3A_1145 : vector<16xf32>
        %mul3A_1147 = arith.mulf %max3A_1146, %get3A_123 : vector<16xf32>
        %add3A_1148 = arith.addf %add3A_1130, %mul3A_1147 : vector<16xf32>
        %add3A_1149 = arith.addf %unpack3A_1140, %unpack3A_1142 : vector<16xf32>
        %max3A_1150 = arith.constant 0.000000e+00 : f32
        %max3A_1151 = vector.broadcast %max3A_1150 : f32 to vector<16xf32>
        %max3A_1152 = arith.maximumf %add3A_1149, %max3A_1151 : vector<16xf32>
        %mul3A_1153 = arith.mulf %max3A_1152, %get3A_127 : vector<16xf32>
        %add3A_1154 = arith.addf %add3A_1148, %mul3A_1153 : vector<16xf32>
        %broadcast_in_dim3A_1155 = arith.constant true
        %broadcast_in_dim3A_1156 = vector.broadcast %broadcast_in_dim3A_1155 : i1 to vector<16xi1>
        %masked_cumsum3A_1157 = tpu.scan <sum>, %add3A_1154 masked %broadcast_in_dim3A_1156 : vector<16xf32>, vector<16xi1> -> vector<16xf32>
        %add3A_1158 = arith.constant 15 : i32
        %add3A_1159 = vector.broadcast %add3A_1158 : i32 to vector<16xi32>
        %add3A_1160 = arith.addi %broadcast_in_dim3A, %add3A_1159 : vector<16xi32>
        tpu.vector_store_idx %arg12[%add3A_1160], %masked_cumsum3A_1157 masked %eq3A_4 : memref<5120xf32, #tpu.memory_space<vmem>>[vector<16xi32>], vector<16xf32>, vector<16xi1>
      }
      %scan3A_133 = arith.constant 8 : i32
      %add3A_134 = arith.constant 4 : i32
      %add3A_135 = arith.addi %add3A_99, %add3A_134 : i32
      %lt3A_136 = arith.constant 40 : i32
      %lt3A_137 = arith.cmpi slt, %add3A_135, %lt3A_136 : i32
      %convert_element_type3A_138 = arith.extui %lt3A_137 : i1 to i32
      %cond3A_139 = arith.constant 0 : i32
      %cond3A_140 = arith.cmpi ne, %convert_element_type3A_138, %cond3A_139 : i32
      scf.if %cond3A_140 {
        %add3A_231 = arith.constant 4 : i32
        %add3A_232 = arith.addi %add3A_99, %add3A_231 : i32
        %mul3A_233 = arith.constant 128 : i32
        %mul3A_234 = arith.muli %add3A_232, %mul3A_233 : i32
        %dma_start3A_235 = tpu.memref_slice %arg9[%mul3A_234] : memref<5120xi32, #tpu.memory_space<vmem>> -> memref<128xi32, #tpu.memory_space<vmem>>
        %dma_start3A_236 = arith.constant 0 : i32
        %dma_start3A_237 = arith.constant 0 : i32
        %dma_start3A_238 = tpu.memref_slice %arg2[%dma_start3A_236, %dma_start3A_237] : memref<10000x32xi32, #tpu.memory_space<hbm>> -> memref<10000x32xi32, #tpu.memory_space<hbm>>
        tpu.enqueue_indirect_dma source(%dma_start3A_238 : memref<10000x32xi32, #tpu.memory_space<hbm>>) target(%arg14 : memref<128x32xi32, #tpu.memory_space<vmem>>) offsets(%dma_start3A_235 : memref<128xi32, #tpu.memory_space<vmem>>) semaphore(%arg23 : memref<!tpu.dma_semaphore, #tpu.memory_space<semaphore_mem>>)
        %mul3A_239 = arith.constant 128 : i32
        %mul3A_240 = arith.muli %add3A_232, %mul3A_239 : i32
        %dma_start3A_241 = tpu.memref_slice %arg10[%mul3A_240] : memref<5120xi32, #tpu.memory_space<vmem>> -> memref<128xi32, #tpu.memory_space<vmem>>
        %dma_start3A_242 = arith.constant 0 : i32
        %dma_start3A_243 = arith.constant 0 : i32
        %dma_start3A_244 = tpu.memref_slice %arg3[%dma_start3A_242, %dma_start3A_243] : memref<10000x32xi32, #tpu.memory_space<hbm>> -> memref<10000x32xi32, #tpu.memory_space<hbm>>
        tpu.enqueue_indirect_dma source(%dma_start3A_244 : memref<10000x32xi32, #tpu.memory_space<hbm>>) target(%arg18 : memref<128x32xi32, #tpu.memory_space<vmem>>) offsets(%dma_start3A_241 : memref<128xi32, #tpu.memory_space<vmem>>) semaphore(%arg23 : memref<!tpu.dma_semaphore, #tpu.memory_space<semaphore_mem>>)
      } else {
      }
      %mul3A_141 = arith.constant 4 : i32
      %mul3A_142 = arith.muli %scan3A_55, %mul3A_141 : i32
      %add3A_143 = arith.constant 2 : i32
      %add3A_144 = arith.addi %mul3A_142, %add3A_143 : i32
      %mul3A_145 = arith.constant 128 : i32
      %mul3A_146 = arith.muli %add3A_144, %mul3A_145 : i32
      %dma_wait3A_147 = tpu.memref_slice %arg9[%mul3A_146] : memref<5120xi32, #tpu.memory_space<vmem>> -> memref<128xi32, #tpu.memory_space<vmem>>
      %dma_wait3A_148 = arith.constant 0 : i32
      %dma_wait3A_149 = arith.constant 0 : i32
      %dma_wait3A_150 = tpu.memref_slice %arg2[%dma_wait3A_148, %dma_wait3A_149] : memref<10000x32xi32, #tpu.memory_space<hbm>> -> memref<10000x32xi32, #tpu.memory_space<hbm>>
      tpu.wait_indirect_dma semaphore(%arg24 : memref<!tpu.dma_semaphore, #tpu.memory_space<semaphore_mem>>) src(%dma_wait3A_150 : memref<10000x32xi32, #tpu.memory_space<hbm>>) dst(%arg15 : memref<128x32xi32, #tpu.memory_space<vmem>>)
      %mul3A_151 = arith.constant 128 : i32
      %mul3A_152 = arith.muli %add3A_144, %mul3A_151 : i32
      %dma_wait3A_153 = tpu.memref_slice %arg10[%mul3A_152] : memref<5120xi32, #tpu.memory_space<vmem>> -> memref<128xi32, #tpu.memory_space<vmem>>
      %dma_wait3A_154 = arith.constant 0 : i32
      %dma_wait3A_155 = arith.constant 0 : i32
      %dma_wait3A_156 = tpu.memref_slice %arg3[%dma_wait3A_154, %dma_wait3A_155] : memref<10000x32xi32, #tpu.memory_space<hbm>> -> memref<10000x32xi32, #tpu.memory_space<hbm>>
      tpu.wait_indirect_dma semaphore(%arg24 : memref<!tpu.dma_semaphore, #tpu.memory_space<semaphore_mem>>) src(%dma_wait3A_156 : memref<10000x32xi32, #tpu.memory_space<hbm>>) dst(%arg19 : memref<128x32xi32, #tpu.memory_space<vmem>>)
      %get3A_157 = arith.constant 0 : i32
      %get3A_158 = arith.index_cast %get3A_157 : i32 to index
      %get3A_159 = arith.constant 0 : index
      %get3A_160 = tpu.vector_load %arg21[%get3A_158, %get3A_159] {strides = array<i32>} : memref<4x16xf32, #tpu.memory_space<vmem>>, vector<16xf32>,
      %get3A_161 = arith.constant 1 : i32
      %get3A_162 = arith.index_cast %get3A_161 : i32 to index
      %get3A_163 = arith.constant 0 : index
      %get3A_164 = tpu.vector_load %arg21[%get3A_162, %get3A_163] {strides = array<i32>} : memref<4x16xf32, #tpu.memory_space<vmem>>, vector<16xf32>,
      %get3A_165 = arith.constant 2 : i32
      %get3A_166 = arith.index_cast %get3A_165 : i32 to index
      %get3A_167 = arith.constant 0 : index
      %get3A_168 = tpu.vector_load %arg21[%get3A_166, %get3A_167] {strides = array<i32>} : memref<4x16xf32, #tpu.memory_space<vmem>>, vector<16xf32>,
      %get3A_169 = arith.constant 3 : i32
      %get3A_170 = arith.index_cast %get3A_169 : i32 to index
      %get3A_171 = arith.constant 0 : index
      %get3A_172 = tpu.vector_load %arg21[%get3A_170, %get3A_171] {strides = array<i32>} : memref<4x16xf32, #tpu.memory_space<vmem>>, vector<16xf32>,
      %scan3A_173 = arith.constant 0 : i32
      %scan3A_174 = arith.constant 0 : i32
      %scan3A_175 = arith.constant 8 : i32
      %scan3A_176 = arith.addi %scan3A_174, %scan3A_175 : i32
      %scan3A_177 = arith.constant 1 : i32
      scf.for %scan3A_231 = %scan3A_174 to %scan3A_176 step %scan3A_177  : i32 {
        %mul3A_232 = arith.constant 16 : i32
        %mul3A_233 = arith.muli %scan3A_231, %mul3A_232 : i32
        %mul3A_234 = arith.constant 128 : i32
        %mul3A_235 = arith.muli %add3A_144, %mul3A_234 : i32
        %add3A_236 = arith.addi %mul3A_235, %mul3A_233 : i32
        %broadcast_in_dim3A = vector.broadcast %add3A_236 : i32 to vector<16xi32>
        %add3A_237 = arith.constant 0 : i32
        %add3A_238 = arith.addi %mul3A_233, %add3A_237 : i32
        %broadcast_in_dim3A_239 = arith.constant 0.000000e+00 : f32
        %broadcast_in_dim3A_240 = vector.broadcast %broadcast_in_dim3A_239 : f32 to vector<16xf32>
        %get3A_241 = arith.index_cast %add3A_238 : i32 to index
        %get3A_242 = arith.constant 0 : index
        %get3A_243 = tpu.vector_load %arg15[%get3A_241, %get3A_242] {strides = array<i32>} : memref<128x32xi32, #tpu.memory_space<vmem>>, vector<16xi32>,
        %bitcast3A = vector.bitcast %get3A_243 : vector<16xi32> to vector<32xbf16>
        %get3A_244 = arith.index_cast %add3A_238 : i32 to index
        %get3A_245 = arith.constant 0 : index
        %get3A_246 = tpu.vector_load %arg19[%get3A_244, %get3A_245] {strides = array<i32>} : memref<128x32xi32, #tpu.memory_space<vmem>>, vector<16xi32>,
        %bitcast3A_247 = vector.bitcast %get3A_246 : vector<16xi32> to vector<32xbf16>
        %unpack3A = tpu.unpack_subelements %bitcast3A, 0 {pack_format = #tpu.pack_format<interleaved>} : vector<32xbf16> -> vector<16xf32>
        %unpack3A_248 = tpu.unpack_subelements %bitcast3A, 1 {pack_format = #tpu.pack_format<interleaved>} : vector<32xbf16> -> vector<16xf32>
        %unpack3A_249 = tpu.unpack_subelements %bitcast3A_247, 0 {pack_format = #tpu.pack_format<interleaved>} : vector<32xbf16> -> vector<16xf32>
        %unpack3A_250 = tpu.unpack_subelements %bitcast3A_247, 1 {pack_format = #tpu.pack_format<interleaved>} : vector<32xbf16> -> vector<16xf32>
        %add3A_251 = arith.addf %unpack3A, %unpack3A_249 : vector<16xf32>
        %max3A = arith.constant 0.000000e+00 : f32
        %max3A_252 = vector.broadcast %max3A : f32 to vector<16xf32>
        %max3A_253 = arith.maximumf %add3A_251, %max3A_252 : vector<16xf32>
        %mul3A_254 = arith.mulf %max3A_253, %get3A_160 : vector<16xf32>
        %add3A_255 = arith.addf %broadcast_in_dim3A_240, %mul3A_254 : vector<16xf32>
        %add3A_256 = arith.addf %unpack3A_248, %unpack3A_250 : vector<16xf32>
        %max3A_257 = arith.constant 0.000000e+00 : f32
        %max3A_258 = vector.broadcast %max3A_257 : f32 to vector<16xf32>
        %max3A_259 = arith.maximumf %add3A_256, %max3A_258 : vector<16xf32>
        %mul3A_260 = arith.mulf %max3A_259, %get3A_164 : vector<16xf32>
        %add3A_261 = arith.addf %add3A_255, %mul3A_260 : vector<16xf32>
        %get3A_262 = arith.index_cast %add3A_238 : i32 to index
        %get3A_263 = arith.constant 16 : index
        %get3A_264 = tpu.vector_load %arg15[%get3A_262, %get3A_263] {strides = array<i32>} : memref<128x32xi32, #tpu.memory_space<vmem>>, vector<16xi32>,
        %bitcast3A_265 = vector.bitcast %get3A_264 : vector<16xi32> to vector<32xbf16>
        %get3A_266 = arith.index_cast %add3A_238 : i32 to index
        %get3A_267 = arith.constant 16 : index
        %get3A_268 = tpu.vector_load %arg19[%get3A_266, %get3A_267] {strides = array<i32>} : memref<128x32xi32, #tpu.memory_space<vmem>>, vector<16xi32>,
        %bitcast3A_269 = vector.bitcast %get3A_268 : vector<16xi32> to vector<32xbf16>
        %unpack3A_270 = tpu.unpack_subelements %bitcast3A_265, 0 {pack_format = #tpu.pack_format<interleaved>} : vector<32xbf16> -> vector<16xf32>
        %unpack3A_271 = tpu.unpack_subelements %bitcast3A_265, 1 {pack_format = #tpu.pack_format<interleaved>} : vector<32xbf16> -> vector<16xf32>
        %unpack3A_272 = tpu.unpack_subelements %bitcast3A_269, 0 {pack_format = #tpu.pack_format<interleaved>} : vector<32xbf16> -> vector<16xf32>
        %unpack3A_273 = tpu.unpack_subelements %bitcast3A_269, 1 {pack_format = #tpu.pack_format<interleaved>} : vector<32xbf16> -> vector<16xf32>
        %add3A_274 = arith.addf %unpack3A_270, %unpack3A_272 : vector<16xf32>
        %max3A_275 = arith.constant 0.000000e+00 : f32
        %max3A_276 = vector.broadcast %max3A_275 : f32 to vector<16xf32>
        %max3A_277 = arith.maximumf %add3A_274, %max3A_276 : vector<16xf32>
        %mul3A_278 = arith.mulf %max3A_277, %get3A_168 : vector<16xf32>
        %add3A_279 = arith.addf %add3A_261, %mul3A_278 : vector<16xf32>
        %add3A_280 = arith.addf %unpack3A_271, %unpack3A_273 : vector<16xf32>
        %max3A_281 = arith.constant 0.000000e+00 : f32
        %max3A_282 = vector.broadcast %max3A_281 : f32 to vector<16xf32>
        %max3A_283 = arith.maximumf %add3A_280, %max3A_282 : vector<16xf32>
        %mul3A_284 = arith.mulf %max3A_283, %get3A_172 : vector<16xf32>
        %add3A_285 = arith.addf %add3A_279, %mul3A_284 : vector<16xf32>
        %broadcast_in_dim3A_286 = arith.constant true
        %broadcast_in_dim3A_287 = vector.broadcast %broadcast_in_dim3A_286 : i1 to vector<16xi1>
        %masked_cumsum3A = tpu.scan <sum>, %add3A_285 masked %broadcast_in_dim3A_287 : vector<16xf32>, vector<16xi1> -> vector<16xf32>
        %add3A_288 = arith.constant 0 : i32
        %add3A_289 = vector.broadcast %add3A_288 : i32 to vector<16xi32>
        %add3A_290 = arith.addi %broadcast_in_dim3A, %add3A_289 : vector<16xi32>
        tpu.vector_store_idx %arg12[%add3A_290], %masked_cumsum3A masked %eq3A_4 : memref<5120xf32, #tpu.memory_space<vmem>>[vector<16xi32>], vector<16xf32>, vector<16xi1>
        %add3A_291 = arith.constant 1 : i32
        %add3A_292 = arith.addi %mul3A_233, %add3A_291 : i32
        %broadcast_in_dim3A_293 = arith.constant 0.000000e+00 : f32
        %broadcast_in_dim3A_294 = vector.broadcast %broadcast_in_dim3A_293 : f32 to vector<16xf32>
        %get3A_295 = arith.index_cast %add3A_292 : i32 to index
        %get3A_296 = arith.constant 0 : index
        %get3A_297 = tpu.vector_load %arg15[%get3A_295, %get3A_296] {strides = array<i32>} : memref<128x32xi32, #tpu.memory_space<vmem>>, vector<16xi32>,
        %bitcast3A_298 = vector.bitcast %get3A_297 : vector<16xi32> to vector<32xbf16>
        %get3A_299 = arith.index_cast %add3A_292 : i32 to index
        %get3A_300 = arith.constant 0 : index
        %get3A_301 = tpu.vector_load %arg19[%get3A_299, %get3A_300] {strides = array<i32>} : memref<128x32xi32, #tpu.memory_space<vmem>>, vector<16xi32>,
        %bitcast3A_302 = vector.bitcast %get3A_301 : vector<16xi32> to vector<32xbf16>
        %unpack3A_303 = tpu.unpack_subelements %bitcast3A_298, 0 {pack_format = #tpu.pack_format<interleaved>} : vector<32xbf16> -> vector<16xf32>
        %unpack3A_304 = tpu.unpack_subelements %bitcast3A_298, 1 {pack_format = #tpu.pack_format<interleaved>} : vector<32xbf16> -> vector<16xf32>
        %unpack3A_305 = tpu.unpack_subelements %bitcast3A_302, 0 {pack_format = #tpu.pack_format<interleaved>} : vector<32xbf16> -> vector<16xf32>
        %unpack3A_306 = tpu.unpack_subelements %bitcast3A_302, 1 {pack_format = #tpu.pack_format<interleaved>} : vector<32xbf16> -> vector<16xf32>
        %add3A_307 = arith.addf %unpack3A_303, %unpack3A_305 : vector<16xf32>
        %max3A_308 = arith.constant 0.000000e+00 : f32
        %max3A_309 = vector.broadcast %max3A_308 : f32 to vector<16xf32>
        %max3A_310 = arith.maximumf %add3A_307, %max3A_309 : vector<16xf32>
        %mul3A_311 = arith.mulf %max3A_310, %get3A_160 : vector<16xf32>
        %add3A_312 = arith.addf %broadcast_in_dim3A_294, %mul3A_311 : vector<16xf32>
        %add3A_313 = arith.addf %unpack3A_304, %unpack3A_306 : vector<16xf32>
        %max3A_314 = arith.constant 0.000000e+00 : f32
        %max3A_315 = vector.broadcast %max3A_314 : f32 to vector<16xf32>
        %max3A_316 = arith.maximumf %add3A_313, %max3A_315 : vector<16xf32>
        %mul3A_317 = arith.mulf %max3A_316, %get3A_164 : vector<16xf32>
        %add3A_318 = arith.addf %add3A_312, %mul3A_317 : vector<16xf32>
        %get3A_319 = arith.index_cast %add3A_292 : i32 to index
        %get3A_320 = arith.constant 16 : index
        %get3A_321 = tpu.vector_load %arg15[%get3A_319, %get3A_320] {strides = array<i32>} : memref<128x32xi32, #tpu.memory_space<vmem>>, vector<16xi32>,
        %bitcast3A_322 = vector.bitcast %get3A_321 : vector<16xi32> to vector<32xbf16>
        %get3A_323 = arith.index_cast %add3A_292 : i32 to index
        %get3A_324 = arith.constant 16 : index
        %get3A_325 = tpu.vector_load %arg19[%get3A_323, %get3A_324] {strides = array<i32>} : memref<128x32xi32, #tpu.memory_space<vmem>>, vector<16xi32>,
        %bitcast3A_326 = vector.bitcast %get3A_325 : vector<16xi32> to vector<32xbf16>
        %unpack3A_327 = tpu.unpack_subelements %bitcast3A_322, 0 {pack_format = #tpu.pack_format<interleaved>} : vector<32xbf16> -> vector<16xf32>
        %unpack3A_328 = tpu.unpack_subelements %bitcast3A_322, 1 {pack_format = #tpu.pack_format<interleaved>} : vector<32xbf16> -> vector<16xf32>
        %unpack3A_329 = tpu.unpack_subelements %bitcast3A_326, 0 {pack_format = #tpu.pack_format<interleaved>} : vector<32xbf16> -> vector<16xf32>
        %unpack3A_330 = tpu.unpack_subelements %bitcast3A_326, 1 {pack_format = #tpu.pack_format<interleaved>} : vector<32xbf16> -> vector<16xf32>
        %add3A_331 = arith.addf %unpack3A_327, %unpack3A_329 : vector<16xf32>
        %max3A_332 = arith.constant 0.000000e+00 : f32
        %max3A_333 = vector.broadcast %max3A_332 : f32 to vector<16xf32>
        %max3A_334 = arith.maximumf %add3A_331, %max3A_333 : vector<16xf32>
        %mul3A_335 = arith.mulf %max3A_334, %get3A_168 : vector<16xf32>
        %add3A_336 = arith.addf %add3A_318, %mul3A_335 : vector<16xf32>
        %add3A_337 = arith.addf %unpack3A_328, %unpack3A_330 : vector<16xf32>
        %max3A_338 = arith.constant 0.000000e+00 : f32
        %max3A_339 = vector.broadcast %max3A_338 : f32 to vector<16xf32>
        %max3A_340 = arith.maximumf %add3A_337, %max3A_339 : vector<16xf32>
        %mul3A_341 = arith.mulf %max3A_340, %get3A_172 : vector<16xf32>
        %add3A_342 = arith.addf %add3A_336, %mul3A_341 : vector<16xf32>
        %broadcast_in_dim3A_343 = arith.constant true
        %broadcast_in_dim3A_344 = vector.broadcast %broadcast_in_dim3A_343 : i1 to vector<16xi1>
        %masked_cumsum3A_345 = tpu.scan <sum>, %add3A_342 masked %broadcast_in_dim3A_344 : vector<16xf32>, vector<16xi1> -> vector<16xf32>
        %add3A_346 = arith.constant 1 : i32
        %add3A_347 = vector.broadcast %add3A_346 : i32 to vector<16xi32>
        %add3A_348 = arith.addi %broadcast_in_dim3A, %add3A_347 : vector<16xi32>
        tpu.vector_store_idx %arg12[%add3A_348], %masked_cumsum3A_345 masked %eq3A_4 : memref<5120xf32, #tpu.memory_space<vmem>>[vector<16xi32>], vector<16xf32>, vector<16xi1>
        %add3A_349 = arith.constant 2 : i32
        %add3A_350 = arith.addi %mul3A_233, %add3A_349 : i32
        %broadcast_in_dim3A_351 = arith.constant 0.000000e+00 : f32
        %broadcast_in_dim3A_352 = vector.broadcast %broadcast_in_dim3A_351 : f32 to vector<16xf32>
        %get3A_353 = arith.index_cast %add3A_350 : i32 to index
        %get3A_354 = arith.constant 0 : index
        %get3A_355 = tpu.vector_load %arg15[%get3A_353, %get3A_354] {strides = array<i32>} : memref<128x32xi32, #tpu.memory_space<vmem>>, vector<16xi32>,
        %bitcast3A_356 = vector.bitcast %get3A_355 : vector<16xi32> to vector<32xbf16>
        %get3A_357 = arith.index_cast %add3A_350 : i32 to index
        %get3A_358 = arith.constant 0 : index
        %get3A_359 = tpu.vector_load %arg19[%get3A_357, %get3A_358] {strides = array<i32>} : memref<128x32xi32, #tpu.memory_space<vmem>>, vector<16xi32>,
        %bitcast3A_360 = vector.bitcast %get3A_359 : vector<16xi32> to vector<32xbf16>
        %unpack3A_361 = tpu.unpack_subelements %bitcast3A_356, 0 {pack_format = #tpu.pack_format<interleaved>} : vector<32xbf16> -> vector<16xf32>
        %unpack3A_362 = tpu.unpack_subelements %bitcast3A_356, 1 {pack_format = #tpu.pack_format<interleaved>} : vector<32xbf16> -> vector<16xf32>
        %unpack3A_363 = tpu.unpack_subelements %bitcast3A_360, 0 {pack_format = #tpu.pack_format<interleaved>} : vector<32xbf16> -> vector<16xf32>
        %unpack3A_364 = tpu.unpack_subelements %bitcast3A_360, 1 {pack_format = #tpu.pack_format<interleaved>} : vector<32xbf16> -> vector<16xf32>
        %add3A_365 = arith.addf %unpack3A_361, %unpack3A_363 : vector<16xf32>
        %max3A_366 = arith.constant 0.000000e+00 : f32
        %max3A_367 = vector.broadcast %max3A_366 : f32 to vector<16xf32>
        %max3A_368 = arith.maximumf %add3A_365, %max3A_367 : vector<16xf32>
        %mul3A_369 = arith.mulf %max3A_368, %get3A_160 : vector<16xf32>
        %add3A_370 = arith.addf %broadcast_in_dim3A_352, %mul3A_369 : vector<16xf32>
        %add3A_371 = arith.addf %unpack3A_362, %unpack3A_364 : vector<16xf32>
        %max3A_372 = arith.constant 0.000000e+00 : f32
        %max3A_373 = vector.broadcast %max3A_372 : f32 to vector<16xf32>
        %max3A_374 = arith.maximumf %add3A_371, %max3A_373 : vector<16xf32>
        %mul3A_375 = arith.mulf %max3A_374, %get3A_164 : vector<16xf32>
        %add3A_376 = arith.addf %add3A_370, %mul3A_375 : vector<16xf32>
        %get3A_377 = arith.index_cast %add3A_350 : i32 to index
        %get3A_378 = arith.constant 16 : index
        %get3A_379 = tpu.vector_load %arg15[%get3A_377, %get3A_378] {strides = array<i32>} : memref<128x32xi32, #tpu.memory_space<vmem>>, vector<16xi32>,
        %bitcast3A_380 = vector.bitcast %get3A_379 : vector<16xi32> to vector<32xbf16>
        %get3A_381 = arith.index_cast %add3A_350 : i32 to index
        %get3A_382 = arith.constant 16 : index
        %get3A_383 = tpu.vector_load %arg19[%get3A_381, %get3A_382] {strides = array<i32>} : memref<128x32xi32, #tpu.memory_space<vmem>>, vector<16xi32>,
        %bitcast3A_384 = vector.bitcast %get3A_383 : vector<16xi32> to vector<32xbf16>
        %unpack3A_385 = tpu.unpack_subelements %bitcast3A_380, 0 {pack_format = #tpu.pack_format<interleaved>} : vector<32xbf16> -> vector<16xf32>
        %unpack3A_386 = tpu.unpack_subelements %bitcast3A_380, 1 {pack_format = #tpu.pack_format<interleaved>} : vector<32xbf16> -> vector<16xf32>
        %unpack3A_387 = tpu.unpack_subelements %bitcast3A_384, 0 {pack_format = #tpu.pack_format<interleaved>} : vector<32xbf16> -> vector<16xf32>
        %unpack3A_388 = tpu.unpack_subelements %bitcast3A_384, 1 {pack_format = #tpu.pack_format<interleaved>} : vector<32xbf16> -> vector<16xf32>
        %add3A_389 = arith.addf %unpack3A_385, %unpack3A_387 : vector<16xf32>
        %max3A_390 = arith.constant 0.000000e+00 : f32
        %max3A_391 = vector.broadcast %max3A_390 : f32 to vector<16xf32>
        %max3A_392 = arith.maximumf %add3A_389, %max3A_391 : vector<16xf32>
        %mul3A_393 = arith.mulf %max3A_392, %get3A_168 : vector<16xf32>
        %add3A_394 = arith.addf %add3A_376, %mul3A_393 : vector<16xf32>
        %add3A_395 = arith.addf %unpack3A_386, %unpack3A_388 : vector<16xf32>
        %max3A_396 = arith.constant 0.000000e+00 : f32
        %max3A_397 = vector.broadcast %max3A_396 : f32 to vector<16xf32>
        %max3A_398 = arith.maximumf %add3A_395, %max3A_397 : vector<16xf32>
        %mul3A_399 = arith.mulf %max3A_398, %get3A_172 : vector<16xf32>
        %add3A_400 = arith.addf %add3A_394, %mul3A_399 : vector<16xf32>
        %broadcast_in_dim3A_401 = arith.constant true
        %broadcast_in_dim3A_402 = vector.broadcast %broadcast_in_dim3A_401 : i1 to vector<16xi1>
        %masked_cumsum3A_403 = tpu.scan <sum>, %add3A_400 masked %broadcast_in_dim3A_402 : vector<16xf32>, vector<16xi1> -> vector<16xf32>
        %add3A_404 = arith.constant 2 : i32
        %add3A_405 = vector.broadcast %add3A_404 : i32 to vector<16xi32>
        %add3A_406 = arith.addi %broadcast_in_dim3A, %add3A_405 : vector<16xi32>
        tpu.vector_store_idx %arg12[%add3A_406], %masked_cumsum3A_403 masked %eq3A_4 : memref<5120xf32, #tpu.memory_space<vmem>>[vector<16xi32>], vector<16xf32>, vector<16xi1>
        %add3A_407 = arith.constant 3 : i32
        %add3A_408 = arith.addi %mul3A_233, %add3A_407 : i32
        %broadcast_in_dim3A_409 = arith.constant 0.000000e+00 : f32
        %broadcast_in_dim3A_410 = vector.broadcast %broadcast_in_dim3A_409 : f32 to vector<16xf32>
        %get3A_411 = arith.index_cast %add3A_408 : i32 to index
        %get3A_412 = arith.constant 0 : index
        %get3A_413 = tpu.vector_load %arg15[%get3A_411, %get3A_412] {strides = array<i32>} : memref<128x32xi32, #tpu.memory_space<vmem>>, vector<16xi32>,
        %bitcast3A_414 = vector.bitcast %get3A_413 : vector<16xi32> to vector<32xbf16>
        %get3A_415 = arith.index_cast %add3A_408 : i32 to index
        %get3A_416 = arith.constant 0 : index
        %get3A_417 = tpu.vector_load %arg19[%get3A_415, %get3A_416] {strides = array<i32>} : memref<128x32xi32, #tpu.memory_space<vmem>>, vector<16xi32>,
        %bitcast3A_418 = vector.bitcast %get3A_417 : vector<16xi32> to vector<32xbf16>
        %unpack3A_419 = tpu.unpack_subelements %bitcast3A_414, 0 {pack_format = #tpu.pack_format<interleaved>} : vector<32xbf16> -> vector<16xf32>
        %unpack3A_420 = tpu.unpack_subelements %bitcast3A_414, 1 {pack_format = #tpu.pack_format<interleaved>} : vector<32xbf16> -> vector<16xf32>
        %unpack3A_421 = tpu.unpack_subelements %bitcast3A_418, 0 {pack_format = #tpu.pack_format<interleaved>} : vector<32xbf16> -> vector<16xf32>
        %unpack3A_422 = tpu.unpack_subelements %bitcast3A_418, 1 {pack_format = #tpu.pack_format<interleaved>} : vector<32xbf16> -> vector<16xf32>
        %add3A_423 = arith.addf %unpack3A_419, %unpack3A_421 : vector<16xf32>
        %max3A_424 = arith.constant 0.000000e+00 : f32
        %max3A_425 = vector.broadcast %max3A_424 : f32 to vector<16xf32>
        %max3A_426 = arith.maximumf %add3A_423, %max3A_425 : vector<16xf32>
        %mul3A_427 = arith.mulf %max3A_426, %get3A_160 : vector<16xf32>
        %add3A_428 = arith.addf %broadcast_in_dim3A_410, %mul3A_427 : vector<16xf32>
        %add3A_429 = arith.addf %unpack3A_420, %unpack3A_422 : vector<16xf32>
        %max3A_430 = arith.constant 0.000000e+00 : f32
        %max3A_431 = vector.broadcast %max3A_430 : f32 to vector<16xf32>
        %max3A_432 = arith.maximumf %add3A_429, %max3A_431 : vector<16xf32>
        %mul3A_433 = arith.mulf %max3A_432, %get3A_164 : vector<16xf32>
        %add3A_434 = arith.addf %add3A_428, %mul3A_433 : vector<16xf32>
        %get3A_435 = arith.index_cast %add3A_408 : i32 to index
        %get3A_436 = arith.constant 16 : index
        %get3A_437 = tpu.vector_load %arg15[%get3A_435, %get3A_436] {strides = array<i32>} : memref<128x32xi32, #tpu.memory_space<vmem>>, vector<16xi32>,
        %bitcast3A_438 = vector.bitcast %get3A_437 : vector<16xi32> to vector<32xbf16>
        %get3A_439 = arith.index_cast %add3A_408 : i32 to index
        %get3A_440 = arith.constant 16 : index
        %get3A_441 = tpu.vector_load %arg19[%get3A_439, %get3A_440] {strides = array<i32>} : memref<128x32xi32, #tpu.memory_space<vmem>>, vector<16xi32>,
        %bitcast3A_442 = vector.bitcast %get3A_441 : vector<16xi32> to vector<32xbf16>
        %unpack3A_443 = tpu.unpack_subelements %bitcast3A_438, 0 {pack_format = #tpu.pack_format<interleaved>} : vector<32xbf16> -> vector<16xf32>
        %unpack3A_444 = tpu.unpack_subelements %bitcast3A_438, 1 {pack_format = #tpu.pack_format<interleaved>} : vector<32xbf16> -> vector<16xf32>
        %unpack3A_445 = tpu.unpack_subelements %bitcast3A_442, 0 {pack_format = #tpu.pack_format<interleaved>} : vector<32xbf16> -> vector<16xf32>
        %unpack3A_446 = tpu.unpack_subelements %bitcast3A_442, 1 {pack_format = #tpu.pack_format<interleaved>} : vector<32xbf16> -> vector<16xf32>
        %add3A_447 = arith.addf %unpack3A_443, %unpack3A_445 : vector<16xf32>
        %max3A_448 = arith.constant 0.000000e+00 : f32
        %max3A_449 = vector.broadcast %max3A_448 : f32 to vector<16xf32>
        %max3A_450 = arith.maximumf %add3A_447, %max3A_449 : vector<16xf32>
        %mul3A_451 = arith.mulf %max3A_450, %get3A_168 : vector<16xf32>
        %add3A_452 = arith.addf %add3A_434, %mul3A_451 : vector<16xf32>
        %add3A_453 = arith.addf %unpack3A_444, %unpack3A_446 : vector<16xf32>
        %max3A_454 = arith.constant 0.000000e+00 : f32
        %max3A_455 = vector.broadcast %max3A_454 : f32 to vector<16xf32>
        %max3A_456 = arith.maximumf %add3A_453, %max3A_455 : vector<16xf32>
        %mul3A_457 = arith.mulf %max3A_456, %get3A_172 : vector<16xf32>
        %add3A_458 = arith.addf %add3A_452, %mul3A_457 : vector<16xf32>
        %broadcast_in_dim3A_459 = arith.constant true
        %broadcast_in_dim3A_460 = vector.broadcast %broadcast_in_dim3A_459 : i1 to vector<16xi1>
        %masked_cumsum3A_461 = tpu.scan <sum>, %add3A_458 masked %broadcast_in_dim3A_460 : vector<16xf32>, vector<16xi1> -> vector<16xf32>
        %add3A_462 = arith.constant 3 : i32
        %add3A_463 = vector.broadcast %add3A_462 : i32 to vector<16xi32>
        %add3A_464 = arith.addi %broadcast_in_dim3A, %add3A_463 : vector<16xi32>
        tpu.vector_store_idx %arg12[%add3A_464], %masked_cumsum3A_461 masked %eq3A_4 : memref<5120xf32, #tpu.memory_space<vmem>>[vector<16xi32>], vector<16xf32>, vector<16xi1>
        %add3A_465 = arith.constant 4 : i32
        %add3A_466 = arith.addi %mul3A_233, %add3A_465 : i32
        %broadcast_in_dim3A_467 = arith.constant 0.000000e+00 : f32
        %broadcast_in_dim3A_468 = vector.broadcast %broadcast_in_dim3A_467 : f32 to vector<16xf32>
        %get3A_469 = arith.index_cast %add3A_466 : i32 to index
        %get3A_470 = arith.constant 0 : index
        %get3A_471 = tpu.vector_load %arg15[%get3A_469, %get3A_470] {strides = array<i32>} : memref<128x32xi32, #tpu.memory_space<vmem>>, vector<16xi32>,
        %bitcast3A_472 = vector.bitcast %get3A_471 : vector<16xi32> to vector<32xbf16>
        %get3A_473 = arith.index_cast %add3A_466 : i32 to index
        %get3A_474 = arith.constant 0 : index
        %get3A_475 = tpu.vector_load %arg19[%get3A_473, %get3A_474] {strides = array<i32>} : memref<128x32xi32, #tpu.memory_space<vmem>>, vector<16xi32>,
        %bitcast3A_476 = vector.bitcast %get3A_475 : vector<16xi32> to vector<32xbf16>
        %unpack3A_477 = tpu.unpack_subelements %bitcast3A_472, 0 {pack_format = #tpu.pack_format<interleaved>} : vector<32xbf16> -> vector<16xf32>
        %unpack3A_478 = tpu.unpack_subelements %bitcast3A_472, 1 {pack_format = #tpu.pack_format<interleaved>} : vector<32xbf16> -> vector<16xf32>
        %unpack3A_479 = tpu.unpack_subelements %bitcast3A_476, 0 {pack_format = #tpu.pack_format<interleaved>} : vector<32xbf16> -> vector<16xf32>
        %unpack3A_480 = tpu.unpack_subelements %bitcast3A_476, 1 {pack_format = #tpu.pack_format<interleaved>} : vector<32xbf16> -> vector<16xf32>
        %add3A_481 = arith.addf %unpack3A_477, %unpack3A_479 : vector<16xf32>
        %max3A_482 = arith.constant 0.000000e+00 : f32
        %max3A_483 = vector.broadcast %max3A_482 : f32 to vector<16xf32>
        %max3A_484 = arith.maximumf %add3A_481, %max3A_483 : vector<16xf32>
        %mul3A_485 = arith.mulf %max3A_484, %get3A_160 : vector<16xf32>
        %add3A_486 = arith.addf %broadcast_in_dim3A_468, %mul3A_485 : vector<16xf32>
        %add3A_487 = arith.addf %unpack3A_478, %unpack3A_480 : vector<16xf32>
        %max3A_488 = arith.constant 0.000000e+00 : f32
        %max3A_489 = vector.broadcast %max3A_488 : f32 to vector<16xf32>
        %max3A_490 = arith.maximumf %add3A_487, %max3A_489 : vector<16xf32>
        %mul3A_491 = arith.mulf %max3A_490, %get3A_164 : vector<16xf32>
        %add3A_492 = arith.addf %add3A_486, %mul3A_491 : vector<16xf32>
        %get3A_493 = arith.index_cast %add3A_466 : i32 to index
        %get3A_494 = arith.constant 16 : index
        %get3A_495 = tpu.vector_load %arg15[%get3A_493, %get3A_494] {strides = array<i32>} : memref<128x32xi32, #tpu.memory_space<vmem>>, vector<16xi32>,
        %bitcast3A_496 = vector.bitcast %get3A_495 : vector<16xi32> to vector<32xbf16>
        %get3A_497 = arith.index_cast %add3A_466 : i32 to index
        %get3A_498 = arith.constant 16 : index
        %get3A_499 = tpu.vector_load %arg19[%get3A_497, %get3A_498] {strides = array<i32>} : memref<128x32xi32, #tpu.memory_space<vmem>>, vector<16xi32>,
        %bitcast3A_500 = vector.bitcast %get3A_499 : vector<16xi32> to vector<32xbf16>
        %unpack3A_501 = tpu.unpack_subelements %bitcast3A_496, 0 {pack_format = #tpu.pack_format<interleaved>} : vector<32xbf16> -> vector<16xf32>
        %unpack3A_502 = tpu.unpack_subelements %bitcast3A_496, 1 {pack_format = #tpu.pack_format<interleaved>} : vector<32xbf16> -> vector<16xf32>
        %unpack3A_503 = tpu.unpack_subelements %bitcast3A_500, 0 {pack_format = #tpu.pack_format<interleaved>} : vector<32xbf16> -> vector<16xf32>
        %unpack3A_504 = tpu.unpack_subelements %bitcast3A_500, 1 {pack_format = #tpu.pack_format<interleaved>} : vector<32xbf16> -> vector<16xf32>
        %add3A_505 = arith.addf %unpack3A_501, %unpack3A_503 : vector<16xf32>
        %max3A_506 = arith.constant 0.000000e+00 : f32
        %max3A_507 = vector.broadcast %max3A_506 : f32 to vector<16xf32>
        %max3A_508 = arith.maximumf %add3A_505, %max3A_507 : vector<16xf32>
        %mul3A_509 = arith.mulf %max3A_508, %get3A_168 : vector<16xf32>
        %add3A_510 = arith.addf %add3A_492, %mul3A_509 : vector<16xf32>
        %add3A_511 = arith.addf %unpack3A_502, %unpack3A_504 : vector<16xf32>
        %max3A_512 = arith.constant 0.000000e+00 : f32
        %max3A_513 = vector.broadcast %max3A_512 : f32 to vector<16xf32>
        %max3A_514 = arith.maximumf %add3A_511, %max3A_513 : vector<16xf32>
        %mul3A_515 = arith.mulf %max3A_514, %get3A_172 : vector<16xf32>
        %add3A_516 = arith.addf %add3A_510, %mul3A_515 : vector<16xf32>
        %broadcast_in_dim3A_517 = arith.constant true
        %broadcast_in_dim3A_518 = vector.broadcast %broadcast_in_dim3A_517 : i1 to vector<16xi1>
        %masked_cumsum3A_519 = tpu.scan <sum>, %add3A_516 masked %broadcast_in_dim3A_518 : vector<16xf32>, vector<16xi1> -> vector<16xf32>
        %add3A_520 = arith.constant 4 : i32
        %add3A_521 = vector.broadcast %add3A_520 : i32 to vector<16xi32>
        %add3A_522 = arith.addi %broadcast_in_dim3A, %add3A_521 : vector<16xi32>
        tpu.vector_store_idx %arg12[%add3A_522], %masked_cumsum3A_519 masked %eq3A_4 : memref<5120xf32, #tpu.memory_space<vmem>>[vector<16xi32>], vector<16xf32>, vector<16xi1>
        %add3A_523 = arith.constant 5 : i32
        %add3A_524 = arith.addi %mul3A_233, %add3A_523 : i32
        %broadcast_in_dim3A_525 = arith.constant 0.000000e+00 : f32
        %broadcast_in_dim3A_526 = vector.broadcast %broadcast_in_dim3A_525 : f32 to vector<16xf32>
        %get3A_527 = arith.index_cast %add3A_524 : i32 to index
        %get3A_528 = arith.constant 0 : index
        %get3A_529 = tpu.vector_load %arg15[%get3A_527, %get3A_528] {strides = array<i32>} : memref<128x32xi32, #tpu.memory_space<vmem>>, vector<16xi32>,
        %bitcast3A_530 = vector.bitcast %get3A_529 : vector<16xi32> to vector<32xbf16>
        %get3A_531 = arith.index_cast %add3A_524 : i32 to index
        %get3A_532 = arith.constant 0 : index
        %get3A_533 = tpu.vector_load %arg19[%get3A_531, %get3A_532] {strides = array<i32>} : memref<128x32xi32, #tpu.memory_space<vmem>>, vector<16xi32>,
        %bitcast3A_534 = vector.bitcast %get3A_533 : vector<16xi32> to vector<32xbf16>
        %unpack3A_535 = tpu.unpack_subelements %bitcast3A_530, 0 {pack_format = #tpu.pack_format<interleaved>} : vector<32xbf16> -> vector<16xf32>
        %unpack3A_536 = tpu.unpack_subelements %bitcast3A_530, 1 {pack_format = #tpu.pack_format<interleaved>} : vector<32xbf16> -> vector<16xf32>
        %unpack3A_537 = tpu.unpack_subelements %bitcast3A_534, 0 {pack_format = #tpu.pack_format<interleaved>} : vector<32xbf16> -> vector<16xf32>
        %unpack3A_538 = tpu.unpack_subelements %bitcast3A_534, 1 {pack_format = #tpu.pack_format<interleaved>} : vector<32xbf16> -> vector<16xf32>
        %add3A_539 = arith.addf %unpack3A_535, %unpack3A_537 : vector<16xf32>
        %max3A_540 = arith.constant 0.000000e+00 : f32
        %max3A_541 = vector.broadcast %max3A_540 : f32 to vector<16xf32>
        %max3A_542 = arith.maximumf %add3A_539, %max3A_541 : vector<16xf32>
        %mul3A_543 = arith.mulf %max3A_542, %get3A_160 : vector<16xf32>
        %add3A_544 = arith.addf %broadcast_in_dim3A_526, %mul3A_543 : vector<16xf32>
        %add3A_545 = arith.addf %unpack3A_536, %unpack3A_538 : vector<16xf32>
        %max3A_546 = arith.constant 0.000000e+00 : f32
        %max3A_547 = vector.broadcast %max3A_546 : f32 to vector<16xf32>
        %max3A_548 = arith.maximumf %add3A_545, %max3A_547 : vector<16xf32>
        %mul3A_549 = arith.mulf %max3A_548, %get3A_164 : vector<16xf32>
        %add3A_550 = arith.addf %add3A_544, %mul3A_549 : vector<16xf32>
        %get3A_551 = arith.index_cast %add3A_524 : i32 to index
        %get3A_552 = arith.constant 16 : index
        %get3A_553 = tpu.vector_load %arg15[%get3A_551, %get3A_552] {strides = array<i32>} : memref<128x32xi32, #tpu.memory_space<vmem>>, vector<16xi32>,
        %bitcast3A_554 = vector.bitcast %get3A_553 : vector<16xi32> to vector<32xbf16>
        %get3A_555 = arith.index_cast %add3A_524 : i32 to index
        %get3A_556 = arith.constant 16 : index
        %get3A_557 = tpu.vector_load %arg19[%get3A_555, %get3A_556] {strides = array<i32>} : memref<128x32xi32, #tpu.memory_space<vmem>>, vector<16xi32>,
        %bitcast3A_558 = vector.bitcast %get3A_557 : vector<16xi32> to vector<32xbf16>
        %unpack3A_559 = tpu.unpack_subelements %bitcast3A_554, 0 {pack_format = #tpu.pack_format<interleaved>} : vector<32xbf16> -> vector<16xf32>
        %unpack3A_560 = tpu.unpack_subelements %bitcast3A_554, 1 {pack_format = #tpu.pack_format<interleaved>} : vector<32xbf16> -> vector<16xf32>
        %unpack3A_561 = tpu.unpack_subelements %bitcast3A_558, 0 {pack_format = #tpu.pack_format<interleaved>} : vector<32xbf16> -> vector<16xf32>
        %unpack3A_562 = tpu.unpack_subelements %bitcast3A_558, 1 {pack_format = #tpu.pack_format<interleaved>} : vector<32xbf16> -> vector<16xf32>
        %add3A_563 = arith.addf %unpack3A_559, %unpack3A_561 : vector<16xf32>
        %max3A_564 = arith.constant 0.000000e+00 : f32
        %max3A_565 = vector.broadcast %max3A_564 : f32 to vector<16xf32>
        %max3A_566 = arith.maximumf %add3A_563, %max3A_565 : vector<16xf32>
        %mul3A_567 = arith.mulf %max3A_566, %get3A_168 : vector<16xf32>
        %add3A_568 = arith.addf %add3A_550, %mul3A_567 : vector<16xf32>
        %add3A_569 = arith.addf %unpack3A_560, %unpack3A_562 : vector<16xf32>
        %max3A_570 = arith.constant 0.000000e+00 : f32
        %max3A_571 = vector.broadcast %max3A_570 : f32 to vector<16xf32>
        %max3A_572 = arith.maximumf %add3A_569, %max3A_571 : vector<16xf32>
        %mul3A_573 = arith.mulf %max3A_572, %get3A_172 : vector<16xf32>
        %add3A_574 = arith.addf %add3A_568, %mul3A_573 : vector<16xf32>
        %broadcast_in_dim3A_575 = arith.constant true
        %broadcast_in_dim3A_576 = vector.broadcast %broadcast_in_dim3A_575 : i1 to vector<16xi1>
        %masked_cumsum3A_577 = tpu.scan <sum>, %add3A_574 masked %broadcast_in_dim3A_576 : vector<16xf32>, vector<16xi1> -> vector<16xf32>
        %add3A_578 = arith.constant 5 : i32
        %add3A_579 = vector.broadcast %add3A_578 : i32 to vector<16xi32>
        %add3A_580 = arith.addi %broadcast_in_dim3A, %add3A_579 : vector<16xi32>
        tpu.vector_store_idx %arg12[%add3A_580], %masked_cumsum3A_577 masked %eq3A_4 : memref<5120xf32, #tpu.memory_space<vmem>>[vector<16xi32>], vector<16xf32>, vector<16xi1>
        %add3A_581 = arith.constant 6 : i32
        %add3A_582 = arith.addi %mul3A_233, %add3A_581 : i32
        %broadcast_in_dim3A_583 = arith.constant 0.000000e+00 : f32
        %broadcast_in_dim3A_584 = vector.broadcast %broadcast_in_dim3A_583 : f32 to vector<16xf32>
        %get3A_585 = arith.index_cast %add3A_582 : i32 to index
        %get3A_586 = arith.constant 0 : index
        %get3A_587 = tpu.vector_load %arg15[%get3A_585, %get3A_586] {strides = array<i32>} : memref<128x32xi32, #tpu.memory_space<vmem>>, vector<16xi32>,
        %bitcast3A_588 = vector.bitcast %get3A_587 : vector<16xi32> to vector<32xbf16>
        %get3A_589 = arith.index_cast %add3A_582 : i32 to index
        %get3A_590 = arith.constant 0 : index
        %get3A_591 = tpu.vector_load %arg19[%get3A_589, %get3A_590] {strides = array<i32>} : memref<128x32xi32, #tpu.memory_space<vmem>>, vector<16xi32>,
        %bitcast3A_592 = vector.bitcast %get3A_591 : vector<16xi32> to vector<32xbf16>
        %unpack3A_593 = tpu.unpack_subelements %bitcast3A_588, 0 {pack_format = #tpu.pack_format<interleaved>} : vector<32xbf16> -> vector<16xf32>
        %unpack3A_594 = tpu.unpack_subelements %bitcast3A_588, 1 {pack_format = #tpu.pack_format<interleaved>} : vector<32xbf16> -> vector<16xf32>
        %unpack3A_595 = tpu.unpack_subelements %bitcast3A_592, 0 {pack_format = #tpu.pack_format<interleaved>} : vector<32xbf16> -> vector<16xf32>
        %unpack3A_596 = tpu.unpack_subelements %bitcast3A_592, 1 {pack_format = #tpu.pack_format<interleaved>} : vector<32xbf16> -> vector<16xf32>
        %add3A_597 = arith.addf %unpack3A_593, %unpack3A_595 : vector<16xf32>
        %max3A_598 = arith.constant 0.000000e+00 : f32
        %max3A_599 = vector.broadcast %max3A_598 : f32 to vector<16xf32>
        %max3A_600 = arith.maximumf %add3A_597, %max3A_599 : vector<16xf32>
        %mul3A_601 = arith.mulf %max3A_600, %get3A_160 : vector<16xf32>
        %add3A_602 = arith.addf %broadcast_in_dim3A_584, %mul3A_601 : vector<16xf32>
        %add3A_603 = arith.addf %unpack3A_594, %unpack3A_596 : vector<16xf32>
        %max3A_604 = arith.constant 0.000000e+00 : f32
        %max3A_605 = vector.broadcast %max3A_604 : f32 to vector<16xf32>
        %max3A_606 = arith.maximumf %add3A_603, %max3A_605 : vector<16xf32>
        %mul3A_607 = arith.mulf %max3A_606, %get3A_164 : vector<16xf32>
        %add3A_608 = arith.addf %add3A_602, %mul3A_607 : vector<16xf32>
        %get3A_609 = arith.index_cast %add3A_582 : i32 to index
        %get3A_610 = arith.constant 16 : index
        %get3A_611 = tpu.vector_load %arg15[%get3A_609, %get3A_610] {strides = array<i32>} : memref<128x32xi32, #tpu.memory_space<vmem>>, vector<16xi32>,
        %bitcast3A_612 = vector.bitcast %get3A_611 : vector<16xi32> to vector<32xbf16>
        %get3A_613 = arith.index_cast %add3A_582 : i32 to index
        %get3A_614 = arith.constant 16 : index
        %get3A_615 = tpu.vector_load %arg19[%get3A_613, %get3A_614] {strides = array<i32>} : memref<128x32xi32, #tpu.memory_space<vmem>>, vector<16xi32>,
        %bitcast3A_616 = vector.bitcast %get3A_615 : vector<16xi32> to vector<32xbf16>
        %unpack3A_617 = tpu.unpack_subelements %bitcast3A_612, 0 {pack_format = #tpu.pack_format<interleaved>} : vector<32xbf16> -> vector<16xf32>
        %unpack3A_618 = tpu.unpack_subelements %bitcast3A_612, 1 {pack_format = #tpu.pack_format<interleaved>} : vector<32xbf16> -> vector<16xf32>
        %unpack3A_619 = tpu.unpack_subelements %bitcast3A_616, 0 {pack_format = #tpu.pack_format<interleaved>} : vector<32xbf16> -> vector<16xf32>
        %unpack3A_620 = tpu.unpack_subelements %bitcast3A_616, 1 {pack_format = #tpu.pack_format<interleaved>} : vector<32xbf16> -> vector<16xf32>
        %add3A_621 = arith.addf %unpack3A_617, %unpack3A_619 : vector<16xf32>
        %max3A_622 = arith.constant 0.000000e+00 : f32
        %max3A_623 = vector.broadcast %max3A_622 : f32 to vector<16xf32>
        %max3A_624 = arith.maximumf %add3A_621, %max3A_623 : vector<16xf32>
        %mul3A_625 = arith.mulf %max3A_624, %get3A_168 : vector<16xf32>
        %add3A_626 = arith.addf %add3A_608, %mul3A_625 : vector<16xf32>
        %add3A_627 = arith.addf %unpack3A_618, %unpack3A_620 : vector<16xf32>
        %max3A_628 = arith.constant 0.000000e+00 : f32
        %max3A_629 = vector.broadcast %max3A_628 : f32 to vector<16xf32>
        %max3A_630 = arith.maximumf %add3A_627, %max3A_629 : vector<16xf32>
        %mul3A_631 = arith.mulf %max3A_630, %get3A_172 : vector<16xf32>
        %add3A_632 = arith.addf %add3A_626, %mul3A_631 : vector<16xf32>
        %broadcast_in_dim3A_633 = arith.constant true
        %broadcast_in_dim3A_634 = vector.broadcast %broadcast_in_dim3A_633 : i1 to vector<16xi1>
        %masked_cumsum3A_635 = tpu.scan <sum>, %add3A_632 masked %broadcast_in_dim3A_634 : vector<16xf32>, vector<16xi1> -> vector<16xf32>
        %add3A_636 = arith.constant 6 : i32
        %add3A_637 = vector.broadcast %add3A_636 : i32 to vector<16xi32>
        %add3A_638 = arith.addi %broadcast_in_dim3A, %add3A_637 : vector<16xi32>
        tpu.vector_store_idx %arg12[%add3A_638], %masked_cumsum3A_635 masked %eq3A_4 : memref<5120xf32, #tpu.memory_space<vmem>>[vector<16xi32>], vector<16xf32>, vector<16xi1>
        %add3A_639 = arith.constant 7 : i32
        %add3A_640 = arith.addi %mul3A_233, %add3A_639 : i32
        %broadcast_in_dim3A_641 = arith.constant 0.000000e+00 : f32
        %broadcast_in_dim3A_642 = vector.broadcast %broadcast_in_dim3A_641 : f32 to vector<16xf32>
        %get3A_643 = arith.index_cast %add3A_640 : i32 to index
        %get3A_644 = arith.constant 0 : index
        %get3A_645 = tpu.vector_load %arg15[%get3A_643, %get3A_644] {strides = array<i32>} : memref<128x32xi32, #tpu.memory_space<vmem>>, vector<16xi32>,
        %bitcast3A_646 = vector.bitcast %get3A_645 : vector<16xi32> to vector<32xbf16>
        %get3A_647 = arith.index_cast %add3A_640 : i32 to index
        %get3A_648 = arith.constant 0 : index
        %get3A_649 = tpu.vector_load %arg19[%get3A_647, %get3A_648] {strides = array<i32>} : memref<128x32xi32, #tpu.memory_space<vmem>>, vector<16xi32>,
        %bitcast3A_650 = vector.bitcast %get3A_649 : vector<16xi32> to vector<32xbf16>
        %unpack3A_651 = tpu.unpack_subelements %bitcast3A_646, 0 {pack_format = #tpu.pack_format<interleaved>} : vector<32xbf16> -> vector<16xf32>
        %unpack3A_652 = tpu.unpack_subelements %bitcast3A_646, 1 {pack_format = #tpu.pack_format<interleaved>} : vector<32xbf16> -> vector<16xf32>
        %unpack3A_653 = tpu.unpack_subelements %bitcast3A_650, 0 {pack_format = #tpu.pack_format<interleaved>} : vector<32xbf16> -> vector<16xf32>
        %unpack3A_654 = tpu.unpack_subelements %bitcast3A_650, 1 {pack_format = #tpu.pack_format<interleaved>} : vector<32xbf16> -> vector<16xf32>
        %add3A_655 = arith.addf %unpack3A_651, %unpack3A_653 : vector<16xf32>
        %max3A_656 = arith.constant 0.000000e+00 : f32
        %max3A_657 = vector.broadcast %max3A_656 : f32 to vector<16xf32>
        %max3A_658 = arith.maximumf %add3A_655, %max3A_657 : vector<16xf32>
        %mul3A_659 = arith.mulf %max3A_658, %get3A_160 : vector<16xf32>
        %add3A_660 = arith.addf %broadcast_in_dim3A_642, %mul3A_659 : vector<16xf32>
        %add3A_661 = arith.addf %unpack3A_652, %unpack3A_654 : vector<16xf32>
        %max3A_662 = arith.constant 0.000000e+00 : f32
        %max3A_663 = vector.broadcast %max3A_662 : f32 to vector<16xf32>
        %max3A_664 = arith.maximumf %add3A_661, %max3A_663 : vector<16xf32>
        %mul3A_665 = arith.mulf %max3A_664, %get3A_164 : vector<16xf32>
        %add3A_666 = arith.addf %add3A_660, %mul3A_665 : vector<16xf32>
        %get3A_667 = arith.index_cast %add3A_640 : i32 to index
        %get3A_668 = arith.constant 16 : index
        %get3A_669 = tpu.vector_load %arg15[%get3A_667, %get3A_668] {strides = array<i32>} : memref<128x32xi32, #tpu.memory_space<vmem>>, vector<16xi32>,
        %bitcast3A_670 = vector.bitcast %get3A_669 : vector<16xi32> to vector<32xbf16>
        %get3A_671 = arith.index_cast %add3A_640 : i32 to index
        %get3A_672 = arith.constant 16 : index
        %get3A_673 = tpu.vector_load %arg19[%get3A_671, %get3A_672] {strides = array<i32>} : memref<128x32xi32, #tpu.memory_space<vmem>>, vector<16xi32>,
        %bitcast3A_674 = vector.bitcast %get3A_673 : vector<16xi32> to vector<32xbf16>
        %unpack3A_675 = tpu.unpack_subelements %bitcast3A_670, 0 {pack_format = #tpu.pack_format<interleaved>} : vector<32xbf16> -> vector<16xf32>
        %unpack3A_676 = tpu.unpack_subelements %bitcast3A_670, 1 {pack_format = #tpu.pack_format<interleaved>} : vector<32xbf16> -> vector<16xf32>
        %unpack3A_677 = tpu.unpack_subelements %bitcast3A_674, 0 {pack_format = #tpu.pack_format<interleaved>} : vector<32xbf16> -> vector<16xf32>
        %unpack3A_678 = tpu.unpack_subelements %bitcast3A_674, 1 {pack_format = #tpu.pack_format<interleaved>} : vector<32xbf16> -> vector<16xf32>
        %add3A_679 = arith.addf %unpack3A_675, %unpack3A_677 : vector<16xf32>
        %max3A_680 = arith.constant 0.000000e+00 : f32
        %max3A_681 = vector.broadcast %max3A_680 : f32 to vector<16xf32>
        %max3A_682 = arith.maximumf %add3A_679, %max3A_681 : vector<16xf32>
        %mul3A_683 = arith.mulf %max3A_682, %get3A_168 : vector<16xf32>
        %add3A_684 = arith.addf %add3A_666, %mul3A_683 : vector<16xf32>
        %add3A_685 = arith.addf %unpack3A_676, %unpack3A_678 : vector<16xf32>
        %max3A_686 = arith.constant 0.000000e+00 : f32
        %max3A_687 = vector.broadcast %max3A_686 : f32 to vector<16xf32>
        %max3A_688 = arith.maximumf %add3A_685, %max3A_687 : vector<16xf32>
        %mul3A_689 = arith.mulf %max3A_688, %get3A_172 : vector<16xf32>
        %add3A_690 = arith.addf %add3A_684, %mul3A_689 : vector<16xf32>
        %broadcast_in_dim3A_691 = arith.constant true
        %broadcast_in_dim3A_692 = vector.broadcast %broadcast_in_dim3A_691 : i1 to vector<16xi1>
        %masked_cumsum3A_693 = tpu.scan <sum>, %add3A_690 masked %broadcast_in_dim3A_692 : vector<16xf32>, vector<16xi1> -> vector<16xf32>
        %add3A_694 = arith.constant 7 : i32
        %add3A_695 = vector.broadcast %add3A_694 : i32 to vector<16xi32>
        %add3A_696 = arith.addi %broadcast_in_dim3A, %add3A_695 : vector<16xi32>
        tpu.vector_store_idx %arg12[%add3A_696], %masked_cumsum3A_693 masked %eq3A_4 : memref<5120xf32, #tpu.memory_space<vmem>>[vector<16xi32>], vector<16xf32>, vector<16xi1>
        %add3A_697 = arith.constant 8 : i32
        %add3A_698 = arith.addi %mul3A_233, %add3A_697 : i32
        %broadcast_in_dim3A_699 = arith.constant 0.000000e+00 : f32
        %broadcast_in_dim3A_700 = vector.broadcast %broadcast_in_dim3A_699 : f32 to vector<16xf32>
        %get3A_701 = arith.index_cast %add3A_698 : i32 to index
        %get3A_702 = arith.constant 0 : index
        %get3A_703 = tpu.vector_load %arg15[%get3A_701, %get3A_702] {strides = array<i32>} : memref<128x32xi32, #tpu.memory_space<vmem>>, vector<16xi32>,
        %bitcast3A_704 = vector.bitcast %get3A_703 : vector<16xi32> to vector<32xbf16>
        %get3A_705 = arith.index_cast %add3A_698 : i32 to index
        %get3A_706 = arith.constant 0 : index
        %get3A_707 = tpu.vector_load %arg19[%get3A_705, %get3A_706] {strides = array<i32>} : memref<128x32xi32, #tpu.memory_space<vmem>>, vector<16xi32>,
        %bitcast3A_708 = vector.bitcast %get3A_707 : vector<16xi32> to vector<32xbf16>
        %unpack3A_709 = tpu.unpack_subelements %bitcast3A_704, 0 {pack_format = #tpu.pack_format<interleaved>} : vector<32xbf16> -> vector<16xf32>
        %unpack3A_710 = tpu.unpack_subelements %bitcast3A_704, 1 {pack_format = #tpu.pack_format<interleaved>} : vector<32xbf16> -> vector<16xf32>
        %unpack3A_711 = tpu.unpack_subelements %bitcast3A_708, 0 {pack_format = #tpu.pack_format<interleaved>} : vector<32xbf16> -> vector<16xf32>
        %unpack3A_712 = tpu.unpack_subelements %bitcast3A_708, 1 {pack_format = #tpu.pack_format<interleaved>} : vector<32xbf16> -> vector<16xf32>
        %add3A_713 = arith.addf %unpack3A_709, %unpack3A_711 : vector<16xf32>
        %max3A_714 = arith.constant 0.000000e+00 : f32
        %max3A_715 = vector.broadcast %max3A_714 : f32 to vector<16xf32>
        %max3A_716 = arith.maximumf %add3A_713, %max3A_715 : vector<16xf32>
        %mul3A_717 = arith.mulf %max3A_716, %get3A_160 : vector<16xf32>
        %add3A_718 = arith.addf %broadcast_in_dim3A_700, %mul3A_717 : vector<16xf32>
        %add3A_719 = arith.addf %unpack3A_710, %unpack3A_712 : vector<16xf32>
        %max3A_720 = arith.constant 0.000000e+00 : f32
        %max3A_721 = vector.broadcast %max3A_720 : f32 to vector<16xf32>
        %max3A_722 = arith.maximumf %add3A_719, %max3A_721 : vector<16xf32>
        %mul3A_723 = arith.mulf %max3A_722, %get3A_164 : vector<16xf32>
        %add3A_724 = arith.addf %add3A_718, %mul3A_723 : vector<16xf32>
        %get3A_725 = arith.index_cast %add3A_698 : i32 to index
        %get3A_726 = arith.constant 16 : index
        %get3A_727 = tpu.vector_load %arg15[%get3A_725, %get3A_726] {strides = array<i32>} : memref<128x32xi32, #tpu.memory_space<vmem>>, vector<16xi32>,
        %bitcast3A_728 = vector.bitcast %get3A_727 : vector<16xi32> to vector<32xbf16>
        %get3A_729 = arith.index_cast %add3A_698 : i32 to index
        %get3A_730 = arith.constant 16 : index
        %get3A_731 = tpu.vector_load %arg19[%get3A_729, %get3A_730] {strides = array<i32>} : memref<128x32xi32, #tpu.memory_space<vmem>>, vector<16xi32>,
        %bitcast3A_732 = vector.bitcast %get3A_731 : vector<16xi32> to vector<32xbf16>
        %unpack3A_733 = tpu.unpack_subelements %bitcast3A_728, 0 {pack_format = #tpu.pack_format<interleaved>} : vector<32xbf16> -> vector<16xf32>
        %unpack3A_734 = tpu.unpack_subelements %bitcast3A_728, 1 {pack_format = #tpu.pack_format<interleaved>} : vector<32xbf16> -> vector<16xf32>
        %unpack3A_735 = tpu.unpack_subelements %bitcast3A_732, 0 {pack_format = #tpu.pack_format<interleaved>} : vector<32xbf16> -> vector<16xf32>
        %unpack3A_736 = tpu.unpack_subelements %bitcast3A_732, 1 {pack_format = #tpu.pack_format<interleaved>} : vector<32xbf16> -> vector<16xf32>
        %add3A_737 = arith.addf %unpack3A_733, %unpack3A_735 : vector<16xf32>
        %max3A_738 = arith.constant 0.000000e+00 : f32
        %max3A_739 = vector.broadcast %max3A_738 : f32 to vector<16xf32>
        %max3A_740 = arith.maximumf %add3A_737, %max3A_739 : vector<16xf32>
        %mul3A_741 = arith.mulf %max3A_740, %get3A_168 : vector<16xf32>
        %add3A_742 = arith.addf %add3A_724, %mul3A_741 : vector<16xf32>
        %add3A_743 = arith.addf %unpack3A_734, %unpack3A_736 : vector<16xf32>
        %max3A_744 = arith.constant 0.000000e+00 : f32
        %max3A_745 = vector.broadcast %max3A_744 : f32 to vector<16xf32>
        %max3A_746 = arith.maximumf %add3A_743, %max3A_745 : vector<16xf32>
        %mul3A_747 = arith.mulf %max3A_746, %get3A_172 : vector<16xf32>
        %add3A_748 = arith.addf %add3A_742, %mul3A_747 : vector<16xf32>
        %broadcast_in_dim3A_749 = arith.constant true
        %broadcast_in_dim3A_750 = vector.broadcast %broadcast_in_dim3A_749 : i1 to vector<16xi1>
        %masked_cumsum3A_751 = tpu.scan <sum>, %add3A_748 masked %broadcast_in_dim3A_750 : vector<16xf32>, vector<16xi1> -> vector<16xf32>
        %add3A_752 = arith.constant 8 : i32
        %add3A_753 = vector.broadcast %add3A_752 : i32 to vector<16xi32>
        %add3A_754 = arith.addi %broadcast_in_dim3A, %add3A_753 : vector<16xi32>
        tpu.vector_store_idx %arg12[%add3A_754], %masked_cumsum3A_751 masked %eq3A_4 : memref<5120xf32, #tpu.memory_space<vmem>>[vector<16xi32>], vector<16xf32>, vector<16xi1>
        %add3A_755 = arith.constant 9 : i32
        %add3A_756 = arith.addi %mul3A_233, %add3A_755 : i32
        %broadcast_in_dim3A_757 = arith.constant 0.000000e+00 : f32
        %broadcast_in_dim3A_758 = vector.broadcast %broadcast_in_dim3A_757 : f32 to vector<16xf32>
        %get3A_759 = arith.index_cast %add3A_756 : i32 to index
        %get3A_760 = arith.constant 0 : index
        %get3A_761 = tpu.vector_load %arg15[%get3A_759, %get3A_760] {strides = array<i32>} : memref<128x32xi32, #tpu.memory_space<vmem>>, vector<16xi32>,
        %bitcast3A_762 = vector.bitcast %get3A_761 : vector<16xi32> to vector<32xbf16>
        %get3A_763 = arith.index_cast %add3A_756 : i32 to index
        %get3A_764 = arith.constant 0 : index
        %get3A_765 = tpu.vector_load %arg19[%get3A_763, %get3A_764] {strides = array<i32>} : memref<128x32xi32, #tpu.memory_space<vmem>>, vector<16xi32>,
        %bitcast3A_766 = vector.bitcast %get3A_765 : vector<16xi32> to vector<32xbf16>
        %unpack3A_767 = tpu.unpack_subelements %bitcast3A_762, 0 {pack_format = #tpu.pack_format<interleaved>} : vector<32xbf16> -> vector<16xf32>
        %unpack3A_768 = tpu.unpack_subelements %bitcast3A_762, 1 {pack_format = #tpu.pack_format<interleaved>} : vector<32xbf16> -> vector<16xf32>
        %unpack3A_769 = tpu.unpack_subelements %bitcast3A_766, 0 {pack_format = #tpu.pack_format<interleaved>} : vector<32xbf16> -> vector<16xf32>
        %unpack3A_770 = tpu.unpack_subelements %bitcast3A_766, 1 {pack_format = #tpu.pack_format<interleaved>} : vector<32xbf16> -> vector<16xf32>
        %add3A_771 = arith.addf %unpack3A_767, %unpack3A_769 : vector<16xf32>
        %max3A_772 = arith.constant 0.000000e+00 : f32
        %max3A_773 = vector.broadcast %max3A_772 : f32 to vector<16xf32>
        %max3A_774 = arith.maximumf %add3A_771, %max3A_773 : vector<16xf32>
        %mul3A_775 = arith.mulf %max3A_774, %get3A_160 : vector<16xf32>
        %add3A_776 = arith.addf %broadcast_in_dim3A_758, %mul3A_775 : vector<16xf32>
        %add3A_777 = arith.addf %unpack3A_768, %unpack3A_770 : vector<16xf32>
        %max3A_778 = arith.constant 0.000000e+00 : f32
        %max3A_779 = vector.broadcast %max3A_778 : f32 to vector<16xf32>
        %max3A_780 = arith.maximumf %add3A_777, %max3A_779 : vector<16xf32>
        %mul3A_781 = arith.mulf %max3A_780, %get3A_164 : vector<16xf32>
        %add3A_782 = arith.addf %add3A_776, %mul3A_781 : vector<16xf32>
        %get3A_783 = arith.index_cast %add3A_756 : i32 to index
        %get3A_784 = arith.constant 16 : index
        %get3A_785 = tpu.vector_load %arg15[%get3A_783, %get3A_784] {strides = array<i32>} : memref<128x32xi32, #tpu.memory_space<vmem>>, vector<16xi32>,
        %bitcast3A_786 = vector.bitcast %get3A_785 : vector<16xi32> to vector<32xbf16>
        %get3A_787 = arith.index_cast %add3A_756 : i32 to index
        %get3A_788 = arith.constant 16 : index
        %get3A_789 = tpu.vector_load %arg19[%get3A_787, %get3A_788] {strides = array<i32>} : memref<128x32xi32, #tpu.memory_space<vmem>>, vector<16xi32>,
        %bitcast3A_790 = vector.bitcast %get3A_789 : vector<16xi32> to vector<32xbf16>
        %unpack3A_791 = tpu.unpack_subelements %bitcast3A_786, 0 {pack_format = #tpu.pack_format<interleaved>} : vector<32xbf16> -> vector<16xf32>
        %unpack3A_792 = tpu.unpack_subelements %bitcast3A_786, 1 {pack_format = #tpu.pack_format<interleaved>} : vector<32xbf16> -> vector<16xf32>
        %unpack3A_793 = tpu.unpack_subelements %bitcast3A_790, 0 {pack_format = #tpu.pack_format<interleaved>} : vector<32xbf16> -> vector<16xf32>
        %unpack3A_794 = tpu.unpack_subelements %bitcast3A_790, 1 {pack_format = #tpu.pack_format<interleaved>} : vector<32xbf16> -> vector<16xf32>
        %add3A_795 = arith.addf %unpack3A_791, %unpack3A_793 : vector<16xf32>
        %max3A_796 = arith.constant 0.000000e+00 : f32
        %max3A_797 = vector.broadcast %max3A_796 : f32 to vector<16xf32>
        %max3A_798 = arith.maximumf %add3A_795, %max3A_797 : vector<16xf32>
        %mul3A_799 = arith.mulf %max3A_798, %get3A_168 : vector<16xf32>
        %add3A_800 = arith.addf %add3A_782, %mul3A_799 : vector<16xf32>
        %add3A_801 = arith.addf %unpack3A_792, %unpack3A_794 : vector<16xf32>
        %max3A_802 = arith.constant 0.000000e+00 : f32
        %max3A_803 = vector.broadcast %max3A_802 : f32 to vector<16xf32>
        %max3A_804 = arith.maximumf %add3A_801, %max3A_803 : vector<16xf32>
        %mul3A_805 = arith.mulf %max3A_804, %get3A_172 : vector<16xf32>
        %add3A_806 = arith.addf %add3A_800, %mul3A_805 : vector<16xf32>
        %broadcast_in_dim3A_807 = arith.constant true
        %broadcast_in_dim3A_808 = vector.broadcast %broadcast_in_dim3A_807 : i1 to vector<16xi1>
        %masked_cumsum3A_809 = tpu.scan <sum>, %add3A_806 masked %broadcast_in_dim3A_808 : vector<16xf32>, vector<16xi1> -> vector<16xf32>
        %add3A_810 = arith.constant 9 : i32
        %add3A_811 = vector.broadcast %add3A_810 : i32 to vector<16xi32>
        %add3A_812 = arith.addi %broadcast_in_dim3A, %add3A_811 : vector<16xi32>
        tpu.vector_store_idx %arg12[%add3A_812], %masked_cumsum3A_809 masked %eq3A_4 : memref<5120xf32, #tpu.memory_space<vmem>>[vector<16xi32>], vector<16xf32>, vector<16xi1>
        %add3A_813 = arith.constant 10 : i32
        %add3A_814 = arith.addi %mul3A_233, %add3A_813 : i32
        %broadcast_in_dim3A_815 = arith.constant 0.000000e+00 : f32
        %broadcast_in_dim3A_816 = vector.broadcast %broadcast_in_dim3A_815 : f32 to vector<16xf32>
        %get3A_817 = arith.index_cast %add3A_814 : i32 to index
        %get3A_818 = arith.constant 0 : index
        %get3A_819 = tpu.vector_load %arg15[%get3A_817, %get3A_818] {strides = array<i32>} : memref<128x32xi32, #tpu.memory_space<vmem>>, vector<16xi32>,
        %bitcast3A_820 = vector.bitcast %get3A_819 : vector<16xi32> to vector<32xbf16>
        %get3A_821 = arith.index_cast %add3A_814 : i32 to index
        %get3A_822 = arith.constant 0 : index
        %get3A_823 = tpu.vector_load %arg19[%get3A_821, %get3A_822] {strides = array<i32>} : memref<128x32xi32, #tpu.memory_space<vmem>>, vector<16xi32>,
        %bitcast3A_824 = vector.bitcast %get3A_823 : vector<16xi32> to vector<32xbf16>
        %unpack3A_825 = tpu.unpack_subelements %bitcast3A_820, 0 {pack_format = #tpu.pack_format<interleaved>} : vector<32xbf16> -> vector<16xf32>
        %unpack3A_826 = tpu.unpack_subelements %bitcast3A_820, 1 {pack_format = #tpu.pack_format<interleaved>} : vector<32xbf16> -> vector<16xf32>
        %unpack3A_827 = tpu.unpack_subelements %bitcast3A_824, 0 {pack_format = #tpu.pack_format<interleaved>} : vector<32xbf16> -> vector<16xf32>
        %unpack3A_828 = tpu.unpack_subelements %bitcast3A_824, 1 {pack_format = #tpu.pack_format<interleaved>} : vector<32xbf16> -> vector<16xf32>
        %add3A_829 = arith.addf %unpack3A_825, %unpack3A_827 : vector<16xf32>
        %max3A_830 = arith.constant 0.000000e+00 : f32
        %max3A_831 = vector.broadcast %max3A_830 : f32 to vector<16xf32>
        %max3A_832 = arith.maximumf %add3A_829, %max3A_831 : vector<16xf32>
        %mul3A_833 = arith.mulf %max3A_832, %get3A_160 : vector<16xf32>
        %add3A_834 = arith.addf %broadcast_in_dim3A_816, %mul3A_833 : vector<16xf32>
        %add3A_835 = arith.addf %unpack3A_826, %unpack3A_828 : vector<16xf32>
        %max3A_836 = arith.constant 0.000000e+00 : f32
        %max3A_837 = vector.broadcast %max3A_836 : f32 to vector<16xf32>
        %max3A_838 = arith.maximumf %add3A_835, %max3A_837 : vector<16xf32>
        %mul3A_839 = arith.mulf %max3A_838, %get3A_164 : vector<16xf32>
        %add3A_840 = arith.addf %add3A_834, %mul3A_839 : vector<16xf32>
        %get3A_841 = arith.index_cast %add3A_814 : i32 to index
        %get3A_842 = arith.constant 16 : index
        %get3A_843 = tpu.vector_load %arg15[%get3A_841, %get3A_842] {strides = array<i32>} : memref<128x32xi32, #tpu.memory_space<vmem>>, vector<16xi32>,
        %bitcast3A_844 = vector.bitcast %get3A_843 : vector<16xi32> to vector<32xbf16>
        %get3A_845 = arith.index_cast %add3A_814 : i32 to index
        %get3A_846 = arith.constant 16 : index
        %get3A_847 = tpu.vector_load %arg19[%get3A_845, %get3A_846] {strides = array<i32>} : memref<128x32xi32, #tpu.memory_space<vmem>>, vector<16xi32>,
        %bitcast3A_848 = vector.bitcast %get3A_847 : vector<16xi32> to vector<32xbf16>
        %unpack3A_849 = tpu.unpack_subelements %bitcast3A_844, 0 {pack_format = #tpu.pack_format<interleaved>} : vector<32xbf16> -> vector<16xf32>
        %unpack3A_850 = tpu.unpack_subelements %bitcast3A_844, 1 {pack_format = #tpu.pack_format<interleaved>} : vector<32xbf16> -> vector<16xf32>
        %unpack3A_851 = tpu.unpack_subelements %bitcast3A_848, 0 {pack_format = #tpu.pack_format<interleaved>} : vector<32xbf16> -> vector<16xf32>
        %unpack3A_852 = tpu.unpack_subelements %bitcast3A_848, 1 {pack_format = #tpu.pack_format<interleaved>} : vector<32xbf16> -> vector<16xf32>
        %add3A_853 = arith.addf %unpack3A_849, %unpack3A_851 : vector<16xf32>
        %max3A_854 = arith.constant 0.000000e+00 : f32
        %max3A_855 = vector.broadcast %max3A_854 : f32 to vector<16xf32>
        %max3A_856 = arith.maximumf %add3A_853, %max3A_855 : vector<16xf32>
        %mul3A_857 = arith.mulf %max3A_856, %get3A_168 : vector<16xf32>
        %add3A_858 = arith.addf %add3A_840, %mul3A_857 : vector<16xf32>
        %add3A_859 = arith.addf %unpack3A_850, %unpack3A_852 : vector<16xf32>
        %max3A_860 = arith.constant 0.000000e+00 : f32
        %max3A_861 = vector.broadcast %max3A_860 : f32 to vector<16xf32>
        %max3A_862 = arith.maximumf %add3A_859, %max3A_861 : vector<16xf32>
        %mul3A_863 = arith.mulf %max3A_862, %get3A_172 : vector<16xf32>
        %add3A_864 = arith.addf %add3A_858, %mul3A_863 : vector<16xf32>
        %broadcast_in_dim3A_865 = arith.constant true
        %broadcast_in_dim3A_866 = vector.broadcast %broadcast_in_dim3A_865 : i1 to vector<16xi1>
        %masked_cumsum3A_867 = tpu.scan <sum>, %add3A_864 masked %broadcast_in_dim3A_866 : vector<16xf32>, vector<16xi1> -> vector<16xf32>
        %add3A_868 = arith.constant 10 : i32
        %add3A_869 = vector.broadcast %add3A_868 : i32 to vector<16xi32>
        %add3A_870 = arith.addi %broadcast_in_dim3A, %add3A_869 : vector<16xi32>
        tpu.vector_store_idx %arg12[%add3A_870], %masked_cumsum3A_867 masked %eq3A_4 : memref<5120xf32, #tpu.memory_space<vmem>>[vector<16xi32>], vector<16xf32>, vector<16xi1>
        %add3A_871 = arith.constant 11 : i32
        %add3A_872 = arith.addi %mul3A_233, %add3A_871 : i32
        %broadcast_in_dim3A_873 = arith.constant 0.000000e+00 : f32
        %broadcast_in_dim3A_874 = vector.broadcast %broadcast_in_dim3A_873 : f32 to vector<16xf32>
        %get3A_875 = arith.index_cast %add3A_872 : i32 to index
        %get3A_876 = arith.constant 0 : index
        %get3A_877 = tpu.vector_load %arg15[%get3A_875, %get3A_876] {strides = array<i32>} : memref<128x32xi32, #tpu.memory_space<vmem>>, vector<16xi32>,
        %bitcast3A_878 = vector.bitcast %get3A_877 : vector<16xi32> to vector<32xbf16>
        %get3A_879 = arith.index_cast %add3A_872 : i32 to index
        %get3A_880 = arith.constant 0 : index
        %get3A_881 = tpu.vector_load %arg19[%get3A_879, %get3A_880] {strides = array<i32>} : memref<128x32xi32, #tpu.memory_space<vmem>>, vector<16xi32>,
        %bitcast3A_882 = vector.bitcast %get3A_881 : vector<16xi32> to vector<32xbf16>
        %unpack3A_883 = tpu.unpack_subelements %bitcast3A_878, 0 {pack_format = #tpu.pack_format<interleaved>} : vector<32xbf16> -> vector<16xf32>
        %unpack3A_884 = tpu.unpack_subelements %bitcast3A_878, 1 {pack_format = #tpu.pack_format<interleaved>} : vector<32xbf16> -> vector<16xf32>
        %unpack3A_885 = tpu.unpack_subelements %bitcast3A_882, 0 {pack_format = #tpu.pack_format<interleaved>} : vector<32xbf16> -> vector<16xf32>
        %unpack3A_886 = tpu.unpack_subelements %bitcast3A_882, 1 {pack_format = #tpu.pack_format<interleaved>} : vector<32xbf16> -> vector<16xf32>
        %add3A_887 = arith.addf %unpack3A_883, %unpack3A_885 : vector<16xf32>
        %max3A_888 = arith.constant 0.000000e+00 : f32
        %max3A_889 = vector.broadcast %max3A_888 : f32 to vector<16xf32>
        %max3A_890 = arith.maximumf %add3A_887, %max3A_889 : vector<16xf32>
        %mul3A_891 = arith.mulf %max3A_890, %get3A_160 : vector<16xf32>
        %add3A_892 = arith.addf %broadcast_in_dim3A_874, %mul3A_891 : vector<16xf32>
        %add3A_893 = arith.addf %unpack3A_884, %unpack3A_886 : vector<16xf32>
        %max3A_894 = arith.constant 0.000000e+00 : f32
        %max3A_895 = vector.broadcast %max3A_894 : f32 to vector<16xf32>
        %max3A_896 = arith.maximumf %add3A_893, %max3A_895 : vector<16xf32>
        %mul3A_897 = arith.mulf %max3A_896, %get3A_164 : vector<16xf32>
        %add3A_898 = arith.addf %add3A_892, %mul3A_897 : vector<16xf32>
        %get3A_899 = arith.index_cast %add3A_872 : i32 to index
        %get3A_900 = arith.constant 16 : index
        %get3A_901 = tpu.vector_load %arg15[%get3A_899, %get3A_900] {strides = array<i32>} : memref<128x32xi32, #tpu.memory_space<vmem>>, vector<16xi32>,
        %bitcast3A_902 = vector.bitcast %get3A_901 : vector<16xi32> to vector<32xbf16>
        %get3A_903 = arith.index_cast %add3A_872 : i32 to index
        %get3A_904 = arith.constant 16 : index
        %get3A_905 = tpu.vector_load %arg19[%get3A_903, %get3A_904] {strides = array<i32>} : memref<128x32xi32, #tpu.memory_space<vmem>>, vector<16xi32>,
        %bitcast3A_906 = vector.bitcast %get3A_905 : vector<16xi32> to vector<32xbf16>
        %unpack3A_907 = tpu.unpack_subelements %bitcast3A_902, 0 {pack_format = #tpu.pack_format<interleaved>} : vector<32xbf16> -> vector<16xf32>
        %unpack3A_908 = tpu.unpack_subelements %bitcast3A_902, 1 {pack_format = #tpu.pack_format<interleaved>} : vector<32xbf16> -> vector<16xf32>
        %unpack3A_909 = tpu.unpack_subelements %bitcast3A_906, 0 {pack_format = #tpu.pack_format<interleaved>} : vector<32xbf16> -> vector<16xf32>
        %unpack3A_910 = tpu.unpack_subelements %bitcast3A_906, 1 {pack_format = #tpu.pack_format<interleaved>} : vector<32xbf16> -> vector<16xf32>
        %add3A_911 = arith.addf %unpack3A_907, %unpack3A_909 : vector<16xf32>
        %max3A_912 = arith.constant 0.000000e+00 : f32
        %max3A_913 = vector.broadcast %max3A_912 : f32 to vector<16xf32>
        %max3A_914 = arith.maximumf %add3A_911, %max3A_913 : vector<16xf32>
        %mul3A_915 = arith.mulf %max3A_914, %get3A_168 : vector<16xf32>
        %add3A_916 = arith.addf %add3A_898, %mul3A_915 : vector<16xf32>
        %add3A_917 = arith.addf %unpack3A_908, %unpack3A_910 : vector<16xf32>
        %max3A_918 = arith.constant 0.000000e+00 : f32
        %max3A_919 = vector.broadcast %max3A_918 : f32 to vector<16xf32>
        %max3A_920 = arith.maximumf %add3A_917, %max3A_919 : vector<16xf32>
        %mul3A_921 = arith.mulf %max3A_920, %get3A_172 : vector<16xf32>
        %add3A_922 = arith.addf %add3A_916, %mul3A_921 : vector<16xf32>
        %broadcast_in_dim3A_923 = arith.constant true
        %broadcast_in_dim3A_924 = vector.broadcast %broadcast_in_dim3A_923 : i1 to vector<16xi1>
        %masked_cumsum3A_925 = tpu.scan <sum>, %add3A_922 masked %broadcast_in_dim3A_924 : vector<16xf32>, vector<16xi1> -> vector<16xf32>
        %add3A_926 = arith.constant 11 : i32
        %add3A_927 = vector.broadcast %add3A_926 : i32 to vector<16xi32>
        %add3A_928 = arith.addi %broadcast_in_dim3A, %add3A_927 : vector<16xi32>
        tpu.vector_store_idx %arg12[%add3A_928], %masked_cumsum3A_925 masked %eq3A_4 : memref<5120xf32, #tpu.memory_space<vmem>>[vector<16xi32>], vector<16xf32>, vector<16xi1>
        %add3A_929 = arith.constant 12 : i32
        %add3A_930 = arith.addi %mul3A_233, %add3A_929 : i32
        %broadcast_in_dim3A_931 = arith.constant 0.000000e+00 : f32
        %broadcast_in_dim3A_932 = vector.broadcast %broadcast_in_dim3A_931 : f32 to vector<16xf32>
        %get3A_933 = arith.index_cast %add3A_930 : i32 to index
        %get3A_934 = arith.constant 0 : index
        %get3A_935 = tpu.vector_load %arg15[%get3A_933, %get3A_934] {strides = array<i32>} : memref<128x32xi32, #tpu.memory_space<vmem>>, vector<16xi32>,
        %bitcast3A_936 = vector.bitcast %get3A_935 : vector<16xi32> to vector<32xbf16>
        %get3A_937 = arith.index_cast %add3A_930 : i32 to index
        %get3A_938 = arith.constant 0 : index
        %get3A_939 = tpu.vector_load %arg19[%get3A_937, %get3A_938] {strides = array<i32>} : memref<128x32xi32, #tpu.memory_space<vmem>>, vector<16xi32>,
        %bitcast3A_940 = vector.bitcast %get3A_939 : vector<16xi32> to vector<32xbf16>
        %unpack3A_941 = tpu.unpack_subelements %bitcast3A_936, 0 {pack_format = #tpu.pack_format<interleaved>} : vector<32xbf16> -> vector<16xf32>
        %unpack3A_942 = tpu.unpack_subelements %bitcast3A_936, 1 {pack_format = #tpu.pack_format<interleaved>} : vector<32xbf16> -> vector<16xf32>
        %unpack3A_943 = tpu.unpack_subelements %bitcast3A_940, 0 {pack_format = #tpu.pack_format<interleaved>} : vector<32xbf16> -> vector<16xf32>
        %unpack3A_944 = tpu.unpack_subelements %bitcast3A_940, 1 {pack_format = #tpu.pack_format<interleaved>} : vector<32xbf16> -> vector<16xf32>
        %add3A_945 = arith.addf %unpack3A_941, %unpack3A_943 : vector<16xf32>
        %max3A_946 = arith.constant 0.000000e+00 : f32
        %max3A_947 = vector.broadcast %max3A_946 : f32 to vector<16xf32>
        %max3A_948 = arith.maximumf %add3A_945, %max3A_947 : vector<16xf32>
        %mul3A_949 = arith.mulf %max3A_948, %get3A_160 : vector<16xf32>
        %add3A_950 = arith.addf %broadcast_in_dim3A_932, %mul3A_949 : vector<16xf32>
        %add3A_951 = arith.addf %unpack3A_942, %unpack3A_944 : vector<16xf32>
        %max3A_952 = arith.constant 0.000000e+00 : f32
        %max3A_953 = vector.broadcast %max3A_952 : f32 to vector<16xf32>
        %max3A_954 = arith.maximumf %add3A_951, %max3A_953 : vector<16xf32>
        %mul3A_955 = arith.mulf %max3A_954, %get3A_164 : vector<16xf32>
        %add3A_956 = arith.addf %add3A_950, %mul3A_955 : vector<16xf32>
        %get3A_957 = arith.index_cast %add3A_930 : i32 to index
        %get3A_958 = arith.constant 16 : index
        %get3A_959 = tpu.vector_load %arg15[%get3A_957, %get3A_958] {strides = array<i32>} : memref<128x32xi32, #tpu.memory_space<vmem>>, vector<16xi32>,
        %bitcast3A_960 = vector.bitcast %get3A_959 : vector<16xi32> to vector<32xbf16>
        %get3A_961 = arith.index_cast %add3A_930 : i32 to index
        %get3A_962 = arith.constant 16 : index
        %get3A_963 = tpu.vector_load %arg19[%get3A_961, %get3A_962] {strides = array<i32>} : memref<128x32xi32, #tpu.memory_space<vmem>>, vector<16xi32>,
        %bitcast3A_964 = vector.bitcast %get3A_963 : vector<16xi32> to vector<32xbf16>
        %unpack3A_965 = tpu.unpack_subelements %bitcast3A_960, 0 {pack_format = #tpu.pack_format<interleaved>} : vector<32xbf16> -> vector<16xf32>
        %unpack3A_966 = tpu.unpack_subelements %bitcast3A_960, 1 {pack_format = #tpu.pack_format<interleaved>} : vector<32xbf16> -> vector<16xf32>
        %unpack3A_967 = tpu.unpack_subelements %bitcast3A_964, 0 {pack_format = #tpu.pack_format<interleaved>} : vector<32xbf16> -> vector<16xf32>
        %unpack3A_968 = tpu.unpack_subelements %bitcast3A_964, 1 {pack_format = #tpu.pack_format<interleaved>} : vector<32xbf16> -> vector<16xf32>
        %add3A_969 = arith.addf %unpack3A_965, %unpack3A_967 : vector<16xf32>
        %max3A_970 = arith.constant 0.000000e+00 : f32
        %max3A_971 = vector.broadcast %max3A_970 : f32 to vector<16xf32>
        %max3A_972 = arith.maximumf %add3A_969, %max3A_971 : vector<16xf32>
        %mul3A_973 = arith.mulf %max3A_972, %get3A_168 : vector<16xf32>
        %add3A_974 = arith.addf %add3A_956, %mul3A_973 : vector<16xf32>
        %add3A_975 = arith.addf %unpack3A_966, %unpack3A_968 : vector<16xf32>
        %max3A_976 = arith.constant 0.000000e+00 : f32
        %max3A_977 = vector.broadcast %max3A_976 : f32 to vector<16xf32>
        %max3A_978 = arith.maximumf %add3A_975, %max3A_977 : vector<16xf32>
        %mul3A_979 = arith.mulf %max3A_978, %get3A_172 : vector<16xf32>
        %add3A_980 = arith.addf %add3A_974, %mul3A_979 : vector<16xf32>
        %broadcast_in_dim3A_981 = arith.constant true
        %broadcast_in_dim3A_982 = vector.broadcast %broadcast_in_dim3A_981 : i1 to vector<16xi1>
        %masked_cumsum3A_983 = tpu.scan <sum>, %add3A_980 masked %broadcast_in_dim3A_982 : vector<16xf32>, vector<16xi1> -> vector<16xf32>
        %add3A_984 = arith.constant 12 : i32
        %add3A_985 = vector.broadcast %add3A_984 : i32 to vector<16xi32>
        %add3A_986 = arith.addi %broadcast_in_dim3A, %add3A_985 : vector<16xi32>
        tpu.vector_store_idx %arg12[%add3A_986], %masked_cumsum3A_983 masked %eq3A_4 : memref<5120xf32, #tpu.memory_space<vmem>>[vector<16xi32>], vector<16xf32>, vector<16xi1>
        %add3A_987 = arith.constant 13 : i32
        %add3A_988 = arith.addi %mul3A_233, %add3A_987 : i32
        %broadcast_in_dim3A_989 = arith.constant 0.000000e+00 : f32
        %broadcast_in_dim3A_990 = vector.broadcast %broadcast_in_dim3A_989 : f32 to vector<16xf32>
        %get3A_991 = arith.index_cast %add3A_988 : i32 to index
        %get3A_992 = arith.constant 0 : index
        %get3A_993 = tpu.vector_load %arg15[%get3A_991, %get3A_992] {strides = array<i32>} : memref<128x32xi32, #tpu.memory_space<vmem>>, vector<16xi32>,
        %bitcast3A_994 = vector.bitcast %get3A_993 : vector<16xi32> to vector<32xbf16>
        %get3A_995 = arith.index_cast %add3A_988 : i32 to index
        %get3A_996 = arith.constant 0 : index
        %get3A_997 = tpu.vector_load %arg19[%get3A_995, %get3A_996] {strides = array<i32>} : memref<128x32xi32, #tpu.memory_space<vmem>>, vector<16xi32>,
        %bitcast3A_998 = vector.bitcast %get3A_997 : vector<16xi32> to vector<32xbf16>
        %unpack3A_999 = tpu.unpack_subelements %bitcast3A_994, 0 {pack_format = #tpu.pack_format<interleaved>} : vector<32xbf16> -> vector<16xf32>
        %unpack3A_1000 = tpu.unpack_subelements %bitcast3A_994, 1 {pack_format = #tpu.pack_format<interleaved>} : vector<32xbf16> -> vector<16xf32>
        %unpack3A_1001 = tpu.unpack_subelements %bitcast3A_998, 0 {pack_format = #tpu.pack_format<interleaved>} : vector<32xbf16> -> vector<16xf32>
        %unpack3A_1002 = tpu.unpack_subelements %bitcast3A_998, 1 {pack_format = #tpu.pack_format<interleaved>} : vector<32xbf16> -> vector<16xf32>
        %add3A_1003 = arith.addf %unpack3A_999, %unpack3A_1001 : vector<16xf32>
        %max3A_1004 = arith.constant 0.000000e+00 : f32
        %max3A_1005 = vector.broadcast %max3A_1004 : f32 to vector<16xf32>
        %max3A_1006 = arith.maximumf %add3A_1003, %max3A_1005 : vector<16xf32>
        %mul3A_1007 = arith.mulf %max3A_1006, %get3A_160 : vector<16xf32>
        %add3A_1008 = arith.addf %broadcast_in_dim3A_990, %mul3A_1007 : vector<16xf32>
        %add3A_1009 = arith.addf %unpack3A_1000, %unpack3A_1002 : vector<16xf32>
        %max3A_1010 = arith.constant 0.000000e+00 : f32
        %max3A_1011 = vector.broadcast %max3A_1010 : f32 to vector<16xf32>
        %max3A_1012 = arith.maximumf %add3A_1009, %max3A_1011 : vector<16xf32>
        %mul3A_1013 = arith.mulf %max3A_1012, %get3A_164 : vector<16xf32>
        %add3A_1014 = arith.addf %add3A_1008, %mul3A_1013 : vector<16xf32>
        %get3A_1015 = arith.index_cast %add3A_988 : i32 to index
        %get3A_1016 = arith.constant 16 : index
        %get3A_1017 = tpu.vector_load %arg15[%get3A_1015, %get3A_1016] {strides = array<i32>} : memref<128x32xi32, #tpu.memory_space<vmem>>, vector<16xi32>,
        %bitcast3A_1018 = vector.bitcast %get3A_1017 : vector<16xi32> to vector<32xbf16>
        %get3A_1019 = arith.index_cast %add3A_988 : i32 to index
        %get3A_1020 = arith.constant 16 : index
        %get3A_1021 = tpu.vector_load %arg19[%get3A_1019, %get3A_1020] {strides = array<i32>} : memref<128x32xi32, #tpu.memory_space<vmem>>, vector<16xi32>,
        %bitcast3A_1022 = vector.bitcast %get3A_1021 : vector<16xi32> to vector<32xbf16>
        %unpack3A_1023 = tpu.unpack_subelements %bitcast3A_1018, 0 {pack_format = #tpu.pack_format<interleaved>} : vector<32xbf16> -> vector<16xf32>
        %unpack3A_1024 = tpu.unpack_subelements %bitcast3A_1018, 1 {pack_format = #tpu.pack_format<interleaved>} : vector<32xbf16> -> vector<16xf32>
        %unpack3A_1025 = tpu.unpack_subelements %bitcast3A_1022, 0 {pack_format = #tpu.pack_format<interleaved>} : vector<32xbf16> -> vector<16xf32>
        %unpack3A_1026 = tpu.unpack_subelements %bitcast3A_1022, 1 {pack_format = #tpu.pack_format<interleaved>} : vector<32xbf16> -> vector<16xf32>
        %add3A_1027 = arith.addf %unpack3A_1023, %unpack3A_1025 : vector<16xf32>
        %max3A_1028 = arith.constant 0.000000e+00 : f32
        %max3A_1029 = vector.broadcast %max3A_1028 : f32 to vector<16xf32>
        %max3A_1030 = arith.maximumf %add3A_1027, %max3A_1029 : vector<16xf32>
        %mul3A_1031 = arith.mulf %max3A_1030, %get3A_168 : vector<16xf32>
        %add3A_1032 = arith.addf %add3A_1014, %mul3A_1031 : vector<16xf32>
        %add3A_1033 = arith.addf %unpack3A_1024, %unpack3A_1026 : vector<16xf32>
        %max3A_1034 = arith.constant 0.000000e+00 : f32
        %max3A_1035 = vector.broadcast %max3A_1034 : f32 to vector<16xf32>
        %max3A_1036 = arith.maximumf %add3A_1033, %max3A_1035 : vector<16xf32>
        %mul3A_1037 = arith.mulf %max3A_1036, %get3A_172 : vector<16xf32>
        %add3A_1038 = arith.addf %add3A_1032, %mul3A_1037 : vector<16xf32>
        %broadcast_in_dim3A_1039 = arith.constant true
        %broadcast_in_dim3A_1040 = vector.broadcast %broadcast_in_dim3A_1039 : i1 to vector<16xi1>
        %masked_cumsum3A_1041 = tpu.scan <sum>, %add3A_1038 masked %broadcast_in_dim3A_1040 : vector<16xf32>, vector<16xi1> -> vector<16xf32>
        %add3A_1042 = arith.constant 13 : i32
        %add3A_1043 = vector.broadcast %add3A_1042 : i32 to vector<16xi32>
        %add3A_1044 = arith.addi %broadcast_in_dim3A, %add3A_1043 : vector<16xi32>
        tpu.vector_store_idx %arg12[%add3A_1044], %masked_cumsum3A_1041 masked %eq3A_4 : memref<5120xf32, #tpu.memory_space<vmem>>[vector<16xi32>], vector<16xf32>, vector<16xi1>
        %add3A_1045 = arith.constant 14 : i32
        %add3A_1046 = arith.addi %mul3A_233, %add3A_1045 : i32
        %broadcast_in_dim3A_1047 = arith.constant 0.000000e+00 : f32
        %broadcast_in_dim3A_1048 = vector.broadcast %broadcast_in_dim3A_1047 : f32 to vector<16xf32>
        %get3A_1049 = arith.index_cast %add3A_1046 : i32 to index
        %get3A_1050 = arith.constant 0 : index
        %get3A_1051 = tpu.vector_load %arg15[%get3A_1049, %get3A_1050] {strides = array<i32>} : memref<128x32xi32, #tpu.memory_space<vmem>>, vector<16xi32>,
        %bitcast3A_1052 = vector.bitcast %get3A_1051 : vector<16xi32> to vector<32xbf16>
        %get3A_1053 = arith.index_cast %add3A_1046 : i32 to index
        %get3A_1054 = arith.constant 0 : index
        %get3A_1055 = tpu.vector_load %arg19[%get3A_1053, %get3A_1054] {strides = array<i32>} : memref<128x32xi32, #tpu.memory_space<vmem>>, vector<16xi32>,
        %bitcast3A_1056 = vector.bitcast %get3A_1055 : vector<16xi32> to vector<32xbf16>
        %unpack3A_1057 = tpu.unpack_subelements %bitcast3A_1052, 0 {pack_format = #tpu.pack_format<interleaved>} : vector<32xbf16> -> vector<16xf32>
        %unpack3A_1058 = tpu.unpack_subelements %bitcast3A_1052, 1 {pack_format = #tpu.pack_format<interleaved>} : vector<32xbf16> -> vector<16xf32>
        %unpack3A_1059 = tpu.unpack_subelements %bitcast3A_1056, 0 {pack_format = #tpu.pack_format<interleaved>} : vector<32xbf16> -> vector<16xf32>
        %unpack3A_1060 = tpu.unpack_subelements %bitcast3A_1056, 1 {pack_format = #tpu.pack_format<interleaved>} : vector<32xbf16> -> vector<16xf32>
        %add3A_1061 = arith.addf %unpack3A_1057, %unpack3A_1059 : vector<16xf32>
        %max3A_1062 = arith.constant 0.000000e+00 : f32
        %max3A_1063 = vector.broadcast %max3A_1062 : f32 to vector<16xf32>
        %max3A_1064 = arith.maximumf %add3A_1061, %max3A_1063 : vector<16xf32>
        %mul3A_1065 = arith.mulf %max3A_1064, %get3A_160 : vector<16xf32>
        %add3A_1066 = arith.addf %broadcast_in_dim3A_1048, %mul3A_1065 : vector<16xf32>
        %add3A_1067 = arith.addf %unpack3A_1058, %unpack3A_1060 : vector<16xf32>
        %max3A_1068 = arith.constant 0.000000e+00 : f32
        %max3A_1069 = vector.broadcast %max3A_1068 : f32 to vector<16xf32>
        %max3A_1070 = arith.maximumf %add3A_1067, %max3A_1069 : vector<16xf32>
        %mul3A_1071 = arith.mulf %max3A_1070, %get3A_164 : vector<16xf32>
        %add3A_1072 = arith.addf %add3A_1066, %mul3A_1071 : vector<16xf32>
        %get3A_1073 = arith.index_cast %add3A_1046 : i32 to index
        %get3A_1074 = arith.constant 16 : index
        %get3A_1075 = tpu.vector_load %arg15[%get3A_1073, %get3A_1074] {strides = array<i32>} : memref<128x32xi32, #tpu.memory_space<vmem>>, vector<16xi32>,
        %bitcast3A_1076 = vector.bitcast %get3A_1075 : vector<16xi32> to vector<32xbf16>
        %get3A_1077 = arith.index_cast %add3A_1046 : i32 to index
        %get3A_1078 = arith.constant 16 : index
        %get3A_1079 = tpu.vector_load %arg19[%get3A_1077, %get3A_1078] {strides = array<i32>} : memref<128x32xi32, #tpu.memory_space<vmem>>, vector<16xi32>,
        %bitcast3A_1080 = vector.bitcast %get3A_1079 : vector<16xi32> to vector<32xbf16>
        %unpack3A_1081 = tpu.unpack_subelements %bitcast3A_1076, 0 {pack_format = #tpu.pack_format<interleaved>} : vector<32xbf16> -> vector<16xf32>
        %unpack3A_1082 = tpu.unpack_subelements %bitcast3A_1076, 1 {pack_format = #tpu.pack_format<interleaved>} : vector<32xbf16> -> vector<16xf32>
        %unpack3A_1083 = tpu.unpack_subelements %bitcast3A_1080, 0 {pack_format = #tpu.pack_format<interleaved>} : vector<32xbf16> -> vector<16xf32>
        %unpack3A_1084 = tpu.unpack_subelements %bitcast3A_1080, 1 {pack_format = #tpu.pack_format<interleaved>} : vector<32xbf16> -> vector<16xf32>
        %add3A_1085 = arith.addf %unpack3A_1081, %unpack3A_1083 : vector<16xf32>
        %max3A_1086 = arith.constant 0.000000e+00 : f32
        %max3A_1087 = vector.broadcast %max3A_1086 : f32 to vector<16xf32>
        %max3A_1088 = arith.maximumf %add3A_1085, %max3A_1087 : vector<16xf32>
        %mul3A_1089 = arith.mulf %max3A_1088, %get3A_168 : vector<16xf32>
        %add3A_1090 = arith.addf %add3A_1072, %mul3A_1089 : vector<16xf32>
        %add3A_1091 = arith.addf %unpack3A_1082, %unpack3A_1084 : vector<16xf32>
        %max3A_1092 = arith.constant 0.000000e+00 : f32
        %max3A_1093 = vector.broadcast %max3A_1092 : f32 to vector<16xf32>
        %max3A_1094 = arith.maximumf %add3A_1091, %max3A_1093 : vector<16xf32>
        %mul3A_1095 = arith.mulf %max3A_1094, %get3A_172 : vector<16xf32>
        %add3A_1096 = arith.addf %add3A_1090, %mul3A_1095 : vector<16xf32>
        %broadcast_in_dim3A_1097 = arith.constant true
        %broadcast_in_dim3A_1098 = vector.broadcast %broadcast_in_dim3A_1097 : i1 to vector<16xi1>
        %masked_cumsum3A_1099 = tpu.scan <sum>, %add3A_1096 masked %broadcast_in_dim3A_1098 : vector<16xf32>, vector<16xi1> -> vector<16xf32>
        %add3A_1100 = arith.constant 14 : i32
        %add3A_1101 = vector.broadcast %add3A_1100 : i32 to vector<16xi32>
        %add3A_1102 = arith.addi %broadcast_in_dim3A, %add3A_1101 : vector<16xi32>
        tpu.vector_store_idx %arg12[%add3A_1102], %masked_cumsum3A_1099 masked %eq3A_4 : memref<5120xf32, #tpu.memory_space<vmem>>[vector<16xi32>], vector<16xf32>, vector<16xi1>
        %add3A_1103 = arith.constant 15 : i32
        %add3A_1104 = arith.addi %mul3A_233, %add3A_1103 : i32
        %broadcast_in_dim3A_1105 = arith.constant 0.000000e+00 : f32
        %broadcast_in_dim3A_1106 = vector.broadcast %broadcast_in_dim3A_1105 : f32 to vector<16xf32>
        %get3A_1107 = arith.index_cast %add3A_1104 : i32 to index
        %get3A_1108 = arith.constant 0 : index
        %get3A_1109 = tpu.vector_load %arg15[%get3A_1107, %get3A_1108] {strides = array<i32>} : memref<128x32xi32, #tpu.memory_space<vmem>>, vector<16xi32>,
        %bitcast3A_1110 = vector.bitcast %get3A_1109 : vector<16xi32> to vector<32xbf16>
        %get3A_1111 = arith.index_cast %add3A_1104 : i32 to index
        %get3A_1112 = arith.constant 0 : index
        %get3A_1113 = tpu.vector_load %arg19[%get3A_1111, %get3A_1112] {strides = array<i32>} : memref<128x32xi32, #tpu.memory_space<vmem>>, vector<16xi32>,
        %bitcast3A_1114 = vector.bitcast %get3A_1113 : vector<16xi32> to vector<32xbf16>
        %unpack3A_1115 = tpu.unpack_subelements %bitcast3A_1110, 0 {pack_format = #tpu.pack_format<interleaved>} : vector<32xbf16> -> vector<16xf32>
        %unpack3A_1116 = tpu.unpack_subelements %bitcast3A_1110, 1 {pack_format = #tpu.pack_format<interleaved>} : vector<32xbf16> -> vector<16xf32>
        %unpack3A_1117 = tpu.unpack_subelements %bitcast3A_1114, 0 {pack_format = #tpu.pack_format<interleaved>} : vector<32xbf16> -> vector<16xf32>
        %unpack3A_1118 = tpu.unpack_subelements %bitcast3A_1114, 1 {pack_format = #tpu.pack_format<interleaved>} : vector<32xbf16> -> vector<16xf32>
        %add3A_1119 = arith.addf %unpack3A_1115, %unpack3A_1117 : vector<16xf32>
        %max3A_1120 = arith.constant 0.000000e+00 : f32
        %max3A_1121 = vector.broadcast %max3A_1120 : f32 to vector<16xf32>
        %max3A_1122 = arith.maximumf %add3A_1119, %max3A_1121 : vector<16xf32>
        %mul3A_1123 = arith.mulf %max3A_1122, %get3A_160 : vector<16xf32>
        %add3A_1124 = arith.addf %broadcast_in_dim3A_1106, %mul3A_1123 : vector<16xf32>
        %add3A_1125 = arith.addf %unpack3A_1116, %unpack3A_1118 : vector<16xf32>
        %max3A_1126 = arith.constant 0.000000e+00 : f32
        %max3A_1127 = vector.broadcast %max3A_1126 : f32 to vector<16xf32>
        %max3A_1128 = arith.maximumf %add3A_1125, %max3A_1127 : vector<16xf32>
        %mul3A_1129 = arith.mulf %max3A_1128, %get3A_164 : vector<16xf32>
        %add3A_1130 = arith.addf %add3A_1124, %mul3A_1129 : vector<16xf32>
        %get3A_1131 = arith.index_cast %add3A_1104 : i32 to index
        %get3A_1132 = arith.constant 16 : index
        %get3A_1133 = tpu.vector_load %arg15[%get3A_1131, %get3A_1132] {strides = array<i32>} : memref<128x32xi32, #tpu.memory_space<vmem>>, vector<16xi32>,
        %bitcast3A_1134 = vector.bitcast %get3A_1133 : vector<16xi32> to vector<32xbf16>
        %get3A_1135 = arith.index_cast %add3A_1104 : i32 to index
        %get3A_1136 = arith.constant 16 : index
        %get3A_1137 = tpu.vector_load %arg19[%get3A_1135, %get3A_1136] {strides = array<i32>} : memref<128x32xi32, #tpu.memory_space<vmem>>, vector<16xi32>,
        %bitcast3A_1138 = vector.bitcast %get3A_1137 : vector<16xi32> to vector<32xbf16>
        %unpack3A_1139 = tpu.unpack_subelements %bitcast3A_1134, 0 {pack_format = #tpu.pack_format<interleaved>} : vector<32xbf16> -> vector<16xf32>
        %unpack3A_1140 = tpu.unpack_subelements %bitcast3A_1134, 1 {pack_format = #tpu.pack_format<interleaved>} : vector<32xbf16> -> vector<16xf32>
        %unpack3A_1141 = tpu.unpack_subelements %bitcast3A_1138, 0 {pack_format = #tpu.pack_format<interleaved>} : vector<32xbf16> -> vector<16xf32>
        %unpack3A_1142 = tpu.unpack_subelements %bitcast3A_1138, 1 {pack_format = #tpu.pack_format<interleaved>} : vector<32xbf16> -> vector<16xf32>
        %add3A_1143 = arith.addf %unpack3A_1139, %unpack3A_1141 : vector<16xf32>
        %max3A_1144 = arith.constant 0.000000e+00 : f32
        %max3A_1145 = vector.broadcast %max3A_1144 : f32 to vector<16xf32>
        %max3A_1146 = arith.maximumf %add3A_1143, %max3A_1145 : vector<16xf32>
        %mul3A_1147 = arith.mulf %max3A_1146, %get3A_168 : vector<16xf32>
        %add3A_1148 = arith.addf %add3A_1130, %mul3A_1147 : vector<16xf32>
        %add3A_1149 = arith.addf %unpack3A_1140, %unpack3A_1142 : vector<16xf32>
        %max3A_1150 = arith.constant 0.000000e+00 : f32
        %max3A_1151 = vector.broadcast %max3A_1150 : f32 to vector<16xf32>
        %max3A_1152 = arith.maximumf %add3A_1149, %max3A_1151 : vector<16xf32>
        %mul3A_1153 = arith.mulf %max3A_1152, %get3A_172 : vector<16xf32>
        %add3A_1154 = arith.addf %add3A_1148, %mul3A_1153 : vector<16xf32>
        %broadcast_in_dim3A_1155 = arith.constant true
        %broadcast_in_dim3A_1156 = vector.broadcast %broadcast_in_dim3A_1155 : i1 to vector<16xi1>
        %masked_cumsum3A_1157 = tpu.scan <sum>, %add3A_1154 masked %broadcast_in_dim3A_1156 : vector<16xf32>, vector<16xi1> -> vector<16xf32>
        %add3A_1158 = arith.constant 15 : i32
        %add3A_1159 = vector.broadcast %add3A_1158 : i32 to vector<16xi32>
        %add3A_1160 = arith.addi %broadcast_in_dim3A, %add3A_1159 : vector<16xi32>
        tpu.vector_store_idx %arg12[%add3A_1160], %masked_cumsum3A_1157 masked %eq3A_4 : memref<5120xf32, #tpu.memory_space<vmem>>[vector<16xi32>], vector<16xf32>, vector<16xi1>
      }
      %scan3A_178 = arith.constant 8 : i32
      %add3A_179 = arith.constant 4 : i32
      %add3A_180 = arith.addi %add3A_144, %add3A_179 : i32
      %lt3A_181 = arith.constant 40 : i32
      %lt3A_182 = arith.cmpi slt, %add3A_180, %lt3A_181 : i32
      %convert_element_type3A_183 = arith.extui %lt3A_182 : i1 to i32
      %cond3A_184 = arith.constant 0 : i32
      %cond3A_185 = arith.cmpi ne, %convert_element_type3A_183, %cond3A_184 : i32
      scf.if %cond3A_185 {
        %add3A_231 = arith.constant 4 : i32
        %add3A_232 = arith.addi %add3A_144, %add3A_231 : i32
        %mul3A_233 = arith.constant 128 : i32
        %mul3A_234 = arith.muli %add3A_232, %mul3A_233 : i32
        %dma_start3A_235 = tpu.memref_slice %arg9[%mul3A_234] : memref<5120xi32, #tpu.memory_space<vmem>> -> memref<128xi32, #tpu.memory_space<vmem>>
        %dma_start3A_236 = arith.constant 0 : i32
        %dma_start3A_237 = arith.constant 0 : i32
        %dma_start3A_238 = tpu.memref_slice %arg2[%dma_start3A_236, %dma_start3A_237] : memref<10000x32xi32, #tpu.memory_space<hbm>> -> memref<10000x32xi32, #tpu.memory_space<hbm>>
        tpu.enqueue_indirect_dma source(%dma_start3A_238 : memref<10000x32xi32, #tpu.memory_space<hbm>>) target(%arg15 : memref<128x32xi32, #tpu.memory_space<vmem>>) offsets(%dma_start3A_235 : memref<128xi32, #tpu.memory_space<vmem>>) semaphore(%arg24 : memref<!tpu.dma_semaphore, #tpu.memory_space<semaphore_mem>>)
        %mul3A_239 = arith.constant 128 : i32
        %mul3A_240 = arith.muli %add3A_232, %mul3A_239 : i32
        %dma_start3A_241 = tpu.memref_slice %arg10[%mul3A_240] : memref<5120xi32, #tpu.memory_space<vmem>> -> memref<128xi32, #tpu.memory_space<vmem>>
        %dma_start3A_242 = arith.constant 0 : i32
        %dma_start3A_243 = arith.constant 0 : i32
        %dma_start3A_244 = tpu.memref_slice %arg3[%dma_start3A_242, %dma_start3A_243] : memref<10000x32xi32, #tpu.memory_space<hbm>> -> memref<10000x32xi32, #tpu.memory_space<hbm>>
        tpu.enqueue_indirect_dma source(%dma_start3A_244 : memref<10000x32xi32, #tpu.memory_space<hbm>>) target(%arg19 : memref<128x32xi32, #tpu.memory_space<vmem>>) offsets(%dma_start3A_241 : memref<128xi32, #tpu.memory_space<vmem>>) semaphore(%arg24 : memref<!tpu.dma_semaphore, #tpu.memory_space<semaphore_mem>>)
      } else {
      }
      %mul3A_186 = arith.constant 4 : i32
      %mul3A_187 = arith.muli %scan3A_55, %mul3A_186 : i32
      %add3A_188 = arith.constant 3 : i32
      %add3A_189 = arith.addi %mul3A_187, %add3A_188 : i32
      %mul3A_190 = arith.constant 128 : i32
      %mul3A_191 = arith.muli %add3A_189, %mul3A_190 : i32
      %dma_wait3A_192 = tpu.memref_slice %arg9[%mul3A_191] : memref<5120xi32, #tpu.memory_space<vmem>> -> memref<128xi32, #tpu.memory_space<vmem>>
      %dma_wait3A_193 = arith.constant 0 : i32
      %dma_wait3A_194 = arith.constant 0 : i32
      %dma_wait3A_195 = tpu.memref_slice %arg2[%dma_wait3A_193, %dma_wait3A_194] : memref<10000x32xi32, #tpu.memory_space<hbm>> -> memref<10000x32xi32, #tpu.memory_space<hbm>>
      tpu.wait_indirect_dma semaphore(%arg25 : memref<!tpu.dma_semaphore, #tpu.memory_space<semaphore_mem>>) src(%dma_wait3A_195 : memref<10000x32xi32, #tpu.memory_space<hbm>>) dst(%arg16 : memref<128x32xi32, #tpu.memory_space<vmem>>)
      %mul3A_196 = arith.constant 128 : i32
      %mul3A_197 = arith.muli %add3A_189, %mul3A_196 : i32
      %dma_wait3A_198 = tpu.memref_slice %arg10[%mul3A_197] : memref<5120xi32, #tpu.memory_space<vmem>> -> memref<128xi32, #tpu.memory_space<vmem>>
      %dma_wait3A_199 = arith.constant 0 : i32
      %dma_wait3A_200 = arith.constant 0 : i32
      %dma_wait3A_201 = tpu.memref_slice %arg3[%dma_wait3A_199, %dma_wait3A_200] : memref<10000x32xi32, #tpu.memory_space<hbm>> -> memref<10000x32xi32, #tpu.memory_space<hbm>>
      tpu.wait_indirect_dma semaphore(%arg25 : memref<!tpu.dma_semaphore, #tpu.memory_space<semaphore_mem>>) src(%dma_wait3A_201 : memref<10000x32xi32, #tpu.memory_space<hbm>>) dst(%arg20 : memref<128x32xi32, #tpu.memory_space<vmem>>)
      %get3A_202 = arith.constant 0 : i32
      %get3A_203 = arith.index_cast %get3A_202 : i32 to index
      %get3A_204 = arith.constant 0 : index
      %get3A_205 = tpu.vector_load %arg21[%get3A_203, %get3A_204] {strides = array<i32>} : memref<4x16xf32, #tpu.memory_space<vmem>>, vector<16xf32>,
      %get3A_206 = arith.constant 1 : i32
      %get3A_207 = arith.index_cast %get3A_206 : i32 to index
      %get3A_208 = arith.constant 0 : index
      %get3A_209 = tpu.vector_load %arg21[%get3A_207, %get3A_208] {strides = array<i32>} : memref<4x16xf32, #tpu.memory_space<vmem>>, vector<16xf32>,
      %get3A_210 = arith.constant 2 : i32
      %get3A_211 = arith.index_cast %get3A_210 : i32 to index
      %get3A_212 = arith.constant 0 : index
      %get3A_213 = tpu.vector_load %arg21[%get3A_211, %get3A_212] {strides = array<i32>} : memref<4x16xf32, #tpu.memory_space<vmem>>, vector<16xf32>,
      %get3A_214 = arith.constant 3 : i32
      %get3A_215 = arith.index_cast %get3A_214 : i32 to index
      %get3A_216 = arith.constant 0 : index
      %get3A_217 = tpu.vector_load %arg21[%get3A_215, %get3A_216] {strides = array<i32>} : memref<4x16xf32, #tpu.memory_space<vmem>>, vector<16xf32>,
      %scan3A_218 = arith.constant 0 : i32
      %scan3A_219 = arith.constant 0 : i32
      %scan3A_220 = arith.constant 8 : i32
      %scan3A_221 = arith.addi %scan3A_219, %scan3A_220 : i32
      %scan3A_222 = arith.constant 1 : i32
      scf.for %scan3A_231 = %scan3A_219 to %scan3A_221 step %scan3A_222  : i32 {
        %mul3A_232 = arith.constant 16 : i32
        %mul3A_233 = arith.muli %scan3A_231, %mul3A_232 : i32
        %mul3A_234 = arith.constant 128 : i32
        %mul3A_235 = arith.muli %add3A_189, %mul3A_234 : i32
        %add3A_236 = arith.addi %mul3A_235, %mul3A_233 : i32
        %broadcast_in_dim3A = vector.broadcast %add3A_236 : i32 to vector<16xi32>
        %add3A_237 = arith.constant 0 : i32
        %add3A_238 = arith.addi %mul3A_233, %add3A_237 : i32
        %broadcast_in_dim3A_239 = arith.constant 0.000000e+00 : f32
        %broadcast_in_dim3A_240 = vector.broadcast %broadcast_in_dim3A_239 : f32 to vector<16xf32>
        %get3A_241 = arith.index_cast %add3A_238 : i32 to index
        %get3A_242 = arith.constant 0 : index
        %get3A_243 = tpu.vector_load %arg16[%get3A_241, %get3A_242] {strides = array<i32>} : memref<128x32xi32, #tpu.memory_space<vmem>>, vector<16xi32>,
        %bitcast3A = vector.bitcast %get3A_243 : vector<16xi32> to vector<32xbf16>
        %get3A_244 = arith.index_cast %add3A_238 : i32 to index
        %get3A_245 = arith.constant 0 : index
        %get3A_246 = tpu.vector_load %arg20[%get3A_244, %get3A_245] {strides = array<i32>} : memref<128x32xi32, #tpu.memory_space<vmem>>, vector<16xi32>,
        %bitcast3A_247 = vector.bitcast %get3A_246 : vector<16xi32> to vector<32xbf16>
        %unpack3A = tpu.unpack_subelements %bitcast3A, 0 {pack_format = #tpu.pack_format<interleaved>} : vector<32xbf16> -> vector<16xf32>
        %unpack3A_248 = tpu.unpack_subelements %bitcast3A, 1 {pack_format = #tpu.pack_format<interleaved>} : vector<32xbf16> -> vector<16xf32>
        %unpack3A_249 = tpu.unpack_subelements %bitcast3A_247, 0 {pack_format = #tpu.pack_format<interleaved>} : vector<32xbf16> -> vector<16xf32>
        %unpack3A_250 = tpu.unpack_subelements %bitcast3A_247, 1 {pack_format = #tpu.pack_format<interleaved>} : vector<32xbf16> -> vector<16xf32>
        %add3A_251 = arith.addf %unpack3A, %unpack3A_249 : vector<16xf32>
        %max3A = arith.constant 0.000000e+00 : f32
        %max3A_252 = vector.broadcast %max3A : f32 to vector<16xf32>
        %max3A_253 = arith.maximumf %add3A_251, %max3A_252 : vector<16xf32>
        %mul3A_254 = arith.mulf %max3A_253, %get3A_205 : vector<16xf32>
        %add3A_255 = arith.addf %broadcast_in_dim3A_240, %mul3A_254 : vector<16xf32>
        %add3A_256 = arith.addf %unpack3A_248, %unpack3A_250 : vector<16xf32>
        %max3A_257 = arith.constant 0.000000e+00 : f32
        %max3A_258 = vector.broadcast %max3A_257 : f32 to vector<16xf32>
        %max3A_259 = arith.maximumf %add3A_256, %max3A_258 : vector<16xf32>
        %mul3A_260 = arith.mulf %max3A_259, %get3A_209 : vector<16xf32>
        %add3A_261 = arith.addf %add3A_255, %mul3A_260 : vector<16xf32>
        %get3A_262 = arith.index_cast %add3A_238 : i32 to index
        %get3A_263 = arith.constant 16 : index
        %get3A_264 = tpu.vector_load %arg16[%get3A_262, %get3A_263] {strides = array<i32>} : memref<128x32xi32, #tpu.memory_space<vmem>>, vector<16xi32>,
        %bitcast3A_265 = vector.bitcast %get3A_264 : vector<16xi32> to vector<32xbf16>
        %get3A_266 = arith.index_cast %add3A_238 : i32 to index
        %get3A_267 = arith.constant 16 : index
        %get3A_268 = tpu.vector_load %arg20[%get3A_266, %get3A_267] {strides = array<i32>} : memref<128x32xi32, #tpu.memory_space<vmem>>, vector<16xi32>,
        %bitcast3A_269 = vector.bitcast %get3A_268 : vector<16xi32> to vector<32xbf16>
        %unpack3A_270 = tpu.unpack_subelements %bitcast3A_265, 0 {pack_format = #tpu.pack_format<interleaved>} : vector<32xbf16> -> vector<16xf32>
        %unpack3A_271 = tpu.unpack_subelements %bitcast3A_265, 1 {pack_format = #tpu.pack_format<interleaved>} : vector<32xbf16> -> vector<16xf32>
        %unpack3A_272 = tpu.unpack_subelements %bitcast3A_269, 0 {pack_format = #tpu.pack_format<interleaved>} : vector<32xbf16> -> vector<16xf32>
        %unpack3A_273 = tpu.unpack_subelements %bitcast3A_269, 1 {pack_format = #tpu.pack_format<interleaved>} : vector<32xbf16> -> vector<16xf32>
        %add3A_274 = arith.addf %unpack3A_270, %unpack3A_272 : vector<16xf32>
        %max3A_275 = arith.constant 0.000000e+00 : f32
        %max3A_276 = vector.broadcast %max3A_275 : f32 to vector<16xf32>
        %max3A_277 = arith.maximumf %add3A_274, %max3A_276 : vector<16xf32>
        %mul3A_278 = arith.mulf %max3A_277, %get3A_213 : vector<16xf32>
        %add3A_279 = arith.addf %add3A_261, %mul3A_278 : vector<16xf32>
        %add3A_280 = arith.addf %unpack3A_271, %unpack3A_273 : vector<16xf32>
        %max3A_281 = arith.constant 0.000000e+00 : f32
        %max3A_282 = vector.broadcast %max3A_281 : f32 to vector<16xf32>
        %max3A_283 = arith.maximumf %add3A_280, %max3A_282 : vector<16xf32>
        %mul3A_284 = arith.mulf %max3A_283, %get3A_217 : vector<16xf32>
        %add3A_285 = arith.addf %add3A_279, %mul3A_284 : vector<16xf32>
        %broadcast_in_dim3A_286 = arith.constant true
        %broadcast_in_dim3A_287 = vector.broadcast %broadcast_in_dim3A_286 : i1 to vector<16xi1>
        %masked_cumsum3A = tpu.scan <sum>, %add3A_285 masked %broadcast_in_dim3A_287 : vector<16xf32>, vector<16xi1> -> vector<16xf32>
        %add3A_288 = arith.constant 0 : i32
        %add3A_289 = vector.broadcast %add3A_288 : i32 to vector<16xi32>
        %add3A_290 = arith.addi %broadcast_in_dim3A, %add3A_289 : vector<16xi32>
        tpu.vector_store_idx %arg12[%add3A_290], %masked_cumsum3A masked %eq3A_4 : memref<5120xf32, #tpu.memory_space<vmem>>[vector<16xi32>], vector<16xf32>, vector<16xi1>
        %add3A_291 = arith.constant 1 : i32
        %add3A_292 = arith.addi %mul3A_233, %add3A_291 : i32
        %broadcast_in_dim3A_293 = arith.constant 0.000000e+00 : f32
        %broadcast_in_dim3A_294 = vector.broadcast %broadcast_in_dim3A_293 : f32 to vector<16xf32>
        %get3A_295 = arith.index_cast %add3A_292 : i32 to index
        %get3A_296 = arith.constant 0 : index
        %get3A_297 = tpu.vector_load %arg16[%get3A_295, %get3A_296] {strides = array<i32>} : memref<128x32xi32, #tpu.memory_space<vmem>>, vector<16xi32>,
        %bitcast3A_298 = vector.bitcast %get3A_297 : vector<16xi32> to vector<32xbf16>
        %get3A_299 = arith.index_cast %add3A_292 : i32 to index
        %get3A_300 = arith.constant 0 : index
        %get3A_301 = tpu.vector_load %arg20[%get3A_299, %get3A_300] {strides = array<i32>} : memref<128x32xi32, #tpu.memory_space<vmem>>, vector<16xi32>,
        %bitcast3A_302 = vector.bitcast %get3A_301 : vector<16xi32> to vector<32xbf16>
        %unpack3A_303 = tpu.unpack_subelements %bitcast3A_298, 0 {pack_format = #tpu.pack_format<interleaved>} : vector<32xbf16> -> vector<16xf32>
        %unpack3A_304 = tpu.unpack_subelements %bitcast3A_298, 1 {pack_format = #tpu.pack_format<interleaved>} : vector<32xbf16> -> vector<16xf32>
        %unpack3A_305 = tpu.unpack_subelements %bitcast3A_302, 0 {pack_format = #tpu.pack_format<interleaved>} : vector<32xbf16> -> vector<16xf32>
        %unpack3A_306 = tpu.unpack_subelements %bitcast3A_302, 1 {pack_format = #tpu.pack_format<interleaved>} : vector<32xbf16> -> vector<16xf32>
        %add3A_307 = arith.addf %unpack3A_303, %unpack3A_305 : vector<16xf32>
        %max3A_308 = arith.constant 0.000000e+00 : f32
        %max3A_309 = vector.broadcast %max3A_308 : f32 to vector<16xf32>
        %max3A_310 = arith.maximumf %add3A_307, %max3A_309 : vector<16xf32>
        %mul3A_311 = arith.mulf %max3A_310, %get3A_205 : vector<16xf32>
        %add3A_312 = arith.addf %broadcast_in_dim3A_294, %mul3A_311 : vector<16xf32>
        %add3A_313 = arith.addf %unpack3A_304, %unpack3A_306 : vector<16xf32>
        %max3A_314 = arith.constant 0.000000e+00 : f32
        %max3A_315 = vector.broadcast %max3A_314 : f32 to vector<16xf32>
        %max3A_316 = arith.maximumf %add3A_313, %max3A_315 : vector<16xf32>
        %mul3A_317 = arith.mulf %max3A_316, %get3A_209 : vector<16xf32>
        %add3A_318 = arith.addf %add3A_312, %mul3A_317 : vector<16xf32>
        %get3A_319 = arith.index_cast %add3A_292 : i32 to index
        %get3A_320 = arith.constant 16 : index
        %get3A_321 = tpu.vector_load %arg16[%get3A_319, %get3A_320] {strides = array<i32>} : memref<128x32xi32, #tpu.memory_space<vmem>>, vector<16xi32>,
        %bitcast3A_322 = vector.bitcast %get3A_321 : vector<16xi32> to vector<32xbf16>
        %get3A_323 = arith.index_cast %add3A_292 : i32 to index
        %get3A_324 = arith.constant 16 : index
        %get3A_325 = tpu.vector_load %arg20[%get3A_323, %get3A_324] {strides = array<i32>} : memref<128x32xi32, #tpu.memory_space<vmem>>, vector<16xi32>,
        %bitcast3A_326 = vector.bitcast %get3A_325 : vector<16xi32> to vector<32xbf16>
        %unpack3A_327 = tpu.unpack_subelements %bitcast3A_322, 0 {pack_format = #tpu.pack_format<interleaved>} : vector<32xbf16> -> vector<16xf32>
        %unpack3A_328 = tpu.unpack_subelements %bitcast3A_322, 1 {pack_format = #tpu.pack_format<interleaved>} : vector<32xbf16> -> vector<16xf32>
        %unpack3A_329 = tpu.unpack_subelements %bitcast3A_326, 0 {pack_format = #tpu.pack_format<interleaved>} : vector<32xbf16> -> vector<16xf32>
        %unpack3A_330 = tpu.unpack_subelements %bitcast3A_326, 1 {pack_format = #tpu.pack_format<interleaved>} : vector<32xbf16> -> vector<16xf32>
        %add3A_331 = arith.addf %unpack3A_327, %unpack3A_329 : vector<16xf32>
        %max3A_332 = arith.constant 0.000000e+00 : f32
        %max3A_333 = vector.broadcast %max3A_332 : f32 to vector<16xf32>
        %max3A_334 = arith.maximumf %add3A_331, %max3A_333 : vector<16xf32>
        %mul3A_335 = arith.mulf %max3A_334, %get3A_213 : vector<16xf32>
        %add3A_336 = arith.addf %add3A_318, %mul3A_335 : vector<16xf32>
        %add3A_337 = arith.addf %unpack3A_328, %unpack3A_330 : vector<16xf32>
        %max3A_338 = arith.constant 0.000000e+00 : f32
        %max3A_339 = vector.broadcast %max3A_338 : f32 to vector<16xf32>
        %max3A_340 = arith.maximumf %add3A_337, %max3A_339 : vector<16xf32>
        %mul3A_341 = arith.mulf %max3A_340, %get3A_217 : vector<16xf32>
        %add3A_342 = arith.addf %add3A_336, %mul3A_341 : vector<16xf32>
        %broadcast_in_dim3A_343 = arith.constant true
        %broadcast_in_dim3A_344 = vector.broadcast %broadcast_in_dim3A_343 : i1 to vector<16xi1>
        %masked_cumsum3A_345 = tpu.scan <sum>, %add3A_342 masked %broadcast_in_dim3A_344 : vector<16xf32>, vector<16xi1> -> vector<16xf32>
        %add3A_346 = arith.constant 1 : i32
        %add3A_347 = vector.broadcast %add3A_346 : i32 to vector<16xi32>
        %add3A_348 = arith.addi %broadcast_in_dim3A, %add3A_347 : vector<16xi32>
        tpu.vector_store_idx %arg12[%add3A_348], %masked_cumsum3A_345 masked %eq3A_4 : memref<5120xf32, #tpu.memory_space<vmem>>[vector<16xi32>], vector<16xf32>, vector<16xi1>
        %add3A_349 = arith.constant 2 : i32
        %add3A_350 = arith.addi %mul3A_233, %add3A_349 : i32
        %broadcast_in_dim3A_351 = arith.constant 0.000000e+00 : f32
        %broadcast_in_dim3A_352 = vector.broadcast %broadcast_in_dim3A_351 : f32 to vector<16xf32>
        %get3A_353 = arith.index_cast %add3A_350 : i32 to index
        %get3A_354 = arith.constant 0 : index
        %get3A_355 = tpu.vector_load %arg16[%get3A_353, %get3A_354] {strides = array<i32>} : memref<128x32xi32, #tpu.memory_space<vmem>>, vector<16xi32>,
        %bitcast3A_356 = vector.bitcast %get3A_355 : vector<16xi32> to vector<32xbf16>
        %get3A_357 = arith.index_cast %add3A_350 : i32 to index
        %get3A_358 = arith.constant 0 : index
        %get3A_359 = tpu.vector_load %arg20[%get3A_357, %get3A_358] {strides = array<i32>} : memref<128x32xi32, #tpu.memory_space<vmem>>, vector<16xi32>,
        %bitcast3A_360 = vector.bitcast %get3A_359 : vector<16xi32> to vector<32xbf16>
        %unpack3A_361 = tpu.unpack_subelements %bitcast3A_356, 0 {pack_format = #tpu.pack_format<interleaved>} : vector<32xbf16> -> vector<16xf32>
        %unpack3A_362 = tpu.unpack_subelements %bitcast3A_356, 1 {pack_format = #tpu.pack_format<interleaved>} : vector<32xbf16> -> vector<16xf32>
        %unpack3A_363 = tpu.unpack_subelements %bitcast3A_360, 0 {pack_format = #tpu.pack_format<interleaved>} : vector<32xbf16> -> vector<16xf32>
        %unpack3A_364 = tpu.unpack_subelements %bitcast3A_360, 1 {pack_format = #tpu.pack_format<interleaved>} : vector<32xbf16> -> vector<16xf32>
        %add3A_365 = arith.addf %unpack3A_361, %unpack3A_363 : vector<16xf32>
        %max3A_366 = arith.constant 0.000000e+00 : f32
        %max3A_367 = vector.broadcast %max3A_366 : f32 to vector<16xf32>
        %max3A_368 = arith.maximumf %add3A_365, %max3A_367 : vector<16xf32>
        %mul3A_369 = arith.mulf %max3A_368, %get3A_205 : vector<16xf32>
        %add3A_370 = arith.addf %broadcast_in_dim3A_352, %mul3A_369 : vector<16xf32>
        %add3A_371 = arith.addf %unpack3A_362, %unpack3A_364 : vector<16xf32>
        %max3A_372 = arith.constant 0.000000e+00 : f32
        %max3A_373 = vector.broadcast %max3A_372 : f32 to vector<16xf32>
        %max3A_374 = arith.maximumf %add3A_371, %max3A_373 : vector<16xf32>
        %mul3A_375 = arith.mulf %max3A_374, %get3A_209 : vector<16xf32>
        %add3A_376 = arith.addf %add3A_370, %mul3A_375 : vector<16xf32>
        %get3A_377 = arith.index_cast %add3A_350 : i32 to index
        %get3A_378 = arith.constant 16 : index
        %get3A_379 = tpu.vector_load %arg16[%get3A_377, %get3A_378] {strides = array<i32>} : memref<128x32xi32, #tpu.memory_space<vmem>>, vector<16xi32>,
        %bitcast3A_380 = vector.bitcast %get3A_379 : vector<16xi32> to vector<32xbf16>
        %get3A_381 = arith.index_cast %add3A_350 : i32 to index
        %get3A_382 = arith.constant 16 : index
        %get3A_383 = tpu.vector_load %arg20[%get3A_381, %get3A_382] {strides = array<i32>} : memref<128x32xi32, #tpu.memory_space<vmem>>, vector<16xi32>,
        %bitcast3A_384 = vector.bitcast %get3A_383 : vector<16xi32> to vector<32xbf16>
        %unpack3A_385 = tpu.unpack_subelements %bitcast3A_380, 0 {pack_format = #tpu.pack_format<interleaved>} : vector<32xbf16> -> vector<16xf32>
        %unpack3A_386 = tpu.unpack_subelements %bitcast3A_380, 1 {pack_format = #tpu.pack_format<interleaved>} : vector<32xbf16> -> vector<16xf32>
        %unpack3A_387 = tpu.unpack_subelements %bitcast3A_384, 0 {pack_format = #tpu.pack_format<interleaved>} : vector<32xbf16> -> vector<16xf32>
        %unpack3A_388 = tpu.unpack_subelements %bitcast3A_384, 1 {pack_format = #tpu.pack_format<interleaved>} : vector<32xbf16> -> vector<16xf32>
        %add3A_389 = arith.addf %unpack3A_385, %unpack3A_387 : vector<16xf32>
        %max3A_390 = arith.constant 0.000000e+00 : f32
        %max3A_391 = vector.broadcast %max3A_390 : f32 to vector<16xf32>
        %max3A_392 = arith.maximumf %add3A_389, %max3A_391 : vector<16xf32>
        %mul3A_393 = arith.mulf %max3A_392, %get3A_213 : vector<16xf32>
        %add3A_394 = arith.addf %add3A_376, %mul3A_393 : vector<16xf32>
        %add3A_395 = arith.addf %unpack3A_386, %unpack3A_388 : vector<16xf32>
        %max3A_396 = arith.constant 0.000000e+00 : f32
        %max3A_397 = vector.broadcast %max3A_396 : f32 to vector<16xf32>
        %max3A_398 = arith.maximumf %add3A_395, %max3A_397 : vector<16xf32>
        %mul3A_399 = arith.mulf %max3A_398, %get3A_217 : vector<16xf32>
        %add3A_400 = arith.addf %add3A_394, %mul3A_399 : vector<16xf32>
        %broadcast_in_dim3A_401 = arith.constant true
        %broadcast_in_dim3A_402 = vector.broadcast %broadcast_in_dim3A_401 : i1 to vector<16xi1>
        %masked_cumsum3A_403 = tpu.scan <sum>, %add3A_400 masked %broadcast_in_dim3A_402 : vector<16xf32>, vector<16xi1> -> vector<16xf32>
        %add3A_404 = arith.constant 2 : i32
        %add3A_405 = vector.broadcast %add3A_404 : i32 to vector<16xi32>
        %add3A_406 = arith.addi %broadcast_in_dim3A, %add3A_405 : vector<16xi32>
        tpu.vector_store_idx %arg12[%add3A_406], %masked_cumsum3A_403 masked %eq3A_4 : memref<5120xf32, #tpu.memory_space<vmem>>[vector<16xi32>], vector<16xf32>, vector<16xi1>
        %add3A_407 = arith.constant 3 : i32
        %add3A_408 = arith.addi %mul3A_233, %add3A_407 : i32
        %broadcast_in_dim3A_409 = arith.constant 0.000000e+00 : f32
        %broadcast_in_dim3A_410 = vector.broadcast %broadcast_in_dim3A_409 : f32 to vector<16xf32>
        %get3A_411 = arith.index_cast %add3A_408 : i32 to index
        %get3A_412 = arith.constant 0 : index
        %get3A_413 = tpu.vector_load %arg16[%get3A_411, %get3A_412] {strides = array<i32>} : memref<128x32xi32, #tpu.memory_space<vmem>>, vector<16xi32>,
        %bitcast3A_414 = vector.bitcast %get3A_413 : vector<16xi32> to vector<32xbf16>
        %get3A_415 = arith.index_cast %add3A_408 : i32 to index
        %get3A_416 = arith.constant 0 : index
        %get3A_417 = tpu.vector_load %arg20[%get3A_415, %get3A_416] {strides = array<i32>} : memref<128x32xi32, #tpu.memory_space<vmem>>, vector<16xi32>,
        %bitcast3A_418 = vector.bitcast %get3A_417 : vector<16xi32> to vector<32xbf16>
        %unpack3A_419 = tpu.unpack_subelements %bitcast3A_414, 0 {pack_format = #tpu.pack_format<interleaved>} : vector<32xbf16> -> vector<16xf32>
        %unpack3A_420 = tpu.unpack_subelements %bitcast3A_414, 1 {pack_format = #tpu.pack_format<interleaved>} : vector<32xbf16> -> vector<16xf32>
        %unpack3A_421 = tpu.unpack_subelements %bitcast3A_418, 0 {pack_format = #tpu.pack_format<interleaved>} : vector<32xbf16> -> vector<16xf32>
        %unpack3A_422 = tpu.unpack_subelements %bitcast3A_418, 1 {pack_format = #tpu.pack_format<interleaved>} : vector<32xbf16> -> vector<16xf32>
        %add3A_423 = arith.addf %unpack3A_419, %unpack3A_421 : vector<16xf32>
        %max3A_424 = arith.constant 0.000000e+00 : f32
        %max3A_425 = vector.broadcast %max3A_424 : f32 to vector<16xf32>
        %max3A_426 = arith.maximumf %add3A_423, %max3A_425 : vector<16xf32>
        %mul3A_427 = arith.mulf %max3A_426, %get3A_205 : vector<16xf32>
        %add3A_428 = arith.addf %broadcast_in_dim3A_410, %mul3A_427 : vector<16xf32>
        %add3A_429 = arith.addf %unpack3A_420, %unpack3A_422 : vector<16xf32>
        %max3A_430 = arith.constant 0.000000e+00 : f32
        %max3A_431 = vector.broadcast %max3A_430 : f32 to vector<16xf32>
        %max3A_432 = arith.maximumf %add3A_429, %max3A_431 : vector<16xf32>
        %mul3A_433 = arith.mulf %max3A_432, %get3A_209 : vector<16xf32>
        %add3A_434 = arith.addf %add3A_428, %mul3A_433 : vector<16xf32>
        %get3A_435 = arith.index_cast %add3A_408 : i32 to index
        %get3A_436 = arith.constant 16 : index
        %get3A_437 = tpu.vector_load %arg16[%get3A_435, %get3A_436] {strides = array<i32>} : memref<128x32xi32, #tpu.memory_space<vmem>>, vector<16xi32>,
        %bitcast3A_438 = vector.bitcast %get3A_437 : vector<16xi32> to vector<32xbf16>
        %get3A_439 = arith.index_cast %add3A_408 : i32 to index
        %get3A_440 = arith.constant 16 : index
        %get3A_441 = tpu.vector_load %arg20[%get3A_439, %get3A_440] {strides = array<i32>} : memref<128x32xi32, #tpu.memory_space<vmem>>, vector<16xi32>,
        %bitcast3A_442 = vector.bitcast %get3A_441 : vector<16xi32> to vector<32xbf16>
        %unpack3A_443 = tpu.unpack_subelements %bitcast3A_438, 0 {pack_format = #tpu.pack_format<interleaved>} : vector<32xbf16> -> vector<16xf32>
        %unpack3A_444 = tpu.unpack_subelements %bitcast3A_438, 1 {pack_format = #tpu.pack_format<interleaved>} : vector<32xbf16> -> vector<16xf32>
        %unpack3A_445 = tpu.unpack_subelements %bitcast3A_442, 0 {pack_format = #tpu.pack_format<interleaved>} : vector<32xbf16> -> vector<16xf32>
        %unpack3A_446 = tpu.unpack_subelements %bitcast3A_442, 1 {pack_format = #tpu.pack_format<interleaved>} : vector<32xbf16> -> vector<16xf32>
        %add3A_447 = arith.addf %unpack3A_443, %unpack3A_445 : vector<16xf32>
        %max3A_448 = arith.constant 0.000000e+00 : f32
        %max3A_449 = vector.broadcast %max3A_448 : f32 to vector<16xf32>
        %max3A_450 = arith.maximumf %add3A_447, %max3A_449 : vector<16xf32>
        %mul3A_451 = arith.mulf %max3A_450, %get3A_213 : vector<16xf32>
        %add3A_452 = arith.addf %add3A_434, %mul3A_451 : vector<16xf32>
        %add3A_453 = arith.addf %unpack3A_444, %unpack3A_446 : vector<16xf32>
        %max3A_454 = arith.constant 0.000000e+00 : f32
        %max3A_455 = vector.broadcast %max3A_454 : f32 to vector<16xf32>
        %max3A_456 = arith.maximumf %add3A_453, %max3A_455 : vector<16xf32>
        %mul3A_457 = arith.mulf %max3A_456, %get3A_217 : vector<16xf32>
        %add3A_458 = arith.addf %add3A_452, %mul3A_457 : vector<16xf32>
        %broadcast_in_dim3A_459 = arith.constant true
        %broadcast_in_dim3A_460 = vector.broadcast %broadcast_in_dim3A_459 : i1 to vector<16xi1>
        %masked_cumsum3A_461 = tpu.scan <sum>, %add3A_458 masked %broadcast_in_dim3A_460 : vector<16xf32>, vector<16xi1> -> vector<16xf32>
        %add3A_462 = arith.constant 3 : i32
        %add3A_463 = vector.broadcast %add3A_462 : i32 to vector<16xi32>
        %add3A_464 = arith.addi %broadcast_in_dim3A, %add3A_463 : vector<16xi32>
        tpu.vector_store_idx %arg12[%add3A_464], %masked_cumsum3A_461 masked %eq3A_4 : memref<5120xf32, #tpu.memory_space<vmem>>[vector<16xi32>], vector<16xf32>, vector<16xi1>
        %add3A_465 = arith.constant 4 : i32
        %add3A_466 = arith.addi %mul3A_233, %add3A_465 : i32
        %broadcast_in_dim3A_467 = arith.constant 0.000000e+00 : f32
        %broadcast_in_dim3A_468 = vector.broadcast %broadcast_in_dim3A_467 : f32 to vector<16xf32>
        %get3A_469 = arith.index_cast %add3A_466 : i32 to index
        %get3A_470 = arith.constant 0 : index
        %get3A_471 = tpu.vector_load %arg16[%get3A_469, %get3A_470] {strides = array<i32>} : memref<128x32xi32, #tpu.memory_space<vmem>>, vector<16xi32>,
        %bitcast3A_472 = vector.bitcast %get3A_471 : vector<16xi32> to vector<32xbf16>
        %get3A_473 = arith.index_cast %add3A_466 : i32 to index
        %get3A_474 = arith.constant 0 : index
        %get3A_475 = tpu.vector_load %arg20[%get3A_473, %get3A_474] {strides = array<i32>} : memref<128x32xi32, #tpu.memory_space<vmem>>, vector<16xi32>,
        %bitcast3A_476 = vector.bitcast %get3A_475 : vector<16xi32> to vector<32xbf16>
        %unpack3A_477 = tpu.unpack_subelements %bitcast3A_472, 0 {pack_format = #tpu.pack_format<interleaved>} : vector<32xbf16> -> vector<16xf32>
        %unpack3A_478 = tpu.unpack_subelements %bitcast3A_472, 1 {pack_format = #tpu.pack_format<interleaved>} : vector<32xbf16> -> vector<16xf32>
        %unpack3A_479 = tpu.unpack_subelements %bitcast3A_476, 0 {pack_format = #tpu.pack_format<interleaved>} : vector<32xbf16> -> vector<16xf32>
        %unpack3A_480 = tpu.unpack_subelements %bitcast3A_476, 1 {pack_format = #tpu.pack_format<interleaved>} : vector<32xbf16> -> vector<16xf32>
        %add3A_481 = arith.addf %unpack3A_477, %unpack3A_479 : vector<16xf32>
        %max3A_482 = arith.constant 0.000000e+00 : f32
        %max3A_483 = vector.broadcast %max3A_482 : f32 to vector<16xf32>
        %max3A_484 = arith.maximumf %add3A_481, %max3A_483 : vector<16xf32>
        %mul3A_485 = arith.mulf %max3A_484, %get3A_205 : vector<16xf32>
        %add3A_486 = arith.addf %broadcast_in_dim3A_468, %mul3A_485 : vector<16xf32>
        %add3A_487 = arith.addf %unpack3A_478, %unpack3A_480 : vector<16xf32>
        %max3A_488 = arith.constant 0.000000e+00 : f32
        %max3A_489 = vector.broadcast %max3A_488 : f32 to vector<16xf32>
        %max3A_490 = arith.maximumf %add3A_487, %max3A_489 : vector<16xf32>
        %mul3A_491 = arith.mulf %max3A_490, %get3A_209 : vector<16xf32>
        %add3A_492 = arith.addf %add3A_486, %mul3A_491 : vector<16xf32>
        %get3A_493 = arith.index_cast %add3A_466 : i32 to index
        %get3A_494 = arith.constant 16 : index
        %get3A_495 = tpu.vector_load %arg16[%get3A_493, %get3A_494] {strides = array<i32>} : memref<128x32xi32, #tpu.memory_space<vmem>>, vector<16xi32>,
        %bitcast3A_496 = vector.bitcast %get3A_495 : vector<16xi32> to vector<32xbf16>
        %get3A_497 = arith.index_cast %add3A_466 : i32 to index
        %get3A_498 = arith.constant 16 : index
        %get3A_499 = tpu.vector_load %arg20[%get3A_497, %get3A_498] {strides = array<i32>} : memref<128x32xi32, #tpu.memory_space<vmem>>, vector<16xi32>,
        %bitcast3A_500 = vector.bitcast %get3A_499 : vector<16xi32> to vector<32xbf16>
        %unpack3A_501 = tpu.unpack_subelements %bitcast3A_496, 0 {pack_format = #tpu.pack_format<interleaved>} : vector<32xbf16> -> vector<16xf32>
        %unpack3A_502 = tpu.unpack_subelements %bitcast3A_496, 1 {pack_format = #tpu.pack_format<interleaved>} : vector<32xbf16> -> vector<16xf32>
        %unpack3A_503 = tpu.unpack_subelements %bitcast3A_500, 0 {pack_format = #tpu.pack_format<interleaved>} : vector<32xbf16> -> vector<16xf32>
        %unpack3A_504 = tpu.unpack_subelements %bitcast3A_500, 1 {pack_format = #tpu.pack_format<interleaved>} : vector<32xbf16> -> vector<16xf32>
        %add3A_505 = arith.addf %unpack3A_501, %unpack3A_503 : vector<16xf32>
        %max3A_506 = arith.constant 0.000000e+00 : f32
        %max3A_507 = vector.broadcast %max3A_506 : f32 to vector<16xf32>
        %max3A_508 = arith.maximumf %add3A_505, %max3A_507 : vector<16xf32>
        %mul3A_509 = arith.mulf %max3A_508, %get3A_213 : vector<16xf32>
        %add3A_510 = arith.addf %add3A_492, %mul3A_509 : vector<16xf32>
        %add3A_511 = arith.addf %unpack3A_502, %unpack3A_504 : vector<16xf32>
        %max3A_512 = arith.constant 0.000000e+00 : f32
        %max3A_513 = vector.broadcast %max3A_512 : f32 to vector<16xf32>
        %max3A_514 = arith.maximumf %add3A_511, %max3A_513 : vector<16xf32>
        %mul3A_515 = arith.mulf %max3A_514, %get3A_217 : vector<16xf32>
        %add3A_516 = arith.addf %add3A_510, %mul3A_515 : vector<16xf32>
        %broadcast_in_dim3A_517 = arith.constant true
        %broadcast_in_dim3A_518 = vector.broadcast %broadcast_in_dim3A_517 : i1 to vector<16xi1>
        %masked_cumsum3A_519 = tpu.scan <sum>, %add3A_516 masked %broadcast_in_dim3A_518 : vector<16xf32>, vector<16xi1> -> vector<16xf32>
        %add3A_520 = arith.constant 4 : i32
        %add3A_521 = vector.broadcast %add3A_520 : i32 to vector<16xi32>
        %add3A_522 = arith.addi %broadcast_in_dim3A, %add3A_521 : vector<16xi32>
        tpu.vector_store_idx %arg12[%add3A_522], %masked_cumsum3A_519 masked %eq3A_4 : memref<5120xf32, #tpu.memory_space<vmem>>[vector<16xi32>], vector<16xf32>, vector<16xi1>
        %add3A_523 = arith.constant 5 : i32
        %add3A_524 = arith.addi %mul3A_233, %add3A_523 : i32
        %broadcast_in_dim3A_525 = arith.constant 0.000000e+00 : f32
        %broadcast_in_dim3A_526 = vector.broadcast %broadcast_in_dim3A_525 : f32 to vector<16xf32>
        %get3A_527 = arith.index_cast %add3A_524 : i32 to index
        %get3A_528 = arith.constant 0 : index
        %get3A_529 = tpu.vector_load %arg16[%get3A_527, %get3A_528] {strides = array<i32>} : memref<128x32xi32, #tpu.memory_space<vmem>>, vector<16xi32>,
        %bitcast3A_530 = vector.bitcast %get3A_529 : vector<16xi32> to vector<32xbf16>
        %get3A_531 = arith.index_cast %add3A_524 : i32 to index
        %get3A_532 = arith.constant 0 : index
        %get3A_533 = tpu.vector_load %arg20[%get3A_531, %get3A_532] {strides = array<i32>} : memref<128x32xi32, #tpu.memory_space<vmem>>, vector<16xi32>,
        %bitcast3A_534 = vector.bitcast %get3A_533 : vector<16xi32> to vector<32xbf16>
        %unpack3A_535 = tpu.unpack_subelements %bitcast3A_530, 0 {pack_format = #tpu.pack_format<interleaved>} : vector<32xbf16> -> vector<16xf32>
        %unpack3A_536 = tpu.unpack_subelements %bitcast3A_530, 1 {pack_format = #tpu.pack_format<interleaved>} : vector<32xbf16> -> vector<16xf32>
        %unpack3A_537 = tpu.unpack_subelements %bitcast3A_534, 0 {pack_format = #tpu.pack_format<interleaved>} : vector<32xbf16> -> vector<16xf32>
        %unpack3A_538 = tpu.unpack_subelements %bitcast3A_534, 1 {pack_format = #tpu.pack_format<interleaved>} : vector<32xbf16> -> vector<16xf32>
        %add3A_539 = arith.addf %unpack3A_535, %unpack3A_537 : vector<16xf32>
        %max3A_540 = arith.constant 0.000000e+00 : f32
        %max3A_541 = vector.broadcast %max3A_540 : f32 to vector<16xf32>
        %max3A_542 = arith.maximumf %add3A_539, %max3A_541 : vector<16xf32>
        %mul3A_543 = arith.mulf %max3A_542, %get3A_205 : vector<16xf32>
        %add3A_544 = arith.addf %broadcast_in_dim3A_526, %mul3A_543 : vector<16xf32>
        %add3A_545 = arith.addf %unpack3A_536, %unpack3A_538 : vector<16xf32>
        %max3A_546 = arith.constant 0.000000e+00 : f32
        %max3A_547 = vector.broadcast %max3A_546 : f32 to vector<16xf32>
        %max3A_548 = arith.maximumf %add3A_545, %max3A_547 : vector<16xf32>
        %mul3A_549 = arith.mulf %max3A_548, %get3A_209 : vector<16xf32>
        %add3A_550 = arith.addf %add3A_544, %mul3A_549 : vector<16xf32>
        %get3A_551 = arith.index_cast %add3A_524 : i32 to index
        %get3A_552 = arith.constant 16 : index
        %get3A_553 = tpu.vector_load %arg16[%get3A_551, %get3A_552] {strides = array<i32>} : memref<128x32xi32, #tpu.memory_space<vmem>>, vector<16xi32>,
        %bitcast3A_554 = vector.bitcast %get3A_553 : vector<16xi32> to vector<32xbf16>
        %get3A_555 = arith.index_cast %add3A_524 : i32 to index
        %get3A_556 = arith.constant 16 : index
        %get3A_557 = tpu.vector_load %arg20[%get3A_555, %get3A_556] {strides = array<i32>} : memref<128x32xi32, #tpu.memory_space<vmem>>, vector<16xi32>,
        %bitcast3A_558 = vector.bitcast %get3A_557 : vector<16xi32> to vector<32xbf16>
        %unpack3A_559 = tpu.unpack_subelements %bitcast3A_554, 0 {pack_format = #tpu.pack_format<interleaved>} : vector<32xbf16> -> vector<16xf32>
        %unpack3A_560 = tpu.unpack_subelements %bitcast3A_554, 1 {pack_format = #tpu.pack_format<interleaved>} : vector<32xbf16> -> vector<16xf32>
        %unpack3A_561 = tpu.unpack_subelements %bitcast3A_558, 0 {pack_format = #tpu.pack_format<interleaved>} : vector<32xbf16> -> vector<16xf32>
        %unpack3A_562 = tpu.unpack_subelements %bitcast3A_558, 1 {pack_format = #tpu.pack_format<interleaved>} : vector<32xbf16> -> vector<16xf32>
        %add3A_563 = arith.addf %unpack3A_559, %unpack3A_561 : vector<16xf32>
        %max3A_564 = arith.constant 0.000000e+00 : f32
        %max3A_565 = vector.broadcast %max3A_564 : f32 to vector<16xf32>
        %max3A_566 = arith.maximumf %add3A_563, %max3A_565 : vector<16xf32>
        %mul3A_567 = arith.mulf %max3A_566, %get3A_213 : vector<16xf32>
        %add3A_568 = arith.addf %add3A_550, %mul3A_567 : vector<16xf32>
        %add3A_569 = arith.addf %unpack3A_560, %unpack3A_562 : vector<16xf32>
        %max3A_570 = arith.constant 0.000000e+00 : f32
        %max3A_571 = vector.broadcast %max3A_570 : f32 to vector<16xf32>
        %max3A_572 = arith.maximumf %add3A_569, %max3A_571 : vector<16xf32>
        %mul3A_573 = arith.mulf %max3A_572, %get3A_217 : vector<16xf32>
        %add3A_574 = arith.addf %add3A_568, %mul3A_573 : vector<16xf32>
        %broadcast_in_dim3A_575 = arith.constant true
        %broadcast_in_dim3A_576 = vector.broadcast %broadcast_in_dim3A_575 : i1 to vector<16xi1>
        %masked_cumsum3A_577 = tpu.scan <sum>, %add3A_574 masked %broadcast_in_dim3A_576 : vector<16xf32>, vector<16xi1> -> vector<16xf32>
        %add3A_578 = arith.constant 5 : i32
        %add3A_579 = vector.broadcast %add3A_578 : i32 to vector<16xi32>
        %add3A_580 = arith.addi %broadcast_in_dim3A, %add3A_579 : vector<16xi32>
        tpu.vector_store_idx %arg12[%add3A_580], %masked_cumsum3A_577 masked %eq3A_4 : memref<5120xf32, #tpu.memory_space<vmem>>[vector<16xi32>], vector<16xf32>, vector<16xi1>
        %add3A_581 = arith.constant 6 : i32
        %add3A_582 = arith.addi %mul3A_233, %add3A_581 : i32
        %broadcast_in_dim3A_583 = arith.constant 0.000000e+00 : f32
        %broadcast_in_dim3A_584 = vector.broadcast %broadcast_in_dim3A_583 : f32 to vector<16xf32>
        %get3A_585 = arith.index_cast %add3A_582 : i32 to index
        %get3A_586 = arith.constant 0 : index
        %get3A_587 = tpu.vector_load %arg16[%get3A_585, %get3A_586] {strides = array<i32>} : memref<128x32xi32, #tpu.memory_space<vmem>>, vector<16xi32>,
        %bitcast3A_588 = vector.bitcast %get3A_587 : vector<16xi32> to vector<32xbf16>
        %get3A_589 = arith.index_cast %add3A_582 : i32 to index
        %get3A_590 = arith.constant 0 : index
        %get3A_591 = tpu.vector_load %arg20[%get3A_589, %get3A_590] {strides = array<i32>} : memref<128x32xi32, #tpu.memory_space<vmem>>, vector<16xi32>,
        %bitcast3A_592 = vector.bitcast %get3A_591 : vector<16xi32> to vector<32xbf16>
        %unpack3A_593 = tpu.unpack_subelements %bitcast3A_588, 0 {pack_format = #tpu.pack_format<interleaved>} : vector<32xbf16> -> vector<16xf32>
        %unpack3A_594 = tpu.unpack_subelements %bitcast3A_588, 1 {pack_format = #tpu.pack_format<interleaved>} : vector<32xbf16> -> vector<16xf32>
        %unpack3A_595 = tpu.unpack_subelements %bitcast3A_592, 0 {pack_format = #tpu.pack_format<interleaved>} : vector<32xbf16> -> vector<16xf32>
        %unpack3A_596 = tpu.unpack_subelements %bitcast3A_592, 1 {pack_format = #tpu.pack_format<interleaved>} : vector<32xbf16> -> vector<16xf32>
        %add3A_597 = arith.addf %unpack3A_593, %unpack3A_595 : vector<16xf32>
        %max3A_598 = arith.constant 0.000000e+00 : f32
        %max3A_599 = vector.broadcast %max3A_598 : f32 to vector<16xf32>
        %max3A_600 = arith.maximumf %add3A_597, %max3A_599 : vector<16xf32>
        %mul3A_601 = arith.mulf %max3A_600, %get3A_205 : vector<16xf32>
        %add3A_602 = arith.addf %broadcast_in_dim3A_584, %mul3A_601 : vector<16xf32>
        %add3A_603 = arith.addf %unpack3A_594, %unpack3A_596 : vector<16xf32>
        %max3A_604 = arith.constant 0.000000e+00 : f32
        %max3A_605 = vector.broadcast %max3A_604 : f32 to vector<16xf32>
        %max3A_606 = arith.maximumf %add3A_603, %max3A_605 : vector<16xf32>
        %mul3A_607 = arith.mulf %max3A_606, %get3A_209 : vector<16xf32>
        %add3A_608 = arith.addf %add3A_602, %mul3A_607 : vector<16xf32>
        %get3A_609 = arith.index_cast %add3A_582 : i32 to index
        %get3A_610 = arith.constant 16 : index
        %get3A_611 = tpu.vector_load %arg16[%get3A_609, %get3A_610] {strides = array<i32>} : memref<128x32xi32, #tpu.memory_space<vmem>>, vector<16xi32>,
        %bitcast3A_612 = vector.bitcast %get3A_611 : vector<16xi32> to vector<32xbf16>
        %get3A_613 = arith.index_cast %add3A_582 : i32 to index
        %get3A_614 = arith.constant 16 : index
        %get3A_615 = tpu.vector_load %arg20[%get3A_613, %get3A_614] {strides = array<i32>} : memref<128x32xi32, #tpu.memory_space<vmem>>, vector<16xi32>,
        %bitcast3A_616 = vector.bitcast %get3A_615 : vector<16xi32> to vector<32xbf16>
        %unpack3A_617 = tpu.unpack_subelements %bitcast3A_612, 0 {pack_format = #tpu.pack_format<interleaved>} : vector<32xbf16> -> vector<16xf32>
        %unpack3A_618 = tpu.unpack_subelements %bitcast3A_612, 1 {pack_format = #tpu.pack_format<interleaved>} : vector<32xbf16> -> vector<16xf32>
        %unpack3A_619 = tpu.unpack_subelements %bitcast3A_616, 0 {pack_format = #tpu.pack_format<interleaved>} : vector<32xbf16> -> vector<16xf32>
        %unpack3A_620 = tpu.unpack_subelements %bitcast3A_616, 1 {pack_format = #tpu.pack_format<interleaved>} : vector<32xbf16> -> vector<16xf32>
        %add3A_621 = arith.addf %unpack3A_617, %unpack3A_619 : vector<16xf32>
        %max3A_622 = arith.constant 0.000000e+00 : f32
        %max3A_623 = vector.broadcast %max3A_622 : f32 to vector<16xf32>
        %max3A_624 = arith.maximumf %add3A_621, %max3A_623 : vector<16xf32>
        %mul3A_625 = arith.mulf %max3A_624, %get3A_213 : vector<16xf32>
        %add3A_626 = arith.addf %add3A_608, %mul3A_625 : vector<16xf32>
        %add3A_627 = arith.addf %unpack3A_618, %unpack3A_620 : vector<16xf32>
        %max3A_628 = arith.constant 0.000000e+00 : f32
        %max3A_629 = vector.broadcast %max3A_628 : f32 to vector<16xf32>
        %max3A_630 = arith.maximumf %add3A_627, %max3A_629 : vector<16xf32>
        %mul3A_631 = arith.mulf %max3A_630, %get3A_217 : vector<16xf32>
        %add3A_632 = arith.addf %add3A_626, %mul3A_631 : vector<16xf32>
        %broadcast_in_dim3A_633 = arith.constant true
        %broadcast_in_dim3A_634 = vector.broadcast %broadcast_in_dim3A_633 : i1 to vector<16xi1>
        %masked_cumsum3A_635 = tpu.scan <sum>, %add3A_632 masked %broadcast_in_dim3A_634 : vector<16xf32>, vector<16xi1> -> vector<16xf32>
        %add3A_636 = arith.constant 6 : i32
        %add3A_637 = vector.broadcast %add3A_636 : i32 to vector<16xi32>
        %add3A_638 = arith.addi %broadcast_in_dim3A, %add3A_637 : vector<16xi32>
        tpu.vector_store_idx %arg12[%add3A_638], %masked_cumsum3A_635 masked %eq3A_4 : memref<5120xf32, #tpu.memory_space<vmem>>[vector<16xi32>], vector<16xf32>, vector<16xi1>
        %add3A_639 = arith.constant 7 : i32
        %add3A_640 = arith.addi %mul3A_233, %add3A_639 : i32
        %broadcast_in_dim3A_641 = arith.constant 0.000000e+00 : f32
        %broadcast_in_dim3A_642 = vector.broadcast %broadcast_in_dim3A_641 : f32 to vector<16xf32>
        %get3A_643 = arith.index_cast %add3A_640 : i32 to index
        %get3A_644 = arith.constant 0 : index
        %get3A_645 = tpu.vector_load %arg16[%get3A_643, %get3A_644] {strides = array<i32>} : memref<128x32xi32, #tpu.memory_space<vmem>>, vector<16xi32>,
        %bitcast3A_646 = vector.bitcast %get3A_645 : vector<16xi32> to vector<32xbf16>
        %get3A_647 = arith.index_cast %add3A_640 : i32 to index
        %get3A_648 = arith.constant 0 : index
        %get3A_649 = tpu.vector_load %arg20[%get3A_647, %get3A_648] {strides = array<i32>} : memref<128x32xi32, #tpu.memory_space<vmem>>, vector<16xi32>,
        %bitcast3A_650 = vector.bitcast %get3A_649 : vector<16xi32> to vector<32xbf16>
        %unpack3A_651 = tpu.unpack_subelements %bitcast3A_646, 0 {pack_format = #tpu.pack_format<interleaved>} : vector<32xbf16> -> vector<16xf32>
        %unpack3A_652 = tpu.unpack_subelements %bitcast3A_646, 1 {pack_format = #tpu.pack_format<interleaved>} : vector<32xbf16> -> vector<16xf32>
        %unpack3A_653 = tpu.unpack_subelements %bitcast3A_650, 0 {pack_format = #tpu.pack_format<interleaved>} : vector<32xbf16> -> vector<16xf32>
        %unpack3A_654 = tpu.unpack_subelements %bitcast3A_650, 1 {pack_format = #tpu.pack_format<interleaved>} : vector<32xbf16> -> vector<16xf32>
        %add3A_655 = arith.addf %unpack3A_651, %unpack3A_653 : vector<16xf32>
        %max3A_656 = arith.constant 0.000000e+00 : f32
        %max3A_657 = vector.broadcast %max3A_656 : f32 to vector<16xf32>
        %max3A_658 = arith.maximumf %add3A_655, %max3A_657 : vector<16xf32>
        %mul3A_659 = arith.mulf %max3A_658, %get3A_205 : vector<16xf32>
        %add3A_660 = arith.addf %broadcast_in_dim3A_642, %mul3A_659 : vector<16xf32>
        %add3A_661 = arith.addf %unpack3A_652, %unpack3A_654 : vector<16xf32>
        %max3A_662 = arith.constant 0.000000e+00 : f32
        %max3A_663 = vector.broadcast %max3A_662 : f32 to vector<16xf32>
        %max3A_664 = arith.maximumf %add3A_661, %max3A_663 : vector<16xf32>
        %mul3A_665 = arith.mulf %max3A_664, %get3A_209 : vector<16xf32>
        %add3A_666 = arith.addf %add3A_660, %mul3A_665 : vector<16xf32>
        %get3A_667 = arith.index_cast %add3A_640 : i32 to index
        %get3A_668 = arith.constant 16 : index
        %get3A_669 = tpu.vector_load %arg16[%get3A_667, %get3A_668] {strides = array<i32>} : memref<128x32xi32, #tpu.memory_space<vmem>>, vector<16xi32>,
        %bitcast3A_670 = vector.bitcast %get3A_669 : vector<16xi32> to vector<32xbf16>
        %get3A_671 = arith.index_cast %add3A_640 : i32 to index
        %get3A_672 = arith.constant 16 : index
        %get3A_673 = tpu.vector_load %arg20[%get3A_671, %get3A_672] {strides = array<i32>} : memref<128x32xi32, #tpu.memory_space<vmem>>, vector<16xi32>,
        %bitcast3A_674 = vector.bitcast %get3A_673 : vector<16xi32> to vector<32xbf16>
        %unpack3A_675 = tpu.unpack_subelements %bitcast3A_670, 0 {pack_format = #tpu.pack_format<interleaved>} : vector<32xbf16> -> vector<16xf32>
        %unpack3A_676 = tpu.unpack_subelements %bitcast3A_670, 1 {pack_format = #tpu.pack_format<interleaved>} : vector<32xbf16> -> vector<16xf32>
        %unpack3A_677 = tpu.unpack_subelements %bitcast3A_674, 0 {pack_format = #tpu.pack_format<interleaved>} : vector<32xbf16> -> vector<16xf32>
        %unpack3A_678 = tpu.unpack_subelements %bitcast3A_674, 1 {pack_format = #tpu.pack_format<interleaved>} : vector<32xbf16> -> vector<16xf32>
        %add3A_679 = arith.addf %unpack3A_675, %unpack3A_677 : vector<16xf32>
        %max3A_680 = arith.constant 0.000000e+00 : f32
        %max3A_681 = vector.broadcast %max3A_680 : f32 to vector<16xf32>
        %max3A_682 = arith.maximumf %add3A_679, %max3A_681 : vector<16xf32>
        %mul3A_683 = arith.mulf %max3A_682, %get3A_213 : vector<16xf32>
        %add3A_684 = arith.addf %add3A_666, %mul3A_683 : vector<16xf32>
        %add3A_685 = arith.addf %unpack3A_676, %unpack3A_678 : vector<16xf32>
        %max3A_686 = arith.constant 0.000000e+00 : f32
        %max3A_687 = vector.broadcast %max3A_686 : f32 to vector<16xf32>
        %max3A_688 = arith.maximumf %add3A_685, %max3A_687 : vector<16xf32>
        %mul3A_689 = arith.mulf %max3A_688, %get3A_217 : vector<16xf32>
        %add3A_690 = arith.addf %add3A_684, %mul3A_689 : vector<16xf32>
        %broadcast_in_dim3A_691 = arith.constant true
        %broadcast_in_dim3A_692 = vector.broadcast %broadcast_in_dim3A_691 : i1 to vector<16xi1>
        %masked_cumsum3A_693 = tpu.scan <sum>, %add3A_690 masked %broadcast_in_dim3A_692 : vector<16xf32>, vector<16xi1> -> vector<16xf32>
        %add3A_694 = arith.constant 7 : i32
        %add3A_695 = vector.broadcast %add3A_694 : i32 to vector<16xi32>
        %add3A_696 = arith.addi %broadcast_in_dim3A, %add3A_695 : vector<16xi32>
        tpu.vector_store_idx %arg12[%add3A_696], %masked_cumsum3A_693 masked %eq3A_4 : memref<5120xf32, #tpu.memory_space<vmem>>[vector<16xi32>], vector<16xf32>, vector<16xi1>
        %add3A_697 = arith.constant 8 : i32
        %add3A_698 = arith.addi %mul3A_233, %add3A_697 : i32
        %broadcast_in_dim3A_699 = arith.constant 0.000000e+00 : f32
        %broadcast_in_dim3A_700 = vector.broadcast %broadcast_in_dim3A_699 : f32 to vector<16xf32>
        %get3A_701 = arith.index_cast %add3A_698 : i32 to index
        %get3A_702 = arith.constant 0 : index
        %get3A_703 = tpu.vector_load %arg16[%get3A_701, %get3A_702] {strides = array<i32>} : memref<128x32xi32, #tpu.memory_space<vmem>>, vector<16xi32>,
        %bitcast3A_704 = vector.bitcast %get3A_703 : vector<16xi32> to vector<32xbf16>
        %get3A_705 = arith.index_cast %add3A_698 : i32 to index
        %get3A_706 = arith.constant 0 : index
        %get3A_707 = tpu.vector_load %arg20[%get3A_705, %get3A_706] {strides = array<i32>} : memref<128x32xi32, #tpu.memory_space<vmem>>, vector<16xi32>,
        %bitcast3A_708 = vector.bitcast %get3A_707 : vector<16xi32> to vector<32xbf16>
        %unpack3A_709 = tpu.unpack_subelements %bitcast3A_704, 0 {pack_format = #tpu.pack_format<interleaved>} : vector<32xbf16> -> vector<16xf32>
        %unpack3A_710 = tpu.unpack_subelements %bitcast3A_704, 1 {pack_format = #tpu.pack_format<interleaved>} : vector<32xbf16> -> vector<16xf32>
        %unpack3A_711 = tpu.unpack_subelements %bitcast3A_708, 0 {pack_format = #tpu.pack_format<interleaved>} : vector<32xbf16> -> vector<16xf32>
        %unpack3A_712 = tpu.unpack_subelements %bitcast3A_708, 1 {pack_format = #tpu.pack_format<interleaved>} : vector<32xbf16> -> vector<16xf32>
        %add3A_713 = arith.addf %unpack3A_709, %unpack3A_711 : vector<16xf32>
        %max3A_714 = arith.constant 0.000000e+00 : f32
        %max3A_715 = vector.broadcast %max3A_714 : f32 to vector<16xf32>
        %max3A_716 = arith.maximumf %add3A_713, %max3A_715 : vector<16xf32>
        %mul3A_717 = arith.mulf %max3A_716, %get3A_205 : vector<16xf32>
        %add3A_718 = arith.addf %broadcast_in_dim3A_700, %mul3A_717 : vector<16xf32>
        %add3A_719 = arith.addf %unpack3A_710, %unpack3A_712 : vector<16xf32>
        %max3A_720 = arith.constant 0.000000e+00 : f32
        %max3A_721 = vector.broadcast %max3A_720 : f32 to vector<16xf32>
        %max3A_722 = arith.maximumf %add3A_719, %max3A_721 : vector<16xf32>
        %mul3A_723 = arith.mulf %max3A_722, %get3A_209 : vector<16xf32>
        %add3A_724 = arith.addf %add3A_718, %mul3A_723 : vector<16xf32>
        %get3A_725 = arith.index_cast %add3A_698 : i32 to index
        %get3A_726 = arith.constant 16 : index
        %get3A_727 = tpu.vector_load %arg16[%get3A_725, %get3A_726] {strides = array<i32>} : memref<128x32xi32, #tpu.memory_space<vmem>>, vector<16xi32>,
        %bitcast3A_728 = vector.bitcast %get3A_727 : vector<16xi32> to vector<32xbf16>
        %get3A_729 = arith.index_cast %add3A_698 : i32 to index
        %get3A_730 = arith.constant 16 : index
        %get3A_731 = tpu.vector_load %arg20[%get3A_729, %get3A_730] {strides = array<i32>} : memref<128x32xi32, #tpu.memory_space<vmem>>, vector<16xi32>,
        %bitcast3A_732 = vector.bitcast %get3A_731 : vector<16xi32> to vector<32xbf16>
        %unpack3A_733 = tpu.unpack_subelements %bitcast3A_728, 0 {pack_format = #tpu.pack_format<interleaved>} : vector<32xbf16> -> vector<16xf32>
        %unpack3A_734 = tpu.unpack_subelements %bitcast3A_728, 1 {pack_format = #tpu.pack_format<interleaved>} : vector<32xbf16> -> vector<16xf32>
        %unpack3A_735 = tpu.unpack_subelements %bitcast3A_732, 0 {pack_format = #tpu.pack_format<interleaved>} : vector<32xbf16> -> vector<16xf32>
        %unpack3A_736 = tpu.unpack_subelements %bitcast3A_732, 1 {pack_format = #tpu.pack_format<interleaved>} : vector<32xbf16> -> vector<16xf32>
        %add3A_737 = arith.addf %unpack3A_733, %unpack3A_735 : vector<16xf32>
        %max3A_738 = arith.constant 0.000000e+00 : f32
        %max3A_739 = vector.broadcast %max3A_738 : f32 to vector<16xf32>
        %max3A_740 = arith.maximumf %add3A_737, %max3A_739 : vector<16xf32>
        %mul3A_741 = arith.mulf %max3A_740, %get3A_213 : vector<16xf32>
        %add3A_742 = arith.addf %add3A_724, %mul3A_741 : vector<16xf32>
        %add3A_743 = arith.addf %unpack3A_734, %unpack3A_736 : vector<16xf32>
        %max3A_744 = arith.constant 0.000000e+00 : f32
        %max3A_745 = vector.broadcast %max3A_744 : f32 to vector<16xf32>
        %max3A_746 = arith.maximumf %add3A_743, %max3A_745 : vector<16xf32>
        %mul3A_747 = arith.mulf %max3A_746, %get3A_217 : vector<16xf32>
        %add3A_748 = arith.addf %add3A_742, %mul3A_747 : vector<16xf32>
        %broadcast_in_dim3A_749 = arith.constant true
        %broadcast_in_dim3A_750 = vector.broadcast %broadcast_in_dim3A_749 : i1 to vector<16xi1>
        %masked_cumsum3A_751 = tpu.scan <sum>, %add3A_748 masked %broadcast_in_dim3A_750 : vector<16xf32>, vector<16xi1> -> vector<16xf32>
        %add3A_752 = arith.constant 8 : i32
        %add3A_753 = vector.broadcast %add3A_752 : i32 to vector<16xi32>
        %add3A_754 = arith.addi %broadcast_in_dim3A, %add3A_753 : vector<16xi32>
        tpu.vector_store_idx %arg12[%add3A_754], %masked_cumsum3A_751 masked %eq3A_4 : memref<5120xf32, #tpu.memory_space<vmem>>[vector<16xi32>], vector<16xf32>, vector<16xi1>
        %add3A_755 = arith.constant 9 : i32
        %add3A_756 = arith.addi %mul3A_233, %add3A_755 : i32
        %broadcast_in_dim3A_757 = arith.constant 0.000000e+00 : f32
        %broadcast_in_dim3A_758 = vector.broadcast %broadcast_in_dim3A_757 : f32 to vector<16xf32>
        %get3A_759 = arith.index_cast %add3A_756 : i32 to index
        %get3A_760 = arith.constant 0 : index
        %get3A_761 = tpu.vector_load %arg16[%get3A_759, %get3A_760] {strides = array<i32>} : memref<128x32xi32, #tpu.memory_space<vmem>>, vector<16xi32>,
        %bitcast3A_762 = vector.bitcast %get3A_761 : vector<16xi32> to vector<32xbf16>
        %get3A_763 = arith.index_cast %add3A_756 : i32 to index
        %get3A_764 = arith.constant 0 : index
        %get3A_765 = tpu.vector_load %arg20[%get3A_763, %get3A_764] {strides = array<i32>} : memref<128x32xi32, #tpu.memory_space<vmem>>, vector<16xi32>,
        %bitcast3A_766 = vector.bitcast %get3A_765 : vector<16xi32> to vector<32xbf16>
        %unpack3A_767 = tpu.unpack_subelements %bitcast3A_762, 0 {pack_format = #tpu.pack_format<interleaved>} : vector<32xbf16> -> vector<16xf32>
        %unpack3A_768 = tpu.unpack_subelements %bitcast3A_762, 1 {pack_format = #tpu.pack_format<interleaved>} : vector<32xbf16> -> vector<16xf32>
        %unpack3A_769 = tpu.unpack_subelements %bitcast3A_766, 0 {pack_format = #tpu.pack_format<interleaved>} : vector<32xbf16> -> vector<16xf32>
        %unpack3A_770 = tpu.unpack_subelements %bitcast3A_766, 1 {pack_format = #tpu.pack_format<interleaved>} : vector<32xbf16> -> vector<16xf32>
        %add3A_771 = arith.addf %unpack3A_767, %unpack3A_769 : vector<16xf32>
        %max3A_772 = arith.constant 0.000000e+00 : f32
        %max3A_773 = vector.broadcast %max3A_772 : f32 to vector<16xf32>
        %max3A_774 = arith.maximumf %add3A_771, %max3A_773 : vector<16xf32>
        %mul3A_775 = arith.mulf %max3A_774, %get3A_205 : vector<16xf32>
        %add3A_776 = arith.addf %broadcast_in_dim3A_758, %mul3A_775 : vector<16xf32>
        %add3A_777 = arith.addf %unpack3A_768, %unpack3A_770 : vector<16xf32>
        %max3A_778 = arith.constant 0.000000e+00 : f32
        %max3A_779 = vector.broadcast %max3A_778 : f32 to vector<16xf32>
        %max3A_780 = arith.maximumf %add3A_777, %max3A_779 : vector<16xf32>
        %mul3A_781 = arith.mulf %max3A_780, %get3A_209 : vector<16xf32>
        %add3A_782 = arith.addf %add3A_776, %mul3A_781 : vector<16xf32>
        %get3A_783 = arith.index_cast %add3A_756 : i32 to index
        %get3A_784 = arith.constant 16 : index
        %get3A_785 = tpu.vector_load %arg16[%get3A_783, %get3A_784] {strides = array<i32>} : memref<128x32xi32, #tpu.memory_space<vmem>>, vector<16xi32>,
        %bitcast3A_786 = vector.bitcast %get3A_785 : vector<16xi32> to vector<32xbf16>
        %get3A_787 = arith.index_cast %add3A_756 : i32 to index
        %get3A_788 = arith.constant 16 : index
        %get3A_789 = tpu.vector_load %arg20[%get3A_787, %get3A_788] {strides = array<i32>} : memref<128x32xi32, #tpu.memory_space<vmem>>, vector<16xi32>,
        %bitcast3A_790 = vector.bitcast %get3A_789 : vector<16xi32> to vector<32xbf16>
        %unpack3A_791 = tpu.unpack_subelements %bitcast3A_786, 0 {pack_format = #tpu.pack_format<interleaved>} : vector<32xbf16> -> vector<16xf32>
        %unpack3A_792 = tpu.unpack_subelements %bitcast3A_786, 1 {pack_format = #tpu.pack_format<interleaved>} : vector<32xbf16> -> vector<16xf32>
        %unpack3A_793 = tpu.unpack_subelements %bitcast3A_790, 0 {pack_format = #tpu.pack_format<interleaved>} : vector<32xbf16> -> vector<16xf32>
        %unpack3A_794 = tpu.unpack_subelements %bitcast3A_790, 1 {pack_format = #tpu.pack_format<interleaved>} : vector<32xbf16> -> vector<16xf32>
        %add3A_795 = arith.addf %unpack3A_791, %unpack3A_793 : vector<16xf32>
        %max3A_796 = arith.constant 0.000000e+00 : f32
        %max3A_797 = vector.broadcast %max3A_796 : f32 to vector<16xf32>
        %max3A_798 = arith.maximumf %add3A_795, %max3A_797 : vector<16xf32>
        %mul3A_799 = arith.mulf %max3A_798, %get3A_213 : vector<16xf32>
        %add3A_800 = arith.addf %add3A_782, %mul3A_799 : vector<16xf32>
        %add3A_801 = arith.addf %unpack3A_792, %unpack3A_794 : vector<16xf32>
        %max3A_802 = arith.constant 0.000000e+00 : f32
        %max3A_803 = vector.broadcast %max3A_802 : f32 to vector<16xf32>
        %max3A_804 = arith.maximumf %add3A_801, %max3A_803 : vector<16xf32>
        %mul3A_805 = arith.mulf %max3A_804, %get3A_217 : vector<16xf32>
        %add3A_806 = arith.addf %add3A_800, %mul3A_805 : vector<16xf32>
        %broadcast_in_dim3A_807 = arith.constant true
        %broadcast_in_dim3A_808 = vector.broadcast %broadcast_in_dim3A_807 : i1 to vector<16xi1>
        %masked_cumsum3A_809 = tpu.scan <sum>, %add3A_806 masked %broadcast_in_dim3A_808 : vector<16xf32>, vector<16xi1> -> vector<16xf32>
        %add3A_810 = arith.constant 9 : i32
        %add3A_811 = vector.broadcast %add3A_810 : i32 to vector<16xi32>
        %add3A_812 = arith.addi %broadcast_in_dim3A, %add3A_811 : vector<16xi32>
        tpu.vector_store_idx %arg12[%add3A_812], %masked_cumsum3A_809 masked %eq3A_4 : memref<5120xf32, #tpu.memory_space<vmem>>[vector<16xi32>], vector<16xf32>, vector<16xi1>
        %add3A_813 = arith.constant 10 : i32
        %add3A_814 = arith.addi %mul3A_233, %add3A_813 : i32
        %broadcast_in_dim3A_815 = arith.constant 0.000000e+00 : f32
        %broadcast_in_dim3A_816 = vector.broadcast %broadcast_in_dim3A_815 : f32 to vector<16xf32>
        %get3A_817 = arith.index_cast %add3A_814 : i32 to index
        %get3A_818 = arith.constant 0 : index
        %get3A_819 = tpu.vector_load %arg16[%get3A_817, %get3A_818] {strides = array<i32>} : memref<128x32xi32, #tpu.memory_space<vmem>>, vector<16xi32>,
        %bitcast3A_820 = vector.bitcast %get3A_819 : vector<16xi32> to vector<32xbf16>
        %get3A_821 = arith.index_cast %add3A_814 : i32 to index
        %get3A_822 = arith.constant 0 : index
        %get3A_823 = tpu.vector_load %arg20[%get3A_821, %get3A_822] {strides = array<i32>} : memref<128x32xi32, #tpu.memory_space<vmem>>, vector<16xi32>,
        %bitcast3A_824 = vector.bitcast %get3A_823 : vector<16xi32> to vector<32xbf16>
        %unpack3A_825 = tpu.unpack_subelements %bitcast3A_820, 0 {pack_format = #tpu.pack_format<interleaved>} : vector<32xbf16> -> vector<16xf32>
        %unpack3A_826 = tpu.unpack_subelements %bitcast3A_820, 1 {pack_format = #tpu.pack_format<interleaved>} : vector<32xbf16> -> vector<16xf32>
        %unpack3A_827 = tpu.unpack_subelements %bitcast3A_824, 0 {pack_format = #tpu.pack_format<interleaved>} : vector<32xbf16> -> vector<16xf32>
        %unpack3A_828 = tpu.unpack_subelements %bitcast3A_824, 1 {pack_format = #tpu.pack_format<interleaved>} : vector<32xbf16> -> vector<16xf32>
        %add3A_829 = arith.addf %unpack3A_825, %unpack3A_827 : vector<16xf32>
        %max3A_830 = arith.constant 0.000000e+00 : f32
        %max3A_831 = vector.broadcast %max3A_830 : f32 to vector<16xf32>
        %max3A_832 = arith.maximumf %add3A_829, %max3A_831 : vector<16xf32>
        %mul3A_833 = arith.mulf %max3A_832, %get3A_205 : vector<16xf32>
        %add3A_834 = arith.addf %broadcast_in_dim3A_816, %mul3A_833 : vector<16xf32>
        %add3A_835 = arith.addf %unpack3A_826, %unpack3A_828 : vector<16xf32>
        %max3A_836 = arith.constant 0.000000e+00 : f32
        %max3A_837 = vector.broadcast %max3A_836 : f32 to vector<16xf32>
        %max3A_838 = arith.maximumf %add3A_835, %max3A_837 : vector<16xf32>
        %mul3A_839 = arith.mulf %max3A_838, %get3A_209 : vector<16xf32>
        %add3A_840 = arith.addf %add3A_834, %mul3A_839 : vector<16xf32>
        %get3A_841 = arith.index_cast %add3A_814 : i32 to index
        %get3A_842 = arith.constant 16 : index
        %get3A_843 = tpu.vector_load %arg16[%get3A_841, %get3A_842] {strides = array<i32>} : memref<128x32xi32, #tpu.memory_space<vmem>>, vector<16xi32>,
        %bitcast3A_844 = vector.bitcast %get3A_843 : vector<16xi32> to vector<32xbf16>
        %get3A_845 = arith.index_cast %add3A_814 : i32 to index
        %get3A_846 = arith.constant 16 : index
        %get3A_847 = tpu.vector_load %arg20[%get3A_845, %get3A_846] {strides = array<i32>} : memref<128x32xi32, #tpu.memory_space<vmem>>, vector<16xi32>,
        %bitcast3A_848 = vector.bitcast %get3A_847 : vector<16xi32> to vector<32xbf16>
        %unpack3A_849 = tpu.unpack_subelements %bitcast3A_844, 0 {pack_format = #tpu.pack_format<interleaved>} : vector<32xbf16> -> vector<16xf32>
        %unpack3A_850 = tpu.unpack_subelements %bitcast3A_844, 1 {pack_format = #tpu.pack_format<interleaved>} : vector<32xbf16> -> vector<16xf32>
        %unpack3A_851 = tpu.unpack_subelements %bitcast3A_848, 0 {pack_format = #tpu.pack_format<interleaved>} : vector<32xbf16> -> vector<16xf32>
        %unpack3A_852 = tpu.unpack_subelements %bitcast3A_848, 1 {pack_format = #tpu.pack_format<interleaved>} : vector<32xbf16> -> vector<16xf32>
        %add3A_853 = arith.addf %unpack3A_849, %unpack3A_851 : vector<16xf32>
        %max3A_854 = arith.constant 0.000000e+00 : f32
        %max3A_855 = vector.broadcast %max3A_854 : f32 to vector<16xf32>
        %max3A_856 = arith.maximumf %add3A_853, %max3A_855 : vector<16xf32>
        %mul3A_857 = arith.mulf %max3A_856, %get3A_213 : vector<16xf32>
        %add3A_858 = arith.addf %add3A_840, %mul3A_857 : vector<16xf32>
        %add3A_859 = arith.addf %unpack3A_850, %unpack3A_852 : vector<16xf32>
        %max3A_860 = arith.constant 0.000000e+00 : f32
        %max3A_861 = vector.broadcast %max3A_860 : f32 to vector<16xf32>
        %max3A_862 = arith.maximumf %add3A_859, %max3A_861 : vector<16xf32>
        %mul3A_863 = arith.mulf %max3A_862, %get3A_217 : vector<16xf32>
        %add3A_864 = arith.addf %add3A_858, %mul3A_863 : vector<16xf32>
        %broadcast_in_dim3A_865 = arith.constant true
        %broadcast_in_dim3A_866 = vector.broadcast %broadcast_in_dim3A_865 : i1 to vector<16xi1>
        %masked_cumsum3A_867 = tpu.scan <sum>, %add3A_864 masked %broadcast_in_dim3A_866 : vector<16xf32>, vector<16xi1> -> vector<16xf32>
        %add3A_868 = arith.constant 10 : i32
        %add3A_869 = vector.broadcast %add3A_868 : i32 to vector<16xi32>
        %add3A_870 = arith.addi %broadcast_in_dim3A, %add3A_869 : vector<16xi32>
        tpu.vector_store_idx %arg12[%add3A_870], %masked_cumsum3A_867 masked %eq3A_4 : memref<5120xf32, #tpu.memory_space<vmem>>[vector<16xi32>], vector<16xf32>, vector<16xi1>
        %add3A_871 = arith.constant 11 : i32
        %add3A_872 = arith.addi %mul3A_233, %add3A_871 : i32
        %broadcast_in_dim3A_873 = arith.constant 0.000000e+00 : f32
        %broadcast_in_dim3A_874 = vector.broadcast %broadcast_in_dim3A_873 : f32 to vector<16xf32>
        %get3A_875 = arith.index_cast %add3A_872 : i32 to index
        %get3A_876 = arith.constant 0 : index
        %get3A_877 = tpu.vector_load %arg16[%get3A_875, %get3A_876] {strides = array<i32>} : memref<128x32xi32, #tpu.memory_space<vmem>>, vector<16xi32>,
        %bitcast3A_878 = vector.bitcast %get3A_877 : vector<16xi32> to vector<32xbf16>
        %get3A_879 = arith.index_cast %add3A_872 : i32 to index
        %get3A_880 = arith.constant 0 : index
        %get3A_881 = tpu.vector_load %arg20[%get3A_879, %get3A_880] {strides = array<i32>} : memref<128x32xi32, #tpu.memory_space<vmem>>, vector<16xi32>,
        %bitcast3A_882 = vector.bitcast %get3A_881 : vector<16xi32> to vector<32xbf16>
        %unpack3A_883 = tpu.unpack_subelements %bitcast3A_878, 0 {pack_format = #tpu.pack_format<interleaved>} : vector<32xbf16> -> vector<16xf32>
        %unpack3A_884 = tpu.unpack_subelements %bitcast3A_878, 1 {pack_format = #tpu.pack_format<interleaved>} : vector<32xbf16> -> vector<16xf32>
        %unpack3A_885 = tpu.unpack_subelements %bitcast3A_882, 0 {pack_format = #tpu.pack_format<interleaved>} : vector<32xbf16> -> vector<16xf32>
        %unpack3A_886 = tpu.unpack_subelements %bitcast3A_882, 1 {pack_format = #tpu.pack_format<interleaved>} : vector<32xbf16> -> vector<16xf32>
        %add3A_887 = arith.addf %unpack3A_883, %unpack3A_885 : vector<16xf32>
        %max3A_888 = arith.constant 0.000000e+00 : f32
        %max3A_889 = vector.broadcast %max3A_888 : f32 to vector<16xf32>
        %max3A_890 = arith.maximumf %add3A_887, %max3A_889 : vector<16xf32>
        %mul3A_891 = arith.mulf %max3A_890, %get3A_205 : vector<16xf32>
        %add3A_892 = arith.addf %broadcast_in_dim3A_874, %mul3A_891 : vector<16xf32>
        %add3A_893 = arith.addf %unpack3A_884, %unpack3A_886 : vector<16xf32>
        %max3A_894 = arith.constant 0.000000e+00 : f32
        %max3A_895 = vector.broadcast %max3A_894 : f32 to vector<16xf32>
        %max3A_896 = arith.maximumf %add3A_893, %max3A_895 : vector<16xf32>
        %mul3A_897 = arith.mulf %max3A_896, %get3A_209 : vector<16xf32>
        %add3A_898 = arith.addf %add3A_892, %mul3A_897 : vector<16xf32>
        %get3A_899 = arith.index_cast %add3A_872 : i32 to index
        %get3A_900 = arith.constant 16 : index
        %get3A_901 = tpu.vector_load %arg16[%get3A_899, %get3A_900] {strides = array<i32>} : memref<128x32xi32, #tpu.memory_space<vmem>>, vector<16xi32>,
        %bitcast3A_902 = vector.bitcast %get3A_901 : vector<16xi32> to vector<32xbf16>
        %get3A_903 = arith.index_cast %add3A_872 : i32 to index
        %get3A_904 = arith.constant 16 : index
        %get3A_905 = tpu.vector_load %arg20[%get3A_903, %get3A_904] {strides = array<i32>} : memref<128x32xi32, #tpu.memory_space<vmem>>, vector<16xi32>,
        %bitcast3A_906 = vector.bitcast %get3A_905 : vector<16xi32> to vector<32xbf16>
        %unpack3A_907 = tpu.unpack_subelements %bitcast3A_902, 0 {pack_format = #tpu.pack_format<interleaved>} : vector<32xbf16> -> vector<16xf32>
        %unpack3A_908 = tpu.unpack_subelements %bitcast3A_902, 1 {pack_format = #tpu.pack_format<interleaved>} : vector<32xbf16> -> vector<16xf32>
        %unpack3A_909 = tpu.unpack_subelements %bitcast3A_906, 0 {pack_format = #tpu.pack_format<interleaved>} : vector<32xbf16> -> vector<16xf32>
        %unpack3A_910 = tpu.unpack_subelements %bitcast3A_906, 1 {pack_format = #tpu.pack_format<interleaved>} : vector<32xbf16> -> vector<16xf32>
        %add3A_911 = arith.addf %unpack3A_907, %unpack3A_909 : vector<16xf32>
        %max3A_912 = arith.constant 0.000000e+00 : f32
        %max3A_913 = vector.broadcast %max3A_912 : f32 to vector<16xf32>
        %max3A_914 = arith.maximumf %add3A_911, %max3A_913 : vector<16xf32>
        %mul3A_915 = arith.mulf %max3A_914, %get3A_213 : vector<16xf32>
        %add3A_916 = arith.addf %add3A_898, %mul3A_915 : vector<16xf32>
        %add3A_917 = arith.addf %unpack3A_908, %unpack3A_910 : vector<16xf32>
        %max3A_918 = arith.constant 0.000000e+00 : f32
        %max3A_919 = vector.broadcast %max3A_918 : f32 to vector<16xf32>
        %max3A_920 = arith.maximumf %add3A_917, %max3A_919 : vector<16xf32>
        %mul3A_921 = arith.mulf %max3A_920, %get3A_217 : vector<16xf32>
        %add3A_922 = arith.addf %add3A_916, %mul3A_921 : vector<16xf32>
        %broadcast_in_dim3A_923 = arith.constant true
        %broadcast_in_dim3A_924 = vector.broadcast %broadcast_in_dim3A_923 : i1 to vector<16xi1>
        %masked_cumsum3A_925 = tpu.scan <sum>, %add3A_922 masked %broadcast_in_dim3A_924 : vector<16xf32>, vector<16xi1> -> vector<16xf32>
        %add3A_926 = arith.constant 11 : i32
        %add3A_927 = vector.broadcast %add3A_926 : i32 to vector<16xi32>
        %add3A_928 = arith.addi %broadcast_in_dim3A, %add3A_927 : vector<16xi32>
        tpu.vector_store_idx %arg12[%add3A_928], %masked_cumsum3A_925 masked %eq3A_4 : memref<5120xf32, #tpu.memory_space<vmem>>[vector<16xi32>], vector<16xf32>, vector<16xi1>
        %add3A_929 = arith.constant 12 : i32
        %add3A_930 = arith.addi %mul3A_233, %add3A_929 : i32
        %broadcast_in_dim3A_931 = arith.constant 0.000000e+00 : f32
        %broadcast_in_dim3A_932 = vector.broadcast %broadcast_in_dim3A_931 : f32 to vector<16xf32>
        %get3A_933 = arith.index_cast %add3A_930 : i32 to index
        %get3A_934 = arith.constant 0 : index
        %get3A_935 = tpu.vector_load %arg16[%get3A_933, %get3A_934] {strides = array<i32>} : memref<128x32xi32, #tpu.memory_space<vmem>>, vector<16xi32>,
        %bitcast3A_936 = vector.bitcast %get3A_935 : vector<16xi32> to vector<32xbf16>
        %get3A_937 = arith.index_cast %add3A_930 : i32 to index
        %get3A_938 = arith.constant 0 : index
        %get3A_939 = tpu.vector_load %arg20[%get3A_937, %get3A_938] {strides = array<i32>} : memref<128x32xi32, #tpu.memory_space<vmem>>, vector<16xi32>,
        %bitcast3A_940 = vector.bitcast %get3A_939 : vector<16xi32> to vector<32xbf16>
        %unpack3A_941 = tpu.unpack_subelements %bitcast3A_936, 0 {pack_format = #tpu.pack_format<interleaved>} : vector<32xbf16> -> vector<16xf32>
        %unpack3A_942 = tpu.unpack_subelements %bitcast3A_936, 1 {pack_format = #tpu.pack_format<interleaved>} : vector<32xbf16> -> vector<16xf32>
        %unpack3A_943 = tpu.unpack_subelements %bitcast3A_940, 0 {pack_format = #tpu.pack_format<interleaved>} : vector<32xbf16> -> vector<16xf32>
        %unpack3A_944 = tpu.unpack_subelements %bitcast3A_940, 1 {pack_format = #tpu.pack_format<interleaved>} : vector<32xbf16> -> vector<16xf32>
        %add3A_945 = arith.addf %unpack3A_941, %unpack3A_943 : vector<16xf32>
        %max3A_946 = arith.constant 0.000000e+00 : f32
        %max3A_947 = vector.broadcast %max3A_946 : f32 to vector<16xf32>
        %max3A_948 = arith.maximumf %add3A_945, %max3A_947 : vector<16xf32>
        %mul3A_949 = arith.mulf %max3A_948, %get3A_205 : vector<16xf32>
        %add3A_950 = arith.addf %broadcast_in_dim3A_932, %mul3A_949 : vector<16xf32>
        %add3A_951 = arith.addf %unpack3A_942, %unpack3A_944 : vector<16xf32>
        %max3A_952 = arith.constant 0.000000e+00 : f32
        %max3A_953 = vector.broadcast %max3A_952 : f32 to vector<16xf32>
        %max3A_954 = arith.maximumf %add3A_951, %max3A_953 : vector<16xf32>
        %mul3A_955 = arith.mulf %max3A_954, %get3A_209 : vector<16xf32>
        %add3A_956 = arith.addf %add3A_950, %mul3A_955 : vector<16xf32>
        %get3A_957 = arith.index_cast %add3A_930 : i32 to index
        %get3A_958 = arith.constant 16 : index
        %get3A_959 = tpu.vector_load %arg16[%get3A_957, %get3A_958] {strides = array<i32>} : memref<128x32xi32, #tpu.memory_space<vmem>>, vector<16xi32>,
        %bitcast3A_960 = vector.bitcast %get3A_959 : vector<16xi32> to vector<32xbf16>
        %get3A_961 = arith.index_cast %add3A_930 : i32 to index
        %get3A_962 = arith.constant 16 : index
        %get3A_963 = tpu.vector_load %arg20[%get3A_961, %get3A_962] {strides = array<i32>} : memref<128x32xi32, #tpu.memory_space<vmem>>, vector<16xi32>,
        %bitcast3A_964 = vector.bitcast %get3A_963 : vector<16xi32> to vector<32xbf16>
        %unpack3A_965 = tpu.unpack_subelements %bitcast3A_960, 0 {pack_format = #tpu.pack_format<interleaved>} : vector<32xbf16> -> vector<16xf32>
        %unpack3A_966 = tpu.unpack_subelements %bitcast3A_960, 1 {pack_format = #tpu.pack_format<interleaved>} : vector<32xbf16> -> vector<16xf32>
        %unpack3A_967 = tpu.unpack_subelements %bitcast3A_964, 0 {pack_format = #tpu.pack_format<interleaved>} : vector<32xbf16> -> vector<16xf32>
        %unpack3A_968 = tpu.unpack_subelements %bitcast3A_964, 1 {pack_format = #tpu.pack_format<interleaved>} : vector<32xbf16> -> vector<16xf32>
        %add3A_969 = arith.addf %unpack3A_965, %unpack3A_967 : vector<16xf32>
        %max3A_970 = arith.constant 0.000000e+00 : f32
        %max3A_971 = vector.broadcast %max3A_970 : f32 to vector<16xf32>
        %max3A_972 = arith.maximumf %add3A_969, %max3A_971 : vector<16xf32>
        %mul3A_973 = arith.mulf %max3A_972, %get3A_213 : vector<16xf32>
        %add3A_974 = arith.addf %add3A_956, %mul3A_973 : vector<16xf32>
        %add3A_975 = arith.addf %unpack3A_966, %unpack3A_968 : vector<16xf32>
        %max3A_976 = arith.constant 0.000000e+00 : f32
        %max3A_977 = vector.broadcast %max3A_976 : f32 to vector<16xf32>
        %max3A_978 = arith.maximumf %add3A_975, %max3A_977 : vector<16xf32>
        %mul3A_979 = arith.mulf %max3A_978, %get3A_217 : vector<16xf32>
        %add3A_980 = arith.addf %add3A_974, %mul3A_979 : vector<16xf32>
        %broadcast_in_dim3A_981 = arith.constant true
        %broadcast_in_dim3A_982 = vector.broadcast %broadcast_in_dim3A_981 : i1 to vector<16xi1>
        %masked_cumsum3A_983 = tpu.scan <sum>, %add3A_980 masked %broadcast_in_dim3A_982 : vector<16xf32>, vector<16xi1> -> vector<16xf32>
        %add3A_984 = arith.constant 12 : i32
        %add3A_985 = vector.broadcast %add3A_984 : i32 to vector<16xi32>
        %add3A_986 = arith.addi %broadcast_in_dim3A, %add3A_985 : vector<16xi32>
        tpu.vector_store_idx %arg12[%add3A_986], %masked_cumsum3A_983 masked %eq3A_4 : memref<5120xf32, #tpu.memory_space<vmem>>[vector<16xi32>], vector<16xf32>, vector<16xi1>
        %add3A_987 = arith.constant 13 : i32
        %add3A_988 = arith.addi %mul3A_233, %add3A_987 : i32
        %broadcast_in_dim3A_989 = arith.constant 0.000000e+00 : f32
        %broadcast_in_dim3A_990 = vector.broadcast %broadcast_in_dim3A_989 : f32 to vector<16xf32>
        %get3A_991 = arith.index_cast %add3A_988 : i32 to index
        %get3A_992 = arith.constant 0 : index
        %get3A_993 = tpu.vector_load %arg16[%get3A_991, %get3A_992] {strides = array<i32>} : memref<128x32xi32, #tpu.memory_space<vmem>>, vector<16xi32>,
        %bitcast3A_994 = vector.bitcast %get3A_993 : vector<16xi32> to vector<32xbf16>
        %get3A_995 = arith.index_cast %add3A_988 : i32 to index
        %get3A_996 = arith.constant 0 : index
        %get3A_997 = tpu.vector_load %arg20[%get3A_995, %get3A_996] {strides = array<i32>} : memref<128x32xi32, #tpu.memory_space<vmem>>, vector<16xi32>,
        %bitcast3A_998 = vector.bitcast %get3A_997 : vector<16xi32> to vector<32xbf16>
        %unpack3A_999 = tpu.unpack_subelements %bitcast3A_994, 0 {pack_format = #tpu.pack_format<interleaved>} : vector<32xbf16> -> vector<16xf32>
        %unpack3A_1000 = tpu.unpack_subelements %bitcast3A_994, 1 {pack_format = #tpu.pack_format<interleaved>} : vector<32xbf16> -> vector<16xf32>
        %unpack3A_1001 = tpu.unpack_subelements %bitcast3A_998, 0 {pack_format = #tpu.pack_format<interleaved>} : vector<32xbf16> -> vector<16xf32>
        %unpack3A_1002 = tpu.unpack_subelements %bitcast3A_998, 1 {pack_format = #tpu.pack_format<interleaved>} : vector<32xbf16> -> vector<16xf32>
        %add3A_1003 = arith.addf %unpack3A_999, %unpack3A_1001 : vector<16xf32>
        %max3A_1004 = arith.constant 0.000000e+00 : f32
        %max3A_1005 = vector.broadcast %max3A_1004 : f32 to vector<16xf32>
        %max3A_1006 = arith.maximumf %add3A_1003, %max3A_1005 : vector<16xf32>
        %mul3A_1007 = arith.mulf %max3A_1006, %get3A_205 : vector<16xf32>
        %add3A_1008 = arith.addf %broadcast_in_dim3A_990, %mul3A_1007 : vector<16xf32>
        %add3A_1009 = arith.addf %unpack3A_1000, %unpack3A_1002 : vector<16xf32>
        %max3A_1010 = arith.constant 0.000000e+00 : f32
        %max3A_1011 = vector.broadcast %max3A_1010 : f32 to vector<16xf32>
        %max3A_1012 = arith.maximumf %add3A_1009, %max3A_1011 : vector<16xf32>
        %mul3A_1013 = arith.mulf %max3A_1012, %get3A_209 : vector<16xf32>
        %add3A_1014 = arith.addf %add3A_1008, %mul3A_1013 : vector<16xf32>
        %get3A_1015 = arith.index_cast %add3A_988 : i32 to index
        %get3A_1016 = arith.constant 16 : index
        %get3A_1017 = tpu.vector_load %arg16[%get3A_1015, %get3A_1016] {strides = array<i32>} : memref<128x32xi32, #tpu.memory_space<vmem>>, vector<16xi32>,
        %bitcast3A_1018 = vector.bitcast %get3A_1017 : vector<16xi32> to vector<32xbf16>
        %get3A_1019 = arith.index_cast %add3A_988 : i32 to index
        %get3A_1020 = arith.constant 16 : index
        %get3A_1021 = tpu.vector_load %arg20[%get3A_1019, %get3A_1020] {strides = array<i32>} : memref<128x32xi32, #tpu.memory_space<vmem>>, vector<16xi32>,
        %bitcast3A_1022 = vector.bitcast %get3A_1021 : vector<16xi32> to vector<32xbf16>
        %unpack3A_1023 = tpu.unpack_subelements %bitcast3A_1018, 0 {pack_format = #tpu.pack_format<interleaved>} : vector<32xbf16> -> vector<16xf32>
        %unpack3A_1024 = tpu.unpack_subelements %bitcast3A_1018, 1 {pack_format = #tpu.pack_format<interleaved>} : vector<32xbf16> -> vector<16xf32>
        %unpack3A_1025 = tpu.unpack_subelements %bitcast3A_1022, 0 {pack_format = #tpu.pack_format<interleaved>} : vector<32xbf16> -> vector<16xf32>
        %unpack3A_1026 = tpu.unpack_subelements %bitcast3A_1022, 1 {pack_format = #tpu.pack_format<interleaved>} : vector<32xbf16> -> vector<16xf32>
        %add3A_1027 = arith.addf %unpack3A_1023, %unpack3A_1025 : vector<16xf32>
        %max3A_1028 = arith.constant 0.000000e+00 : f32
        %max3A_1029 = vector.broadcast %max3A_1028 : f32 to vector<16xf32>
        %max3A_1030 = arith.maximumf %add3A_1027, %max3A_1029 : vector<16xf32>
        %mul3A_1031 = arith.mulf %max3A_1030, %get3A_213 : vector<16xf32>
        %add3A_1032 = arith.addf %add3A_1014, %mul3A_1031 : vector<16xf32>
        %add3A_1033 = arith.addf %unpack3A_1024, %unpack3A_1026 : vector<16xf32>
        %max3A_1034 = arith.constant 0.000000e+00 : f32
        %max3A_1035 = vector.broadcast %max3A_1034 : f32 to vector<16xf32>
        %max3A_1036 = arith.maximumf %add3A_1033, %max3A_1035 : vector<16xf32>
        %mul3A_1037 = arith.mulf %max3A_1036, %get3A_217 : vector<16xf32>
        %add3A_1038 = arith.addf %add3A_1032, %mul3A_1037 : vector<16xf32>
        %broadcast_in_dim3A_1039 = arith.constant true
        %broadcast_in_dim3A_1040 = vector.broadcast %broadcast_in_dim3A_1039 : i1 to vector<16xi1>
        %masked_cumsum3A_1041 = tpu.scan <sum>, %add3A_1038 masked %broadcast_in_dim3A_1040 : vector<16xf32>, vector<16xi1> -> vector<16xf32>
        %add3A_1042 = arith.constant 13 : i32
        %add3A_1043 = vector.broadcast %add3A_1042 : i32 to vector<16xi32>
        %add3A_1044 = arith.addi %broadcast_in_dim3A, %add3A_1043 : vector<16xi32>
        tpu.vector_store_idx %arg12[%add3A_1044], %masked_cumsum3A_1041 masked %eq3A_4 : memref<5120xf32, #tpu.memory_space<vmem>>[vector<16xi32>], vector<16xf32>, vector<16xi1>
        %add3A_1045 = arith.constant 14 : i32
        %add3A_1046 = arith.addi %mul3A_233, %add3A_1045 : i32
        %broadcast_in_dim3A_1047 = arith.constant 0.000000e+00 : f32
        %broadcast_in_dim3A_1048 = vector.broadcast %broadcast_in_dim3A_1047 : f32 to vector<16xf32>
        %get3A_1049 = arith.index_cast %add3A_1046 : i32 to index
        %get3A_1050 = arith.constant 0 : index
        %get3A_1051 = tpu.vector_load %arg16[%get3A_1049, %get3A_1050] {strides = array<i32>} : memref<128x32xi32, #tpu.memory_space<vmem>>, vector<16xi32>,
        %bitcast3A_1052 = vector.bitcast %get3A_1051 : vector<16xi32> to vector<32xbf16>
        %get3A_1053 = arith.index_cast %add3A_1046 : i32 to index
        %get3A_1054 = arith.constant 0 : index
        %get3A_1055 = tpu.vector_load %arg20[%get3A_1053, %get3A_1054] {strides = array<i32>} : memref<128x32xi32, #tpu.memory_space<vmem>>, vector<16xi32>,
        %bitcast3A_1056 = vector.bitcast %get3A_1055 : vector<16xi32> to vector<32xbf16>
        %unpack3A_1057 = tpu.unpack_subelements %bitcast3A_1052, 0 {pack_format = #tpu.pack_format<interleaved>} : vector<32xbf16> -> vector<16xf32>
        %unpack3A_1058 = tpu.unpack_subelements %bitcast3A_1052, 1 {pack_format = #tpu.pack_format<interleaved>} : vector<32xbf16> -> vector<16xf32>
        %unpack3A_1059 = tpu.unpack_subelements %bitcast3A_1056, 0 {pack_format = #tpu.pack_format<interleaved>} : vector<32xbf16> -> vector<16xf32>
        %unpack3A_1060 = tpu.unpack_subelements %bitcast3A_1056, 1 {pack_format = #tpu.pack_format<interleaved>} : vector<32xbf16> -> vector<16xf32>
        %add3A_1061 = arith.addf %unpack3A_1057, %unpack3A_1059 : vector<16xf32>
        %max3A_1062 = arith.constant 0.000000e+00 : f32
        %max3A_1063 = vector.broadcast %max3A_1062 : f32 to vector<16xf32>
        %max3A_1064 = arith.maximumf %add3A_1061, %max3A_1063 : vector<16xf32>
        %mul3A_1065 = arith.mulf %max3A_1064, %get3A_205 : vector<16xf32>
        %add3A_1066 = arith.addf %broadcast_in_dim3A_1048, %mul3A_1065 : vector<16xf32>
        %add3A_1067 = arith.addf %unpack3A_1058, %unpack3A_1060 : vector<16xf32>
        %max3A_1068 = arith.constant 0.000000e+00 : f32
        %max3A_1069 = vector.broadcast %max3A_1068 : f32 to vector<16xf32>
        %max3A_1070 = arith.maximumf %add3A_1067, %max3A_1069 : vector<16xf32>
        %mul3A_1071 = arith.mulf %max3A_1070, %get3A_209 : vector<16xf32>
        %add3A_1072 = arith.addf %add3A_1066, %mul3A_1071 : vector<16xf32>
        %get3A_1073 = arith.index_cast %add3A_1046 : i32 to index
        %get3A_1074 = arith.constant 16 : index
        %get3A_1075 = tpu.vector_load %arg16[%get3A_1073, %get3A_1074] {strides = array<i32>} : memref<128x32xi32, #tpu.memory_space<vmem>>, vector<16xi32>,
        %bitcast3A_1076 = vector.bitcast %get3A_1075 : vector<16xi32> to vector<32xbf16>
        %get3A_1077 = arith.index_cast %add3A_1046 : i32 to index
        %get3A_1078 = arith.constant 16 : index
        %get3A_1079 = tpu.vector_load %arg20[%get3A_1077, %get3A_1078] {strides = array<i32>} : memref<128x32xi32, #tpu.memory_space<vmem>>, vector<16xi32>,
        %bitcast3A_1080 = vector.bitcast %get3A_1079 : vector<16xi32> to vector<32xbf16>
        %unpack3A_1081 = tpu.unpack_subelements %bitcast3A_1076, 0 {pack_format = #tpu.pack_format<interleaved>} : vector<32xbf16> -> vector<16xf32>
        %unpack3A_1082 = tpu.unpack_subelements %bitcast3A_1076, 1 {pack_format = #tpu.pack_format<interleaved>} : vector<32xbf16> -> vector<16xf32>
        %unpack3A_1083 = tpu.unpack_subelements %bitcast3A_1080, 0 {pack_format = #tpu.pack_format<interleaved>} : vector<32xbf16> -> vector<16xf32>
        %unpack3A_1084 = tpu.unpack_subelements %bitcast3A_1080, 1 {pack_format = #tpu.pack_format<interleaved>} : vector<32xbf16> -> vector<16xf32>
        %add3A_1085 = arith.addf %unpack3A_1081, %unpack3A_1083 : vector<16xf32>
        %max3A_1086 = arith.constant 0.000000e+00 : f32
        %max3A_1087 = vector.broadcast %max3A_1086 : f32 to vector<16xf32>
        %max3A_1088 = arith.maximumf %add3A_1085, %max3A_1087 : vector<16xf32>
        %mul3A_1089 = arith.mulf %max3A_1088, %get3A_213 : vector<16xf32>
        %add3A_1090 = arith.addf %add3A_1072, %mul3A_1089 : vector<16xf32>
        %add3A_1091 = arith.addf %unpack3A_1082, %unpack3A_1084 : vector<16xf32>
        %max3A_1092 = arith.constant 0.000000e+00 : f32
        %max3A_1093 = vector.broadcast %max3A_1092 : f32 to vector<16xf32>
        %max3A_1094 = arith.maximumf %add3A_1091, %max3A_1093 : vector<16xf32>
        %mul3A_1095 = arith.mulf %max3A_1094, %get3A_217 : vector<16xf32>
        %add3A_1096 = arith.addf %add3A_1090, %mul3A_1095 : vector<16xf32>
        %broadcast_in_dim3A_1097 = arith.constant true
        %broadcast_in_dim3A_1098 = vector.broadcast %broadcast_in_dim3A_1097 : i1 to vector<16xi1>
        %masked_cumsum3A_1099 = tpu.scan <sum>, %add3A_1096 masked %broadcast_in_dim3A_1098 : vector<16xf32>, vector<16xi1> -> vector<16xf32>
        %add3A_1100 = arith.constant 14 : i32
        %add3A_1101 = vector.broadcast %add3A_1100 : i32 to vector<16xi32>
        %add3A_1102 = arith.addi %broadcast_in_dim3A, %add3A_1101 : vector<16xi32>
        tpu.vector_store_idx %arg12[%add3A_1102], %masked_cumsum3A_1099 masked %eq3A_4 : memref<5120xf32, #tpu.memory_space<vmem>>[vector<16xi32>], vector<16xf32>, vector<16xi1>
        %add3A_1103 = arith.constant 15 : i32
        %add3A_1104 = arith.addi %mul3A_233, %add3A_1103 : i32
        %broadcast_in_dim3A_1105 = arith.constant 0.000000e+00 : f32
        %broadcast_in_dim3A_1106 = vector.broadcast %broadcast_in_dim3A_1105 : f32 to vector<16xf32>
        %get3A_1107 = arith.index_cast %add3A_1104 : i32 to index
        %get3A_1108 = arith.constant 0 : index
        %get3A_1109 = tpu.vector_load %arg16[%get3A_1107, %get3A_1108] {strides = array<i32>} : memref<128x32xi32, #tpu.memory_space<vmem>>, vector<16xi32>,
        %bitcast3A_1110 = vector.bitcast %get3A_1109 : vector<16xi32> to vector<32xbf16>
        %get3A_1111 = arith.index_cast %add3A_1104 : i32 to index
        %get3A_1112 = arith.constant 0 : index
        %get3A_1113 = tpu.vector_load %arg20[%get3A_1111, %get3A_1112] {strides = array<i32>} : memref<128x32xi32, #tpu.memory_space<vmem>>, vector<16xi32>,
        %bitcast3A_1114 = vector.bitcast %get3A_1113 : vector<16xi32> to vector<32xbf16>
        %unpack3A_1115 = tpu.unpack_subelements %bitcast3A_1110, 0 {pack_format = #tpu.pack_format<interleaved>} : vector<32xbf16> -> vector<16xf32>
        %unpack3A_1116 = tpu.unpack_subelements %bitcast3A_1110, 1 {pack_format = #tpu.pack_format<interleaved>} : vector<32xbf16> -> vector<16xf32>
        %unpack3A_1117 = tpu.unpack_subelements %bitcast3A_1114, 0 {pack_format = #tpu.pack_format<interleaved>} : vector<32xbf16> -> vector<16xf32>
        %unpack3A_1118 = tpu.unpack_subelements %bitcast3A_1114, 1 {pack_format = #tpu.pack_format<interleaved>} : vector<32xbf16> -> vector<16xf32>
        %add3A_1119 = arith.addf %unpack3A_1115, %unpack3A_1117 : vector<16xf32>
        %max3A_1120 = arith.constant 0.000000e+00 : f32
        %max3A_1121 = vector.broadcast %max3A_1120 : f32 to vector<16xf32>
        %max3A_1122 = arith.maximumf %add3A_1119, %max3A_1121 : vector<16xf32>
        %mul3A_1123 = arith.mulf %max3A_1122, %get3A_205 : vector<16xf32>
        %add3A_1124 = arith.addf %broadcast_in_dim3A_1106, %mul3A_1123 : vector<16xf32>
        %add3A_1125 = arith.addf %unpack3A_1116, %unpack3A_1118 : vector<16xf32>
        %max3A_1126 = arith.constant 0.000000e+00 : f32
        %max3A_1127 = vector.broadcast %max3A_1126 : f32 to vector<16xf32>
        %max3A_1128 = arith.maximumf %add3A_1125, %max3A_1127 : vector<16xf32>
        %mul3A_1129 = arith.mulf %max3A_1128, %get3A_209 : vector<16xf32>
        %add3A_1130 = arith.addf %add3A_1124, %mul3A_1129 : vector<16xf32>
        %get3A_1131 = arith.index_cast %add3A_1104 : i32 to index
        %get3A_1132 = arith.constant 16 : index
        %get3A_1133 = tpu.vector_load %arg16[%get3A_1131, %get3A_1132] {strides = array<i32>} : memref<128x32xi32, #tpu.memory_space<vmem>>, vector<16xi32>,
        %bitcast3A_1134 = vector.bitcast %get3A_1133 : vector<16xi32> to vector<32xbf16>
        %get3A_1135 = arith.index_cast %add3A_1104 : i32 to index
        %get3A_1136 = arith.constant 16 : index
        %get3A_1137 = tpu.vector_load %arg20[%get3A_1135, %get3A_1136] {strides = array<i32>} : memref<128x32xi32, #tpu.memory_space<vmem>>, vector<16xi32>,
        %bitcast3A_1138 = vector.bitcast %get3A_1137 : vector<16xi32> to vector<32xbf16>
        %unpack3A_1139 = tpu.unpack_subelements %bitcast3A_1134, 0 {pack_format = #tpu.pack_format<interleaved>} : vector<32xbf16> -> vector<16xf32>
        %unpack3A_1140 = tpu.unpack_subelements %bitcast3A_1134, 1 {pack_format = #tpu.pack_format<interleaved>} : vector<32xbf16> -> vector<16xf32>
        %unpack3A_1141 = tpu.unpack_subelements %bitcast3A_1138, 0 {pack_format = #tpu.pack_format<interleaved>} : vector<32xbf16> -> vector<16xf32>
        %unpack3A_1142 = tpu.unpack_subelements %bitcast3A_1138, 1 {pack_format = #tpu.pack_format<interleaved>} : vector<32xbf16> -> vector<16xf32>
        %add3A_1143 = arith.addf %unpack3A_1139, %unpack3A_1141 : vector<16xf32>
        %max3A_1144 = arith.constant 0.000000e+00 : f32
        %max3A_1145 = vector.broadcast %max3A_1144 : f32 to vector<16xf32>
        %max3A_1146 = arith.maximumf %add3A_1143, %max3A_1145 : vector<16xf32>
        %mul3A_1147 = arith.mulf %max3A_1146, %get3A_213 : vector<16xf32>
        %add3A_1148 = arith.addf %add3A_1130, %mul3A_1147 : vector<16xf32>
        %add3A_1149 = arith.addf %unpack3A_1140, %unpack3A_1142 : vector<16xf32>
        %max3A_1150 = arith.constant 0.000000e+00 : f32
        %max3A_1151 = vector.broadcast %max3A_1150 : f32 to vector<16xf32>
        %max3A_1152 = arith.maximumf %add3A_1149, %max3A_1151 : vector<16xf32>
        %mul3A_1153 = arith.mulf %max3A_1152, %get3A_217 : vector<16xf32>
        %add3A_1154 = arith.addf %add3A_1148, %mul3A_1153 : vector<16xf32>
        %broadcast_in_dim3A_1155 = arith.constant true
        %broadcast_in_dim3A_1156 = vector.broadcast %broadcast_in_dim3A_1155 : i1 to vector<16xi1>
        %masked_cumsum3A_1157 = tpu.scan <sum>, %add3A_1154 masked %broadcast_in_dim3A_1156 : vector<16xf32>, vector<16xi1> -> vector<16xf32>
        %add3A_1158 = arith.constant 15 : i32
        %add3A_1159 = vector.broadcast %add3A_1158 : i32 to vector<16xi32>
        %add3A_1160 = arith.addi %broadcast_in_dim3A, %add3A_1159 : vector<16xi32>
        tpu.vector_store_idx %arg12[%add3A_1160], %masked_cumsum3A_1157 masked %eq3A_4 : memref<5120xf32, #tpu.memory_space<vmem>>[vector<16xi32>], vector<16xf32>, vector<16xi1>
      }
      %scan3A_223 = arith.constant 8 : i32
      %add3A_224 = arith.constant 4 : i32
      %add3A_225 = arith.addi %add3A_189, %add3A_224 : i32
      %lt3A_226 = arith.constant 40 : i32
      %lt3A_227 = arith.cmpi slt, %add3A_225, %lt3A_226 : i32
      %convert_element_type3A_228 = arith.extui %lt3A_227 : i1 to i32
      %cond3A_229 = arith.constant 0 : i32
      %cond3A_230 = arith.cmpi ne, %convert_element_type3A_228, %cond3A_229 : i32
      scf.if %cond3A_230 {
        %add3A_231 = arith.constant 4 : i32
        %add3A_232 = arith.addi %add3A_189, %add3A_231 : i32
        %mul3A_233 = arith.constant 128 : i32
        %mul3A_234 = arith.muli %add3A_232, %mul3A_233 : i32
        %dma_start3A_235 = tpu.memref_slice %arg9[%mul3A_234] : memref<5120xi32, #tpu.memory_space<vmem>> -> memref<128xi32, #tpu.memory_space<vmem>>
        %dma_start3A_236 = arith.constant 0 : i32
        %dma_start3A_237 = arith.constant 0 : i32
        %dma_start3A_238 = tpu.memref_slice %arg2[%dma_start3A_236, %dma_start3A_237] : memref<10000x32xi32, #tpu.memory_space<hbm>> -> memref<10000x32xi32, #tpu.memory_space<hbm>>
        tpu.enqueue_indirect_dma source(%dma_start3A_238 : memref<10000x32xi32, #tpu.memory_space<hbm>>) target(%arg16 : memref<128x32xi32, #tpu.memory_space<vmem>>) offsets(%dma_start3A_235 : memref<128xi32, #tpu.memory_space<vmem>>) semaphore(%arg25 : memref<!tpu.dma_semaphore, #tpu.memory_space<semaphore_mem>>)
        %mul3A_239 = arith.constant 128 : i32
        %mul3A_240 = arith.muli %add3A_232, %mul3A_239 : i32
        %dma_start3A_241 = tpu.memref_slice %arg10[%mul3A_240] : memref<5120xi32, #tpu.memory_space<vmem>> -> memref<128xi32, #tpu.memory_space<vmem>>
        %dma_start3A_242 = arith.constant 0 : i32
        %dma_start3A_243 = arith.constant 0 : i32
        %dma_start3A_244 = tpu.memref_slice %arg3[%dma_start3A_242, %dma_start3A_243] : memref<10000x32xi32, #tpu.memory_space<hbm>> -> memref<10000x32xi32, #tpu.memory_space<hbm>>
        tpu.enqueue_indirect_dma source(%dma_start3A_244 : memref<10000x32xi32, #tpu.memory_space<hbm>>) target(%arg20 : memref<128x32xi32, #tpu.memory_space<vmem>>) offsets(%dma_start3A_241 : memref<128xi32, #tpu.memory_space<vmem>>) semaphore(%arg25 : memref<!tpu.dma_semaphore, #tpu.memory_space<semaphore_mem>>)
      } else {
      }
    }
    %scan3A_48 = arith.constant 10 : i32
    %scan3A_49 = arith.constant 0 : i32
    %scan3A_50 = arith.constant 0 : i32
    %scan3A_51 = arith.constant 320 : i32
    %scan3A_52 = arith.addi %scan3A_50, %scan3A_51 : i32
    %scan3A_53 = arith.constant 1 : i32
    scf.for %scan3A_55 = %scan3A_50 to %scan3A_52 step %scan3A_53  : i32 {
      %mul3A_56 = arith.constant 16 : i32
      %mul3A_57 = arith.muli %scan3A_55, %mul3A_56 : i32
      %get3A = arith.index_cast %mul3A_57 : i32 to index
      %get3A_58 = tpu.vector_load %arg12[%get3A] {strides = array<i32>} : memref<5120xf32, #tpu.memory_space<vmem>>, vector<16xf32>,
      %get3A_59 = arith.index_cast %mul3A_57 : i32 to index
      %get3A_60 = tpu.vector_load %arg11[%get3A_59] {strides = array<i32>} : memref<5120xf32, #tpu.memory_space<vmem>>, vector<16xf32>,
      %add3A_61 = arith.addf %get3A_58, %get3A_60 : vector<16xf32>
      %neg3A = arith.constant 0.000000e+00 : f32
      %neg3A_62 = vector.broadcast %neg3A : f32 to vector<16xf32>
      %neg3A_63 = arith.subf %neg3A_62, %add3A_61 : vector<16xf32>
      %exp3A = math.exp %neg3A_63 : vector<16xf32>
      %add3A_64 = arith.constant 1.000000e+00 : f32
      %add3A_65 = vector.broadcast %add3A_64 : f32 to vector<16xf32>
      %add3A_66 = arith.addf %add3A_65, %exp3A : vector<16xf32>
      %div3A = arith.constant 1.000000e+00 : f32
      %div3A_67 = vector.broadcast %div3A : f32 to vector<16xf32>
      %div3A_68 = arith.divf %div3A_67, %add3A_66 : vector<16xf32>
      %swap3A = arith.index_cast %mul3A_57 : i32 to index
      %swap3A_69 = tpu.vector_load %arg12[%swap3A] {strides = array<i32>} : memref<5120xf32, #tpu.memory_space<vmem>>, vector<16xf32>,
      tpu.vector_store %arg12[%swap3A], %div3A_68 {strides = array<i32>} : memref<5120xf32, #tpu.memory_space<vmem>>, vector<16xf32>,
    }
    %scan3A_54 = arith.constant 320 : i32
    "tpu.region"() ({
      %run_scoped3A = tpu.sem_alloc : memref<!tpu.dma_semaphore, #tpu.memory_space<semaphore_mem>>
      %dma_start3A_55 = tpu.memref_slice %arg8[%mul3A_2] : memref<163840xf32, #tpu.memory_space<hbm>> -> memref<5120xf32, #tpu.memory_space<hbm>>
      %dma_start3A_56 = tpu.memref_slice %arg8[%mul3A_2] : memref<163840xf32, #tpu.memory_space<hbm>> -> memref<5120xf32, #tpu.memory_space<hbm>>
      tpu.enqueue_dma source(%arg12 : memref<5120xf32, #tpu.memory_space<vmem>>) target(%dma_start3A_56 : memref<5120xf32, #tpu.memory_space<hbm>>) target_semaphore(%run_scoped3A : memref<!tpu.dma_semaphore, #tpu.memory_space<semaphore_mem>>)
      %dma_wait3A = tpu.memref_slice %arg8[%mul3A_2] : memref<163840xf32, #tpu.memory_space<hbm>> -> memref<5120xf32, #tpu.memory_space<hbm>>
      %dma_wait3A_57 = tpu.memref_slice %arg8[%mul3A_2] : memref<163840xf32, #tpu.memory_space<hbm>> -> memref<5120xf32, #tpu.memory_space<hbm>>
      tpu.wait_dma2 semaphore(%run_scoped3A : memref<!tpu.dma_semaphore, #tpu.memory_space<semaphore_mem>>) src(%arg12 : memref<5120xf32, #tpu.memory_space<vmem>>) dst(%dma_wait3A_57 : memref<5120xf32, #tpu.memory_space<hbm>>)
      tpu.yield
    }) : () -> ()
    return
  }
}

module attributes {stable_mosaic.version = 14 : i64} {
  func.func @body(%arg0: i32, %arg1: memref<1000x128xf32, #tpu.memory_space<vmem>>, %arg2: memref<128x64xf32, #tpu.memory_space<vmem>>, %arg3: memref<128x64xf32, #tpu.memory_space<vmem>>, %arg4: memref<1x64xf32, #tpu.memory_space<vmem>>, %arg5: memref<1000x32xi32, #tpu.memory_space<vmem>>, %arg6: memref<1000x32xi32, #tpu.memory_space<vmem>>) attributes {dimension_semantics = [#tpu.dimension_semantics<arbitrary>], iteration_bounds = array<i64: 10>, scalar_prefetch = 0 : i64, scratch_operands = 0 : i64, tpu.core_type = #tpu.core_type<tc>, window_params = [{transform_indices = @transform_0, window_bounds = array<i64: 1000, 128>}, {pipeline_mode = #tpu.pipeline_mode<synchronous>, transform_indices = @transform_1, window_bounds = array<i64: 128, 64>}, {pipeline_mode = #tpu.pipeline_mode<synchronous>, transform_indices = @transform_2, window_bounds = array<i64: 128, 64>}, {pipeline_mode = #tpu.pipeline_mode<synchronous>, transform_indices = @transform_3, window_bounds = array<i64: 1, 64>}, {transform_indices = @transform_4, window_bounds = array<i64: 1000, 32>}, {transform_indices = @transform_5, window_bounds = array<i64: 1000, 32>}]} {
    %get3A = arith.constant 0 : index
    %get3A_0 = arith.constant 0 : index
    %get3A_1 = vector.load %arg1[%get3A, %get3A_0] : memref<1000x128xf32, #tpu.memory_space<vmem>>, vector<1000x128xf32>
    %get3A_2 = arith.constant 0 : index
    %get3A_3 = arith.constant 0 : index
    %get3A_4 = vector.load %arg2[%get3A_2, %get3A_3] : memref<128x64xf32, #tpu.memory_space<vmem>>, vector<128x64xf32>
    %dot_general3A = arith.constant dense<0.000000e+00> : vector<1000x64xf32>
    %dot_general3A_5 = tpu.matmul %get3A_1, %get3A_4, %dot_general3A {dimension_numbers = #tpu.dot_dimension_numbers<[1], [0], [0], [1], [0, 0, 1, 1], [], []>, transpose_lhs_hint = false} : vector<1000x128xf32>, vector<128x64xf32>, vector<1000x64xf32> -> vector<1000x64xf32>
    %get3A_6 = arith.constant 0 : index
    %get3A_7 = arith.constant 0 : index
    %get3A_8 = vector.load %arg4[%get3A_6, %get3A_7] : memref<1x64xf32, #tpu.memory_space<vmem>>, vector<1x64xf32>
    %add3A = vector.broadcast %get3A_8 : vector<1x64xf32> to vector<1000x64xf32>
    %add3A_9 = arith.addf %dot_general3A_5, %add3A : vector<1000x64xf32>
    %convert_element_type3A = arith.truncf %add3A_9 : vector<1000x64xf32> to vector<1000x64xbf16>
    %slice3A = vector.extract_strided_slice %convert_element_type3A {offsets = [0, 0], sizes = [1000, 32], strides = [1, 1]} : vector<1000x64xbf16> to vector<1000x32xbf16>
    %bitcast_convert_type3A = tpu.bitcast %slice3A : vector<1000x32xbf16> -> vector<1000x32xi16>
    %convert_element_type3A_10 = arith.extui %bitcast_convert_type3A : vector<1000x32xi16> to vector<1000x32xi32>
    %slice3A_11 = vector.extract_strided_slice %convert_element_type3A {offsets = [0, 32], sizes = [1000, 32], strides = [1, 1]} : vector<1000x64xbf16> to vector<1000x32xbf16>
    %bitcast_convert_type3A_12 = tpu.bitcast %slice3A_11 : vector<1000x32xbf16> -> vector<1000x32xi16>
    %convert_element_type3A_13 = arith.extui %bitcast_convert_type3A_12 : vector<1000x32xi16> to vector<1000x32xi32>
    %shift_left3A = arith.constant 16 : i32
    %shift_left3A_14 = vector.broadcast %shift_left3A : i32 to vector<1000x32xi32>
    %shift_left3A_15 = arith.shli %convert_element_type3A_13, %shift_left3A_14 : vector<1000x32xi32>
    %or3A = arith.ori %convert_element_type3A_10, %shift_left3A_15 : vector<1000x32xi32>
    %bitcast_convert_type3A_16 = tpu.bitcast %or3A : vector<1000x32xi32> -> vector<1000x32xi32>
    %swap3A = arith.constant 0 : index
    %swap3A_17 = arith.constant 0 : index
    %swap3A_18 = vector.load %arg5[%swap3A, %swap3A_17] : memref<1000x32xi32, #tpu.memory_space<vmem>>, vector<1000x32xi32>
    tpu.vector_store %arg5[%swap3A, %swap3A_17], %bitcast_convert_type3A_16 {strides = array<i32>} : memref<1000x32xi32, #tpu.memory_space<vmem>>, vector<1000x32xi32>,
    %get3A_19 = arith.constant 0 : index
    %get3A_20 = arith.constant 0 : index
    %get3A_21 = vector.load %arg3[%get3A_19, %get3A_20] : memref<128x64xf32, #tpu.memory_space<vmem>>, vector<128x64xf32>
    %dot_general3A_22 = arith.constant dense<0.000000e+00> : vector<1000x64xf32>
    %dot_general3A_23 = tpu.matmul %get3A_1, %get3A_21, %dot_general3A_22 {dimension_numbers = #tpu.dot_dimension_numbers<[1], [0], [0], [1], [0, 0, 1, 1], [], []>, transpose_lhs_hint = false} : vector<1000x128xf32>, vector<128x64xf32>, vector<1000x64xf32> -> vector<1000x64xf32>
    %convert_element_type3A_24 = arith.truncf %dot_general3A_23 : vector<1000x64xf32> to vector<1000x64xbf16>
    %slice3A_25 = vector.extract_strided_slice %convert_element_type3A_24 {offsets = [0, 0], sizes = [1000, 32], strides = [1, 1]} : vector<1000x64xbf16> to vector<1000x32xbf16>
    %bitcast_convert_type3A_26 = tpu.bitcast %slice3A_25 : vector<1000x32xbf16> -> vector<1000x32xi16>
    %convert_element_type3A_27 = arith.extui %bitcast_convert_type3A_26 : vector<1000x32xi16> to vector<1000x32xi32>
    %slice3A_28 = vector.extract_strided_slice %convert_element_type3A_24 {offsets = [0, 32], sizes = [1000, 32], strides = [1, 1]} : vector<1000x64xbf16> to vector<1000x32xbf16>
    %bitcast_convert_type3A_29 = tpu.bitcast %slice3A_28 : vector<1000x32xbf16> -> vector<1000x32xi16>
    %convert_element_type3A_30 = arith.extui %bitcast_convert_type3A_29 : vector<1000x32xi16> to vector<1000x32xi32>
    %shift_left3A_31 = arith.constant 16 : i32
    %shift_left3A_32 = vector.broadcast %shift_left3A_31 : i32 to vector<1000x32xi32>
    %shift_left3A_33 = arith.shli %convert_element_type3A_30, %shift_left3A_32 : vector<1000x32xi32>
    %or3A_34 = arith.ori %convert_element_type3A_27, %shift_left3A_33 : vector<1000x32xi32>
    %bitcast_convert_type3A_35 = tpu.bitcast %or3A_34 : vector<1000x32xi32> -> vector<1000x32xi32>
    %swap3A_36 = arith.constant 0 : index
    %swap3A_37 = arith.constant 0 : index
    %swap3A_38 = vector.load %arg6[%swap3A_36, %swap3A_37] : memref<1000x32xi32, #tpu.memory_space<vmem>>, vector<1000x32xi32>
    tpu.vector_store %arg6[%swap3A_36, %swap3A_37], %bitcast_convert_type3A_35 {strides = array<i32>} : memref<1000x32xi32, #tpu.memory_space<vmem>>, vector<1000x32xi32>,
    return
  }
  func.func @transform_0(%arg0: i32) -> (i32, i32) {
    %c0_i32 = arith.constant 0 : i32
    %c0_i32_0 = arith.constant 0 : i32
    return %arg0, %c0_i32 : i32, i32
  }
  func.func @transform_1(%arg0: i32) -> (i32, i32) {
    %c0_i32 = arith.constant 0 : i32
    %c0_i32_0 = arith.constant 0 : i32
    %c0_i32_1 = arith.constant 0 : i32
    return %c0_i32, %c0_i32_0 : i32, i32
  }
  func.func @transform_2(%arg0: i32) -> (i32, i32) {
    %c0_i32 = arith.constant 0 : i32
    %c0_i32_0 = arith.constant 0 : i32
    %c0_i32_1 = arith.constant 0 : i32
    return %c0_i32, %c0_i32_0 : i32, i32
  }
  func.func @transform_3(%arg0: i32) -> (i32, i32) {
    %c0_i32 = arith.constant 0 : i32
    %c0_i32_0 = arith.constant 0 : i32
    %c0_i32_1 = arith.constant 0 : i32
    return %c0_i32, %c0_i32_0 : i32, i32
  }
  func.func @transform_4(%arg0: i32) -> (i32, i32) {
    %c0_i32 = arith.constant 0 : i32
    %c0_i32_0 = arith.constant 0 : i32
    return %arg0, %c0_i32 : i32, i32
  }
  func.func @transform_5(%arg0: i32) -> (i32, i32) {
    %c0_i32 = arith.constant 0 : i32
    %c0_i32_0 = arith.constant 0 : i32
    return %arg0, %c0_i32 : i32, i32
  }
}

</mosaic_0001>

<sc_bundles>
// kernel: kernel.4.cloned.1.call-start
scs
__scs_entry_jumppad:
0x0: {  	(pc) =	sbr.rel $0x88, $3  }
0x1: {  	(tag) =	ssettag $0x0;
	lr =	simm.s32 $0x1  }
0x2: {  	[smem:$0x3F9B] =	sst lr;
	_ =	strace $0xD0000000  }
0x3: {  	_ = 	snop  }
0x4: {  	_ = 	snop  }
0x5: {  	_ = 	snop  }
0x6: {  	_ = 	snop  }
0x7: {  	_ = 	snop  }
__scs_overlays_trampoline_lowered:
0x8: {  	[smem:$0x3FAA] =	sst s0  }
0x9: {  	[smem:$0x3FAB] =	sst s1  }
0xa: {  	[smem:$0x3FAC] =	sst s2  }
0xb: {  	[smem:$0x3FAD] =	sst s3  }
0xc: {  	[smem:$0x3FAE] =	sst s4  }
0xd: {  	[smem:$0x3FAF] =	sst s5  }
0xe: {  	[smem:$0x3FB0] =	sst s6  }
0xf: {  	[smem:$0x3FB1] =	sst s7  }
0x10: {  	[smem:$0x3FB2] =	sst s8  }
0x11: {  	[smem:$0x3FB3] =	sst s9;
	s0 =	simm.s32 @!p0 $0x0  }
0x12: {  	s1 =	sld [smem:$0x3F99];
	s0 =	simm.s32 @p0 $0x1  }
0x13: {  	[smem:$0x3FB4] =	sst s0;
	s0 =	simm.s32 @!p1 $0x0  }
0x14: {  	s2 =	sld [smem:$0x3F98];
	s0 =	simm.s32 @p1 $0x1  }
0x15: {  	[smem:$0x3FB5] =	sst s0;
	s0 =	simm.s32 @!p2 $0x0  }
0x16: {  	s3 =	sld [smem:$0x3FDB];
	s0 =	simm.s32 @p2 $0x1  }
0x17: {  	s4 =	simm.s32 $0x1BF5;
	[smem:$0x3FB7] =	sst s0  }
0x18: {  	s0 =	sld [smem:$0x3F9A];
	_ =	swait.ge [sflag:s4], $0x0  }
0x19: {  	s7 =	sld [smem:$0x3F9B]  }
0x1a: {  	s8 =	sadd.s32 $0xFFFFE003, lr  }
0x1b: {  	s9 =	sadd.s32 $0xFFFFFEF7, lr;
	s5 =	simm.s32 $0xFFFFFFFF;
	p2 =	slt.u32 s8, $0xFFFFF086  }
0x1c: {  	p1 =	slt.u32 s9, $0xF7A;
	s5 =	simm.s32 @!p2 $0x0  }
0x1d: {  	s5 =	simm.s32 @p1 $0x1;
	p0 =	seq.s32 s7, s2  }
0x1e: {  	s7 =	smul.u32 @!p0 $0xF7A, s2;
	p2 =	seq.s32 @!p0 s5, $0x0  }
0x1f: {  	s9 =	smul.u32 $0xF7A, s1;
	s8 =	simm.s32 @!p0 $0x1BF5;
	p2 =	por !p2, p0  }
0x20: {  	[sflag:s8] =	ssyncset.s32 @!p0 $0xFFFFF086;
	s6 =	sadd.s32 @!p0 s3, s7;
	s7 =	simm.s32 @!p0 $0x108  }
0x21: {  	s3 =	sadd.s32 s3, s9;
	s6 =	sadd.s32 @!p0 $0x88, s6;
	s7 =	simm.s32 @p2 $0x1082  }
0x22: {  	[simem:s7], [sflag:s8] =	dma.local @!p0 [hbm:s6], $0xF7A  }
0x23: {  	s9 =	sor.u32 $0xD0000000, s2;
	s6 =	simm.s32 $0x108;
	_ =	swait.ge @!p0 [sflag:s8], $0x0  }
0x24: {  	s3 =	sadd.s32 $0x88, s3;
	s6 =	simm.s32 @!p1 $0x1082;
	[sflag:s4] =	ssyncset.s32 $0xFFFFF086  }
0x25: {  	[simem:s6], [sflag:s4] =	dma.local [hbm:s3], $0xF7A  }
0x26: {  	[smem:$0x3F9B] =	sst s1;
	(tag) =	ssettag s2;
	_ =	strace s9  }
0x27: {  	s1 =	sld [smem:$0x3FAB]  }
0x28: {  	s2 =	sld [smem:$0x3FAC]  }
0x29: {  	s4 =	sld [smem:$0x3FAE]  }
0x2a: {  	p0 =	seq.s32 s5, $0x0;
	s5 =	sld [smem:$0x3FAF]  }
0x2b: {  	s6 =	sld [smem:$0x3FB0]  }
0x2c: {  	s7 =	sld [smem:$0x3FB1]  }
0x2d: {  	s3 =	simm.s32 $0x108;
	s8 =	sld [smem:$0x3FB2]  }
0x2e: {  	s3 =	simm.s32 @!p0 $0x1082;
	s9 =	sld [smem:$0x3FB3]  }
0x2f: {  	lr =	sadd.s32 s0, s3;
	s0 =	sld [smem:$0x3FAA]  }
0x30: {  	s3 =	sld [smem:$0x3FAD]  }
0x31: {  	[smem:$0x3FB6] =	sst s10  }
0x32: {  	s10 =	sld [smem:$0x3FB4];
	_ =	sdelay $0x3  }
0x33: {  	p0 =	seq.s32 s10, $0x1;
	s10 =	sld [smem:$0x3FB6];
	_ =	sdelay $0x3  }
0x34: {  	[smem:$0x3FB6] =	sst s10  }
0x35: {  	s10 =	sld [smem:$0x3FB5];
	_ =	sdelay $0x3  }
0x36: {  	p1 =	seq.s32 s10, $0x1;
	s10 =	sld [smem:$0x3FB6];
	_ =	sdelay $0x3  }
0x37: {  	[smem:$0x3FB6] =	sst s10  }
0x38: {  	s10 =	sld [smem:$0x3FB7]  }
0x39: {  	_ = 	snop;
	(pc) =	sbr.ind lr, $3  }
0x3a: {  	_ = 	snop  }
0x3b: {  	_ = 	snop  }
0x3c: {  	p2 =	seq.s32 s10, $0x1;
	s10 =	sld [smem:$0x3FB6]  }
0x3d: {  	_ =	shalt  }
0x3e: {  	_ =	shalt  }
0x3f: {  	_ =	shalt  }
0x40: {  	_ =	shalt  }
0x41: {  	_ =	shalt  }
0x42: {  	_ =	shalt  }
0x43: {  	_ =	shalt  }
0x44: {  	_ =	shalt  }
0x45: {  	_ =	shalt  }
0x46: {  	_ =	shalt  }
0x47: {  	_ =	shalt  }
0x48: {  	_ =	shalt  }
0x49: {  	_ =	shalt  }
0x4a: {  	_ =	shalt  }
0x4b: {  	_ =	shalt  }
0x4c: {  	_ =	shalt  }
0x4d: {  	_ =	shalt  }
0x4e: {  	_ =	shalt  }
0x4f: {  	_ =	shalt  }
0x50: {  	_ =	shalt  }
0x51: {  	_ =	shalt  }
0x52: {  	_ =	shalt  }
0x53: {  	_ =	shalt  }
0x54: {  	_ =	shalt  }
0x55: {  	_ =	shalt  }
0x56: {  	_ =	shalt  }
0x57: {  	_ =	shalt  }
0x58: {  	_ =	shalt  }
0x59: {  	_ =	shalt  }
0x5a: {  	_ =	shalt  }
0x5b: {  	_ =	shalt  }
0x5c: {  	_ =	shalt  }
0x5d: {  	_ =	shalt  }
0x5e: {  	_ =	shalt  }
0x5f: {  	_ =	shalt  }
0x60: {  	_ =	shalt  }
0x61: {  	_ =	shalt  }
0x62: {  	_ =	shalt  }
0x63: {  	_ =	shalt  }
0x64: {  	_ =	shalt  }
0x65: {  	_ =	shalt  }
0x66: {  	_ =	shalt  }
0x67: {  	_ =	shalt  }
0x68: {  	_ =	shalt  }
0x69: {  	_ =	shalt  }
0x6a: {  	_ =	shalt  }
0x6b: {  	_ =	shalt  }
0x6c: {  	_ =	shalt  }
0x6d: {  	_ =	shalt  }
0x6e: {  	_ =	shalt  }
0x6f: {  	_ =	shalt  }
0x70: {  	_ =	shalt  }
0x71: {  	_ =	shalt  }
0x72: {  	_ =	shalt  }
0x73: {  	_ =	shalt  }
0x74: {  	_ =	shalt  }
0x75: {  	_ =	shalt  }
0x76: {  	_ =	shalt  }
0x77: {  	_ =	shalt  }
0x78: {  	_ =	shalt  }
0x79: {  	_ =	shalt  }
0x7a: {  	_ =	shalt  }
0x7b: {  	_ =	shalt  }
0x7c: {  	_ =	shalt  }
0x7d: {  	_ =	shalt  }
0x7e: {  	_ =	shalt  }
0x7f: {  	_ =	shalt  }
0x80: {  	_ =	shalt  }
0x81: {  	_ =	shalt  }
0x82: {  	_ =	shalt  }
0x83: {  	_ =	shalt  }
0x84: {  	_ =	shalt  }
0x85: {  	_ =	shalt  }
0x86: {  	_ =	shalt  }
0x87: {  	_ =	shalt  }
.Lfunc_end0:
.L_simem_size_0:
called_computation_lowered:
.L_overlay_start_0:
0x88: {  	s2 =	sld [smem:$0x3FD9]  }
0x89: {  	s3 =	sld [smem:$0x3FFE];
	_ =	sdelay $0x1  }
0x8a: {  	s1 =	srdreg.scid  }
0x8b: {  	s0 =	sand.u32 $0x1, s1  }
0x8c: {  	s14 =	sshll.u32 s0, $0xA;
	s2 =	sadd.s32 s3, s2  }
0x8d: {  	s2 =	sadd.s32 s2, s14  }
0x8e: {  	[smem:$0x3FC2] =	sst s2  }
0x8f: {  	_ = 	snop  }
0x90: {  	s2 =	sld [smem:$0x3FD0];
	_ =	sdelay $0x2  }
0x91: {  	s4 =	simm.s32 $0xA;
	s5 =	simm.s32 $0x10;
	s15 =	sld [smem:$0x3FC5]  }
0x92: {  	[smem:s5], [sflag:s4] =	dma.local [hbm:s2], $0x1  }
0x93: {  	_ =	swait.eq [sflag:s4], $0x1  }
0x94: {  	[sflag:s4] =	ssyncset.done $0x0  }
0x95: {  	[sflag:s4] =	ssyncadd.s32 $0xFFFFFFFF  }
0x96: {  	s16 =	sld [smem:$0x11];
	(tm) =	ssettm $0x1  }
0x97: {  	s17 =	sld [smem:$0x3FFB];
	_ =	sdelay $0x3  }
0x98: {  	_ =	strace s17  }
0x99: {  	s4 =	sld [smem:$0x3FFC];
	_ =	sdelay $0x3  }
0x9a: {  	_ =	strace s4  }
0x9b: {  	s4 =	sld [smem:$0x3FFD];
	_ =	sdelay $0x3  }
0x9c: {  	_ =	strace s4  }
0x9d: {  	_ =	strace $0x8FFFFFFF  }
0x9e: {  	s18 =	sld [smem:$0x3FDB];
	_ =	sdelay $0x1  }
0x9f: {  	s19 =	simm.s32 $_scs_section_size  }
0xa0: {  	s6 =	simm.s32 $_size__tile_overlayer_lowered;
	s7 =	simm.s32 $_tile_overlayer_lowered  }
0xa1: {  	s22 =	simm.s32 $0x1BFF;
	s21 =	sshll.u32 s7, $0x1;
	s4 =	sadd.s32 s19, s18  }
0xa2: {  	s8 =	simm.s32 $0x0;
	s20 =	sshll.u32 s6, $0x1;
	s6 =	sadd.s32 s21, s4  }
0xa3: {  	[timem:s8], [sflag:s22] =	dma.local [hbm:s6], s20  }
0xa4: {  	_ =	swait.ge [sflag:s22], s20  }
0xa5: {  	s5 =	ssub.s32 $0x0, s20;
	[sflag:s22] =	ssyncset.done $0x0  }
0xa6: {  	[sflag:s22] =	ssyncadd.s32 s5;
	_ =	sdelay $0x1  }
0xa7: {  	s23 =	simm.s32 $0x1B8B  }
0xa8: {  	_ =	swait.ge [sflag:s23], $0x1  }
0xa9: {  	[sflag:s23] =	ssyncset.done $0x0  }
0xaa: {  	s25 =	simm.s32 $0x1B8E;
	s24 =	sld [smem:$0x3FFE];
	[sflag:s23] =	ssyncadd.s32 $0xFFFFFFFF  }
0xab: {  	s26 =	simm.s32 $execute0_lowered;
	[smem:$0x3FD2] =	sst s25  }
0xac: {  	s6 =	sshll.u32 s26, $0x1;
	_ =	strace $0x80000046;
	[dreg:$0x1] =	wrdreg $0xFFFFFFFF  }
0xad: {  	s28 =	simm.s32 $_size_execute0_lowered;
	s4 =	sadd.s32 s4, s6;
	[dreg:$0x0] =	wrdreg $0x0  }
0xae: {  	s6 =	sshll.u32 s28, $0x1;
	[dreg:$0x2] =	wrdreg s4  }
0xaf: {  	[dreg:$0x3] =	wrdreg s6  }
0xb0: {  	[dreg:$0x4] =	wrdreg $0xC0  }
0xb1: {  	_ =	task [dreg:s8], $0x5FFFF  }
0xb2: {  	[dreg:$0x1] =	wrdreg $0xFFFFFFFF  }
0xb3: {  	[dreg:$0x0] =	wrdreg $0x60  }
0xb4: {  	[dreg:$0x2] =	wrdreg s16  }
0xb5: {  	[dreg:$0x3] =	wrdreg s24  }
0xb6: {  	[dreg:$0x4] =	wrdreg s15  }
0xb7: {  	[dreg:$0x5] =	wrdreg $0x9  }
0xb8: {  	_ =	task.clear_ibuf [dreg:s8], $0x6FFFF;
	_ =	strace $0x90000046  }
0xb9: {  	s29 =	simm.s32 $0x9;
	_ =	strace $0x80000048  }
0xba: {  	_ =	swait.ge [sflag:s29], $0x1  }
0xbb: {  	[sflag:s29] =	ssyncadd.s32 $0xFFFFFFFF  }
0xbc: {  	_ =	strace $0x90000048  }
0xbd: {  	_ =	sfence  }
0xbe: {  	s30 =	sld [smem:$0x0];
	_ =	sdelay $0x2  }
0xbf: {  	s31 =	sshll.u32 s1, $0xD;
	s1 =	sshrl.u32 s1, $0x2  }
0xc0: {  	s3 =	sand.u32 $0x4000, s31;
	s1 =	sadd.s32 s1, s30  }
0xc1: {  	s0 =	sor.u32 s3, s0;
	s1 =	sshll.u32 s1, $0x11  }
0xc2: {  	s0 =	sor.u32 s1, s0  }
0xc3: {  	s0 =	sadd.s32 $0x8F2B, s0  }
0xc4: {  	[sflag:s0] =	ssyncadd.remote.s32 $0x1  }
0xc5: {  	_ =	sfence.sel $0xFFFF  }
0xc6: {  	[dreg:$0x0] =	wrdreg $0xFFFFFFFF;
	(pc) =	sbr.abs _section_cstart, $3  }
0xc7: {  	[dreg:$0x1] =	wrdreg $0xFFFFFFFF  }
0xc8: {  	_ =	task.clear_ibuf [dreg:s8], $0x2FFFF;
	_ =	strace $0x9FFFFFFF  }
0xc9: {  	(tm) =	ssettm $0x7FFFFFFF  }
tec
execute0_lowered:
.L_overlay_start_1:
0x0: {  	(tag) =	ssettag $0x1  }
0x1: {  	s1 =	rddreg [dreg:$0x0]  }
0x2: {  	s0 =	rddreg [dreg:$0x1]  }
0x3: {  	s2 =	srdreg.scid;
	s3 =	stileid.u32;
	s4 =	simm.s32 $0x0  }
0x4: {  	s11 =	simm.s32 $0x5;
	s12 =	simm.s32 $0x1400;
	s21 =	simm.s32 $0x1500  }
0x5: {  	s22 =	simm.s32 $0xB000;
	s23 =	simm.s32 $0x8000;
	s24 =	simm.s32 $0x1580  }
0x6: {  	s25 =	simm.s32 $0xC000;
	s26 =	simm.s32 $0x1;
	s28 =	simm.s32 $0x3C00  }
0x7: {  	s29 =	simm.s32 $0x2;
	s2 =	sand.u32 $0x1, s2;
	s3 =	sshll.u32 s3, $0x1  }
0x8: {  	s30 =	simm.s32 $0x3;
	s3 =	sor.u32 s2, s3;
	s2 =	ssub.s32 $0x2, s2  }
0x9: {  	s31 =	simm.s32 $0x4;
	s3 =	smul.u32 $0x280, s3;
	s6 =	sshrl.u32 s2, $0x1  }
0xa: {  	[smem:$0x7FF] =	sst s4;
	s5 =	sadd.s32 $0xA00, s0;
	s2 =	ssub.s32 s2, s6  }
0xb: {  	_ =	strace $0x80000047;
	s0 =	sadd.s32 s3, s0;
	s10 =	smax.u32 s2, $0x1  }
0xc: {  	s2 =	simm.s32 $0x80;
	s6 =	sadd.s32 $0xF800, s0;
	s7 =	sadd.s32 $0xA800, s0  }
0xd: {  	vm0 =	vcmask $0x3F3C;
	s8 =	sadd.s32 $0x14800, s0;
	s9 =	sadd.s32 $0x19800, s0;
	s0 =	simm.s32 $0x0  }
.LBB2_1:
0xe: {  	[tilespmem:s4], [sflag:$0x5] =	stream.linear.gather [hbm4b:s6+s4], $0x1400, $0x38;
	[tilespmem:$0xD040] =	vst v63  }
0xf: {  	_ =	swait.ge [sflag:s11], $0x1400  }
0x10: {  	[sflag:s11] =	ssyncset.done $0x0  }
0x11: {  	[sflag:s11] =	ssyncadd.s32 $0xFFFFEC00  }
0x12: {  	[tilespmem:s12], [sflag:$0x5] =	stream.linear.gather [hbm4b:s7+s4], $0x1400, $0x38;
	[tilespmem:$0xD040] =	vst v63  }
0x13: {  	_ =	swait.ge [sflag:s11], $0x1400  }
0x14: {  	[sflag:s11] =	ssyncset.done $0x0  }
0x15: {  	s3 =	simm.s32 $0x2800;
	[sflag:s11] =	ssyncadd.s32 $0xFFFFEC00  }
0x16: {  	[tilespmem:s3], [sflag:$0x5] =	stream.linear.gather [hbm4b:s8+s4], $0x1400, $0x38;
	[tilespmem:$0xD040] =	vst v63  }
0x17: {  	_ =	swait.ge [sflag:s11], $0x1400  }
0x18: {  	[sflag:s11] =	ssyncset.done $0x0  }
0x19: {  	[sflag:s11] =	ssyncadd.s32 $0xFFFFEC00  }
0x1a: {  	s13 =	simm.s32 $0xD000;
	s14 =	rddreg [dreg:$0x2]  }
0x1b: {  	[tilespmem:s13], [sflag:$0x5] =	stream.linear.gather [hbm4b:s14+s4], $0x40, $0x38;
	[tilespmem:$0xD040] =	vst v63  }
0x1c: {  	_ =	swait.ge [sflag:s11], $0x40  }
0x1d: {  	[sflag:s11] =	ssyncset.done $0x0  }
0x1e: {  	s15 =	simm.s32 $0x5000;
	[sflag:s11] =	ssyncadd.s32 $0xFFFFFFC0  }
0x1f: {  	[tilespmem:s15], [sflag:$0x1] =	stream.indirect.gather [hbm4b:s1+s2], $0x20, s4, s2, $0xb8;
	[tilespmem:$0xD040] =	vst v63  }
0x20: {  	s16 =	simm.s32 $0x9000  }
0x21: {  	[tilespmem:s16], [sflag:$0x1] =	stream.indirect.gather [hbm4b:s5+s2], $0x20, s12, s2, $0xb8;
	[tilespmem:$0xD040] =	vst v63  }
0x22: {  	s17 =	simm.s32 $0x6000  }
0x23: {  	[tilespmem:s17], [sflag:$0x2] =	stream.indirect.gather [hbm4b:s1+s2], $0x20, s2, s2, $0xb8;
	[tilespmem:$0xD040] =	vst v63  }
0x24: {  	s18 =	simm.s32 $0x1480;
	s19 =	simm.s32 $0xA000  }
0x25: {  	[tilespmem:s19], [sflag:$0x2] =	stream.indirect.gather [hbm4b:s5+s2], $0x20, s18, s2, $0xb8;
	[tilespmem:$0xD040] =	vst v63  }
0x26: {  	s20 =	simm.s32 $0x7000;
	s3 =	simm.s32 $0x100  }
0x27: {  	[tilespmem:s20], [sflag:$0x3] =	stream.indirect.gather [hbm4b:s1+s2], $0x20, s3, s2, $0xb8;
	[tilespmem:$0xD040] =	vst v63  }
0x28: {  	_ = 	snop  }
0x29: {  	[tilespmem:s22], [sflag:$0x3] =	stream.indirect.gather [hbm4b:s5+s2], $0x20, s21, s2, $0xb8;
	[tilespmem:$0xD040] =	vst v63  }
0x2a: {  	s13 =	simm.s32 $0x180  }
0x2b: {  	[tilespmem:s23], [sflag:$0x4] =	stream.indirect.gather [hbm4b:s1+s2], $0x20, s13, s2, $0xb8;
	[tilespmem:$0xD040] =	vst v63  }
0x2c: {  	s14 =	simm.s32 $0x80;
	s16 =	simm.s32 $0x0;
	s19 =	simm.s32 $0x0  }
0x2d: {  	[tilespmem:s25], [sflag:$0x4] =	stream.indirect.gather [hbm4b:s5+s2], $0x20, s24, s2, $0xb8;
	[tilespmem:$0xD040] =	vst v63  }
.LBB2_2:
0x2e: {  	_ =	swait.ge [sflag:s26], $0x1000  }
0x2f: {  	[sflag:s26] =	ssyncset.done $0x0  }
0x30: {  	[sflag:s26] =	ssyncadd.s32 $0xFFFFF000  }
0x31: {  	_ =	swait.ge [sflag:s26], $0x1000  }
0x32: {  	[sflag:s26] =	ssyncset.done $0x0  }
0x33: {  	[sflag:s26] =	ssyncadd.s32 $0xFFFFF000  }
0x34: {  	v0 =	vld [tilespmem:$0xD000]  }
0x35: {  	v1 =	vld [tilespmem:$0xD010]  }
0x36: {  	v2 =	vld [tilespmem:$0xD020]  }
0x37: {  	s17 =	sshll.u32 s16, $0x9;
	s18 =	simm.s32 $0x0;
	s15 =	smov.u32 s19;
	v3 =	vld [tilespmem:$0xD030]  }
.LBB2_3:
0x38: {  	s20 =	sshra.s32 s18, $0x2  }
0x39: {  	v4 =	vld [tilespmem:s20+$0x5000]  }
0x3a: {  	v5 =	vld [tilespmem:s20+$0x9000];
	_ =	sdelay $0x2  }
0x3b: {  	v6 =	vld [tilespmem:s20+$0x5010]  }
0x3c: {  	v9 =	vld [tilespmem:s20+$0x9010]  }
0x3d: {  	v7 =	vunpack.i.l.bf16.f32 v4;
	v8 =	vunpack.i.l.bf16.f32 v5  }
0x3e: {  	v7 =	vadd.f32 v8, v7  }
0x3f: {  	v4 =	vunpack.i.u.bf16.f32 v4;
	v5 =	vunpack.i.u.bf16.f32 v5  }
0x40: {  	v4 =	vadd.f32 v5, v4;
	v7 =	vmax.f32 v7, $0.0e+00  }
0x41: {  	v32 =	vunpack.i.l.bf16.f32 v9;
	v5 =	vunpack.i.l.bf16.f32 v6;
	v7 =	vmul.f32 v7, v0  }
0x42: {  	v33 =	vunpack.i.u.bf16.f32 v9;
	v5 =	vadd.f32 v32, v5;
	v4 =	vmax.f32 v4, $0.0e+00  }
0x43: {  	v6 =	vunpack.i.u.bf16.f32 v6;
	v4 =	vmul.f32 v4, v1;
	v7 =	vadd.f32 $0.0e+00, v7  }
0x44: {  	v6 =	vadd.f32 v33, v6;
	v5 =	vmax.f32 v5, $0.0e+00  }
0x45: {  	v5 =	vmul.f32 v5, v2;
	v4 =	vadd.f32 v7, v4  }
0x46: {  	v6 =	vmax.f32 v6, $0.0e+00  }
0x47: {  	v4 =	vadd.f32 v5, v4;
	v5 =	vmul.f32 v6, v3;
	_ =	sdelay $0x1  }
0x48: {  	v4 =	vadd.f32 v4, v5;
	_ =	sdelay $0x1  }
0x49: {  	(xrf2) =	vadd.scan.msk.f32 $0xffff, v4;
	_ =	sdelay $0x5  }
0x4a: {  	v4 =	vmov s15;
	_ =	sdelay $0x3  }
0x4b: {  	v5, _, _ =	vpop (xrf2)  }
0x4c: {  	[tilespmem:v4+s28+$0x0] =	vst.idx.msk vm0, v5  }
0x4d: {  	v5 =	vld [tilespmem:s20+$0x5020]  }
0x4e: {  	v34 =	vld [tilespmem:s20+$0x9020];
	_ =	sdelay $0x2  }
0x4f: {  	v35 =	vld [tilespmem:s20+$0x5030]  }
0x50: {  	v10 =	vld [tilespmem:s20+$0x9030]  }
0x51: {  	v36 =	vunpack.i.l.bf16.f32 v5;
	v37 =	vunpack.i.l.bf16.f32 v34  }
0x52: {  	v8 =	vadd.f32 v37, v36  }
0x53: {  	v5 =	vunpack.i.u.bf16.f32 v5;
	v6 =	vunpack.i.u.bf16.f32 v34  }
0x54: {  	v5 =	vadd.f32 v6, v5;
	v8 =	vmax.f32 v8, $0.0e+00  }
0x55: {  	v38 =	vunpack.i.l.bf16.f32 v35;
	v39 =	vunpack.i.l.bf16.f32 v10;
	v8 =	vmul.f32 v8, v0  }
0x56: {  	v7 =	vunpack.i.u.bf16.f32 v35;
	v6 =	vadd.f32 v39, v38;
	v5 =	vmax.f32 v5, $0.0e+00  }
0x57: {  	v40 =	vunpack.i.u.bf16.f32 v10;
	v5 =	vmul.f32 v5, v1;
	v8 =	vadd.f32 $0.0e+00, v8  }
0x58: {  	v7 =	vadd.f32 v40, v7;
	v6 =	vmax.f32 v6, $0.0e+00  }
0x59: {  	v6 =	vmul.f32 v6, v2;
	v5 =	vadd.f32 v8, v5  }
0x5a: {  	v7 =	vmax.f32 v7, $0.0e+00  }
0x5b: {  	v41 =	vmul.f32 v7, v3;
	v5 =	vadd.f32 v6, v5;
	_ =	sdelay $0x1  }
0x5c: {  	v5 =	vadd.f32 v5, v41;
	_ =	sdelay $0x1  }
0x5d: {  	(xrf2) =	vadd.scan.msk.f32 $0xffff, v5;
	_ =	sdelay $0x5  }
0x5e: {  	v5 =	vor.u32 $0x1, v4;
	_ =	sdelay $0x3  }
0x5f: {  	v42, _, _ =	vpop (xrf2)  }
0x60: {  	[tilespmem:v5+s28+$0x0] =	vst.idx.msk vm0, v42  }
0x61: {  	v5 =	vld [tilespmem:s20+$0x5040]  }
0x62: {  	v6 =	vld [tilespmem:s20+$0x9040];
	_ =	sdelay $0x2  }
0x63: {  	v43 =	vld [tilespmem:s20+$0x5050]  }
0x64: {  	v46 =	vld [tilespmem:s20+$0x9050]  }
0x65: {  	v44 =	vunpack.i.l.bf16.f32 v5;
	v45 =	vunpack.i.l.bf16.f32 v6  }
0x66: {  	v8 =	vadd.f32 v45, v44  }
0x67: {  	v5 =	vunpack.i.u.bf16.f32 v5;
	v6 =	vunpack.i.u.bf16.f32 v6  }
0x68: {  	v5 =	vadd.f32 v6, v5;
	v8 =	vmax.f32 v8, $0.0e+00  }
0x69: {  	v47 =	vunpack.i.l.bf16.f32 v43;
	v48 =	vunpack.i.l.bf16.f32 v46;
	v8 =	vmul.f32 v8, v0  }
0x6a: {  	v7 =	vunpack.i.u.bf16.f32 v43;
	v6 =	vadd.f32 v48, v47;
	v5 =	vmax.f32 v5, $0.0e+00  }
0x6b: {  	v49 =	vunpack.i.u.bf16.f32 v46;
	v5 =	vmul.f32 v5, v1;
	v8 =	vadd.f32 $0.0e+00, v8  }
0x6c: {  	v7 =	vadd.f32 v49, v7;
	v6 =	vmax.f32 v6, $0.0e+00  }
0x6d: {  	v6 =	vmul.f32 v6, v2;
	v5 =	vadd.f32 v8, v5  }
0x6e: {  	v7 =	vmax.f32 v7, $0.0e+00  }
0x6f: {  	v50 =	vmul.f32 v7, v3;
	v5 =	vadd.f32 v6, v5;
	_ =	sdelay $0x1  }
0x70: {  	v5 =	vadd.f32 v5, v50;
	_ =	sdelay $0x1  }
0x71: {  	(xrf2) =	vadd.scan.msk.f32 $0xffff, v5;
	_ =	sdelay $0x5  }
0x72: {  	v5 =	vor.u32 $0x2, v4;
	_ =	sdelay $0x3  }
0x73: {  	v51, _, _ =	vpop (xrf2)  }
0x74: {  	[tilespmem:v5+s28+$0x0] =	vst.idx.msk vm0, v51  }
0x75: {  	v5 =	vld [tilespmem:s20+$0x5060]  }
0x76: {  	v6 =	vld [tilespmem:s20+$0x9060];
	_ =	sdelay $0x2  }
0x77: {  	v52 =	vld [tilespmem:s20+$0x5070]  }
0x78: {  	v55 =	vld [tilespmem:s20+$0x9070]  }
0x79: {  	v53 =	vunpack.i.l.bf16.f32 v5;
	v54 =	vunpack.i.l.bf16.f32 v6  }
0x7a: {  	v8 =	vadd.f32 v54, v53  }
0x7b: {  	v5 =	vunpack.i.u.bf16.f32 v5;
	v6 =	vunpack.i.u.bf16.f32 v6  }
0x7c: {  	v5 =	vadd.f32 v6, v5;
	v8 =	vmax.f32 v8, $0.0e+00  }
0x7d: {  	v56 =	vunpack.i.l.bf16.f32 v52;
	v57 =	vunpack.i.l.bf16.f32 v55;
	v8 =	vmul.f32 v8, v0  }
0x7e: {  	v7 =	vunpack.i.u.bf16.f32 v52;
	v6 =	vadd.f32 v57, v56;
	v5 =	vmax.f32 v5, $0.0e+00  }
0x7f: {  	v58 =	vunpack.i.u.bf16.f32 v55;
	v5 =	vmul.f32 v5, v1;
	v8 =	vadd.f32 $0.0e+00, v8  }
0x80: {  	v7 =	vadd.f32 v58, v7;
	v6 =	vmax.f32 v6, $0.0e+00  }
0x81: {  	v6 =	vmul.f32 v6, v2;
	v5 =	vadd.f32 v8, v5  }
0x82: {  	v7 =	vmax.f32 v7, $0.0e+00  }
0x83: {  	v59 =	vmul.f32 v7, v3;
	v5 =	vadd.f32 v6, v5;
	_ =	sdelay $0x1  }
0x84: {  	v5 =	vadd.f32 v5, v59;
	_ =	sdelay $0x1  }
0x85: {  	(xrf2) =	vadd.scan.msk.f32 $0xffff, v5;
	_ =	sdelay $0x5  }
0x86: {  	v5 =	vor.u32 $0x3, v4;
	_ =	sdelay $0x3  }
0x87: {  	v60, _, _ =	vpop (xrf2)  }
0x88: {  	[tilespmem:v5+s28+$0x0] =	vst.idx.msk vm0, v60  }
0x89: {  	v5 =	vld [tilespmem:s20+$0x5080]  }
0x8a: {  	v6 =	vld [tilespmem:s20+$0x9080];
	_ =	sdelay $0x2  }
0x8b: {  	v61 =	vld [tilespmem:s20+$0x5090]  }
0x8c: {  	v12 =	vld [tilespmem:s20+$0x9090]  }
0x8d: {  	v62 =	vunpack.i.l.bf16.f32 v5;
	v63 =	vunpack.i.l.bf16.f32 v6  }
0x8e: {  	v8 =	vadd.f32 v63, v62  }
0x8f: {  	v5 =	vunpack.i.u.bf16.f32 v5;
	v6 =	vunpack.i.u.bf16.f32 v6  }
0x90: {  	v5 =	vadd.f32 v6, v5;
	v8 =	vmax.f32 v8, $0.0e+00  }
0x91: {  	v13 =	vunpack.i.l.bf16.f32 v61;
	v14 =	vunpack.i.l.bf16.f32 v12;
	v8 =	vmul.f32 v8, v0  }
0x92: {  	v7 =	vunpack.i.u.bf16.f32 v61;
	v6 =	vadd.f32 v14, v13;
	v5 =	vmax.f32 v5, $0.0e+00  }
0x93: {  	v15 =	vunpack.i.u.bf16.f32 v12;
	v5 =	vmul.f32 v5, v1;
	v8 =	vadd.f32 $0.0e+00, v8  }
0x94: {  	v7 =	vadd.f32 v15, v7;
	v6 =	vmax.f32 v6, $0.0e+00  }
0x95: {  	v6 =	vmul.f32 v6, v2;
	v5 =	vadd.f32 v8, v5  }
0x96: {  	v7 =	vmax.f32 v7, $0.0e+00  }
0x97: {  	v16 =	vmul.f32 v7, v3;
	v5 =	vadd.f32 v6, v5;
	_ =	sdelay $0x1  }
0x98: {  	v5 =	vadd.f32 v5, v16;
	_ =	sdelay $0x1  }
0x99: {  	(xrf2) =	vadd.scan.msk.f32 $0xffff, v5;
	_ =	sdelay $0x5  }
0x9a: {  	v5 =	vor.u32 $0x4, v4;
	_ =	sdelay $0x3  }
0x9b: {  	v17, _, _ =	vpop (xrf2)  }
0x9c: {  	[tilespmem:v5+s28+$0x0] =	vst.idx.msk vm0, v17  }
0x9d: {  	v5 =	vld [tilespmem:s20+$0x50A0]  }
0x9e: {  	v6 =	vld [tilespmem:s20+$0x90A0];
	_ =	sdelay $0x2  }
0x9f: {  	v18 =	vld [tilespmem:s20+$0x50B0]  }
0xa0: {  	v21 =	vld [tilespmem:s20+$0x90B0]  }
0xa1: {  	v19 =	vunpack.i.l.bf16.f32 v5;
	v20 =	vunpack.i.l.bf16.f32 v6  }
0xa2: {  	v8 =	vadd.f32 v20, v19  }
0xa3: {  	v5 =	vunpack.i.u.bf16.f32 v5;
	v6 =	vunpack.i.u.bf16.f32 v6  }
0xa4: {  	v5 =	vadd.f32 v6, v5;
	v8 =	vmax.f32 v8, $0.0e+00  }
0xa5: {  	v22 =	vunpack.i.l.bf16.f32 v18;
	v23 =	vunpack.i.l.bf16.f32 v21;
	v8 =	vmul.f32 v8, v0  }
0xa6: {  	v7 =	vunpack.i.u.bf16.f32 v18;
	v6 =	vadd.f32 v23, v22;
	v5 =	vmax.f32 v5, $0.0e+00  }
0xa7: {  	v24 =	vunpack.i.u.bf16.f32 v21;
	v5 =	vmul.f32 v5, v1;
	v8 =	vadd.f32 $0.0e+00, v8  }
0xa8: {  	v7 =	vadd.f32 v24, v7;
	v6 =	vmax.f32 v6, $0.0e+00  }
0xa9: {  	v6 =	vmul.f32 v6, v2;
	v5 =	vadd.f32 v8, v5  }
0xaa: {  	v7 =	vmax.f32 v7, $0.0e+00  }
0xab: {  	v25 =	vmul.f32 v7, v3;
	v5 =	vadd.f32 v6, v5;
	_ =	sdelay $0x1  }
0xac: {  	v5 =	vadd.f32 v5, v25;
	_ =	sdelay $0x1  }
0xad: {  	(xrf2) =	vadd.scan.msk.f32 $0xffff, v5;
	_ =	sdelay $0x5  }
0xae: {  	v5 =	vor.u32 $0x5, v4;
	_ =	sdelay $0x3  }
0xaf: {  	v26, _, _ =	vpop (xrf2)  }
0xb0: {  	[tilespmem:v5+s28+$0x0] =	vst.idx.msk vm0, v26  }
0xb1: {  	v5 =	vld [tilespmem:s20+$0x50C0]  }
0xb2: {  	v6 =	vld [tilespmem:s20+$0x90C0];
	_ =	sdelay $0x2  }
0xb3: {  	v27 =	vld [tilespmem:s20+$0x50D0]  }
0xb4: {  	v30 =	vld [tilespmem:s20+$0x90D0]  }
0xb5: {  	v28 =	vunpack.i.l.bf16.f32 v5;
	v29 =	vunpack.i.l.bf16.f32 v6  }
0xb6: {  	v8 =	vadd.f32 v29, v28  }
0xb7: {  	v5 =	vunpack.i.u.bf16.f32 v5;
	v6 =	vunpack.i.u.bf16.f32 v6  }
0xb8: {  	v5 =	vadd.f32 v6, v5;
	v8 =	vmax.f32 v8, $0.0e+00  }
0xb9: {  	v31 =	vunpack.i.l.bf16.f32 v27;
	v32 =	vunpack.i.l.bf16.f32 v30;
	v8 =	vmul.f32 v8, v0  }
0xba: {  	v7 =	vunpack.i.u.bf16.f32 v27;
	v6 =	vadd.f32 v32, v31;
	v5 =	vmax.f32 v5, $0.0e+00  }
0xbb: {  	v33 =	vunpack.i.u.bf16.f32 v30;
	v5 =	vmul.f32 v5, v1;
	v8 =	vadd.f32 $0.0e+00, v8  }
0xbc: {  	v7 =	vadd.f32 v33, v7;
	v6 =	vmax.f32 v6, $0.0e+00  }
0xbd: {  	v6 =	vmul.f32 v6, v2;
	v5 =	vadd.f32 v8, v5  }
0xbe: {  	v7 =	vmax.f32 v7, $0.0e+00  }
0xbf: {  	v34 =	vmul.f32 v7, v3;
	v5 =	vadd.f32 v6, v5;
	_ =	sdelay $0x1  }
0xc0: {  	v5 =	vadd.f32 v5, v34;
	_ =	sdelay $0x1  }
0xc1: {  	(xrf2) =	vadd.scan.msk.f32 $0xffff, v5;
	_ =	sdelay $0x5  }
0xc2: {  	v5 =	vor.u32 $0x6, v4;
	_ =	sdelay $0x3  }
0xc3: {  	v35, _, _ =	vpop (xrf2)  }
0xc4: {  	[tilespmem:v5+s28+$0x0] =	vst.idx.msk vm0, v35  }
0xc5: {  	v5 =	vld [tilespmem:s20+$0x50E0]  }
0xc6: {  	v6 =	vld [tilespmem:s20+$0x90E0];
	_ =	sdelay $0x2  }
0xc7: {  	v36 =	vld [tilespmem:s20+$0x50F0]  }
0xc8: {  	v39 =	vld [tilespmem:s20+$0x90F0]  }
0xc9: {  	v37 =	vunpack.i.l.bf16.f32 v5;
	v38 =	vunpack.i.l.bf16.f32 v6  }
0xca: {  	v8 =	vadd.f32 v38, v37  }
0xcb: {  	v5 =	vunpack.i.u.bf16.f32 v5;
	v6 =	vunpack.i.u.bf16.f32 v6  }
0xcc: {  	v5 =	vadd.f32 v6, v5;
	v8 =	vmax.f32 v8, $0.0e+00  }
0xcd: {  	v40 =	vunpack.i.l.bf16.f32 v36;
	v41 =	vunpack.i.l.bf16.f32 v39;
	v8 =	vmul.f32 v8, v0  }
0xce: {  	v7 =	vunpack.i.u.bf16.f32 v36;
	v6 =	vadd.f32 v41, v40;
	v5 =	vmax.f32 v5, $0.0e+00  }
0xcf: {  	v42 =	vunpack.i.u.bf16.f32 v39;
	v5 =	vmul.f32 v5, v1;
	v8 =	vadd.f32 $0.0e+00, v8  }
0xd0: {  	v7 =	vadd.f32 v42, v7;
	v6 =	vmax.f32 v6, $0.0e+00  }
0xd1: {  	v6 =	vmul.f32 v6, v2;
	v5 =	vadd.f32 v8, v5  }
0xd2: {  	v7 =	vmax.f32 v7, $0.0e+00  }
0xd3: {  	v43 =	vmul.f32 v7, v3;
	v5 =	vadd.f32 v6, v5;
	_ =	sdelay $0x1  }
0xd4: {  	v5 =	vadd.f32 v5, v43;
	_ =	sdelay $0x1  }
0xd5: {  	(xrf2) =	vadd.scan.msk.f32 $0xffff, v5;
	_ =	sdelay $0x5  }
0xd6: {  	v5 =	vor.u32 $0x7, v4;
	_ =	sdelay $0x3  }
0xd7: {  	v44, _, _ =	vpop (xrf2)  }
0xd8: {  	[tilespmem:v5+s28+$0x0] =	vst.idx.msk vm0, v44  }
0xd9: {  	v5 =	vld [tilespmem:s20+$0x5100]  }
0xda: {  	v6 =	vld [tilespmem:s20+$0x9100];
	_ =	sdelay $0x2  }
0xdb: {  	v45 =	vld [tilespmem:s20+$0x5110]  }
0xdc: {  	v48 =	vld [tilespmem:s20+$0x9110]  }
0xdd: {  	v46 =	vunpack.i.l.bf16.f32 v5;
	v47 =	vunpack.i.l.bf16.f32 v6  }
0xde: {  	v8 =	vadd.f32 v47, v46  }
0xdf: {  	v5 =	vunpack.i.u.bf16.f32 v5;
	v6 =	vunpack.i.u.bf16.f32 v6  }
0xe0: {  	v5 =	vadd.f32 v6, v5;
	v8 =	vmax.f32 v8, $0.0e+00  }
0xe1: {  	v49 =	vunpack.i.l.bf16.f32 v45;
	v50 =	vunpack.i.l.bf16.f32 v48;
	v8 =	vmul.f32 v8, v0  }
0xe2: {  	v7 =	vunpack.i.u.bf16.f32 v45;
	v6 =	vadd.f32 v50, v49;
	v5 =	vmax.f32 v5, $0.0e+00  }
0xe3: {  	v51 =	vunpack.i.u.bf16.f32 v48;
	v5 =	vmul.f32 v5, v1;
	v8 =	vadd.f32 $0.0e+00, v8  }
0xe4: {  	v7 =	vadd.f32 v51, v7;
	v6 =	vmax.f32 v6, $0.0e+00  }
0xe5: {  	v6 =	vmul.f32 v6, v2;
	v5 =	vadd.f32 v8, v5  }
0xe6: {  	v7 =	vmax.f32 v7, $0.0e+00  }
0xe7: {  	v52 =	vmul.f32 v7, v3;
	v5 =	vadd.f32 v6, v5;
	_ =	sdelay $0x1  }
0xe8: {  	v5 =	vadd.f32 v5, v52;
	_ =	sdelay $0x1  }
0xe9: {  	(xrf2) =	vadd.scan.msk.f32 $0xffff, v5;
	_ =	sdelay $0x5  }
0xea: {  	v5 =	vor.u32 $0x8, v4;
	_ =	sdelay $0x3  }
0xeb: {  	v53, _, _ =	vpop (xrf2)  }
0xec: {  	[tilespmem:v5+s28+$0x0] =	vst.idx.msk vm0, v53  }
0xed: {  	v5 =	vld [tilespmem:s20+$0x5120]  }
0xee: {  	v6 =	vld [tilespmem:s20+$0x9120];
	_ =	sdelay $0x2  }
0xef: {  	v54 =	vld [tilespmem:s20+$0x5130]  }
0xf0: {  	v57 =	vld [tilespmem:s20+$0x9130]  }
0xf1: {  	v55 =	vunpack.i.l.bf16.f32 v5;
	v56 =	vunpack.i.l.bf16.f32 v6  }
0xf2: {  	v8 =	vadd.f32 v56, v55  }
0xf3: {  	v5 =	vunpack.i.u.bf16.f32 v5;
	v6 =	vunpack.i.u.bf16.f32 v6  }
0xf4: {  	v5 =	vadd.f32 v6, v5;
	v8 =	vmax.f32 v8, $0.0e+00  }
0xf5: {  	v58 =	vunpack.i.l.bf16.f32 v54;
	v59 =	vunpack.i.l.bf16.f32 v57;
	v8 =	vmul.f32 v8, v0  }
0xf6: {  	v7 =	vunpack.i.u.bf16.f32 v54;
	v6 =	vadd.f32 v59, v58;
	v5 =	vmax.f32 v5, $0.0e+00  }
0xf7: {  	v60 =	vunpack.i.u.bf16.f32 v57;
	v5 =	vmul.f32 v5, v1;
	v8 =	vadd.f32 $0.0e+00, v8  }
0xf8: {  	v7 =	vadd.f32 v60, v7;
	v6 =	vmax.f32 v6, $0.0e+00  }
0xf9: {  	v6 =	vmul.f32 v6, v2;
	v5 =	vadd.f32 v8, v5  }
0xfa: {  	v7 =	vmax.f32 v7, $0.0e+00  }
0xfb: {  	v61 =	vmul.f32 v7, v3;
	v5 =	vadd.f32 v6, v5;
	_ =	sdelay $0x1  }
0xfc: {  	v5 =	vadd.f32 v5, v61;
	_ =	sdelay $0x1  }
0xfd: {  	(xrf2) =	vadd.scan.msk.f32 $0xffff, v5;
	_ =	sdelay $0x5  }
0xfe: {  	v5 =	vor.u32 $0x9, v4;
	_ =	sdelay $0x3  }
0xff: {  	v62, _, _ =	vpop (xrf2)  }
0x100: {  	[tilespmem:v5+s28+$0x0] =	vst.idx.msk vm0, v62  }
0x101: {  	v5 =	vld [tilespmem:s20+$0x5140]  }
0x102: {  	v6 =	vld [tilespmem:s20+$0x9140];
	_ =	sdelay $0x2  }
0x103: {  	v63 =	vld [tilespmem:s20+$0x5150]  }
0x104: {  	v14 =	vld [tilespmem:s20+$0x9150]  }
0x105: {  	v12 =	vunpack.i.l.bf16.f32 v5;
	v13 =	vunpack.i.l.bf16.f32 v6  }
0x106: {  	v8 =	vadd.f32 v13, v12  }
0x107: {  	v5 =	vunpack.i.u.bf16.f32 v5;
	v6 =	vunpack.i.u.bf16.f32 v6  }
0x108: {  	v5 =	vadd.f32 v6, v5;
	v8 =	vmax.f32 v8, $0.0e+00  }
0x109: {  	v15 =	vunpack.i.l.bf16.f32 v63;
	v16 =	vunpack.i.l.bf16.f32 v14;
	v8 =	vmul.f32 v8, v0  }
0x10a: {  	v7 =	vunpack.i.u.bf16.f32 v63;
	v6 =	vadd.f32 v16, v15;
	v5 =	vmax.f32 v5, $0.0e+00  }
0x10b: {  	v17 =	vunpack.i.u.bf16.f32 v14;
	v5 =	vmul.f32 v5, v1;
	v8 =	vadd.f32 $0.0e+00, v8  }
0x10c: {  	v7 =	vadd.f32 v17, v7;
	v6 =	vmax.f32 v6, $0.0e+00  }
0x10d: {  	v6 =	vmul.f32 v6, v2;
	v5 =	vadd.f32 v8, v5  }
0x10e: {  	v7 =	vmax.f32 v7, $0.0e+00  }
0x10f: {  	v18 =	vmul.f32 v7, v3;
	v5 =	vadd.f32 v6, v5;
	_ =	sdelay $0x1  }
0x110: {  	v5 =	vadd.f32 v5, v18;
	_ =	sdelay $0x1  }
0x111: {  	(xrf2) =	vadd.scan.msk.f32 $0xffff, v5;
	_ =	sdelay $0x5  }
0x112: {  	v5 =	vor.u32 $0xA, v4;
	_ =	sdelay $0x3  }
0x113: {  	v19, _, _ =	vpop (xrf2)  }
0x114: {  	[tilespmem:v5+s28+$0x0] =	vst.idx.msk vm0, v19  }
0x115: {  	v5 =	vld [tilespmem:s20+$0x5160]  }
0x116: {  	v6 =	vld [tilespmem:s20+$0x9160];
	_ =	sdelay $0x2  }
0x117: {  	v20 =	vld [tilespmem:s20+$0x5170]  }
0x118: {  	v23 =	vld [tilespmem:s20+$0x9170]  }
0x119: {  	v21 =	vunpack.i.l.bf16.f32 v5;
	v22 =	vunpack.i.l.bf16.f32 v6  }
0x11a: {  	v8 =	vadd.f32 v22, v21  }
0x11b: {  	v5 =	vunpack.i.u.bf16.f32 v5;
	v6 =	vunpack.i.u.bf16.f32 v6  }
0x11c: {  	v5 =	vadd.f32 v6, v5;
	v8 =	vmax.f32 v8, $0.0e+00  }
0x11d: {  	v24 =	vunpack.i.l.bf16.f32 v20;
	v25 =	vunpack.i.l.bf16.f32 v23;
	v8 =	vmul.f32 v8, v0  }
0x11e: {  	v7 =	vunpack.i.u.bf16.f32 v20;
	v6 =	vadd.f32 v25, v24;
	v5 =	vmax.f32 v5, $0.0e+00  }
0x11f: {  	v26 =	vunpack.i.u.bf16.f32 v23;
	v5 =	vmul.f32 v5, v1;
	v8 =	vadd.f32 $0.0e+00, v8  }
0x120: {  	v7 =	vadd.f32 v26, v7;
	v6 =	vmax.f32 v6, $0.0e+00  }
0x121: {  	v6 =	vmul.f32 v6, v2;
	v5 =	vadd.f32 v8, v5  }
0x122: {  	v7 =	vmax.f32 v7, $0.0e+00  }
0x123: {  	v27 =	vmul.f32 v7, v3;
	v5 =	vadd.f32 v6, v5;
	_ =	sdelay $0x1  }
0x124: {  	v5 =	vadd.f32 v5, v27;
	_ =	sdelay $0x1  }
0x125: {  	(xrf2) =	vadd.scan.msk.f32 $0xffff, v5;
	_ =	sdelay $0x5  }
0x126: {  	v5 =	vor.u32 $0xB, v4;
	_ =	sdelay $0x3  }
0x127: {  	v28, _, _ =	vpop (xrf2)  }
0x128: {  	[tilespmem:v5+s28+$0x0] =	vst.idx.msk vm0, v28  }
0x129: {  	v5 =	vld [tilespmem:s20+$0x5180]  }
0x12a: {  	v6 =	vld [tilespmem:s20+$0x9180];
	_ =	sdelay $0x2  }
0x12b: {  	v29 =	vld [tilespmem:s20+$0x5190]  }
0x12c: {  	v32 =	vld [tilespmem:s20+$0x9190]  }
0x12d: {  	v30 =	vunpack.i.l.bf16.f32 v5;
	v31 =	vunpack.i.l.bf16.f32 v6  }
0x12e: {  	v8 =	vadd.f32 v31, v30  }
0x12f: {  	v5 =	vunpack.i.u.bf16.f32 v5;
	v6 =	vunpack.i.u.bf16.f32 v6  }
0x130: {  	v5 =	vadd.f32 v6, v5;
	v8 =	vmax.f32 v8, $0.0e+00  }
0x131: {  	v33 =	vunpack.i.l.bf16.f32 v29;
	v34 =	vunpack.i.l.bf16.f32 v32;
	v8 =	vmul.f32 v8, v0  }
0x132: {  	v7 =	vunpack.i.u.bf16.f32 v29;
	v6 =	vadd.f32 v34, v33;
	v5 =	vmax.f32 v5, $0.0e+00  }
0x133: {  	v35 =	vunpack.i.u.bf16.f32 v32;
	v5 =	vmul.f32 v5, v1;
	v8 =	vadd.f32 $0.0e+00, v8  }
0x134: {  	v7 =	vadd.f32 v35, v7;
	v6 =	vmax.f32 v6, $0.0e+00  }
0x135: {  	v6 =	vmul.f32 v6, v2;
	v5 =	vadd.f32 v8, v5  }
0x136: {  	v7 =	vmax.f32 v7, $0.0e+00  }
0x137: {  	v36 =	vmul.f32 v7, v3;
	v5 =	vadd.f32 v6, v5;
	_ =	sdelay $0x1  }
0x138: {  	v5 =	vadd.f32 v5, v36;
	_ =	sdelay $0x1  }
0x139: {  	(xrf2) =	vadd.scan.msk.f32 $0xffff, v5;
	_ =	sdelay $0x5  }
0x13a: {  	v5 =	vor.u32 $0xC, v4;
	_ =	sdelay $0x3  }
0x13b: {  	v37, _, _ =	vpop (xrf2)  }
0x13c: {  	[tilespmem:v5+s28+$0x0] =	vst.idx.msk vm0, v37  }
0x13d: {  	v5 =	vld [tilespmem:s20+$0x51A0]  }
0x13e: {  	v6 =	vld [tilespmem:s20+$0x91A0];
	_ =	sdelay $0x2  }
0x13f: {  	v38 =	vld [tilespmem:s20+$0x51B0]  }
0x140: {  	v41 =	vld [tilespmem:s20+$0x91B0]  }
0x141: {  	v39 =	vunpack.i.l.bf16.f32 v5;
	v40 =	vunpack.i.l.bf16.f32 v6  }
0x142: {  	v8 =	vadd.f32 v40, v39  }
0x143: {  	v5 =	vunpack.i.u.bf16.f32 v5;
	v6 =	vunpack.i.u.bf16.f32 v6  }
0x144: {  	v5 =	vadd.f32 v6, v5;
	v8 =	vmax.f32 v8, $0.0e+00  }
0x145: {  	v42 =	vunpack.i.l.bf16.f32 v38;
	v43 =	vunpack.i.l.bf16.f32 v41;
	v8 =	vmul.f32 v8, v0  }
0x146: {  	v7 =	vunpack.i.u.bf16.f32 v38;
	v6 =	vadd.f32 v43, v42;
	v5 =	vmax.f32 v5, $0.0e+00  }
0x147: {  	v44 =	vunpack.i.u.bf16.f32 v41;
	v5 =	vmul.f32 v5, v1;
	v8 =	vadd.f32 $0.0e+00, v8  }
0x148: {  	v7 =	vadd.f32 v44, v7;
	v6 =	vmax.f32 v6, $0.0e+00  }
0x149: {  	v6 =	vmul.f32 v6, v2;
	v5 =	vadd.f32 v8, v5  }
0x14a: {  	v7 =	vmax.f32 v7, $0.0e+00  }
0x14b: {  	v45 =	vmul.f32 v7, v3;
	v5 =	vadd.f32 v6, v5;
	_ =	sdelay $0x1  }
0x14c: {  	v5 =	vadd.f32 v5, v45;
	_ =	sdelay $0x1  }
0x14d: {  	(xrf2) =	vadd.scan.msk.f32 $0xffff, v5;
	_ =	sdelay $0x5  }
0x14e: {  	v5 =	vor.u32 $0xD, v4;
	_ =	sdelay $0x3  }
0x14f: {  	v46, _, _ =	vpop (xrf2)  }
0x150: {  	[tilespmem:v5+s28+$0x0] =	vst.idx.msk vm0, v46  }
0x151: {  	v5 =	vld [tilespmem:s20+$0x51C0]  }
0x152: {  	v6 =	vld [tilespmem:s20+$0x91C0];
	_ =	sdelay $0x2  }
0x153: {  	v47 =	vld [tilespmem:s20+$0x51D0]  }
0x154: {  	v50 =	vld [tilespmem:s20+$0x91D0]  }
0x155: {  	v48 =	vunpack.i.l.bf16.f32 v5;
	v49 =	vunpack.i.l.bf16.f32 v6  }
0x156: {  	v8 =	vadd.f32 v49, v48  }
0x157: {  	v5 =	vunpack.i.u.bf16.f32 v5;
	v6 =	vunpack.i.u.bf16.f32 v6  }
0x158: {  	v5 =	vadd.f32 v6, v5;
	v8 =	vmax.f32 v8, $0.0e+00  }
0x159: {  	v51 =	vunpack.i.l.bf16.f32 v47;
	v52 =	vunpack.i.l.bf16.f32 v50;
	v8 =	vmul.f32 v8, v0  }
0x15a: {  	v7 =	vunpack.i.u.bf16.f32 v47;
	v6 =	vadd.f32 v52, v51;
	v5 =	vmax.f32 v5, $0.0e+00  }
0x15b: {  	v53 =	vunpack.i.u.bf16.f32 v50;
	v5 =	vmul.f32 v5, v1;
	v8 =	vadd.f32 $0.0e+00, v8  }
0x15c: {  	v7 =	vadd.f32 v53, v7;
	v6 =	vmax.f32 v6, $0.0e+00  }
0x15d: {  	v6 =	vmul.f32 v6, v2;
	v5 =	vadd.f32 v8, v5  }
0x15e: {  	v7 =	vmax.f32 v7, $0.0e+00  }
0x15f: {  	v54 =	vmul.f32 v7, v3;
	v5 =	vadd.f32 v6, v5;
	_ =	sdelay $0x1  }
0x160: {  	v5 =	vadd.f32 v5, v54;
	_ =	sdelay $0x1  }
0x161: {  	(xrf2) =	vadd.scan.msk.f32 $0xffff, v5;
	_ =	sdelay $0x5  }
0x162: {  	v5 =	vor.u32 $0xE, v4;
	_ =	sdelay $0x3  }
0x163: {  	v55, _, _ =	vpop (xrf2)  }
0x164: {  	[tilespmem:v5+s28+$0x0] =	vst.idx.msk vm0, v55  }
0x165: {  	v5 =	vld [tilespmem:s20+$0x51E0]  }
0x166: {  	v6 =	vld [tilespmem:s20+$0x91E0];
	_ =	sdelay $0x2  }
0x167: {  	v56 =	vld [tilespmem:s20+$0x51F0]  }
0x168: {  	v59 =	vld [tilespmem:s20+$0x91F0]  }
0x169: {  	v57 =	vunpack.i.l.bf16.f32 v5;
	v58 =	vunpack.i.l.bf16.f32 v6  }
0x16a: {  	v8 =	vadd.f32 v58, v57  }
0x16b: {  	v5 =	vunpack.i.u.bf16.f32 v5;
	v6 =	vunpack.i.u.bf16.f32 v6  }
0x16c: {  	v5 =	vadd.f32 v6, v5;
	v8 =	vmax.f32 v8, $0.0e+00  }
0x16d: {  	v60 =	vunpack.i.l.bf16.f32 v56;
	v61 =	vunpack.i.l.bf16.f32 v59;
	v8 =	vmul.f32 v8, v0  }
0x16e: {  	v7 =	vunpack.i.u.bf16.f32 v56;
	v6 =	vadd.f32 v61, v60;
	v5 =	vmax.f32 v5, $0.0e+00  }
0x16f: {  	v62 =	vunpack.i.u.bf16.f32 v59;
	v5 =	vmul.f32 v5, v1;
	v8 =	vadd.f32 $0.0e+00, v8  }
0x170: {  	v7 =	vadd.f32 v62, v7;
	v6 =	vmax.f32 v6, $0.0e+00  }
0x171: {  	v6 =	vmul.f32 v6, v2;
	v5 =	vadd.f32 v8, v5  }
0x172: {  	v7 =	vmax.f32 v7, $0.0e+00  }
0x173: {  	v63 =	vmul.f32 v7, v3;
	v5 =	vadd.f32 v6, v5;
	_ =	sdelay $0x1  }
0x174: {  	v5 =	vadd.f32 v5, v63;
	_ =	sdelay $0x1  }
0x175: {  	(xrf2) =	vadd.scan.msk.f32 $0xffff, v5;
	_ =	sdelay $0x5  }
0x176: {  	p0 =	sne.s32 s18, $0x3800;
	v4 =	vor.u32 $0xF, v4  }
.Ltmp0:
0x177: {  	_ = 	snop;
	(pc) =	sbr.rel @p0 .LBB2_3-.Ltmp0, $3  }
0x178: {  	_ =	sdelay $0x1  }
0x179: {  	v5, _, _ =	vpop (xrf2)  }
0x17a: {  	s18 =	sadd.s32 $0x800, s18;
	s15 =	sadd.s32 $0x10, s15;
	[tilespmem:v4+s28+$0x0] =	vst.idx.msk vm0, v5  }
0x17b: {  	p0 =	seq.s32 s16, $0x9  }
0x17c: {  	s15 =	sadd.s32 @!p0 $0x200, s17;
	s18 =	simm.s32 @!p0 $0x80;
	s20 =	simm.s32 @!p0 $0x5000  }
0x17d: {  	[tilespmem:s20], [sflag:$0x1] =	stream.indirect.gather @!p0 [hbm4b:s1+s18], $0x20, s15, s18, $0xb8;
	[tilespmem:$0xD040] =	vst v63  }
0x17e: {  	s15 =	sadd.s32 @!p0 $0x1600, s17;
	s20 =	simm.s32 @!p0 $0x9000  }
0x17f: {  	[tilespmem:s20], [sflag:$0x1] =	stream.indirect.gather @!p0 [hbm4b:s5+s18], $0x20, s15, s18, $0xb8;
	[tilespmem:$0xD040] =	vst v63  }
0x180: {  	_ =	swait.ge [sflag:s29], $0x1000  }
0x181: {  	[sflag:s29] =	ssyncset.done $0x0  }
0x182: {  	[sflag:s29] =	ssyncadd.s32 $0xFFFFF000  }
0x183: {  	_ =	swait.ge [sflag:s29], $0x1000  }
0x184: {  	[sflag:s29] =	ssyncset.done $0x0  }
0x185: {  	[sflag:s29] =	ssyncadd.s32 $0xFFFFF000  }
0x186: {  	v0 =	vld [tilespmem:$0xD000]  }
0x187: {  	v1 =	vld [tilespmem:$0xD010]  }
0x188: {  	v2 =	vld [tilespmem:$0xD020]  }
0x189: {  	s18 =	simm.s32 $0x0;
	s15 =	smov.u32 s14;
	v3 =	vld [tilespmem:$0xD030]  }
.LBB2_5:
0x18a: {  	s20 =	sshra.s32 s18, $0x2  }
0x18b: {  	v4 =	vld [tilespmem:s20+$0x6000]  }
0x18c: {  	v5 =	vld [tilespmem:s20+$0xA000];
	_ =	sdelay $0x2  }
0x18d: {  	v6 =	vld [tilespmem:s20+$0x6010]  }
0x18e: {  	v9 =	vld [tilespmem:s20+$0xA010]  }
0x18f: {  	v7 =	vunpack.i.l.bf16.f32 v4;
	v8 =	vunpack.i.l.bf16.f32 v5  }
0x190: {  	v7 =	vadd.f32 v8, v7  }
0x191: {  	v4 =	vunpack.i.u.bf16.f32 v4;
	v5 =	vunpack.i.u.bf16.f32 v5  }
0x192: {  	v4 =	vadd.f32 v5, v4;
	v7 =	vmax.f32 v7, $0.0e+00  }
0x193: {  	v32 =	vunpack.i.l.bf16.f32 v9;
	v5 =	vunpack.i.l.bf16.f32 v6;
	v7 =	vmul.f32 v7, v0  }
0x194: {  	v33 =	vunpack.i.u.bf16.f32 v9;
	v5 =	vadd.f32 v32, v5;
	v4 =	vmax.f32 v4, $0.0e+00  }
0x195: {  	v6 =	vunpack.i.u.bf16.f32 v6;
	v4 =	vmul.f32 v4, v1;
	v7 =	vadd.f32 $0.0e+00, v7  }
0x196: {  	v6 =	vadd.f32 v33, v6;
	v5 =	vmax.f32 v5, $0.0e+00  }
0x197: {  	v5 =	vmul.f32 v5, v2;
	v4 =	vadd.f32 v7, v4  }
0x198: {  	v6 =	vmax.f32 v6, $0.0e+00  }
0x199: {  	v4 =	vadd.f32 v5, v4;
	v5 =	vmul.f32 v6, v3;
	_ =	sdelay $0x1  }
0x19a: {  	v4 =	vadd.f32 v4, v5;
	_ =	sdelay $0x1  }
0x19b: {  	(xrf2) =	vadd.scan.msk.f32 $0xffff, v4;
	_ =	sdelay $0x5  }
0x19c: {  	v4 =	vmov s15;
	_ =	sdelay $0x3  }
0x19d: {  	v5, _, _ =	vpop (xrf2)  }
0x19e: {  	[tilespmem:v4+s28+$0x0] =	vst.idx.msk vm0, v5  }
0x19f: {  	v5 =	vld [tilespmem:s20+$0x6020]  }
0x1a0: {  	v34 =	vld [tilespmem:s20+$0xA020];
	_ =	sdelay $0x2  }
0x1a1: {  	v35 =	vld [tilespmem:s20+$0x6030]  }
0x1a2: {  	v10 =	vld [tilespmem:s20+$0xA030]  }
0x1a3: {  	v36 =	vunpack.i.l.bf16.f32 v5;
	v37 =	vunpack.i.l.bf16.f32 v34  }
0x1a4: {  	v8 =	vadd.f32 v37, v36  }
0x1a5: {  	v5 =	vunpack.i.u.bf16.f32 v5;
	v6 =	vunpack.i.u.bf16.f32 v34  }
0x1a6: {  	v5 =	vadd.f32 v6, v5;
	v8 =	vmax.f32 v8, $0.0e+00  }
0x1a7: {  	v38 =	vunpack.i.l.bf16.f32 v35;
	v39 =	vunpack.i.l.bf16.f32 v10;
	v8 =	vmul.f32 v8, v0  }
0x1a8: {  	v7 =	vunpack.i.u.bf16.f32 v35;
	v6 =	vadd.f32 v39, v38;
	v5 =	vmax.f32 v5, $0.0e+00  }
0x1a9: {  	v40 =	vunpack.i.u.bf16.f32 v10;
	v5 =	vmul.f32 v5, v1;
	v8 =	vadd.f32 $0.0e+00, v8  }
0x1aa: {  	v7 =	vadd.f32 v40, v7;
	v6 =	vmax.f32 v6, $0.0e+00  }
0x1ab: {  	v6 =	vmul.f32 v6, v2;
	v5 =	vadd.f32 v8, v5  }
0x1ac: {  	v7 =	vmax.f32 v7, $0.0e+00  }
0x1ad: {  	v41 =	vmul.f32 v7, v3;
	v5 =	vadd.f32 v6, v5;
	_ =	sdelay $0x1  }
0x1ae: {  	v5 =	vadd.f32 v5, v41;
	_ =	sdelay $0x1  }
0x1af: {  	(xrf2) =	vadd.scan.msk.f32 $0xffff, v5;
	_ =	sdelay $0x5  }
0x1b0: {  	v5 =	vor.u32 $0x1, v4;
	_ =	sdelay $0x3  }
0x1b1: {  	v42, _, _ =	vpop (xrf2)  }
0x1b2: {  	[tilespmem:v5+s28+$0x0] =	vst.idx.msk vm0, v42  }
0x1b3: {  	v5 =	vld [tilespmem:s20+$0x6040]  }
0x1b4: {  	v6 =	vld [tilespmem:s20+$0xA040];
	_ =	sdelay $0x2  }
0x1b5: {  	v43 =	vld [tilespmem:s20+$0x6050]  }
0x1b6: {  	v46 =	vld [tilespmem:s20+$0xA050]  }
0x1b7: {  	v44 =	vunpack.i.l.bf16.f32 v5;
	v45 =	vunpack.i.l.bf16.f32 v6  }
0x1b8: {  	v8 =	vadd.f32 v45, v44  }
0x1b9: {  	v5 =	vunpack.i.u.bf16.f32 v5;
	v6 =	vunpack.i.u.bf16.f32 v6  }
0x1ba: {  	v5 =	vadd.f32 v6, v5;
	v8 =	vmax.f32 v8, $0.0e+00  }
0x1bb: {  	v47 =	vunpack.i.l.bf16.f32 v43;
	v48 =	vunpack.i.l.bf16.f32 v46;
	v8 =	vmul.f32 v8, v0  }
0x1bc: {  	v7 =	vunpack.i.u.bf16.f32 v43;
	v6 =	vadd.f32 v48, v47;
	v5 =	vmax.f32 v5, $0.0e+00  }
0x1bd: {  	v49 =	vunpack.i.u.bf16.f32 v46;
	v5 =	vmul.f32 v5, v1;
	v8 =	vadd.f32 $0.0e+00, v8  }
0x1be: {  	v7 =	vadd.f32 v49, v7;
	v6 =	vmax.f32 v6, $0.0e+00  }
0x1bf: {  	v6 =	vmul.f32 v6, v2;
	v5 =	vadd.f32 v8, v5  }
0x1c0: {  	v7 =	vmax.f32 v7, $0.0e+00  }
0x1c1: {  	v50 =	vmul.f32 v7, v3;
	v5 =	vadd.f32 v6, v5;
	_ =	sdelay $0x1  }
0x1c2: {  	v5 =	vadd.f32 v5, v50;
	_ =	sdelay $0x1  }
0x1c3: {  	(xrf2) =	vadd.scan.msk.f32 $0xffff, v5;
	_ =	sdelay $0x5  }
0x1c4: {  	v5 =	vor.u32 $0x2, v4;
	_ =	sdelay $0x3  }
0x1c5: {  	v51, _, _ =	vpop (xrf2)  }
0x1c6: {  	[tilespmem:v5+s28+$0x0] =	vst.idx.msk vm0, v51  }
0x1c7: {  	v5 =	vld [tilespmem:s20+$0x6060]  }
0x1c8: {  	v6 =	vld [tilespmem:s20+$0xA060];
	_ =	sdelay $0x2  }
0x1c9: {  	v52 =	vld [tilespmem:s20+$0x6070]  }
0x1ca: {  	v55 =	vld [tilespmem:s20+$0xA070]  }
0x1cb: {  	v53 =	vunpack.i.l.bf16.f32 v5;
	v54 =	vunpack.i.l.bf16.f32 v6  }
0x1cc: {  	v8 =	vadd.f32 v54, v53  }
0x1cd: {  	v5 =	vunpack.i.u.bf16.f32 v5;
	v6 =	vunpack.i.u.bf16.f32 v6  }
0x1ce: {  	v5 =	vadd.f32 v6, v5;
	v8 =	vmax.f32 v8, $0.0e+00  }
0x1cf: {  	v56 =	vunpack.i.l.bf16.f32 v52;
	v57 =	vunpack.i.l.bf16.f32 v55;
	v8 =	vmul.f32 v8, v0  }
0x1d0: {  	v7 =	vunpack.i.u.bf16.f32 v52;
	v6 =	vadd.f32 v57, v56;
	v5 =	vmax.f32 v5, $0.0e+00  }
0x1d1: {  	v58 =	vunpack.i.u.bf16.f32 v55;
	v5 =	vmul.f32 v5, v1;
	v8 =	vadd.f32 $0.0e+00, v8  }
0x1d2: {  	v7 =	vadd.f32 v58, v7;
	v6 =	vmax.f32 v6, $0.0e+00  }
0x1d3: {  	v6 =	vmul.f32 v6, v2;
	v5 =	vadd.f32 v8, v5  }
0x1d4: {  	v7 =	vmax.f32 v7, $0.0e+00  }
0x1d5: {  	v59 =	vmul.f32 v7, v3;
	v5 =	vadd.f32 v6, v5;
	_ =	sdelay $0x1  }
0x1d6: {  	v5 =	vadd.f32 v5, v59;
	_ =	sdelay $0x1  }
0x1d7: {  	(xrf2) =	vadd.scan.msk.f32 $0xffff, v5;
	_ =	sdelay $0x5  }
0x1d8: {  	v5 =	vor.u32 $0x3, v4;
	_ =	sdelay $0x3  }
0x1d9: {  	v60, _, _ =	vpop (xrf2)  }
0x1da: {  	[tilespmem:v5+s28+$0x0] =	vst.idx.msk vm0, v60  }
0x1db: {  	v5 =	vld [tilespmem:s20+$0x6080]  }
0x1dc: {  	v6 =	vld [tilespmem:s20+$0xA080];
	_ =	sdelay $0x2  }
0x1dd: {  	v61 =	vld [tilespmem:s20+$0x6090]  }
0x1de: {  	v12 =	vld [tilespmem:s20+$0xA090]  }
0x1df: {  	v62 =	vunpack.i.l.bf16.f32 v5;
	v63 =	vunpack.i.l.bf16.f32 v6  }
0x1e0: {  	v8 =	vadd.f32 v63, v62  }
0x1e1: {  	v5 =	vunpack.i.u.bf16.f32 v5;
	v6 =	vunpack.i.u.bf16.f32 v6  }
0x1e2: {  	v5 =	vadd.f32 v6, v5;
	v8 =	vmax.f32 v8, $0.0e+00  }
0x1e3: {  	v13 =	vunpack.i.l.bf16.f32 v61;
	v14 =	vunpack.i.l.bf16.f32 v12;
	v8 =	vmul.f32 v8, v0  }
0x1e4: {  	v7 =	vunpack.i.u.bf16.f32 v61;
	v6 =	vadd.f32 v14, v13;
	v5 =	vmax.f32 v5, $0.0e+00  }
0x1e5: {  	v15 =	vunpack.i.u.bf16.f32 v12;
	v5 =	vmul.f32 v5, v1;
	v8 =	vadd.f32 $0.0e+00, v8  }
0x1e6: {  	v7 =	vadd.f32 v15, v7;
	v6 =	vmax.f32 v6, $0.0e+00  }
0x1e7: {  	v6 =	vmul.f32 v6, v2;
	v5 =	vadd.f32 v8, v5  }
0x1e8: {  	v7 =	vmax.f32 v7, $0.0e+00  }
0x1e9: {  	v16 =	vmul.f32 v7, v3;
	v5 =	vadd.f32 v6, v5;
	_ =	sdelay $0x1  }
0x1ea: {  	v5 =	vadd.f32 v5, v16;
	_ =	sdelay $0x1  }
0x1eb: {  	(xrf2) =	vadd.scan.msk.f32 $0xffff, v5;
	_ =	sdelay $0x5  }
0x1ec: {  	v5 =	vor.u32 $0x4, v4;
	_ =	sdelay $0x3  }
0x1ed: {  	v17, _, _ =	vpop (xrf2)  }
0x1ee: {  	[tilespmem:v5+s28+$0x0] =	vst.idx.msk vm0, v17  }
0x1ef: {  	v5 =	vld [tilespmem:s20+$0x60A0]  }
0x1f0: {  	v6 =	vld [tilespmem:s20+$0xA0A0];
	_ =	sdelay $0x2  }
0x1f1: {  	v18 =	vld [tilespmem:s20+$0x60B0]  }
0x1f2: {  	v21 =	vld [tilespmem:s20+$0xA0B0]  }
0x1f3: {  	v19 =	vunpack.i.l.bf16.f32 v5;
	v20 =	vunpack.i.l.bf16.f32 v6  }
0x1f4: {  	v8 =	vadd.f32 v20, v19  }
0x1f5: {  	v5 =	vunpack.i.u.bf16.f32 v5;
	v6 =	vunpack.i.u.bf16.f32 v6  }
0x1f6: {  	v5 =	vadd.f32 v6, v5;
	v8 =	vmax.f32 v8, $0.0e+00  }
0x1f7: {  	v22 =	vunpack.i.l.bf16.f32 v18;
	v23 =	vunpack.i.l.bf16.f32 v21;
	v8 =	vmul.f32 v8, v0  }
0x1f8: {  	v7 =	vunpack.i.u.bf16.f32 v18;
	v6 =	vadd.f32 v23, v22;
	v5 =	vmax.f32 v5, $0.0e+00  }
0x1f9: {  	v24 =	vunpack.i.u.bf16.f32 v21;
	v5 =	vmul.f32 v5, v1;
	v8 =	vadd.f32 $0.0e+00, v8  }
0x1fa: {  	v7 =	vadd.f32 v24, v7;
	v6 =	vmax.f32 v6, $0.0e+00  }
0x1fb: {  	v6 =	vmul.f32 v6, v2;
	v5 =	vadd.f32 v8, v5  }
0x1fc: {  	v7 =	vmax.f32 v7, $0.0e+00  }
0x1fd: {  	v25 =	vmul.f32 v7, v3;
	v5 =	vadd.f32 v6, v5;
	_ =	sdelay $0x1  }
0x1fe: {  	v5 =	vadd.f32 v5, v25;
	_ =	sdelay $0x1  }
0x1ff: {  	(xrf2) =	vadd.scan.msk.f32 $0xffff, v5;
	_ =	sdelay $0x5  }
0x200: {  	v5 =	vor.u32 $0x5, v4;
	_ =	sdelay $0x3  }
0x201: {  	v26, _, _ =	vpop (xrf2)  }
0x202: {  	[tilespmem:v5+s28+$0x0] =	vst.idx.msk vm0, v26  }
0x203: {  	v5 =	vld [tilespmem:s20+$0x60C0]  }
0x204: {  	v6 =	vld [tilespmem:s20+$0xA0C0];
	_ =	sdelay $0x2  }
0x205: {  	v27 =	vld [tilespmem:s20+$0x60D0]  }
0x206: {  	v30 =	vld [tilespmem:s20+$0xA0D0]  }
0x207: {  	v28 =	vunpack.i.l.bf16.f32 v5;
	v29 =	vunpack.i.l.bf16.f32 v6  }
0x208: {  	v8 =	vadd.f32 v29, v28  }
0x209: {  	v5 =	vunpack.i.u.bf16.f32 v5;
	v6 =	vunpack.i.u.bf16.f32 v6  }
0x20a: {  	v5 =	vadd.f32 v6, v5;
	v8 =	vmax.f32 v8, $0.0e+00  }
0x20b: {  	v31 =	vunpack.i.l.bf16.f32 v27;
	v32 =	vunpack.i.l.bf16.f32 v30;
	v8 =	vmul.f32 v8, v0  }
0x20c: {  	v7 =	vunpack.i.u.bf16.f32 v27;
	v6 =	vadd.f32 v32, v31;
	v5 =	vmax.f32 v5, $0.0e+00  }
0x20d: {  	v33 =	vunpack.i.u.bf16.f32 v30;
	v5 =	vmul.f32 v5, v1;
	v8 =	vadd.f32 $0.0e+00, v8  }
0x20e: {  	v7 =	vadd.f32 v33, v7;
	v6 =	vmax.f32 v6, $0.0e+00  }
0x20f: {  	v6 =	vmul.f32 v6, v2;
	v5 =	vadd.f32 v8, v5  }
0x210: {  	v7 =	vmax.f32 v7, $0.0e+00  }
0x211: {  	v34 =	vmul.f32 v7, v3;
	v5 =	vadd.f32 v6, v5;
	_ =	sdelay $0x1  }
0x212: {  	v5 =	vadd.f32 v5, v34;
	_ =	sdelay $0x1  }
0x213: {  	(xrf2) =	vadd.scan.msk.f32 $0xffff, v5;
	_ =	sdelay $0x5  }
0x214: {  	v5 =	vor.u32 $0x6, v4;
	_ =	sdelay $0x3  }
0x215: {  	v35, _, _ =	vpop (xrf2)  }
0x216: {  	[tilespmem:v5+s28+$0x0] =	vst.idx.msk vm0, v35  }
0x217: {  	v5 =	vld [tilespmem:s20+$0x60E0]  }
0x218: {  	v6 =	vld [tilespmem:s20+$0xA0E0];
	_ =	sdelay $0x2  }
0x219: {  	v36 =	vld [tilespmem:s20+$0x60F0]  }
0x21a: {  	v39 =	vld [tilespmem:s20+$0xA0F0]  }
0x21b: {  	v37 =	vunpack.i.l.bf16.f32 v5;
	v38 =	vunpack.i.l.bf16.f32 v6  }
0x21c: {  	v8 =	vadd.f32 v38, v37  }
0x21d: {  	v5 =	vunpack.i.u.bf16.f32 v5;
	v6 =	vunpack.i.u.bf16.f32 v6  }
0x21e: {  	v5 =	vadd.f32 v6, v5;
	v8 =	vmax.f32 v8, $0.0e+00  }
0x21f: {  	v40 =	vunpack.i.l.bf16.f32 v36;
	v41 =	vunpack.i.l.bf16.f32 v39;
	v8 =	vmul.f32 v8, v0  }
0x220: {  	v7 =	vunpack.i.u.bf16.f32 v36;
	v6 =	vadd.f32 v41, v40;
	v5 =	vmax.f32 v5, $0.0e+00  }
0x221: {  	v42 =	vunpack.i.u.bf16.f32 v39;
	v5 =	vmul.f32 v5, v1;
	v8 =	vadd.f32 $0.0e+00, v8  }
0x222: {  	v7 =	vadd.f32 v42, v7;
	v6 =	vmax.f32 v6, $0.0e+00  }
0x223: {  	v6 =	vmul.f32 v6, v2;
	v5 =	vadd.f32 v8, v5  }
0x224: {  	v7 =	vmax.f32 v7, $0.0e+00  }
0x225: {  	v43 =	vmul.f32 v7, v3;
	v5 =	vadd.f32 v6, v5;
	_ =	sdelay $0x1  }
0x226: {  	v5 =	vadd.f32 v5, v43;
	_ =	sdelay $0x1  }
0x227: {  	(xrf2) =	vadd.scan.msk.f32 $0xffff, v5;
	_ =	sdelay $0x5  }
0x228: {  	v5 =	vor.u32 $0x7, v4;
	_ =	sdelay $0x3  }
0x229: {  	v44, _, _ =	vpop (xrf2)  }
0x22a: {  	[tilespmem:v5+s28+$0x0] =	vst.idx.msk vm0, v44  }
0x22b: {  	v5 =	vld [tilespmem:s20+$0x6100]  }
0x22c: {  	v6 =	vld [tilespmem:s20+$0xA100];
	_ =	sdelay $0x2  }
0x22d: {  	v45 =	vld [tilespmem:s20+$0x6110]  }
0x22e: {  	v48 =	vld [tilespmem:s20+$0xA110]  }
0x22f: {  	v46 =	vunpack.i.l.bf16.f32 v5;
	v47 =	vunpack.i.l.bf16.f32 v6  }
0x230: {  	v8 =	vadd.f32 v47, v46  }
0x231: {  	v5 =	vunpack.i.u.bf16.f32 v5;
	v6 =	vunpack.i.u.bf16.f32 v6  }
0x232: {  	v5 =	vadd.f32 v6, v5;
	v8 =	vmax.f32 v8, $0.0e+00  }
0x233: {  	v49 =	vunpack.i.l.bf16.f32 v45;
	v50 =	vunpack.i.l.bf16.f32 v48;
	v8 =	vmul.f32 v8, v0  }
0x234: {  	v7 =	vunpack.i.u.bf16.f32 v45;
	v6 =	vadd.f32 v50, v49;
	v5 =	vmax.f32 v5, $0.0e+00  }
0x235: {  	v51 =	vunpack.i.u.bf16.f32 v48;
	v5 =	vmul.f32 v5, v1;
	v8 =	vadd.f32 $0.0e+00, v8  }
0x236: {  	v7 =	vadd.f32 v51, v7;
	v6 =	vmax.f32 v6, $0.0e+00  }
0x237: {  	v6 =	vmul.f32 v6, v2;
	v5 =	vadd.f32 v8, v5  }
0x238: {  	v7 =	vmax.f32 v7, $0.0e+00  }
0x239: {  	v52 =	vmul.f32 v7, v3;
	v5 =	vadd.f32 v6, v5;
	_ =	sdelay $0x1  }
0x23a: {  	v5 =	vadd.f32 v5, v52;
	_ =	sdelay $0x1  }
0x23b: {  	(xrf2) =	vadd.scan.msk.f32 $0xffff, v5;
	_ =	sdelay $0x5  }
0x23c: {  	v5 =	vor.u32 $0x8, v4;
	_ =	sdelay $0x3  }
0x23d: {  	v53, _, _ =	vpop (xrf2)  }
0x23e: {  	[tilespmem:v5+s28+$0x0] =	vst.idx.msk vm0, v53  }
0x23f: {  	v5 =	vld [tilespmem:s20+$0x6120]  }
0x240: {  	v6 =	vld [tilespmem:s20+$0xA120];
	_ =	sdelay $0x2  }
0x241: {  	v54 =	vld [tilespmem:s20+$0x6130]  }
0x242: {  	v57 =	vld [tilespmem:s20+$0xA130]  }
0x243: {  	v55 =	vunpack.i.l.bf16.f32 v5;
	v56 =	vunpack.i.l.bf16.f32 v6  }
0x244: {  	v8 =	vadd.f32 v56, v55  }
0x245: {  	v5 =	vunpack.i.u.bf16.f32 v5;
	v6 =	vunpack.i.u.bf16.f32 v6  }
0x246: {  	v5 =	vadd.f32 v6, v5;
	v8 =	vmax.f32 v8, $0.0e+00  }
0x247: {  	v58 =	vunpack.i.l.bf16.f32 v54;
	v59 =	vunpack.i.l.bf16.f32 v57;
	v8 =	vmul.f32 v8, v0  }
0x248: {  	v7 =	vunpack.i.u.bf16.f32 v54;
	v6 =	vadd.f32 v59, v58;
	v5 =	vmax.f32 v5, $0.0e+00  }
0x249: {  	v60 =	vunpack.i.u.bf16.f32 v57;
	v5 =	vmul.f32 v5, v1;
	v8 =	vadd.f32 $0.0e+00, v8  }
0x24a: {  	v7 =	vadd.f32 v60, v7;
	v6 =	vmax.f32 v6, $0.0e+00  }
0x24b: {  	v6 =	vmul.f32 v6, v2;
	v5 =	vadd.f32 v8, v5  }
0x24c: {  	v7 =	vmax.f32 v7, $0.0e+00  }
0x24d: {  	v61 =	vmul.f32 v7, v3;
	v5 =	vadd.f32 v6, v5;
	_ =	sdelay $0x1  }
0x24e: {  	v5 =	vadd.f32 v5, v61;
	_ =	sdelay $0x1  }
0x24f: {  	(xrf2) =	vadd.scan.msk.f32 $0xffff, v5;
	_ =	sdelay $0x5  }
0x250: {  	v5 =	vor.u32 $0x9, v4;
	_ =	sdelay $0x3  }
0x251: {  	v62, _, _ =	vpop (xrf2)  }
0x252: {  	[tilespmem:v5+s28+$0x0] =	vst.idx.msk vm0, v62  }
0x253: {  	v5 =	vld [tilespmem:s20+$0x6140]  }
0x254: {  	v6 =	vld [tilespmem:s20+$0xA140];
	_ =	sdelay $0x2  }
0x255: {  	v63 =	vld [tilespmem:s20+$0x6150]  }
0x256: {  	v14 =	vld [tilespmem:s20+$0xA150]  }
0x257: {  	v12 =	vunpack.i.l.bf16.f32 v5;
	v13 =	vunpack.i.l.bf16.f32 v6  }
0x258: {  	v8 =	vadd.f32 v13, v12  }
0x259: {  	v5 =	vunpack.i.u.bf16.f32 v5;
	v6 =	vunpack.i.u.bf16.f32 v6  }
0x25a: {  	v5 =	vadd.f32 v6, v5;
	v8 =	vmax.f32 v8, $0.0e+00  }
0x25b: {  	v15 =	vunpack.i.l.bf16.f32 v63;
	v16 =	vunpack.i.l.bf16.f32 v14;
	v8 =	vmul.f32 v8, v0  }
0x25c: {  	v7 =	vunpack.i.u.bf16.f32 v63;
	v6 =	vadd.f32 v16, v15;
	v5 =	vmax.f32 v5, $0.0e+00  }
0x25d: {  	v17 =	vunpack.i.u.bf16.f32 v14;
	v5 =	vmul.f32 v5, v1;
	v8 =	vadd.f32 $0.0e+00, v8  }
0x25e: {  	v7 =	vadd.f32 v17, v7;
	v6 =	vmax.f32 v6, $0.0e+00  }
0x25f: {  	v6 =	vmul.f32 v6, v2;
	v5 =	vadd.f32 v8, v5  }
0x260: {  	v7 =	vmax.f32 v7, $0.0e+00  }
0x261: {  	v18 =	vmul.f32 v7, v3;
	v5 =	vadd.f32 v6, v5;
	_ =	sdelay $0x1  }
0x262: {  	v5 =	vadd.f32 v5, v18;
	_ =	sdelay $0x1  }
0x263: {  	(xrf2) =	vadd.scan.msk.f32 $0xffff, v5;
	_ =	sdelay $0x5  }
0x264: {  	v5 =	vor.u32 $0xA, v4;
	_ =	sdelay $0x3  }
0x265: {  	v19, _, _ =	vpop (xrf2)  }
0x266: {  	[tilespmem:v5+s28+$0x0] =	vst.idx.msk vm0, v19  }
0x267: {  	v5 =	vld [tilespmem:s20+$0x6160]  }
0x268: {  	v6 =	vld [tilespmem:s20+$0xA160];
	_ =	sdelay $0x2  }
0x269: {  	v20 =	vld [tilespmem:s20+$0x6170]  }
0x26a: {  	v23 =	vld [tilespmem:s20+$0xA170]  }
0x26b: {  	v21 =	vunpack.i.l.bf16.f32 v5;
	v22 =	vunpack.i.l.bf16.f32 v6  }
0x26c: {  	v8 =	vadd.f32 v22, v21  }
0x26d: {  	v5 =	vunpack.i.u.bf16.f32 v5;
	v6 =	vunpack.i.u.bf16.f32 v6  }
0x26e: {  	v5 =	vadd.f32 v6, v5;
	v8 =	vmax.f32 v8, $0.0e+00  }
0x26f: {  	v24 =	vunpack.i.l.bf16.f32 v20;
	v25 =	vunpack.i.l.bf16.f32 v23;
	v8 =	vmul.f32 v8, v0  }
0x270: {  	v7 =	vunpack.i.u.bf16.f32 v20;
	v6 =	vadd.f32 v25, v24;
	v5 =	vmax.f32 v5, $0.0e+00  }
0x271: {  	v26 =	vunpack.i.u.bf16.f32 v23;
	v5 =	vmul.f32 v5, v1;
	v8 =	vadd.f32 $0.0e+00, v8  }
0x272: {  	v7 =	vadd.f32 v26, v7;
	v6 =	vmax.f32 v6, $0.0e+00  }
0x273: {  	v6 =	vmul.f32 v6, v2;
	v5 =	vadd.f32 v8, v5  }
0x274: {  	v7 =	vmax.f32 v7, $0.0e+00  }
0x275: {  	v27 =	vmul.f32 v7, v3;
	v5 =	vadd.f32 v6, v5;
	_ =	sdelay $0x1  }
0x276: {  	v5 =	vadd.f32 v5, v27;
	_ =	sdelay $0x1  }
0x277: {  	(xrf2) =	vadd.scan.msk.f32 $0xffff, v5;
	_ =	sdelay $0x5  }
0x278: {  	v5 =	vor.u32 $0xB, v4;
	_ =	sdelay $0x3  }
0x279: {  	v28, _, _ =	vpop (xrf2)  }
0x27a: {  	[tilespmem:v5+s28+$0x0] =	vst.idx.msk vm0, v28  }
0x27b: {  	v5 =	vld [tilespmem:s20+$0x6180]  }
0x27c: {  	v6 =	vld [tilespmem:s20+$0xA180];
	_ =	sdelay $0x2  }
0x27d: {  	v29 =	vld [tilespmem:s20+$0x6190]  }
0x27e: {  	v32 =	vld [tilespmem:s20+$0xA190]  }
0x27f: {  	v30 =	vunpack.i.l.bf16.f32 v5;
	v31 =	vunpack.i.l.bf16.f32 v6  }
0x280: {  	v8 =	vadd.f32 v31, v30  }
0x281: {  	v5 =	vunpack.i.u.bf16.f32 v5;
	v6 =	vunpack.i.u.bf16.f32 v6  }
0x282: {  	v5 =	vadd.f32 v6, v5;
	v8 =	vmax.f32 v8, $0.0e+00  }
0x283: {  	v33 =	vunpack.i.l.bf16.f32 v29;
	v34 =	vunpack.i.l.bf16.f32 v32;
	v8 =	vmul.f32 v8, v0  }
0x284: {  	v7 =	vunpack.i.u.bf16.f32 v29;
	v6 =	vadd.f32 v34, v33;
	v5 =	vmax.f32 v5, $0.0e+00  }
0x285: {  	v35 =	vunpack.i.u.bf16.f32 v32;
	v5 =	vmul.f32 v5, v1;
	v8 =	vadd.f32 $0.0e+00, v8  }
0x286: {  	v7 =	vadd.f32 v35, v7;
	v6 =	vmax.f32 v6, $0.0e+00  }
0x287: {  	v6 =	vmul.f32 v6, v2;
	v5 =	vadd.f32 v8, v5  }
0x288: {  	v7 =	vmax.f32 v7, $0.0e+00  }
0x289: {  	v36 =	vmul.f32 v7, v3;
	v5 =	vadd.f32 v6, v5;
	_ =	sdelay $0x1  }
0x28a: {  	v5 =	vadd.f32 v5, v36;
	_ =	sdelay $0x1  }
0x28b: {  	(xrf2) =	vadd.scan.msk.f32 $0xffff, v5;
	_ =	sdelay $0x5  }
0x28c: {  	v5 =	vor.u32 $0xC, v4;
	_ =	sdelay $0x3  }
0x28d: {  	v37, _, _ =	vpop (xrf2)  }
0x28e: {  	[tilespmem:v5+s28+$0x0] =	vst.idx.msk vm0, v37  }
0x28f: {  	v5 =	vld [tilespmem:s20+$0x61A0]  }
0x290: {  	v6 =	vld [tilespmem:s20+$0xA1A0];
	_ =	sdelay $0x2  }
0x291: {  	v38 =	vld [tilespmem:s20+$0x61B0]  }
0x292: {  	v41 =	vld [tilespmem:s20+$0xA1B0]  }
0x293: {  	v39 =	vunpack.i.l.bf16.f32 v5;
	v40 =	vunpack.i.l.bf16.f32 v6  }
0x294: {  	v8 =	vadd.f32 v40, v39  }
0x295: {  	v5 =	vunpack.i.u.bf16.f32 v5;
	v6 =	vunpack.i.u.bf16.f32 v6  }
0x296: {  	v5 =	vadd.f32 v6, v5;
	v8 =	vmax.f32 v8, $0.0e+00  }
0x297: {  	v42 =	vunpack.i.l.bf16.f32 v38;
	v43 =	vunpack.i.l.bf16.f32 v41;
	v8 =	vmul.f32 v8, v0  }
0x298: {  	v7 =	vunpack.i.u.bf16.f32 v38;
	v6 =	vadd.f32 v43, v42;
	v5 =	vmax.f32 v5, $0.0e+00  }
0x299: {  	v44 =	vunpack.i.u.bf16.f32 v41;
	v5 =	vmul.f32 v5, v1;
	v8 =	vadd.f32 $0.0e+00, v8  }
0x29a: {  	v7 =	vadd.f32 v44, v7;
	v6 =	vmax.f32 v6, $0.0e+00  }
0x29b: {  	v6 =	vmul.f32 v6, v2;
	v5 =	vadd.f32 v8, v5  }
0x29c: {  	v7 =	vmax.f32 v7, $0.0e+00  }
0x29d: {  	v45 =	vmul.f32 v7, v3;
	v5 =	vadd.f32 v6, v5;
	_ =	sdelay $0x1  }
0x29e: {  	v5 =	vadd.f32 v5, v45;
	_ =	sdelay $0x1  }
0x29f: {  	(xrf2) =	vadd.scan.msk.f32 $0xffff, v5;
	_ =	sdelay $0x5  }
0x2a0: {  	v5 =	vor.u32 $0xD, v4;
	_ =	sdelay $0x3  }
0x2a1: {  	v46, _, _ =	vpop (xrf2)  }
0x2a2: {  	[tilespmem:v5+s28+$0x0] =	vst.idx.msk vm0, v46  }
0x2a3: {  	v5 =	vld [tilespmem:s20+$0x61C0]  }
0x2a4: {  	v6 =	vld [tilespmem:s20+$0xA1C0];
	_ =	sdelay $0x2  }
0x2a5: {  	v47 =	vld [tilespmem:s20+$0x61D0]  }
0x2a6: {  	v50 =	vld [tilespmem:s20+$0xA1D0]  }
0x2a7: {  	v48 =	vunpack.i.l.bf16.f32 v5;
	v49 =	vunpack.i.l.bf16.f32 v6  }
0x2a8: {  	v8 =	vadd.f32 v49, v48  }
0x2a9: {  	v5 =	vunpack.i.u.bf16.f32 v5;
	v6 =	vunpack.i.u.bf16.f32 v6  }
0x2aa: {  	v5 =	vadd.f32 v6, v5;
	v8 =	vmax.f32 v8, $0.0e+00  }
0x2ab: {  	v51 =	vunpack.i.l.bf16.f32 v47;
	v52 =	vunpack.i.l.bf16.f32 v50;
	v8 =	vmul.f32 v8, v0  }
0x2ac: {  	v7 =	vunpack.i.u.bf16.f32 v47;
	v6 =	vadd.f32 v52, v51;
	v5 =	vmax.f32 v5, $0.0e+00  }
0x2ad: {  	v53 =	vunpack.i.u.bf16.f32 v50;
	v5 =	vmul.f32 v5, v1;
	v8 =	vadd.f32 $0.0e+00, v8  }
0x2ae: {  	v7 =	vadd.f32 v53, v7;
	v6 =	vmax.f32 v6, $0.0e+00  }
0x2af: {  	v6 =	vmul.f32 v6, v2;
	v5 =	vadd.f32 v8, v5  }
0x2b0: {  	v7 =	vmax.f32 v7, $0.0e+00  }
0x2b1: {  	v54 =	vmul.f32 v7, v3;
	v5 =	vadd.f32 v6, v5;
	_ =	sdelay $0x1  }
0x2b2: {  	v5 =	vadd.f32 v5, v54;
	_ =	sdelay $0x1  }
0x2b3: {  	(xrf2) =	vadd.scan.msk.f32 $0xffff, v5;
	_ =	sdelay $0x5  }
0x2b4: {  	v5 =	vor.u32 $0xE, v4;
	_ =	sdelay $0x3  }
0x2b5: {  	v55, _, _ =	vpop (xrf2)  }
0x2b6: {  	[tilespmem:v5+s28+$0x0] =	vst.idx.msk vm0, v55  }
0x2b7: {  	v5 =	vld [tilespmem:s20+$0x61E0]  }
0x2b8: {  	v6 =	vld [tilespmem:s20+$0xA1E0];
	_ =	sdelay $0x2  }
0x2b9: {  	v56 =	vld [tilespmem:s20+$0x61F0]  }
0x2ba: {  	v59 =	vld [tilespmem:s20+$0xA1F0]  }
0x2bb: {  	v57 =	vunpack.i.l.bf16.f32 v5;
	v58 =	vunpack.i.l.bf16.f32 v6  }
0x2bc: {  	v8 =	vadd.f32 v58, v57  }
0x2bd: {  	v5 =	vunpack.i.u.bf16.f32 v5;
	v6 =	vunpack.i.u.bf16.f32 v6  }
0x2be: {  	v5 =	vadd.f32 v6, v5;
	v8 =	vmax.f32 v8, $0.0e+00  }
0x2bf: {  	v60 =	vunpack.i.l.bf16.f32 v56;
	v61 =	vunpack.i.l.bf16.f32 v59;
	v8 =	vmul.f32 v8, v0  }
0x2c0: {  	v7 =	vunpack.i.u.bf16.f32 v56;
	v6 =	vadd.f32 v61, v60;
	v5 =	vmax.f32 v5, $0.0e+00  }
0x2c1: {  	v62 =	vunpack.i.u.bf16.f32 v59;
	v5 =	vmul.f32 v5, v1;
	v8 =	vadd.f32 $0.0e+00, v8  }
0x2c2: {  	v7 =	vadd.f32 v62, v7;
	v6 =	vmax.f32 v6, $0.0e+00  }
0x2c3: {  	v6 =	vmul.f32 v6, v2;
	v5 =	vadd.f32 v8, v5  }
0x2c4: {  	v7 =	vmax.f32 v7, $0.0e+00  }
0x2c5: {  	v63 =	vmul.f32 v7, v3;
	v5 =	vadd.f32 v6, v5;
	_ =	sdelay $0x1  }
0x2c6: {  	v5 =	vadd.f32 v5, v63;
	_ =	sdelay $0x1  }
0x2c7: {  	(xrf2) =	vadd.scan.msk.f32 $0xffff, v5;
	_ =	sdelay $0x5  }
0x2c8: {  	p1 =	sne.s32 s18, $0x3800;
	v4 =	vor.u32 $0xF, v4  }
.Ltmp1:
0x2c9: {  	_ = 	snop;
	(pc) =	sbr.rel @p1 .LBB2_5-.Ltmp1, $3  }
0x2ca: {  	_ =	sdelay $0x1  }
0x2cb: {  	v5, _, _ =	vpop (xrf2)  }
0x2cc: {  	s18 =	sadd.s32 $0x800, s18;
	s15 =	sadd.s32 $0x10, s15;
	[tilespmem:v4+s28+$0x0] =	vst.idx.msk vm0, v5  }
0x2cd: {  	s15 =	sadd.s32 @!p0 $0x280, s17;
	s18 =	simm.s32 @!p0 $0x80;
	s20 =	simm.s32 @!p0 $0x6000  }
0x2ce: {  	[tilespmem:s20], [sflag:$0x2] =	stream.indirect.gather @!p0 [hbm4b:s1+s18], $0x20, s15, s18, $0xb8;
	[tilespmem:$0xD040] =	vst v63  }
0x2cf: {  	s15 =	sadd.s32 @!p0 $0x1680, s17;
	s20 =	simm.s32 @!p0 $0xA000  }
0x2d0: {  	[tilespmem:s20], [sflag:$0x2] =	stream.indirect.gather @!p0 [hbm4b:s5+s18], $0x20, s15, s18, $0xb8;
	[tilespmem:$0xD040] =	vst v63  }
0x2d1: {  	_ =	swait.ge [sflag:s30], $0x1000  }
0x2d2: {  	[sflag:s30] =	ssyncset.done $0x0  }
0x2d3: {  	[sflag:s30] =	ssyncadd.s32 $0xFFFFF000  }
0x2d4: {  	_ =	swait.ge [sflag:s30], $0x1000  }
0x2d5: {  	[sflag:s30] =	ssyncset.done $0x0  }
0x2d6: {  	[sflag:s30] =	ssyncadd.s32 $0xFFFFF000  }
0x2d7: {  	v0 =	vld [tilespmem:$0xD000]  }
0x2d8: {  	v1 =	vld [tilespmem:$0xD010]  }
0x2d9: {  	v2 =	vld [tilespmem:$0xD020]  }
0x2da: {  	s18 =	simm.s32 $0x0;
	s15 =	smov.u32 s3;
	v3 =	vld [tilespmem:$0xD030]  }
.LBB2_7:
0x2db: {  	s20 =	sshra.s32 s18, $0x2  }
0x2dc: {  	v4 =	vld [tilespmem:s20+$0x7000]  }
0x2dd: {  	v5 =	vld [tilespmem:s20+$0xB000];
	_ =	sdelay $0x2  }
0x2de: {  	v6 =	vld [tilespmem:s20+$0x7010]  }
0x2df: {  	v9 =	vld [tilespmem:s20+$0xB010]  }
0x2e0: {  	v7 =	vunpack.i.l.bf16.f32 v4;
	v8 =	vunpack.i.l.bf16.f32 v5  }
0x2e1: {  	v7 =	vadd.f32 v8, v7  }
0x2e2: {  	v4 =	vunpack.i.u.bf16.f32 v4;
	v5 =	vunpack.i.u.bf16.f32 v5  }
0x2e3: {  	v4 =	vadd.f32 v5, v4;
	v7 =	vmax.f32 v7, $0.0e+00  }
0x2e4: {  	v32 =	vunpack.i.l.bf16.f32 v9;
	v5 =	vunpack.i.l.bf16.f32 v6;
	v7 =	vmul.f32 v7, v0  }
0x2e5: {  	v33 =	vunpack.i.u.bf16.f32 v9;
	v5 =	vadd.f32 v32, v5;
	v4 =	vmax.f32 v4, $0.0e+00  }
0x2e6: {  	v6 =	vunpack.i.u.bf16.f32 v6;
	v4 =	vmul.f32 v4, v1;
	v7 =	vadd.f32 $0.0e+00, v7  }
0x2e7: {  	v6 =	vadd.f32 v33, v6;
	v5 =	vmax.f32 v5, $0.0e+00  }
0x2e8: {  	v5 =	vmul.f32 v5, v2;
	v4 =	vadd.f32 v7, v4  }
0x2e9: {  	v6 =	vmax.f32 v6, $0.0e+00  }
0x2ea: {  	v4 =	vadd.f32 v5, v4;
	v5 =	vmul.f32 v6, v3;
	_ =	sdelay $0x1  }
0x2eb: {  	v4 =	vadd.f32 v4, v5;
	_ =	sdelay $0x1  }
0x2ec: {  	(xrf2) =	vadd.scan.msk.f32 $0xffff, v4;
	_ =	sdelay $0x5  }
0x2ed: {  	v4 =	vmov s15;
	_ =	sdelay $0x3  }
0x2ee: {  	v5, _, _ =	vpop (xrf2)  }
0x2ef: {  	[tilespmem:v4+s28+$0x0] =	vst.idx.msk vm0, v5  }
0x2f0: {  	v5 =	vld [tilespmem:s20+$0x7020]  }
0x2f1: {  	v34 =	vld [tilespmem:s20+$0xB020];
	_ =	sdelay $0x2  }
0x2f2: {  	v35 =	vld [tilespmem:s20+$0x7030]  }
0x2f3: {  	v10 =	vld [tilespmem:s20+$0xB030]  }
0x2f4: {  	v36 =	vunpack.i.l.bf16.f32 v5;
	v37 =	vunpack.i.l.bf16.f32 v34  }
0x2f5: {  	v8 =	vadd.f32 v37, v36  }
0x2f6: {  	v5 =	vunpack.i.u.bf16.f32 v5;
	v6 =	vunpack.i.u.bf16.f32 v34  }
0x2f7: {  	v5 =	vadd.f32 v6, v5;
	v8 =	vmax.f32 v8, $0.0e+00  }
0x2f8: {  	v38 =	vunpack.i.l.bf16.f32 v35;
	v39 =	vunpack.i.l.bf16.f32 v10;
	v8 =	vmul.f32 v8, v0  }
0x2f9: {  	v7 =	vunpack.i.u.bf16.f32 v35;
	v6 =	vadd.f32 v39, v38;
	v5 =	vmax.f32 v5, $0.0e+00  }
0x2fa: {  	v40 =	vunpack.i.u.bf16.f32 v10;
	v5 =	vmul.f32 v5, v1;
	v8 =	vadd.f32 $0.0e+00, v8  }
0x2fb: {  	v7 =	vadd.f32 v40, v7;
	v6 =	vmax.f32 v6, $0.0e+00  }
0x2fc: {  	v6 =	vmul.f32 v6, v2;
	v5 =	vadd.f32 v8, v5  }
0x2fd: {  	v7 =	vmax.f32 v7, $0.0e+00  }
0x2fe: {  	v41 =	vmul.f32 v7, v3;
	v5 =	vadd.f32 v6, v5;
	_ =	sdelay $0x1  }
0x2ff: {  	v5 =	vadd.f32 v5, v41;
	_ =	sdelay $0x1  }
0x300: {  	(xrf2) =	vadd.scan.msk.f32 $0xffff, v5;
	_ =	sdelay $0x5  }
0x301: {  	v5 =	vor.u32 $0x1, v4;
	_ =	sdelay $0x3  }
0x302: {  	v42, _, _ =	vpop (xrf2)  }
0x303: {  	[tilespmem:v5+s28+$0x0] =	vst.idx.msk vm0, v42  }
0x304: {  	v5 =	vld [tilespmem:s20+$0x7040]  }
0x305: {  	v6 =	vld [tilespmem:s20+$0xB040];
	_ =	sdelay $0x2  }
0x306: {  	v43 =	vld [tilespmem:s20+$0x7050]  }
0x307: {  	v46 =	vld [tilespmem:s20+$0xB050]  }
0x308: {  	v44 =	vunpack.i.l.bf16.f32 v5;
	v45 =	vunpack.i.l.bf16.f32 v6  }
0x309: {  	v8 =	vadd.f32 v45, v44  }
0x30a: {  	v5 =	vunpack.i.u.bf16.f32 v5;
	v6 =	vunpack.i.u.bf16.f32 v6  }
0x30b: {  	v5 =	vadd.f32 v6, v5;
	v8 =	vmax.f32 v8, $0.0e+00  }
0x30c: {  	v47 =	vunpack.i.l.bf16.f32 v43;
	v48 =	vunpack.i.l.bf16.f32 v46;
	v8 =	vmul.f32 v8, v0  }
0x30d: {  	v7 =	vunpack.i.u.bf16.f32 v43;
	v6 =	vadd.f32 v48, v47;
	v5 =	vmax.f32 v5, $0.0e+00  }
0x30e: {  	v49 =	vunpack.i.u.bf16.f32 v46;
	v5 =	vmul.f32 v5, v1;
	v8 =	vadd.f32 $0.0e+00, v8  }
0x30f: {  	v7 =	vadd.f32 v49, v7;
	v6 =	vmax.f32 v6, $0.0e+00  }
0x310: {  	v6 =	vmul.f32 v6, v2;
	v5 =	vadd.f32 v8, v5  }
0x311: {  	v7 =	vmax.f32 v7, $0.0e+00  }
0x312: {  	v50 =	vmul.f32 v7, v3;
	v5 =	vadd.f32 v6, v5;
	_ =	sdelay $0x1  }
0x313: {  	v5 =	vadd.f32 v5, v50;
	_ =	sdelay $0x1  }
0x314: {  	(xrf2) =	vadd.scan.msk.f32 $0xffff, v5;
	_ =	sdelay $0x5  }
0x315: {  	v5 =	vor.u32 $0x2, v4;
	_ =	sdelay $0x3  }
0x316: {  	v51, _, _ =	vpop (xrf2)  }
0x317: {  	[tilespmem:v5+s28+$0x0] =	vst.idx.msk vm0, v51  }
0x318: {  	v5 =	vld [tilespmem:s20+$0x7060]  }
0x319: {  	v6 =	vld [tilespmem:s20+$0xB060];
	_ =	sdelay $0x2  }
0x31a: {  	v52 =	vld [tilespmem:s20+$0x7070]  }
0x31b: {  	v55 =	vld [tilespmem:s20+$0xB070]  }
0x31c: {  	v53 =	vunpack.i.l.bf16.f32 v5;
	v54 =	vunpack.i.l.bf16.f32 v6  }
0x31d: {  	v8 =	vadd.f32 v54, v53  }
0x31e: {  	v5 =	vunpack.i.u.bf16.f32 v5;
	v6 =	vunpack.i.u.bf16.f32 v6  }
0x31f: {  	v5 =	vadd.f32 v6, v5;
	v8 =	vmax.f32 v8, $0.0e+00  }
0x320: {  	v56 =	vunpack.i.l.bf16.f32 v52;
	v57 =	vunpack.i.l.bf16.f32 v55;
	v8 =	vmul.f32 v8, v0  }
0x321: {  	v7 =	vunpack.i.u.bf16.f32 v52;
	v6 =	vadd.f32 v57, v56;
	v5 =	vmax.f32 v5, $0.0e+00  }
0x322: {  	v58 =	vunpack.i.u.bf16.f32 v55;
	v5 =	vmul.f32 v5, v1;
	v8 =	vadd.f32 $0.0e+00, v8  }
0x323: {  	v7 =	vadd.f32 v58, v7;
	v6 =	vmax.f32 v6, $0.0e+00  }
0x324: {  	v6 =	vmul.f32 v6, v2;
	v5 =	vadd.f32 v8, v5  }
0x325: {  	v7 =	vmax.f32 v7, $0.0e+00  }
0x326: {  	v59 =	vmul.f32 v7, v3;
	v5 =	vadd.f32 v6, v5;
	_ =	sdelay $0x1  }
0x327: {  	v5 =	vadd.f32 v5, v59;
	_ =	sdelay $0x1  }
0x328: {  	(xrf2) =	vadd.scan.msk.f32 $0xffff, v5;
	_ =	sdelay $0x5  }
0x329: {  	v5 =	vor.u32 $0x3, v4;
	_ =	sdelay $0x3  }
0x32a: {  	v60, _, _ =	vpop (xrf2)  }
0x32b: {  	[tilespmem:v5+s28+$0x0] =	vst.idx.msk vm0, v60  }
0x32c: {  	v5 =	vld [tilespmem:s20+$0x7080]  }
0x32d: {  	v6 =	vld [tilespmem:s20+$0xB080];
	_ =	sdelay $0x2  }
0x32e: {  	v61 =	vld [tilespmem:s20+$0x7090]  }
0x32f: {  	v12 =	vld [tilespmem:s20+$0xB090]  }
0x330: {  	v62 =	vunpack.i.l.bf16.f32 v5;
	v63 =	vunpack.i.l.bf16.f32 v6  }
0x331: {  	v8 =	vadd.f32 v63, v62  }
0x332: {  	v5 =	vunpack.i.u.bf16.f32 v5;
	v6 =	vunpack.i.u.bf16.f32 v6  }
0x333: {  	v5 =	vadd.f32 v6, v5;
	v8 =	vmax.f32 v8, $0.0e+00  }
0x334: {  	v13 =	vunpack.i.l.bf16.f32 v61;
	v14 =	vunpack.i.l.bf16.f32 v12;
	v8 =	vmul.f32 v8, v0  }
0x335: {  	v7 =	vunpack.i.u.bf16.f32 v61;
	v6 =	vadd.f32 v14, v13;
	v5 =	vmax.f32 v5, $0.0e+00  }
0x336: {  	v15 =	vunpack.i.u.bf16.f32 v12;
	v5 =	vmul.f32 v5, v1;
	v8 =	vadd.f32 $0.0e+00, v8  }
0x337: {  	v7 =	vadd.f32 v15, v7;
	v6 =	vmax.f32 v6, $0.0e+00  }
0x338: {  	v6 =	vmul.f32 v6, v2;
	v5 =	vadd.f32 v8, v5  }
0x339: {  	v7 =	vmax.f32 v7, $0.0e+00  }
0x33a: {  	v16 =	vmul.f32 v7, v3;
	v5 =	vadd.f32 v6, v5;
	_ =	sdelay $0x1  }
0x33b: {  	v5 =	vadd.f32 v5, v16;
	_ =	sdelay $0x1  }
0x33c: {  	(xrf2) =	vadd.scan.msk.f32 $0xffff, v5;
	_ =	sdelay $0x5  }
0x33d: {  	v5 =	vor.u32 $0x4, v4;
	_ =	sdelay $0x3  }
0x33e: {  	v17, _, _ =	vpop (xrf2)  }
0x33f: {  	[tilespmem:v5+s28+$0x0] =	vst.idx.msk vm0, v17  }
0x340: {  	v5 =	vld [tilespmem:s20+$0x70A0]  }
0x341: {  	v6 =	vld [tilespmem:s20+$0xB0A0];
	_ =	sdelay $0x2  }
0x342: {  	v18 =	vld [tilespmem:s20+$0x70B0]  }
0x343: {  	v21 =	vld [tilespmem:s20+$0xB0B0]  }
0x344: {  	v19 =	vunpack.i.l.bf16.f32 v5;
	v20 =	vunpack.i.l.bf16.f32 v6  }
0x345: {  	v8 =	vadd.f32 v20, v19  }
0x346: {  	v5 =	vunpack.i.u.bf16.f32 v5;
	v6 =	vunpack.i.u.bf16.f32 v6  }
0x347: {  	v5 =	vadd.f32 v6, v5;
	v8 =	vmax.f32 v8, $0.0e+00  }
0x348: {  	v22 =	vunpack.i.l.bf16.f32 v18;
	v23 =	vunpack.i.l.bf16.f32 v21;
	v8 =	vmul.f32 v8, v0  }
0x349: {  	v7 =	vunpack.i.u.bf16.f32 v18;
	v6 =	vadd.f32 v23, v22;
	v5 =	vmax.f32 v5, $0.0e+00  }
0x34a: {  	v24 =	vunpack.i.u.bf16.f32 v21;
	v5 =	vmul.f32 v5, v1;
	v8 =	vadd.f32 $0.0e+00, v8  }
0x34b: {  	v7 =	vadd.f32 v24, v7;
	v6 =	vmax.f32 v6, $0.0e+00  }
0x34c: {  	v6 =	vmul.f32 v6, v2;
	v5 =	vadd.f32 v8, v5  }
0x34d: {  	v7 =	vmax.f32 v7, $0.0e+00  }
0x34e: {  	v25 =	vmul.f32 v7, v3;
	v5 =	vadd.f32 v6, v5;
	_ =	sdelay $0x1  }
0x34f: {  	v5 =	vadd.f32 v5, v25;
	_ =	sdelay $0x1  }
0x350: {  	(xrf2) =	vadd.scan.msk.f32 $0xffff, v5;
	_ =	sdelay $0x5  }
0x351: {  	v5 =	vor.u32 $0x5, v4;
	_ =	sdelay $0x3  }
0x352: {  	v26, _, _ =	vpop (xrf2)  }
0x353: {  	[tilespmem:v5+s28+$0x0] =	vst.idx.msk vm0, v26  }
0x354: {  	v5 =	vld [tilespmem:s20+$0x70C0]  }
0x355: {  	v6 =	vld [tilespmem:s20+$0xB0C0];
	_ =	sdelay $0x2  }
0x356: {  	v27 =	vld [tilespmem:s20+$0x70D0]  }
0x357: {  	v30 =	vld [tilespmem:s20+$0xB0D0]  }
0x358: {  	v28 =	vunpack.i.l.bf16.f32 v5;
	v29 =	vunpack.i.l.bf16.f32 v6  }
0x359: {  	v8 =	vadd.f32 v29, v28  }
0x35a: {  	v5 =	vunpack.i.u.bf16.f32 v5;
	v6 =	vunpack.i.u.bf16.f32 v6  }
0x35b: {  	v5 =	vadd.f32 v6, v5;
	v8 =	vmax.f32 v8, $0.0e+00  }
0x35c: {  	v31 =	vunpack.i.l.bf16.f32 v27;
	v32 =	vunpack.i.l.bf16.f32 v30;
	v8 =	vmul.f32 v8, v0  }
0x35d: {  	v7 =	vunpack.i.u.bf16.f32 v27;
	v6 =	vadd.f32 v32, v31;
	v5 =	vmax.f32 v5, $0.0e+00  }
0x35e: {  	v33 =	vunpack.i.u.bf16.f32 v30;
	v5 =	vmul.f32 v5, v1;
	v8 =	vadd.f32 $0.0e+00, v8  }
0x35f: {  	v7 =	vadd.f32 v33, v7;
	v6 =	vmax.f32 v6, $0.0e+00  }
0x360: {  	v6 =	vmul.f32 v6, v2;
	v5 =	vadd.f32 v8, v5  }
0x361: {  	v7 =	vmax.f32 v7, $0.0e+00  }
0x362: {  	v34 =	vmul.f32 v7, v3;
	v5 =	vadd.f32 v6, v5;
	_ =	sdelay $0x1  }
0x363: {  	v5 =	vadd.f32 v5, v34;
	_ =	sdelay $0x1  }
0x364: {  	(xrf2) =	vadd.scan.msk.f32 $0xffff, v5;
	_ =	sdelay $0x5  }
0x365: {  	v5 =	vor.u32 $0x6, v4;
	_ =	sdelay $0x3  }
0x366: {  	v35, _, _ =	vpop (xrf2)  }
0x367: {  	[tilespmem:v5+s28+$0x0] =	vst.idx.msk vm0, v35  }
0x368: {  	v5 =	vld [tilespmem:s20+$0x70E0]  }
0x369: {  	v6 =	vld [tilespmem:s20+$0xB0E0];
	_ =	sdelay $0x2  }
0x36a: {  	v36 =	vld [tilespmem:s20+$0x70F0]  }
0x36b: {  	v39 =	vld [tilespmem:s20+$0xB0F0]  }
0x36c: {  	v37 =	vunpack.i.l.bf16.f32 v5;
	v38 =	vunpack.i.l.bf16.f32 v6  }
0x36d: {  	v8 =	vadd.f32 v38, v37  }
0x36e: {  	v5 =	vunpack.i.u.bf16.f32 v5;
	v6 =	vunpack.i.u.bf16.f32 v6  }
0x36f: {  	v5 =	vadd.f32 v6, v5;
	v8 =	vmax.f32 v8, $0.0e+00  }
0x370: {  	v40 =	vunpack.i.l.bf16.f32 v36;
	v41 =	vunpack.i.l.bf16.f32 v39;
	v8 =	vmul.f32 v8, v0  }
0x371: {  	v7 =	vunpack.i.u.bf16.f32 v36;
	v6 =	vadd.f32 v41, v40;
	v5 =	vmax.f32 v5, $0.0e+00  }
0x372: {  	v42 =	vunpack.i.u.bf16.f32 v39;
	v5 =	vmul.f32 v5, v1;
	v8 =	vadd.f32 $0.0e+00, v8  }
0x373: {  	v7 =	vadd.f32 v42, v7;
	v6 =	vmax.f32 v6, $0.0e+00  }
0x374: {  	v6 =	vmul.f32 v6, v2;
	v5 =	vadd.f32 v8, v5  }
0x375: {  	v7 =	vmax.f32 v7, $0.0e+00  }
0x376: {  	v43 =	vmul.f32 v7, v3;
	v5 =	vadd.f32 v6, v5;
	_ =	sdelay $0x1  }
0x377: {  	v5 =	vadd.f32 v5, v43;
	_ =	sdelay $0x1  }
0x378: {  	(xrf2) =	vadd.scan.msk.f32 $0xffff, v5;
	_ =	sdelay $0x5  }
0x379: {  	v5 =	vor.u32 $0x7, v4;
	_ =	sdelay $0x3  }
0x37a: {  	v44, _, _ =	vpop (xrf2)  }
0x37b: {  	[tilespmem:v5+s28+$0x0] =	vst.idx.msk vm0, v44  }
0x37c: {  	v5 =	vld [tilespmem:s20+$0x7100]  }
0x37d: {  	v6 =	vld [tilespmem:s20+$0xB100];
	_ =	sdelay $0x2  }
0x37e: {  	v45 =	vld [tilespmem:s20+$0x7110]  }
0x37f: {  	v48 =	vld [tilespmem:s20+$0xB110]  }
0x380: {  	v46 =	vunpack.i.l.bf16.f32 v5;
	v47 =	vunpack.i.l.bf16.f32 v6  }
0x381: {  	v8 =	vadd.f32 v47, v46  }
0x382: {  	v5 =	vunpack.i.u.bf16.f32 v5;
	v6 =	vunpack.i.u.bf16.f32 v6  }
0x383: {  	v5 =	vadd.f32 v6, v5;
	v8 =	vmax.f32 v8, $0.0e+00  }
0x384: {  	v49 =	vunpack.i.l.bf16.f32 v45;
	v50 =	vunpack.i.l.bf16.f32 v48;
	v8 =	vmul.f32 v8, v0  }
0x385: {  	v7 =	vunpack.i.u.bf16.f32 v45;
	v6 =	vadd.f32 v50, v49;
	v5 =	vmax.f32 v5, $0.0e+00  }
0x386: {  	v51 =	vunpack.i.u.bf16.f32 v48;
	v5 =	vmul.f32 v5, v1;
	v8 =	vadd.f32 $0.0e+00, v8  }
0x387: {  	v7 =	vadd.f32 v51, v7;
	v6 =	vmax.f32 v6, $0.0e+00  }
0x388: {  	v6 =	vmul.f32 v6, v2;
	v5 =	vadd.f32 v8, v5  }
0x389: {  	v7 =	vmax.f32 v7, $0.0e+00  }
0x38a: {  	v52 =	vmul.f32 v7, v3;
	v5 =	vadd.f32 v6, v5;
	_ =	sdelay $0x1  }
0x38b: {  	v5 =	vadd.f32 v5, v52;
	_ =	sdelay $0x1  }
0x38c: {  	(xrf2) =	vadd.scan.msk.f32 $0xffff, v5;
	_ =	sdelay $0x5  }
0x38d: {  	v5 =	vor.u32 $0x8, v4;
	_ =	sdelay $0x3  }
0x38e: {  	v53, _, _ =	vpop (xrf2)  }
0x38f: {  	[tilespmem:v5+s28+$0x0] =	vst.idx.msk vm0, v53  }
0x390: {  	v5 =	vld [tilespmem:s20+$0x7120]  }
0x391: {  	v6 =	vld [tilespmem:s20+$0xB120];
	_ =	sdelay $0x2  }
0x392: {  	v54 =	vld [tilespmem:s20+$0x7130]  }
0x393: {  	v57 =	vld [tilespmem:s20+$0xB130]  }
0x394: {  	v55 =	vunpack.i.l.bf16.f32 v5;
	v56 =	vunpack.i.l.bf16.f32 v6  }
0x395: {  	v8 =	vadd.f32 v56, v55  }
0x396: {  	v5 =	vunpack.i.u.bf16.f32 v5;
	v6 =	vunpack.i.u.bf16.f32 v6  }
0x397: {  	v5 =	vadd.f32 v6, v5;
	v8 =	vmax.f32 v8, $0.0e+00  }
0x398: {  	v58 =	vunpack.i.l.bf16.f32 v54;
	v59 =	vunpack.i.l.bf16.f32 v57;
	v8 =	vmul.f32 v8, v0  }
0x399: {  	v7 =	vunpack.i.u.bf16.f32 v54;
	v6 =	vadd.f32 v59, v58;
	v5 =	vmax.f32 v5, $0.0e+00  }
0x39a: {  	v60 =	vunpack.i.u.bf16.f32 v57;
	v5 =	vmul.f32 v5, v1;
	v8 =	vadd.f32 $0.0e+00, v8  }
0x39b: {  	v7 =	vadd.f32 v60, v7;
	v6 =	vmax.f32 v6, $0.0e+00  }
0x39c: {  	v6 =	vmul.f32 v6, v2;
	v5 =	vadd.f32 v8, v5  }
0x39d: {  	v7 =	vmax.f32 v7, $0.0e+00  }
0x39e: {  	v61 =	vmul.f32 v7, v3;
	v5 =	vadd.f32 v6, v5;
	_ =	sdelay $0x1  }
0x39f: {  	v5 =	vadd.f32 v5, v61;
	_ =	sdelay $0x1  }
0x3a0: {  	(xrf2) =	vadd.scan.msk.f32 $0xffff, v5;
	_ =	sdelay $0x5  }
0x3a1: {  	v5 =	vor.u32 $0x9, v4;
	_ =	sdelay $0x3  }
0x3a2: {  	v62, _, _ =	vpop (xrf2)  }
0x3a3: {  	[tilespmem:v5+s28+$0x0] =	vst.idx.msk vm0, v62  }
0x3a4: {  	v5 =	vld [tilespmem:s20+$0x7140]  }
0x3a5: {  	v6 =	vld [tilespmem:s20+$0xB140];
	_ =	sdelay $0x2  }
0x3a6: {  	v63 =	vld [tilespmem:s20+$0x7150]  }
0x3a7: {  	v14 =	vld [tilespmem:s20+$0xB150]  }
0x3a8: {  	v12 =	vunpack.i.l.bf16.f32 v5;
	v13 =	vunpack.i.l.bf16.f32 v6  }
0x3a9: {  	v8 =	vadd.f32 v13, v12  }
0x3aa: {  	v5 =	vunpack.i.u.bf16.f32 v5;
	v6 =	vunpack.i.u.bf16.f32 v6  }
0x3ab: {  	v5 =	vadd.f32 v6, v5;
	v8 =	vmax.f32 v8, $0.0e+00  }
0x3ac: {  	v15 =	vunpack.i.l.bf16.f32 v63;
	v16 =	vunpack.i.l.bf16.f32 v14;
	v8 =	vmul.f32 v8, v0  }
0x3ad: {  	v7 =	vunpack.i.u.bf16.f32 v63;
	v6 =	vadd.f32 v16, v15;
	v5 =	vmax.f32 v5, $0.0e+00  }
0x3ae: {  	v17 =	vunpack.i.u.bf16.f32 v14;
	v5 =	vmul.f32 v5, v1;
	v8 =	vadd.f32 $0.0e+00, v8  }
0x3af: {  	v7 =	vadd.f32 v17, v7;
	v6 =	vmax.f32 v6, $0.0e+00  }
0x3b0: {  	v6 =	vmul.f32 v6, v2;
	v5 =	vadd.f32 v8, v5  }
0x3b1: {  	v7 =	vmax.f32 v7, $0.0e+00  }
0x3b2: {  	v18 =	vmul.f32 v7, v3;
	v5 =	vadd.f32 v6, v5;
	_ =	sdelay $0x1  }
0x3b3: {  	v5 =	vadd.f32 v5, v18;
	_ =	sdelay $0x1  }
0x3b4: {  	(xrf2) =	vadd.scan.msk.f32 $0xffff, v5;
	_ =	sdelay $0x5  }
0x3b5: {  	v5 =	vor.u32 $0xA, v4;
	_ =	sdelay $0x3  }
0x3b6: {  	v19, _, _ =	vpop (xrf2)  }
0x3b7: {  	[tilespmem:v5+s28+$0x0] =	vst.idx.msk vm0, v19  }
0x3b8: {  	v5 =	vld [tilespmem:s20+$0x7160]  }
0x3b9: {  	v6 =	vld [tilespmem:s20+$0xB160];
	_ =	sdelay $0x2  }
0x3ba: {  	v20 =	vld [tilespmem:s20+$0x7170]  }
0x3bb: {  	v23 =	vld [tilespmem:s20+$0xB170]  }
0x3bc: {  	v21 =	vunpack.i.l.bf16.f32 v5;
	v22 =	vunpack.i.l.bf16.f32 v6  }
0x3bd: {  	v8 =	vadd.f32 v22, v21  }
0x3be: {  	v5 =	vunpack.i.u.bf16.f32 v5;
	v6 =	vunpack.i.u.bf16.f32 v6  }
0x3bf: {  	v5 =	vadd.f32 v6, v5;
	v8 =	vmax.f32 v8, $0.0e+00  }
0x3c0: {  	v24 =	vunpack.i.l.bf16.f32 v20;
	v25 =	vunpack.i.l.bf16.f32 v23;
	v8 =	vmul.f32 v8, v0  }
0x3c1: {  	v7 =	vunpack.i.u.bf16.f32 v20;
	v6 =	vadd.f32 v25, v24;
	v5 =	vmax.f32 v5, $0.0e+00  }
0x3c2: {  	v26 =	vunpack.i.u.bf16.f32 v23;
	v5 =	vmul.f32 v5, v1;
	v8 =	vadd.f32 $0.0e+00, v8  }
0x3c3: {  	v7 =	vadd.f32 v26, v7;
	v6 =	vmax.f32 v6, $0.0e+00  }
0x3c4: {  	v6 =	vmul.f32 v6, v2;
	v5 =	vadd.f32 v8, v5  }
0x3c5: {  	v7 =	vmax.f32 v7, $0.0e+00  }
0x3c6: {  	v27 =	vmul.f32 v7, v3;
	v5 =	vadd.f32 v6, v5;
	_ =	sdelay $0x1  }
0x3c7: {  	v5 =	vadd.f32 v5, v27;
	_ =	sdelay $0x1  }
0x3c8: {  	(xrf2) =	vadd.scan.msk.f32 $0xffff, v5;
	_ =	sdelay $0x5  }
0x3c9: {  	v5 =	vor.u32 $0xB, v4;
	_ =	sdelay $0x3  }
0x3ca: {  	v28, _, _ =	vpop (xrf2)  }
0x3cb: {  	[tilespmem:v5+s28+$0x0] =	vst.idx.msk vm0, v28  }
0x3cc: {  	v5 =	vld [tilespmem:s20+$0x7180]  }
0x3cd: {  	v6 =	vld [tilespmem:s20+$0xB180];
	_ =	sdelay $0x2  }
0x3ce: {  	v29 =	vld [tilespmem:s20+$0x7190]  }
0x3cf: {  	v32 =	vld [tilespmem:s20+$0xB190]  }
0x3d0: {  	v30 =	vunpack.i.l.bf16.f32 v5;
	v31 =	vunpack.i.l.bf16.f32 v6  }
0x3d1: {  	v8 =	vadd.f32 v31, v30  }
0x3d2: {  	v5 =	vunpack.i.u.bf16.f32 v5;
	v6 =	vunpack.i.u.bf16.f32 v6  }
0x3d3: {  	v5 =	vadd.f32 v6, v5;
	v8 =	vmax.f32 v8, $0.0e+00  }
0x3d4: {  	v33 =	vunpack.i.l.bf16.f32 v29;
	v34 =	vunpack.i.l.bf16.f32 v32;
	v8 =	vmul.f32 v8, v0  }
0x3d5: {  	v7 =	vunpack.i.u.bf16.f32 v29;
	v6 =	vadd.f32 v34, v33;
	v5 =	vmax.f32 v5, $0.0e+00  }
0x3d6: {  	v35 =	vunpack.i.u.bf16.f32 v32;
	v5 =	vmul.f32 v5, v1;
	v8 =	vadd.f32 $0.0e+00, v8  }
0x3d7: {  	v7 =	vadd.f32 v35, v7;
	v6 =	vmax.f32 v6, $0.0e+00  }
0x3d8: {  	v6 =	vmul.f32 v6, v2;
	v5 =	vadd.f32 v8, v5  }
0x3d9: {  	v7 =	vmax.f32 v7, $0.0e+00  }
0x3da: {  	v36 =	vmul.f32 v7, v3;
	v5 =	vadd.f32 v6, v5;
	_ =	sdelay $0x1  }
0x3db: {  	v5 =	vadd.f32 v5, v36;
	_ =	sdelay $0x1  }
0x3dc: {  	(xrf2) =	vadd.scan.msk.f32 $0xffff, v5;
	_ =	sdelay $0x5  }
0x3dd: {  	v5 =	vor.u32 $0xC, v4;
	_ =	sdelay $0x3  }
0x3de: {  	v37, _, _ =	vpop (xrf2)  }
0x3df: {  	[tilespmem:v5+s28+$0x0] =	vst.idx.msk vm0, v37  }
0x3e0: {  	v5 =	vld [tilespmem:s20+$0x71A0]  }
0x3e1: {  	v6 =	vld [tilespmem:s20+$0xB1A0];
	_ =	sdelay $0x2  }
0x3e2: {  	v38 =	vld [tilespmem:s20+$0x71B0]  }
0x3e3: {  	v41 =	vld [tilespmem:s20+$0xB1B0]  }
0x3e4: {  	v39 =	vunpack.i.l.bf16.f32 v5;
	v40 =	vunpack.i.l.bf16.f32 v6  }
0x3e5: {  	v8 =	vadd.f32 v40, v39  }
0x3e6: {  	v5 =	vunpack.i.u.bf16.f32 v5;
	v6 =	vunpack.i.u.bf16.f32 v6  }
0x3e7: {  	v5 =	vadd.f32 v6, v5;
	v8 =	vmax.f32 v8, $0.0e+00  }
0x3e8: {  	v42 =	vunpack.i.l.bf16.f32 v38;
	v43 =	vunpack.i.l.bf16.f32 v41;
	v8 =	vmul.f32 v8, v0  }
0x3e9: {  	v7 =	vunpack.i.u.bf16.f32 v38;
	v6 =	vadd.f32 v43, v42;
	v5 =	vmax.f32 v5, $0.0e+00  }
0x3ea: {  	v44 =	vunpack.i.u.bf16.f32 v41;
	v5 =	vmul.f32 v5, v1;
	v8 =	vadd.f32 $0.0e+00, v8  }
0x3eb: {  	v7 =	vadd.f32 v44, v7;
	v6 =	vmax.f32 v6, $0.0e+00  }
0x3ec: {  	v6 =	vmul.f32 v6, v2;
	v5 =	vadd.f32 v8, v5  }
0x3ed: {  	v7 =	vmax.f32 v7, $0.0e+00  }
0x3ee: {  	v45 =	vmul.f32 v7, v3;
	v5 =	vadd.f32 v6, v5;
	_ =	sdelay $0x1  }
0x3ef: {  	v5 =	vadd.f32 v5, v45;
	_ =	sdelay $0x1  }
0x3f0: {  	(xrf2) =	vadd.scan.msk.f32 $0xffff, v5;
	_ =	sdelay $0x5  }
0x3f1: {  	v5 =	vor.u32 $0xD, v4;
	_ =	sdelay $0x3  }
0x3f2: {  	v46, _, _ =	vpop (xrf2)  }
0x3f3: {  	[tilespmem:v5+s28+$0x0] =	vst.idx.msk vm0, v46  }
0x3f4: {  	v5 =	vld [tilespmem:s20+$0x71C0]  }
0x3f5: {  	v6 =	vld [tilespmem:s20+$0xB1C0];
	_ =	sdelay $0x2  }
0x3f6: {  	v47 =	vld [tilespmem:s20+$0x71D0]  }
0x3f7: {  	v50 =	vld [tilespmem:s20+$0xB1D0]  }
0x3f8: {  	v48 =	vunpack.i.l.bf16.f32 v5;
	v49 =	vunpack.i.l.bf16.f32 v6  }
0x3f9: {  	v8 =	vadd.f32 v49, v48  }
0x3fa: {  	v5 =	vunpack.i.u.bf16.f32 v5;
	v6 =	vunpack.i.u.bf16.f32 v6  }
0x3fb: {  	v5 =	vadd.f32 v6, v5;
	v8 =	vmax.f32 v8, $0.0e+00  }
0x3fc: {  	v51 =	vunpack.i.l.bf16.f32 v47;
	v52 =	vunpack.i.l.bf16.f32 v50;
	v8 =	vmul.f32 v8, v0  }
0x3fd: {  	v7 =	vunpack.i.u.bf16.f32 v47;
	v6 =	vadd.f32 v52, v51;
	v5 =	vmax.f32 v5, $0.0e+00  }
0x3fe: {  	v53 =	vunpack.i.u.bf16.f32 v50;
	v5 =	vmul.f32 v5, v1;
	v8 =	vadd.f32 $0.0e+00, v8  }
0x3ff: {  	v7 =	vadd.f32 v53, v7;
	v6 =	vmax.f32 v6, $0.0e+00  }
0x400: {  	v6 =	vmul.f32 v6, v2;
	v5 =	vadd.f32 v8, v5  }
0x401: {  	v7 =	vmax.f32 v7, $0.0e+00  }
0x402: {  	v54 =	vmul.f32 v7, v3;
	v5 =	vadd.f32 v6, v5;
	_ =	sdelay $0x1  }
0x403: {  	v5 =	vadd.f32 v5, v54;
	_ =	sdelay $0x1  }
0x404: {  	(xrf2) =	vadd.scan.msk.f32 $0xffff, v5;
	_ =	sdelay $0x5  }
0x405: {  	v5 =	vor.u32 $0xE, v4;
	_ =	sdelay $0x3  }
0x406: {  	v55, _, _ =	vpop (xrf2)  }
0x407: {  	[tilespmem:v5+s28+$0x0] =	vst.idx.msk vm0, v55  }
0x408: {  	v5 =	vld [tilespmem:s20+$0x71E0]  }
0x409: {  	v6 =	vld [tilespmem:s20+$0xB1E0];
	_ =	sdelay $0x2  }
0x40a: {  	v56 =	vld [tilespmem:s20+$0x71F0]  }
0x40b: {  	v59 =	vld [tilespmem:s20+$0xB1F0]  }
0x40c: {  	v57 =	vunpack.i.l.bf16.f32 v5;
	v58 =	vunpack.i.l.bf16.f32 v6  }
0x40d: {  	v8 =	vadd.f32 v58, v57  }
0x40e: {  	v5 =	vunpack.i.u.bf16.f32 v5;
	v6 =	vunpack.i.u.bf16.f32 v6  }
0x40f: {  	v5 =	vadd.f32 v6, v5;
	v8 =	vmax.f32 v8, $0.0e+00  }
0x410: {  	v60 =	vunpack.i.l.bf16.f32 v56;
	v61 =	vunpack.i.l.bf16.f32 v59;
	v8 =	vmul.f32 v8, v0  }
0x411: {  	v7 =	vunpack.i.u.bf16.f32 v56;
	v6 =	vadd.f32 v61, v60;
	v5 =	vmax.f32 v5, $0.0e+00  }
0x412: {  	v62 =	vunpack.i.u.bf16.f32 v59;
	v5 =	vmul.f32 v5, v1;
	v8 =	vadd.f32 $0.0e+00, v8  }
0x413: {  	v7 =	vadd.f32 v62, v7;
	v6 =	vmax.f32 v6, $0.0e+00  }
0x414: {  	v6 =	vmul.f32 v6, v2;
	v5 =	vadd.f32 v8, v5  }
0x415: {  	v7 =	vmax.f32 v7, $0.0e+00  }
0x416: {  	v63 =	vmul.f32 v7, v3;
	v5 =	vadd.f32 v6, v5;
	_ =	sdelay $0x1  }
0x417: {  	v5 =	vadd.f32 v5, v63;
	_ =	sdelay $0x1  }
0x418: {  	(xrf2) =	vadd.scan.msk.f32 $0xffff, v5;
	_ =	sdelay $0x5  }
0x419: {  	p1 =	sne.s32 s18, $0x3800;
	v4 =	vor.u32 $0xF, v4  }
.Ltmp2:
0x41a: {  	_ = 	snop;
	(pc) =	sbr.rel @p1 .LBB2_7-.Ltmp2, $3  }
0x41b: {  	_ =	sdelay $0x1  }
0x41c: {  	v5, _, _ =	vpop (xrf2)  }
0x41d: {  	s18 =	sadd.s32 $0x800, s18;
	s15 =	sadd.s32 $0x10, s15;
	[tilespmem:v4+s28+$0x0] =	vst.idx.msk vm0, v5  }
0x41e: {  	s15 =	sadd.s32 @!p0 $0x300, s17;
	s18 =	simm.s32 @!p0 $0x80;
	s20 =	simm.s32 @!p0 $0x7000  }
0x41f: {  	[tilespmem:s20], [sflag:$0x3] =	stream.indirect.gather @!p0 [hbm4b:s1+s18], $0x20, s15, s18, $0xb8;
	[tilespmem:$0xD040] =	vst v63  }
0x420: {  	s15 =	sadd.s32 @!p0 $0x1700, s17;
	s20 =	simm.s32 @!p0 $0xB000  }
0x421: {  	[tilespmem:s20], [sflag:$0x3] =	stream.indirect.gather @!p0 [hbm4b:s5+s18], $0x20, s15, s18, $0xb8;
	[tilespmem:$0xD040] =	vst v63  }
0x422: {  	_ =	swait.ge [sflag:s31], $0x1000  }
0x423: {  	[sflag:s31] =	ssyncset.done $0x0  }
0x424: {  	[sflag:s31] =	ssyncadd.s32 $0xFFFFF000  }
0x425: {  	_ =	swait.ge [sflag:s31], $0x1000  }
0x426: {  	[sflag:s31] =	ssyncset.done $0x0  }
0x427: {  	[sflag:s31] =	ssyncadd.s32 $0xFFFFF000  }
0x428: {  	v0 =	vld [tilespmem:$0xD000]  }
0x429: {  	v1 =	vld [tilespmem:$0xD010]  }
0x42a: {  	v2 =	vld [tilespmem:$0xD020]  }
0x42b: {  	s18 =	simm.s32 $0x0;
	s15 =	smov.u32 s13;
	v3 =	vld [tilespmem:$0xD030]  }
.LBB2_9:
0x42c: {  	s20 =	sshra.s32 s18, $0x2  }
0x42d: {  	v4 =	vld [tilespmem:s20+$0x8000]  }
0x42e: {  	v5 =	vld [tilespmem:s20+$0xC000];
	_ =	sdelay $0x2  }
0x42f: {  	v6 =	vld [tilespmem:s20+$0x8010]  }
0x430: {  	v9 =	vld [tilespmem:s20+$0xC010]  }
0x431: {  	v7 =	vunpack.i.l.bf16.f32 v4;
	v8 =	vunpack.i.l.bf16.f32 v5  }
0x432: {  	v7 =	vadd.f32 v8, v7  }
0x433: {  	v4 =	vunpack.i.u.bf16.f32 v4;
	v5 =	vunpack.i.u.bf16.f32 v5  }
0x434: {  	v4 =	vadd.f32 v5, v4;
	v7 =	vmax.f32 v7, $0.0e+00  }
0x435: {  	v32 =	vunpack.i.l.bf16.f32 v9;
	v5 =	vunpack.i.l.bf16.f32 v6;
	v7 =	vmul.f32 v7, v0  }
0x436: {  	v33 =	vunpack.i.u.bf16.f32 v9;
	v5 =	vadd.f32 v32, v5;
	v4 =	vmax.f32 v4, $0.0e+00  }
0x437: {  	v6 =	vunpack.i.u.bf16.f32 v6;
	v4 =	vmul.f32 v4, v1;
	v7 =	vadd.f32 $0.0e+00, v7  }
0x438: {  	v6 =	vadd.f32 v33, v6;
	v5 =	vmax.f32 v5, $0.0e+00  }
0x439: {  	v5 =	vmul.f32 v5, v2;
	v4 =	vadd.f32 v7, v4  }
0x43a: {  	v6 =	vmax.f32 v6, $0.0e+00  }
0x43b: {  	v4 =	vadd.f32 v5, v4;
	v5 =	vmul.f32 v6, v3;
	_ =	sdelay $0x1  }
0x43c: {  	v4 =	vadd.f32 v4, v5;
	_ =	sdelay $0x1  }
0x43d: {  	(xrf2) =	vadd.scan.msk.f32 $0xffff, v4;
	_ =	sdelay $0x5  }
0x43e: {  	v4 =	vmov s15;
	_ =	sdelay $0x3  }
0x43f: {  	v5, _, _ =	vpop (xrf2)  }
0x440: {  	[tilespmem:v4+s28+$0x0] =	vst.idx.msk vm0, v5  }
0x441: {  	v5 =	vld [tilespmem:s20+$0x8020]  }
0x442: {  	v34 =	vld [tilespmem:s20+$0xC020];
	_ =	sdelay $0x2  }
0x443: {  	v35 =	vld [tilespmem:s20+$0x8030]  }
0x444: {  	v10 =	vld [tilespmem:s20+$0xC030]  }
0x445: {  	v36 =	vunpack.i.l.bf16.f32 v5;
	v37 =	vunpack.i.l.bf16.f32 v34  }
0x446: {  	v8 =	vadd.f32 v37, v36  }
0x447: {  	v5 =	vunpack.i.u.bf16.f32 v5;
	v6 =	vunpack.i.u.bf16.f32 v34  }
0x448: {  	v5 =	vadd.f32 v6, v5;
	v8 =	vmax.f32 v8, $0.0e+00  }
0x449: {  	v38 =	vunpack.i.l.bf16.f32 v35;
	v39 =	vunpack.i.l.bf16.f32 v10;
	v8 =	vmul.f32 v8, v0  }
0x44a: {  	v7 =	vunpack.i.u.bf16.f32 v35;
	v6 =	vadd.f32 v39, v38;
	v5 =	vmax.f32 v5, $0.0e+00  }
0x44b: {  	v40 =	vunpack.i.u.bf16.f32 v10;
	v5 =	vmul.f32 v5, v1;
	v8 =	vadd.f32 $0.0e+00, v8  }
0x44c: {  	v7 =	vadd.f32 v40, v7;
	v6 =	vmax.f32 v6, $0.0e+00  }
0x44d: {  	v6 =	vmul.f32 v6, v2;
	v5 =	vadd.f32 v8, v5  }
0x44e: {  	v7 =	vmax.f32 v7, $0.0e+00  }
0x44f: {  	v41 =	vmul.f32 v7, v3;
	v5 =	vadd.f32 v6, v5;
	_ =	sdelay $0x1  }
0x450: {  	v5 =	vadd.f32 v5, v41;
	_ =	sdelay $0x1  }
0x451: {  	(xrf2) =	vadd.scan.msk.f32 $0xffff, v5;
	_ =	sdelay $0x5  }
0x452: {  	v5 =	vor.u32 $0x1, v4;
	_ =	sdelay $0x3  }
0x453: {  	v42, _, _ =	vpop (xrf2)  }
0x454: {  	[tilespmem:v5+s28+$0x0] =	vst.idx.msk vm0, v42  }
0x455: {  	v5 =	vld [tilespmem:s20+$0x8040]  }
0x456: {  	v6 =	vld [tilespmem:s20+$0xC040];
	_ =	sdelay $0x2  }
0x457: {  	v43 =	vld [tilespmem:s20+$0x8050]  }
0x458: {  	v46 =	vld [tilespmem:s20+$0xC050]  }
0x459: {  	v44 =	vunpack.i.l.bf16.f32 v5;
	v45 =	vunpack.i.l.bf16.f32 v6  }
0x45a: {  	v8 =	vadd.f32 v45, v44  }
0x45b: {  	v5 =	vunpack.i.u.bf16.f32 v5;
	v6 =	vunpack.i.u.bf16.f32 v6  }
0x45c: {  	v5 =	vadd.f32 v6, v5;
	v8 =	vmax.f32 v8, $0.0e+00  }
0x45d: {  	v47 =	vunpack.i.l.bf16.f32 v43;
	v48 =	vunpack.i.l.bf16.f32 v46;
	v8 =	vmul.f32 v8, v0  }
0x45e: {  	v7 =	vunpack.i.u.bf16.f32 v43;
	v6 =	vadd.f32 v48, v47;
	v5 =	vmax.f32 v5, $0.0e+00  }
0x45f: {  	v49 =	vunpack.i.u.bf16.f32 v46;
	v5 =	vmul.f32 v5, v1;
	v8 =	vadd.f32 $0.0e+00, v8  }
0x460: {  	v7 =	vadd.f32 v49, v7;
	v6 =	vmax.f32 v6, $0.0e+00  }
0x461: {  	v6 =	vmul.f32 v6, v2;
	v5 =	vadd.f32 v8, v5  }
0x462: {  	v7 =	vmax.f32 v7, $0.0e+00  }
0x463: {  	v50 =	vmul.f32 v7, v3;
	v5 =	vadd.f32 v6, v5;
	_ =	sdelay $0x1  }
0x464: {  	v5 =	vadd.f32 v5, v50;
	_ =	sdelay $0x1  }
0x465: {  	(xrf2) =	vadd.scan.msk.f32 $0xffff, v5;
	_ =	sdelay $0x5  }
0x466: {  	v5 =	vor.u32 $0x2, v4;
	_ =	sdelay $0x3  }
0x467: {  	v51, _, _ =	vpop (xrf2)  }
0x468: {  	[tilespmem:v5+s28+$0x0] =	vst.idx.msk vm0, v51  }
0x469: {  	v5 =	vld [tilespmem:s20+$0x8060]  }
0x46a: {  	v6 =	vld [tilespmem:s20+$0xC060];
	_ =	sdelay $0x2  }
0x46b: {  	v52 =	vld [tilespmem:s20+$0x8070]  }
0x46c: {  	v55 =	vld [tilespmem:s20+$0xC070]  }
0x46d: {  	v53 =	vunpack.i.l.bf16.f32 v5;
	v54 =	vunpack.i.l.bf16.f32 v6  }
0x46e: {  	v8 =	vadd.f32 v54, v53  }
0x46f: {  	v5 =	vunpack.i.u.bf16.f32 v5;
	v6 =	vunpack.i.u.bf16.f32 v6  }
0x470: {  	v5 =	vadd.f32 v6, v5;
	v8 =	vmax.f32 v8, $0.0e+00  }
0x471: {  	v56 =	vunpack.i.l.bf16.f32 v52;
	v57 =	vunpack.i.l.bf16.f32 v55;
	v8 =	vmul.f32 v8, v0  }
0x472: {  	v7 =	vunpack.i.u.bf16.f32 v52;
	v6 =	vadd.f32 v57, v56;
	v5 =	vmax.f32 v5, $0.0e+00  }
0x473: {  	v58 =	vunpack.i.u.bf16.f32 v55;
	v5 =	vmul.f32 v5, v1;
	v8 =	vadd.f32 $0.0e+00, v8  }
0x474: {  	v7 =	vadd.f32 v58, v7;
	v6 =	vmax.f32 v6, $0.0e+00  }
0x475: {  	v6 =	vmul.f32 v6, v2;
	v5 =	vadd.f32 v8, v5  }
0x476: {  	v7 =	vmax.f32 v7, $0.0e+00  }
0x477: {  	v59 =	vmul.f32 v7, v3;
	v5 =	vadd.f32 v6, v5;
	_ =	sdelay $0x1  }
0x478: {  	v5 =	vadd.f32 v5, v59;
	_ =	sdelay $0x1  }
0x479: {  	(xrf2) =	vadd.scan.msk.f32 $0xffff, v5;
	_ =	sdelay $0x5  }
0x47a: {  	v5 =	vor.u32 $0x3, v4;
	_ =	sdelay $0x3  }
0x47b: {  	v60, _, _ =	vpop (xrf2)  }
0x47c: {  	[tilespmem:v5+s28+$0x0] =	vst.idx.msk vm0, v60  }
0x47d: {  	v5 =	vld [tilespmem:s20+$0x8080]  }
0x47e: {  	v6 =	vld [tilespmem:s20+$0xC080];
	_ =	sdelay $0x2  }
0x47f: {  	v61 =	vld [tilespmem:s20+$0x8090]  }
0x480: {  	v12 =	vld [tilespmem:s20+$0xC090]  }
0x481: {  	v62 =	vunpack.i.l.bf16.f32 v5;
	v63 =	vunpack.i.l.bf16.f32 v6  }
0x482: {  	v8 =	vadd.f32 v63, v62  }
0x483: {  	v5 =	vunpack.i.u.bf16.f32 v5;
	v6 =	vunpack.i.u.bf16.f32 v6  }
0x484: {  	v5 =	vadd.f32 v6, v5;
	v8 =	vmax.f32 v8, $0.0e+00  }
0x485: {  	v13 =	vunpack.i.l.bf16.f32 v61;
	v14 =	vunpack.i.l.bf16.f32 v12;
	v8 =	vmul.f32 v8, v0  }
0x486: {  	v7 =	vunpack.i.u.bf16.f32 v61;
	v6 =	vadd.f32 v14, v13;
	v5 =	vmax.f32 v5, $0.0e+00  }
0x487: {  	v15 =	vunpack.i.u.bf16.f32 v12;
	v5 =	vmul.f32 v5, v1;
	v8 =	vadd.f32 $0.0e+00, v8  }
0x488: {  	v7 =	vadd.f32 v15, v7;
	v6 =	vmax.f32 v6, $0.0e+00  }
0x489: {  	v6 =	vmul.f32 v6, v2;
	v5 =	vadd.f32 v8, v5  }
0x48a: {  	v7 =	vmax.f32 v7, $0.0e+00  }
0x48b: {  	v16 =	vmul.f32 v7, v3;
	v5 =	vadd.f32 v6, v5;
	_ =	sdelay $0x1  }
0x48c: {  	v5 =	vadd.f32 v5, v16;
	_ =	sdelay $0x1  }
0x48d: {  	(xrf2) =	vadd.scan.msk.f32 $0xffff, v5;
	_ =	sdelay $0x5  }
0x48e: {  	v5 =	vor.u32 $0x4, v4;
	_ =	sdelay $0x3  }
0x48f: {  	v17, _, _ =	vpop (xrf2)  }
0x490: {  	[tilespmem:v5+s28+$0x0] =	vst.idx.msk vm0, v17  }
0x491: {  	v5 =	vld [tilespmem:s20+$0x80A0]  }
0x492: {  	v6 =	vld [tilespmem:s20+$0xC0A0];
	_ =	sdelay $0x2  }
0x493: {  	v18 =	vld [tilespmem:s20+$0x80B0]  }
0x494: {  	v21 =	vld [tilespmem:s20+$0xC0B0]  }
0x495: {  	v19 =	vunpack.i.l.bf16.f32 v5;
	v20 =	vunpack.i.l.bf16.f32 v6  }
0x496: {  	v8 =	vadd.f32 v20, v19  }
0x497: {  	v5 =	vunpack.i.u.bf16.f32 v5;
	v6 =	vunpack.i.u.bf16.f32 v6  }
0x498: {  	v5 =	vadd.f32 v6, v5;
	v8 =	vmax.f32 v8, $0.0e+00  }
0x499: {  	v22 =	vunpack.i.l.bf16.f32 v18;
	v23 =	vunpack.i.l.bf16.f32 v21;
	v8 =	vmul.f32 v8, v0  }
0x49a: {  	v7 =	vunpack.i.u.bf16.f32 v18;
	v6 =	vadd.f32 v23, v22;
	v5 =	vmax.f32 v5, $0.0e+00  }
0x49b: {  	v24 =	vunpack.i.u.bf16.f32 v21;
	v5 =	vmul.f32 v5, v1;
	v8 =	vadd.f32 $0.0e+00, v8  }
0x49c: {  	v7 =	vadd.f32 v24, v7;
	v6 =	vmax.f32 v6, $0.0e+00  }
0x49d: {  	v6 =	vmul.f32 v6, v2;
	v5 =	vadd.f32 v8, v5  }
0x49e: {  	v7 =	vmax.f32 v7, $0.0e+00  }
0x49f: {  	v25 =	vmul.f32 v7, v3;
	v5 =	vadd.f32 v6, v5;
	_ =	sdelay $0x1  }
0x4a0: {  	v5 =	vadd.f32 v5, v25;
	_ =	sdelay $0x1  }
0x4a1: {  	(xrf2) =	vadd.scan.msk.f32 $0xffff, v5;
	_ =	sdelay $0x5  }
0x4a2: {  	v5 =	vor.u32 $0x5, v4;
	_ =	sdelay $0x3  }
0x4a3: {  	v26, _, _ =	vpop (xrf2)  }
0x4a4: {  	[tilespmem:v5+s28+$0x0] =	vst.idx.msk vm0, v26  }
0x4a5: {  	v5 =	vld [tilespmem:s20+$0x80C0]  }
0x4a6: {  	v6 =	vld [tilespmem:s20+$0xC0C0];
	_ =	sdelay $0x2  }
0x4a7: {  	v27 =	vld [tilespmem:s20+$0x80D0]  }
0x4a8: {  	v30 =	vld [tilespmem:s20+$0xC0D0]  }
0x4a9: {  	v28 =	vunpack.i.l.bf16.f32 v5;
	v29 =	vunpack.i.l.bf16.f32 v6  }
0x4aa: {  	v8 =	vadd.f32 v29, v28  }
0x4ab: {  	v5 =	vunpack.i.u.bf16.f32 v5;
	v6 =	vunpack.i.u.bf16.f32 v6  }
0x4ac: {  	v5 =	vadd.f32 v6, v5;
	v8 =	vmax.f32 v8, $0.0e+00  }
0x4ad: {  	v31 =	vunpack.i.l.bf16.f32 v27;
	v32 =	vunpack.i.l.bf16.f32 v30;
	v8 =	vmul.f32 v8, v0  }
0x4ae: {  	v7 =	vunpack.i.u.bf16.f32 v27;
	v6 =	vadd.f32 v32, v31;
	v5 =	vmax.f32 v5, $0.0e+00  }
0x4af: {  	v33 =	vunpack.i.u.bf16.f32 v30;
	v5 =	vmul.f32 v5, v1;
	v8 =	vadd.f32 $0.0e+00, v8  }
0x4b0: {  	v7 =	vadd.f32 v33, v7;
	v6 =	vmax.f32 v6, $0.0e+00  }
0x4b1: {  	v6 =	vmul.f32 v6, v2;
	v5 =	vadd.f32 v8, v5  }
0x4b2: {  	v7 =	vmax.f32 v7, $0.0e+00  }
0x4b3: {  	v34 =	vmul.f32 v7, v3;
	v5 =	vadd.f32 v6, v5;
	_ =	sdelay $0x1  }
0x4b4: {  	v5 =	vadd.f32 v5, v34;
	_ =	sdelay $0x1  }
0x4b5: {  	(xrf2) =	vadd.scan.msk.f32 $0xffff, v5;
	_ =	sdelay $0x5  }
0x4b6: {  	v5 =	vor.u32 $0x6, v4;
	_ =	sdelay $0x3  }
0x4b7: {  	v35, _, _ =	vpop (xrf2)  }
0x4b8: {  	[tilespmem:v5+s28+$0x0] =	vst.idx.msk vm0, v35  }
0x4b9: {  	v5 =	vld [tilespmem:s20+$0x80E0]  }
0x4ba: {  	v6 =	vld [tilespmem:s20+$0xC0E0];
	_ =	sdelay $0x2  }
0x4bb: {  	v36 =	vld [tilespmem:s20+$0x80F0]  }
0x4bc: {  	v39 =	vld [tilespmem:s20+$0xC0F0]  }
0x4bd: {  	v37 =	vunpack.i.l.bf16.f32 v5;
	v38 =	vunpack.i.l.bf16.f32 v6  }
0x4be: {  	v8 =	vadd.f32 v38, v37  }
0x4bf: {  	v5 =	vunpack.i.u.bf16.f32 v5;
	v6 =	vunpack.i.u.bf16.f32 v6  }
0x4c0: {  	v5 =	vadd.f32 v6, v5;
	v8 =	vmax.f32 v8, $0.0e+00  }
0x4c1: {  	v40 =	vunpack.i.l.bf16.f32 v36;
	v41 =	vunpack.i.l.bf16.f32 v39;
	v8 =	vmul.f32 v8, v0  }
0x4c2: {  	v7 =	vunpack.i.u.bf16.f32 v36;
	v6 =	vadd.f32 v41, v40;
	v5 =	vmax.f32 v5, $0.0e+00  }
0x4c3: {  	v42 =	vunpack.i.u.bf16.f32 v39;
	v5 =	vmul.f32 v5, v1;
	v8 =	vadd.f32 $0.0e+00, v8  }
0x4c4: {  	v7 =	vadd.f32 v42, v7;
	v6 =	vmax.f32 v6, $0.0e+00  }
0x4c5: {  	v6 =	vmul.f32 v6, v2;
	v5 =	vadd.f32 v8, v5  }
0x4c6: {  	v7 =	vmax.f32 v7, $0.0e+00  }
0x4c7: {  	v43 =	vmul.f32 v7, v3;
	v5 =	vadd.f32 v6, v5;
	_ =	sdelay $0x1  }
0x4c8: {  	v5 =	vadd.f32 v5, v43;
	_ =	sdelay $0x1  }
0x4c9: {  	(xrf2) =	vadd.scan.msk.f32 $0xffff, v5;
	_ =	sdelay $0x5  }
0x4ca: {  	v5 =	vor.u32 $0x7, v4;
	_ =	sdelay $0x3  }
0x4cb: {  	v44, _, _ =	vpop (xrf2)  }
0x4cc: {  	[tilespmem:v5+s28+$0x0] =	vst.idx.msk vm0, v44  }
0x4cd: {  	v5 =	vld [tilespmem:s20+$0x8100]  }
0x4ce: {  	v6 =	vld [tilespmem:s20+$0xC100];
	_ =	sdelay $0x2  }
0x4cf: {  	v45 =	vld [tilespmem:s20+$0x8110]  }
0x4d0: {  	v48 =	vld [tilespmem:s20+$0xC110]  }
0x4d1: {  	v46 =	vunpack.i.l.bf16.f32 v5;
	v47 =	vunpack.i.l.bf16.f32 v6  }
0x4d2: {  	v8 =	vadd.f32 v47, v46  }
0x4d3: {  	v5 =	vunpack.i.u.bf16.f32 v5;
	v6 =	vunpack.i.u.bf16.f32 v6  }
0x4d4: {  	v5 =	vadd.f32 v6, v5;
	v8 =	vmax.f32 v8, $0.0e+00  }
0x4d5: {  	v49 =	vunpack.i.l.bf16.f32 v45;
	v50 =	vunpack.i.l.bf16.f32 v48;
	v8 =	vmul.f32 v8, v0  }
0x4d6: {  	v7 =	vunpack.i.u.bf16.f32 v45;
	v6 =	vadd.f32 v50, v49;
	v5 =	vmax.f32 v5, $0.0e+00  }
0x4d7: {  	v51 =	vunpack.i.u.bf16.f32 v48;
	v5 =	vmul.f32 v5, v1;
	v8 =	vadd.f32 $0.0e+00, v8  }
0x4d8: {  	v7 =	vadd.f32 v51, v7;
	v6 =	vmax.f32 v6, $0.0e+00  }
0x4d9: {  	v6 =	vmul.f32 v6, v2;
	v5 =	vadd.f32 v8, v5  }
0x4da: {  	v7 =	vmax.f32 v7, $0.0e+00  }
0x4db: {  	v52 =	vmul.f32 v7, v3;
	v5 =	vadd.f32 v6, v5;
	_ =	sdelay $0x1  }
0x4dc: {  	v5 =	vadd.f32 v5, v52;
	_ =	sdelay $0x1  }
0x4dd: {  	(xrf2) =	vadd.scan.msk.f32 $0xffff, v5;
	_ =	sdelay $0x5  }
0x4de: {  	v5 =	vor.u32 $0x8, v4;
	_ =	sdelay $0x3  }
0x4df: {  	v53, _, _ =	vpop (xrf2)  }
0x4e0: {  	[tilespmem:v5+s28+$0x0] =	vst.idx.msk vm0, v53  }
0x4e1: {  	v5 =	vld [tilespmem:s20+$0x8120]  }
0x4e2: {  	v6 =	vld [tilespmem:s20+$0xC120];
	_ =	sdelay $0x2  }
0x4e3: {  	v54 =	vld [tilespmem:s20+$0x8130]  }
0x4e4: {  	v57 =	vld [tilespmem:s20+$0xC130]  }
0x4e5: {  	v55 =	vunpack.i.l.bf16.f32 v5;
	v56 =	vunpack.i.l.bf16.f32 v6  }
0x4e6: {  	v8 =	vadd.f32 v56, v55  }
0x4e7: {  	v5 =	vunpack.i.u.bf16.f32 v5;
	v6 =	vunpack.i.u.bf16.f32 v6  }
0x4e8: {  	v5 =	vadd.f32 v6, v5;
	v8 =	vmax.f32 v8, $0.0e+00  }
0x4e9: {  	v58 =	vunpack.i.l.bf16.f32 v54;
	v59 =	vunpack.i.l.bf16.f32 v57;
	v8 =	vmul.f32 v8, v0  }
0x4ea: {  	v7 =	vunpack.i.u.bf16.f32 v54;
	v6 =	vadd.f32 v59, v58;
	v5 =	vmax.f32 v5, $0.0e+00  }
0x4eb: {  	v60 =	vunpack.i.u.bf16.f32 v57;
	v5 =	vmul.f32 v5, v1;
	v8 =	vadd.f32 $0.0e+00, v8  }
0x4ec: {  	v7 =	vadd.f32 v60, v7;
	v6 =	vmax.f32 v6, $0.0e+00  }
0x4ed: {  	v6 =	vmul.f32 v6, v2;
	v5 =	vadd.f32 v8, v5  }
0x4ee: {  	v7 =	vmax.f32 v7, $0.0e+00  }
0x4ef: {  	v61 =	vmul.f32 v7, v3;
	v5 =	vadd.f32 v6, v5;
	_ =	sdelay $0x1  }
0x4f0: {  	v5 =	vadd.f32 v5, v61;
	_ =	sdelay $0x1  }
0x4f1: {  	(xrf2) =	vadd.scan.msk.f32 $0xffff, v5;
	_ =	sdelay $0x5  }
0x4f2: {  	v5 =	vor.u32 $0x9, v4;
	_ =	sdelay $0x3  }
0x4f3: {  	v62, _, _ =	vpop (xrf2)  }
0x4f4: {  	[tilespmem:v5+s28+$0x0] =	vst.idx.msk vm0, v62  }
0x4f5: {  	v5 =	vld [tilespmem:s20+$0x8140]  }
0x4f6: {  	v6 =	vld [tilespmem:s20+$0xC140];
	_ =	sdelay $0x2  }
0x4f7: {  	v63 =	vld [tilespmem:s20+$0x8150]  }
0x4f8: {  	v14 =	vld [tilespmem:s20+$0xC150]  }
0x4f9: {  	v12 =	vunpack.i.l.bf16.f32 v5;
	v13 =	vunpack.i.l.bf16.f32 v6  }
0x4fa: {  	v8 =	vadd.f32 v13, v12  }
0x4fb: {  	v5 =	vunpack.i.u.bf16.f32 v5;
	v6 =	vunpack.i.u.bf16.f32 v6  }
0x4fc: {  	v5 =	vadd.f32 v6, v5;
	v8 =	vmax.f32 v8, $0.0e+00  }
0x4fd: {  	v15 =	vunpack.i.l.bf16.f32 v63;
	v16 =	vunpack.i.l.bf16.f32 v14;
	v8 =	vmul.f32 v8, v0  }
0x4fe: {  	v7 =	vunpack.i.u.bf16.f32 v63;
	v6 =	vadd.f32 v16, v15;
	v5 =	vmax.f32 v5, $0.0e+00  }
0x4ff: {  	v17 =	vunpack.i.u.bf16.f32 v14;
	v5 =	vmul.f32 v5, v1;
	v8 =	vadd.f32 $0.0e+00, v8  }
0x500: {  	v7 =	vadd.f32 v17, v7;
	v6 =	vmax.f32 v6, $0.0e+00  }
0x501: {  	v6 =	vmul.f32 v6, v2;
	v5 =	vadd.f32 v8, v5  }
0x502: {  	v7 =	vmax.f32 v7, $0.0e+00  }
0x503: {  	v18 =	vmul.f32 v7, v3;
	v5 =	vadd.f32 v6, v5;
	_ =	sdelay $0x1  }
0x504: {  	v5 =	vadd.f32 v5, v18;
	_ =	sdelay $0x1  }
0x505: {  	(xrf2) =	vadd.scan.msk.f32 $0xffff, v5;
	_ =	sdelay $0x5  }
0x506: {  	v5 =	vor.u32 $0xA, v4;
	_ =	sdelay $0x3  }
0x507: {  	v19, _, _ =	vpop (xrf2)  }
0x508: {  	[tilespmem:v5+s28+$0x0] =	vst.idx.msk vm0, v19  }
0x509: {  	v5 =	vld [tilespmem:s20+$0x8160]  }
0x50a: {  	v6 =	vld [tilespmem:s20+$0xC160];
	_ =	sdelay $0x2  }
0x50b: {  	v20 =	vld [tilespmem:s20+$0x8170]  }
0x50c: {  	v23 =	vld [tilespmem:s20+$0xC170]  }
0x50d: {  	v21 =	vunpack.i.l.bf16.f32 v5;
	v22 =	vunpack.i.l.bf16.f32 v6  }
0x50e: {  	v8 =	vadd.f32 v22, v21  }
0x50f: {  	v5 =	vunpack.i.u.bf16.f32 v5;
	v6 =	vunpack.i.u.bf16.f32 v6  }
0x510: {  	v5 =	vadd.f32 v6, v5;
	v8 =	vmax.f32 v8, $0.0e+00  }
0x511: {  	v24 =	vunpack.i.l.bf16.f32 v20;
	v25 =	vunpack.i.l.bf16.f32 v23;
	v8 =	vmul.f32 v8, v0  }
0x512: {  	v7 =	vunpack.i.u.bf16.f32 v20;
	v6 =	vadd.f32 v25, v24;
	v5 =	vmax.f32 v5, $0.0e+00  }
0x513: {  	v26 =	vunpack.i.u.bf16.f32 v23;
	v5 =	vmul.f32 v5, v1;
	v8 =	vadd.f32 $0.0e+00, v8  }
0x514: {  	v7 =	vadd.f32 v26, v7;
	v6 =	vmax.f32 v6, $0.0e+00  }
0x515: {  	v6 =	vmul.f32 v6, v2;
	v5 =	vadd.f32 v8, v5  }
0x516: {  	v7 =	vmax.f32 v7, $0.0e+00  }
0x517: {  	v27 =	vmul.f32 v7, v3;
	v5 =	vadd.f32 v6, v5;
	_ =	sdelay $0x1  }
0x518: {  	v5 =	vadd.f32 v5, v27;
	_ =	sdelay $0x1  }
0x519: {  	(xrf2) =	vadd.scan.msk.f32 $0xffff, v5;
	_ =	sdelay $0x5  }
0x51a: {  	v5 =	vor.u32 $0xB, v4;
	_ =	sdelay $0x3  }
0x51b: {  	v28, _, _ =	vpop (xrf2)  }
0x51c: {  	[tilespmem:v5+s28+$0x0] =	vst.idx.msk vm0, v28  }
0x51d: {  	v5 =	vld [tilespmem:s20+$0x8180]  }
0x51e: {  	v6 =	vld [tilespmem:s20+$0xC180];
	_ =	sdelay $0x2  }
0x51f: {  	v29 =	vld [tilespmem:s20+$0x8190]  }
0x520: {  	v32 =	vld [tilespmem:s20+$0xC190]  }
0x521: {  	v30 =	vunpack.i.l.bf16.f32 v5;
	v31 =	vunpack.i.l.bf16.f32 v6  }
0x522: {  	v8 =	vadd.f32 v31, v30  }
0x523: {  	v5 =	vunpack.i.u.bf16.f32 v5;
	v6 =	vunpack.i.u.bf16.f32 v6  }
0x524: {  	v5 =	vadd.f32 v6, v5;
	v8 =	vmax.f32 v8, $0.0e+00  }
0x525: {  	v33 =	vunpack.i.l.bf16.f32 v29;
	v34 =	vunpack.i.l.bf16.f32 v32;
	v8 =	vmul.f32 v8, v0  }
0x526: {  	v7 =	vunpack.i.u.bf16.f32 v29;
	v6 =	vadd.f32 v34, v33;
	v5 =	vmax.f32 v5, $0.0e+00  }
0x527: {  	v35 =	vunpack.i.u.bf16.f32 v32;
	v5 =	vmul.f32 v5, v1;
	v8 =	vadd.f32 $0.0e+00, v8  }
0x528: {  	v7 =	vadd.f32 v35, v7;
	v6 =	vmax.f32 v6, $0.0e+00  }
0x529: {  	v6 =	vmul.f32 v6, v2;
	v5 =	vadd.f32 v8, v5  }
0x52a: {  	v7 =	vmax.f32 v7, $0.0e+00  }
0x52b: {  	v36 =	vmul.f32 v7, v3;
	v5 =	vadd.f32 v6, v5;
	_ =	sdelay $0x1  }
0x52c: {  	v5 =	vadd.f32 v5, v36;
	_ =	sdelay $0x1  }
0x52d: {  	(xrf2) =	vadd.scan.msk.f32 $0xffff, v5;
	_ =	sdelay $0x5  }
0x52e: {  	v5 =	vor.u32 $0xC, v4;
	_ =	sdelay $0x3  }
0x52f: {  	v37, _, _ =	vpop (xrf2)  }
0x530: {  	[tilespmem:v5+s28+$0x0] =	vst.idx.msk vm0, v37  }
0x531: {  	v5 =	vld [tilespmem:s20+$0x81A0]  }
0x532: {  	v6 =	vld [tilespmem:s20+$0xC1A0];
	_ =	sdelay $0x2  }
0x533: {  	v38 =	vld [tilespmem:s20+$0x81B0]  }
0x534: {  	v41 =	vld [tilespmem:s20+$0xC1B0]  }
0x535: {  	v39 =	vunpack.i.l.bf16.f32 v5;
	v40 =	vunpack.i.l.bf16.f32 v6  }
0x536: {  	v8 =	vadd.f32 v40, v39  }
0x537: {  	v5 =	vunpack.i.u.bf16.f32 v5;
	v6 =	vunpack.i.u.bf16.f32 v6  }
0x538: {  	v5 =	vadd.f32 v6, v5;
	v8 =	vmax.f32 v8, $0.0e+00  }
0x539: {  	v42 =	vunpack.i.l.bf16.f32 v38;
	v43 =	vunpack.i.l.bf16.f32 v41;
	v8 =	vmul.f32 v8, v0  }
0x53a: {  	v7 =	vunpack.i.u.bf16.f32 v38;
	v6 =	vadd.f32 v43, v42;
	v5 =	vmax.f32 v5, $0.0e+00  }
0x53b: {  	v44 =	vunpack.i.u.bf16.f32 v41;
	v5 =	vmul.f32 v5, v1;
	v8 =	vadd.f32 $0.0e+00, v8  }
0x53c: {  	v7 =	vadd.f32 v44, v7;
	v6 =	vmax.f32 v6, $0.0e+00  }
0x53d: {  	v6 =	vmul.f32 v6, v2;
	v5 =	vadd.f32 v8, v5  }
0x53e: {  	v7 =	vmax.f32 v7, $0.0e+00  }
0x53f: {  	v45 =	vmul.f32 v7, v3;
	v5 =	vadd.f32 v6, v5;
	_ =	sdelay $0x1  }
0x540: {  	v5 =	vadd.f32 v5, v45;
	_ =	sdelay $0x1  }
0x541: {  	(xrf2) =	vadd.scan.msk.f32 $0xffff, v5;
	_ =	sdelay $0x5  }
0x542: {  	v5 =	vor.u32 $0xD, v4;
	_ =	sdelay $0x3  }
0x543: {  	v46, _, _ =	vpop (xrf2)  }
0x544: {  	[tilespmem:v5+s28+$0x0] =	vst.idx.msk vm0, v46  }
0x545: {  	v5 =	vld [tilespmem:s20+$0x81C0]  }
0x546: {  	v6 =	vld [tilespmem:s20+$0xC1C0];
	_ =	sdelay $0x2  }
0x547: {  	v47 =	vld [tilespmem:s20+$0x81D0]  }
0x548: {  	v50 =	vld [tilespmem:s20+$0xC1D0]  }
0x549: {  	v48 =	vunpack.i.l.bf16.f32 v5;
	v49 =	vunpack.i.l.bf16.f32 v6  }
0x54a: {  	v8 =	vadd.f32 v49, v48  }
0x54b: {  	v5 =	vunpack.i.u.bf16.f32 v5;
	v6 =	vunpack.i.u.bf16.f32 v6  }
0x54c: {  	v5 =	vadd.f32 v6, v5;
	v8 =	vmax.f32 v8, $0.0e+00  }
0x54d: {  	v51 =	vunpack.i.l.bf16.f32 v47;
	v52 =	vunpack.i.l.bf16.f32 v50;
	v8 =	vmul.f32 v8, v0  }
0x54e: {  	v7 =	vunpack.i.u.bf16.f32 v47;
	v6 =	vadd.f32 v52, v51;
	v5 =	vmax.f32 v5, $0.0e+00  }
0x54f: {  	v53 =	vunpack.i.u.bf16.f32 v50;
	v5 =	vmul.f32 v5, v1;
	v8 =	vadd.f32 $0.0e+00, v8  }
0x550: {  	v7 =	vadd.f32 v53, v7;
	v6 =	vmax.f32 v6, $0.0e+00  }
0x551: {  	v6 =	vmul.f32 v6, v2;
	v5 =	vadd.f32 v8, v5  }
0x552: {  	v7 =	vmax.f32 v7, $0.0e+00  }
0x553: {  	v54 =	vmul.f32 v7, v3;
	v5 =	vadd.f32 v6, v5;
	_ =	sdelay $0x1  }
0x554: {  	v5 =	vadd.f32 v5, v54;
	_ =	sdelay $0x1  }
0x555: {  	(xrf2) =	vadd.scan.msk.f32 $0xffff, v5;
	_ =	sdelay $0x5  }
0x556: {  	v5 =	vor.u32 $0xE, v4;
	_ =	sdelay $0x3  }
0x557: {  	v55, _, _ =	vpop (xrf2)  }
0x558: {  	[tilespmem:v5+s28+$0x0] =	vst.idx.msk vm0, v55  }
0x559: {  	v5 =	vld [tilespmem:s20+$0x81E0]  }
0x55a: {  	v6 =	vld [tilespmem:s20+$0xC1E0];
	_ =	sdelay $0x2  }
0x55b: {  	v56 =	vld [tilespmem:s20+$0x81F0]  }
0x55c: {  	v59 =	vld [tilespmem:s20+$0xC1F0]  }
0x55d: {  	v57 =	vunpack.i.l.bf16.f32 v5;
	v58 =	vunpack.i.l.bf16.f32 v6  }
0x55e: {  	v8 =	vadd.f32 v58, v57  }
0x55f: {  	v5 =	vunpack.i.u.bf16.f32 v5;
	v6 =	vunpack.i.u.bf16.f32 v6  }
0x560: {  	v5 =	vadd.f32 v6, v5;
	v8 =	vmax.f32 v8, $0.0e+00  }
0x561: {  	v60 =	vunpack.i.l.bf16.f32 v56;
	v61 =	vunpack.i.l.bf16.f32 v59;
	v8 =	vmul.f32 v8, v0  }
0x562: {  	v7 =	vunpack.i.u.bf16.f32 v56;
	v6 =	vadd.f32 v61, v60;
	v5 =	vmax.f32 v5, $0.0e+00  }
0x563: {  	v62 =	vunpack.i.u.bf16.f32 v59;
	v5 =	vmul.f32 v5, v1;
	v8 =	vadd.f32 $0.0e+00, v8  }
0x564: {  	v7 =	vadd.f32 v62, v7;
	v6 =	vmax.f32 v6, $0.0e+00  }
0x565: {  	v6 =	vmul.f32 v6, v2;
	v5 =	vadd.f32 v8, v5  }
0x566: {  	v7 =	vmax.f32 v7, $0.0e+00  }
0x567: {  	v63 =	vmul.f32 v7, v3;
	v5 =	vadd.f32 v6, v5;
	_ =	sdelay $0x1  }
0x568: {  	v5 =	vadd.f32 v5, v63;
	_ =	sdelay $0x1  }
0x569: {  	(xrf2) =	vadd.scan.msk.f32 $0xffff, v5;
	_ =	sdelay $0x5  }
0x56a: {  	p1 =	sne.s32 s18, $0x3800;
	v4 =	vor.u32 $0xF, v4  }
.Ltmp3:
0x56b: {  	_ = 	snop;
	(pc) =	sbr.rel @p1 .LBB2_9-.Ltmp3, $3  }
0x56c: {  	_ =	sdelay $0x1  }
0x56d: {  	v5, _, _ =	vpop (xrf2)  }
0x56e: {  	s18 =	sadd.s32 $0x800, s18;
	s15 =	sadd.s32 $0x10, s15;
	[tilespmem:v4+s28+$0x0] =	vst.idx.msk vm0, v5  }
.Ltmp4:
0x56f: {  	(pc) =	sbr.rel @p0 .LBB2_12-.Ltmp4, $1  }
0x570: {  	_ =	sdelay $0x3  }
.Ltmp5:
0x571: {  	s15 =	sadd.s32 $0x380, s17;
	(pc) =	sbr.rel .LBB2_2-.Ltmp5, $4  }
0x572: {  	s20 =	sadd.s32 $0x1780, s17;
	s16 =	sadd.s32 $0x1, s16;
	s19 =	sadd.s32 $0x200, s19  }
0x573: {  	[tilespmem:s23], [sflag:$0x4] =	stream.indirect.gather [hbm4b:s1+s2], $0x20, s15, s2, $0xb8;
	[tilespmem:$0xD040] =	vst v63  }
0x574: {  	s14 =	sadd.s32 $0x200, s14;
	s3 =	sadd.s32 $0x200, s3;
	s13 =	sadd.s32 $0x200, s13  }
0x575: {  	[tilespmem:s25], [sflag:$0x4] =	stream.indirect.gather [hbm4b:s5+s2], $0x20, s20, s2, $0xb8;
	[tilespmem:$0xD040] =	vst v63  }
.LBB2_12:
0x576: {  	s3 =	simm.s32 $0x0  }
0x577: {  	s13 =	simm.s32 $0x40;
	v0 =	vld [tilespmem:s3+$0x2800]  }
.LBB2_13:
0x578: {  	p0 =	sne.s32 s13, $0x4FC0;
	v1 =	vld [tilespmem:s3+$0x3C00];
	_ =	sdelay $0x4  }
0x579: {  	v0 =	vadd.f32 v0, v1;
	_ =	sdelay $0x1  }
0x57a: {  	v0 =	vsub.f32 $0.0e+00, v0;
	_ =	sdelay $0x1  }
0x57b: {  	v0 =	vmul.f32 $1.442695020e+00, v0;
	_ =	sdelay $0x1  }
0x57c: {  	(erf) = vpow2.f32 v0;
	_ =	sdelay $0x8  }
0x57d: {  	v0 =	vpop (erf)  }
0x57e: {  	v0 =	vadd.f32 $1.000000000e+00, v0;
	_ =	sdelay $0x1  }
0x57f: {  	(erf) = vrcp.f32 v0;
	_ =	sdelay $0x5  }
.Ltmp6:
0x580: {  	(pc) =	sbr.rel @p0 .LBB2_13-.Ltmp6, $3  }
0x581: {  	_ =	sdelay $0x1  }
0x582: {  	s14 =	sshra.s32 s13, $0x2;
	v1 =	vpop (erf)  }
0x583: {  	s13 =	sadd.s32 $0x40, s13;
	v0 =	vld [tilespmem:s14+$0x2800];
	[tilespmem:s3+$0x3C00] =	vst v1;
	s3 =	smov.u32 s14  }
0x584: {  	v1 =	vld [tilespmem:s3+$0x3C00];
	_ =	sdelay $0x4  }
0x585: {  	v0 =	vadd.f32 v0, v1;
	_ =	sdelay $0x1  }
0x586: {  	v0 =	vsub.f32 $0.0e+00, v0;
	_ =	sdelay $0x1  }
0x587: {  	v0 =	vmul.f32 $1.442695020e+00, v0;
	_ =	sdelay $0x1  }
0x588: {  	(erf) = vpow2.f32 v0;
	_ =	sdelay $0x8  }
0x589: {  	v0 =	vpop (erf)  }
0x58a: {  	v0 =	vadd.f32 $1.000000000e+00, v0;
	_ =	sdelay $0x1  }
0x58b: {  	(erf) = vrcp.f32 v0;
	_ =	sdelay $0x7  }
0x58c: {  	s0 =	sadd.s32 $0x1, s0  }
0x58d: {  	p0 =	sne.s32 s0, s10;
	v0 =	vpop (erf)  }
.Ltmp7:
0x58e: {  	[tilespmem:s3+$0x3C00] =	vst v0;
	(pc) =	sbr.rel @p0 .LBB2_1-.Ltmp7, $4  }
0x58f: {  	[hbm4b:s9+s4] =	stream.linear.scatter [tilespmem:s28], [sflag:$0x5], $0x1400, $0x38;
	[tilespmem:$0xD040] =	vst v63  }
0x590: {  	_ =	swait.ge [sflag:s11], $0x1400  }
0x591: {  	[sflag:s11] =	ssyncset.done $0x0  }
0x592: {  	[sflag:s11] =	ssyncadd.s32 $0xFFFFEC00  }
0x593: {  	_ =	sfence.sel $0x180000  }
0x594: {  	[bflag:$0x0] =	sbarrier.arrive $0xFFFF  }
0x595: {  	_ =	strace $0x90000047  }
0x596: {  	s0 =	stileid.u32;
	[bflag:$0x2] =	sbarrier.arrive $0xFFFF  }
0x597: {  	p0 =	sne.s32 s0, $0x0;
	s0 =	rddreg [dreg:$0x3]  }
0x598: {  	s0 =	sadd.s32 @!p0 $0x100000, s0  }
0x599: {  	[sflag:s0] =	ssyncadd.tile.s32 @!p0 $0x1;
	_ =	shalt  }
.Lfunc_end2:
_tile_overlayer_lowered:
.L_overlay_start_2:
0x59a: {  	(tag) =	ssettag $0x2  }
0x59b: {  	s0 =	rddreg [dreg:$0x0];
	s2 =	stileid.u32  }
0x59c: {  	s1 =	rddreg [dreg:$0x1];
	p0 =	sne.s32 s2, $0x0  }
0x59d: {  	s3 =	rddreg [dreg:$0x2];
	[bflag:$0x3] =	sbarrier.arrive $0xFFFF;
	s2 =	simm.s32 @!p0 $0x1C05  }
0x59e: {  	[timem:s3], [sflag:s2] =	dma.local @!p0 [hbm:s0], s1  }
0x59f: {  	s0 =	simm.s32 @!p0 $0x5  }
0x5a0: {  	_ =	swait.ge @!p0 [sflag:s0], s1  }
0x5a1: {  	s1 =	ssub.s32 @!p0 $0x0, s1;
	[sflag:s0] =	ssyncset.done @!p0 $0x0  }
0x5a2: {  	[sflag:s0] =	ssyncadd.s32 @!p0 s1  }
0x5a3: {  	[bflag:$0x3] =	sbarrier.arrive $0xFFFF  }
0x5a4: {  	_ =	shalt  }

</sc_bundles>
